<compile_context>
chip_gen: v7x
topology: tpu7x:2x2x1
jax: 0.10.2.dev20260603
libtpu: 0.0.44.dev20260713+nightly
codegen_flags: <defaults>
</compile_context>

<pallas_src>
import functools

import jax
import jax.numpy as jnp
from jax import lax
from jax.experimental import pallas as pl
from jax.experimental.pallas import tpu as pltpu
from jax.experimental.pallas import tpu_sc as plsc

N = 10000
D_IN, D_H, D_OUT = 128, 64, 16
NC, NS = 2, 16
NW = NC * NS
CH = 128
K = 8
N_PAD = 10240
ROWS_BLK = 1000

_mesh = functools.partial(
    plsc.VectorSubcoreMesh, core_axis_name="c", subcore_axis_name="s")

_sc_params = pltpu.CompilerParams(use_tc_tiling_on_sc=False)


def _zero_vmem(buf, nwords):
    z16 = jnp.zeros((16,), jnp.float32)
    for i in range(nwords // 16):
        buf[pl.ds(i * 16, 16)] = z16


def _worker_prolog(zbuf, acc):
    s = lax.axis_index("s")
    zchunk = N_PAD // NS
    for i in range(zchunk // CH):
        pltpu.sync_copy(zbuf, acc.at[pl.ds(s * zchunk + i * CH, CH)])
    plsc.subcore_barrier()


def _make_deg(rows_per_worker):
    @functools.partial(
        pl.kernel,
        out_type=jax.ShapeDtypeStruct((NC * N_PAD,), jnp.float32),
        mesh=_mesh(),
        compiler_params=_sc_params,
        scratch_types=[
            pltpu.VMEM((K, CH), jnp.int32),
            pltpu.VMEM((CH,), jnp.float32),
            pltpu.VMEM((CH,), jnp.float32),
            pltpu.VMEM_SHARED((N_PAD,), jnp.float32),
        ],
    )
    def deg_kernel(col2d, degp, cidx, ones_v, sbuf, acc):
        c = lax.axis_index("c")
        s = lax.axis_index("s")
        wid = s * NC + c
        zchunk = N_PAD // NS
        for i in range(CH // 16):
            ones_v[pl.ds(i * 16, 16)] = jnp.ones((16,), jnp.float32)
        _zero_vmem(sbuf, CH)
        _worker_prolog(sbuf, acc)
        base = wid * rows_per_worker

        def step(t, carry):
            pltpu.sync_copy(col2d.at[pl.ds(base + t * K, K)], cidx)
            for j in range(K):
                pltpu.sync_copy(ones_v, acc.at[cidx.at[j]], add=True)
            return carry

        lax.fori_loop(0, rows_per_worker // K, step, 0)
        plsc.subcore_barrier()
        for i in range(zchunk // CH):
            pltpu.sync_copy(acc.at[pl.ds(s * zchunk + i * CH, CH)], sbuf)
            pltpu.sync_copy(
                sbuf, degp.at[pl.ds(c * N_PAD + s * zchunk + i * CH, CH)])

    return deg_kernel


def _make_msg(width, rows_per_worker):
    @functools.partial(
        pl.kernel,
        out_type=jax.ShapeDtypeStruct((NC, N_PAD, width), jnp.float32),
        mesh=_mesh(),
        compiler_params=_sc_params,
        scratch_types=[
            pltpu.VMEM((K, CH), jnp.int32),
            pltpu.VMEM((K, CH), jnp.int32),
            pltpu.VMEM((2, CH, width), jnp.float32),
            pltpu.VMEM_SHARED((N_PAD, width), jnp.float32),
            pltpu.SemaphoreType.DMA,
            pltpu.SemaphoreType.DMA,
        ],
    )
    def msg_kernel(table, row2d, col2d, raw,
                   ridx, cidx, gbuf, acc, sem0, sem1):
        c = lax.axis_index("c")
        s = lax.axis_index("s")
        wid = s * NC + c
        zchunk = N_PAD // NS

        def zrow(r, carry):
            z16 = jnp.zeros((16,), jnp.float32)
            for i in range(width // 16):
                gbuf[0, r, pl.ds(i * 16, 16)] = z16
            return carry

        lax.fori_loop(0, CH, zrow, 0)
        _worker_prolog(gbuf.at[0], acc)
        base = wid * rows_per_worker
        sems = [sem0, sem1]

        def step(t, carry):
            pltpu.sync_copy(row2d.at[pl.ds(base + t * K, K)], ridx)
            pltpu.sync_copy(col2d.at[pl.ds(base + t * K, K)], cidx)
            handles = [None, None]
            handles[0] = pltpu.async_copy(
                table.at[ridx.at[0]], gbuf.at[0], sems[0])
            for j in range(K):
                if j + 1 < K:
                    handles[(j + 1) % 2] = pltpu.async_copy(
                        table.at[ridx.at[j + 1]], gbuf.at[(j + 1) % 2],
                        sems[(j + 1) % 2])
                handles[j % 2].wait()
                pltpu.sync_copy(gbuf.at[j % 2], acc.at[cidx.at[j]], add=True)
            return carry

        lax.fori_loop(0, rows_per_worker // K, step, 0)
        plsc.subcore_barrier()
        for i in range(zchunk // CH):
            pltpu.sync_copy(acc.at[pl.ds(s * zchunk + i * CH, CH)],
                            gbuf.at[0])
            pltpu.sync_copy(gbuf.at[0],
                            raw.at[c, pl.ds(s * zchunk + i * CH, CH)])

    return msg_kernel


def _tc1_body(x_ref, w1_ref, degp_ref, hs1_ref, dis_ref):
    deg = degp_ref[0] + degp_ref[1] + 1.0
    dis = lax.rsqrt(deg)
    h = jnp.dot(x_ref[...], w1_ref[...], preferred_element_type=jnp.float32)
    hs1_ref[...] = dis * h
    dis_ref[...] = dis


def _tc2_body(raw1_ref, hs1_ref, dis_ref, b1_ref, w2_ref, hs2_ref):
    dis = dis_ref[...]
    h = jnp.maximum(
        dis * (raw1_ref[0] + raw1_ref[1] + hs1_ref[...]) + b1_ref[...], 0.0)
    hs2_ref[...] = dis * jnp.dot(
        h, w2_ref[...], preferred_element_type=jnp.float32)


def _tc3_body(raw2_ref, hs2_ref, dis_ref, b2_ref, out_ref):
    z = (dis_ref[...] * (raw2_ref[0] + raw2_ref[1] + hs2_ref[...])
         + b2_ref[...])
    m = jnp.max(z, axis=1, keepdims=True)
    ssum = jnp.sum(jnp.exp(z - m), axis=1, keepdims=True)
    out_ref[...] = z - m - jnp.log(ssum)


def _tc1(x, W1, degp_col):
    grid = N // ROWS_BLK
    return pl.pallas_call(
        _tc1_body,
        grid=(grid,),
        in_specs=[
            pl.BlockSpec((ROWS_BLK, D_IN), lambda i: (i, 0)),
            pl.BlockSpec((D_IN, D_H), lambda i: (0, 0)),
            pl.BlockSpec((NC, ROWS_BLK, 1), lambda i: (0, i, 0)),
        ],
        out_specs=[
            pl.BlockSpec((ROWS_BLK, D_H), lambda i: (i, 0)),
            pl.BlockSpec((ROWS_BLK, 1), lambda i: (i, 0)),
        ],
        out_shape=[
            jax.ShapeDtypeStruct((N, D_H), jnp.float32),
            jax.ShapeDtypeStruct((N, 1), jnp.float32),
        ],
    )(x, W1, degp_col)


def _tc2(raw1, hs1, dis, b1, W2):
    grid = N // ROWS_BLK
    return pl.pallas_call(
        _tc2_body,
        grid=(grid,),
        in_specs=[
            pl.BlockSpec((NC, ROWS_BLK, D_H), lambda i: (0, i, 0)),
            pl.BlockSpec((ROWS_BLK, D_H), lambda i: (i, 0)),
            pl.BlockSpec((ROWS_BLK, 1), lambda i: (i, 0)),
            pl.BlockSpec((1, D_H), lambda i: (0, 0)),
            pl.BlockSpec((D_H, D_OUT), lambda i: (0, 0)),
        ],
        out_specs=pl.BlockSpec((ROWS_BLK, D_OUT), lambda i: (i, 0)),
        out_shape=jax.ShapeDtypeStruct((N, D_OUT), jnp.float32),
    )(raw1, hs1, dis, b1, W2)


def _tc3(raw2, hs2, dis, b2):
    grid = N // ROWS_BLK
    return pl.pallas_call(
        _tc3_body,
        grid=(grid,),
        in_specs=[
            pl.BlockSpec((NC, ROWS_BLK, D_OUT), lambda i: (0, i, 0)),
            pl.BlockSpec((ROWS_BLK, D_OUT), lambda i: (i, 0)),
            pl.BlockSpec((ROWS_BLK, 1), lambda i: (i, 0)),
            pl.BlockSpec((1, D_OUT), lambda i: (0, 0)),
        ],
        out_specs=pl.BlockSpec((ROWS_BLK, D_OUT), lambda i: (i, 0)),
        out_shape=jax.ShapeDtypeStruct((N, D_OUT), jnp.float32),
    )(raw2, hs2, dis, b2)


def kernel(x, edge_index, W1, b1, W2, b2):
    row = edge_index[0]
    col = edge_index[1]
    e = row.shape[0]
    quantum = NW * K * CH
    e_pad = ((e + quantum - 1) // quantum) * quantum
    pad = e_pad - e
    rowp = jnp.concatenate([row, jnp.zeros((pad,), row.dtype)])
    colp = jnp.concatenate([col, jnp.full((pad,), N, col.dtype)])
    row2d = rowp.reshape(-1, CH)
    col2d = colp.reshape(-1, CH)
    rows_per_worker = row2d.shape[0] // NW

    degp = _make_deg(rows_per_worker)(col2d)
    degp_col = degp.reshape(NC, N_PAD, 1)[:, :N]

    hs1, dis = _tc1(x, W1, degp_col)
    raw1 = _make_msg(D_H, rows_per_worker)(hs1, row2d, col2d)[:, :N]
    hs2 = _tc2(raw1, hs1, dis, b1.reshape(1, D_H), W2)
    raw2 = _make_msg(D_OUT, rows_per_worker)(hs2, row2d, col2d)[:, :N]
    return _tc3(raw2, hs2, dis, b2.reshape(1, D_OUT))

# --- scband reference (transcript-rebuilt; emitter-appended) ---
"""Pipeline reference for scband-gnn-21534966022499 (READ-ONLY COPY).

The authoritative reference and input builder live on the scoring server;
editing this copy changes nothing except your own understanding.
"""

import jax, jax.numpy as jnp
import numpy as np

N = 10000
E = 320000
D_IN = 128
D_H = 64
D_OUT = 16


def gcn_conv(x, edge_index, W, b, num_nodes):
    # PyG GCNConv: x' = D^{-1/2} (A + I) D^{-1/2} X W + b
    x = x @ W
    row = edge_index[0]
    col = edge_index[1]
    # add self loops
    loop = jnp.arange(num_nodes, dtype=edge_index.dtype)
    row = jnp.concatenate([row, loop])
    col = jnp.concatenate([col, loop])
    ones = jnp.ones(row.shape[0], dtype=x.dtype)
    deg = jnp.zeros(num_nodes, dtype=x.dtype).at[col].add(ones)
    deg_inv_sqrt = jnp.where(deg > 0, 1.0 / jnp.sqrt(deg), 0.0)
    norm = deg_inv_sqrt[row] * deg_inv_sqrt[col]
    msg = x[row] * norm[:, None]
    out = jnp.zeros((num_nodes, x.shape[1]), dtype=x.dtype).at[col].add(msg)
    return out + b


def setup_inputs(seed: int = 0) -> dict:
    key = jax.random.key(seed)
    k1, k2, k3, k4, k5, k6 = jax.random.split(key, 6)
    x = jax.random.normal(k1, (N, D_IN), dtype=jnp.float32)
    edge_index = jax.random.randint(k2, (2, E), 0, N, dtype=jnp.int32)
    W1 = jax.random.normal(k3, (D_IN, D_H), dtype=jnp.float32) * (1.0 / np.sqrt(D_IN))
    b1 = jnp.zeros((D_H,), dtype=jnp.float32)
    W2 = jax.random.normal(k4, (D_H, D_OUT), dtype=jnp.float32) * (1.0 / np.sqrt(D_H))
    b2 = jnp.zeros((D_OUT,), dtype=jnp.float32)
    return {"x": x, "edge_index": edge_index, "W1": W1, "b1": b1, "W2": W2, "b2": b2}


def reference(x, edge_index, W1, b1, W2, b2):
    h = gcn_conv(x, edge_index, W1, b1, N)
    h = jax.nn.relu(h)
    # dropout is identity in eval mode
    out = gcn_conv(h, edge_index, W2, b2, N)
    return jax.nn.log_softmax(out, axis=1)

if __name__ == "__main__":
    import jax
    _d = setup_inputs()
    print(jax.jit(kernel)(*tuple(_d.values())))

</pallas_src>

<mosaic_0001>
#map = affine_map<(d0, d1) -> (0, 0)>
#map1 = affine_map<(d0, d1) -> (0, 0, 0)>
module attributes {stable_mosaic.version = 14 : i64} {
  func.func @msg_kernel(%arg0: i32, %arg1: i32, %arg2: memref<10000x64xf32, #tpu.memory_space<hbm>>, %arg3: memref<2560x128xi32, #tpu.memory_space<hbm>>, %arg4: memref<2560x128xi32, #tpu.memory_space<hbm>>, %arg5: memref<2x10240x64xf32, #tpu.memory_space<hbm>>, %arg6: memref<8x128xi32, #tpu.memory_space<vmem>>, %arg7: memref<8x128xi32, #tpu.memory_space<vmem>>, %arg8: memref<2x128x64xf32, #tpu.memory_space<vmem>>, %arg9: memref<10240x64xf32, #tpu.memory_space<vmem_shared>>, %arg10: memref<!tpu.dma_semaphore, #tpu.memory_space<semaphore_mem>>, %arg11: memref<!tpu.dma_semaphore, #tpu.memory_space<semaphore_mem>>) attributes {dimension_semantics = [#tpu.dimension_semantics<core_parallel>, #tpu.dimension_semantics<subcore_parallel>], iteration_bounds = array<i64: 2, 16>, scalar_prefetch = 0 : i64, scratch_operands = 6 : i64, tpu.core_type = #tpu.core_type<sc_vector_subcore>, window_params = [{transform_indices = #map}, {transform_indices = #map}, {transform_indices = #map}, {transform_indices = #map1}]} {
    %mul3A = arith.constant 2 : i32
    %mul3A_0 = arith.muli %arg1, %mul3A : i32
    %add3A = arith.addi %mul3A_0, %arg0 : i32
    %scan3A = arith.constant 0 : i32
    %scan3A_1 = arith.constant 0 : i32
    %scan3A_2 = arith.constant 128 : i32
    %scan3A_3 = arith.addi %scan3A_1, %scan3A_2 : i32
    %scan3A_4 = arith.constant 1 : i32
    scf.for %scan3A_89 = %scan3A_1 to %scan3A_3 step %scan3A_4  : i32 {
      %broadcast_in_dim3A = arith.constant 0.000000e+00 : f32
      %broadcast_in_dim3A_90 = vector.broadcast %broadcast_in_dim3A : f32 to vector<16xf32>
      %swap3A = arith.constant 0 : i32
      %swap3A_91 = arith.index_cast %swap3A : i32 to index
      %swap3A_92 = arith.index_cast %scan3A_89 : i32 to index
      %swap3A_93 = arith.constant 0 : index
      %swap3A_94 = tpu.vector_load %arg8[%swap3A_91, %swap3A_92, %swap3A_93] {strides = array<i32>} : memref<2x128x64xf32, #tpu.memory_space<vmem>>, vector<1x1x16xf32>,
      %swap3A_95 = vector.shape_cast %swap3A_94 : vector<1x1x16xf32> to vector<16xf32>
      %swap3A_96 = vector.shape_cast %broadcast_in_dim3A_90 : vector<16xf32> to vector<1x1x16xf32>
      tpu.vector_store %arg8[%swap3A_91, %swap3A_92, %swap3A_93], %swap3A_96 {strides = array<i32>} : memref<2x128x64xf32, #tpu.memory_space<vmem>>, vector<1x1x16xf32>,
      %swap3A_97 = arith.constant 0 : i32
      %swap3A_98 = arith.index_cast %swap3A_97 : i32 to index
      %swap3A_99 = arith.index_cast %scan3A_89 : i32 to index
      %swap3A_100 = arith.constant 16 : index
      %swap3A_101 = tpu.vector_load %arg8[%swap3A_98, %swap3A_99, %swap3A_100] {strides = array<i32>} : memref<2x128x64xf32, #tpu.memory_space<vmem>>, vector<1x1x16xf32>,
      %swap3A_102 = vector.shape_cast %swap3A_101 : vector<1x1x16xf32> to vector<16xf32>
      %swap3A_103 = vector.shape_cast %broadcast_in_dim3A_90 : vector<16xf32> to vector<1x1x16xf32>
      tpu.vector_store %arg8[%swap3A_98, %swap3A_99, %swap3A_100], %swap3A_103 {strides = array<i32>} : memref<2x128x64xf32, #tpu.memory_space<vmem>>, vector<1x1x16xf32>,
      %swap3A_104 = arith.constant 0 : i32
      %swap3A_105 = arith.index_cast %swap3A_104 : i32 to index
      %swap3A_106 = arith.index_cast %scan3A_89 : i32 to index
      %swap3A_107 = arith.constant 32 : index
      %swap3A_108 = tpu.vector_load %arg8[%swap3A_105, %swap3A_106, %swap3A_107] {strides = array<i32>} : memref<2x128x64xf32, #tpu.memory_space<vmem>>, vector<1x1x16xf32>,
      %swap3A_109 = vector.shape_cast %swap3A_108 : vector<1x1x16xf32> to vector<16xf32>
      %swap3A_110 = vector.shape_cast %broadcast_in_dim3A_90 : vector<16xf32> to vector<1x1x16xf32>
      tpu.vector_store %arg8[%swap3A_105, %swap3A_106, %swap3A_107], %swap3A_110 {strides = array<i32>} : memref<2x128x64xf32, #tpu.memory_space<vmem>>, vector<1x1x16xf32>,
      %swap3A_111 = arith.constant 0 : i32
      %swap3A_112 = arith.index_cast %swap3A_111 : i32 to index
      %swap3A_113 = arith.index_cast %scan3A_89 : i32 to index
      %swap3A_114 = arith.constant 48 : index
      %swap3A_115 = tpu.vector_load %arg8[%swap3A_112, %swap3A_113, %swap3A_114] {strides = array<i32>} : memref<2x128x64xf32, #tpu.memory_space<vmem>>, vector<1x1x16xf32>,
      %swap3A_116 = vector.shape_cast %swap3A_115 : vector<1x1x16xf32> to vector<16xf32>
      %swap3A_117 = vector.shape_cast %broadcast_in_dim3A_90 : vector<16xf32> to vector<1x1x16xf32>
      tpu.vector_store %arg8[%swap3A_112, %swap3A_113, %swap3A_114], %swap3A_117 {strides = array<i32>} : memref<2x128x64xf32, #tpu.memory_space<vmem>>, vector<1x1x16xf32>,
    }
    %scan3A_5 = arith.constant 128 : i32
    %mul3A_6 = arith.constant 640 : i32
    %mul3A_7 = arith.muli %arg1, %mul3A_6 : i32
    %add3A_8 = arith.constant 0 : i32
    %add3A_9 = arith.addi %mul3A_7, %add3A_8 : i32
    %run_scoped3A = arith.constant 0 : i32
    "tpu.region"() ({
      %run_scoped3A_89 = tpu.sem_alloc : memref<!tpu.dma_semaphore, #tpu.memory_space<semaphore_mem>>
      %dma_start3A = arith.constant 0 : i32
      %dma_start3A_90 = arith.constant 0 : i32
      %dma_start3A_91 = tpu.memref_slice %arg8[%run_scoped3A, %dma_start3A, %dma_start3A_90] : memref<2x128x64xf32, #tpu.memory_space<vmem>> -> memref<1x128x64xf32, #tpu.memory_space<vmem>>
      %dma_start3A_92 = tpu.memref_squeeze %dma_start3A_91 : memref<1x128x64xf32, #tpu.memory_space<vmem>> -> memref<128x64xf32, #tpu.memory_space<vmem>>
      %dma_start3A_93 = arith.constant 0 : i32
      %dma_start3A_94 = tpu.memref_slice %arg9[%add3A_9, %dma_start3A_93] : memref<10240x64xf32, #tpu.memory_space<vmem_shared>> -> memref<128x64xf32, #tpu.memory_space<vmem_shared>>
      %dma_start3A_95 = arith.constant 0 : i32
      %dma_start3A_96 = tpu.memref_slice %arg9[%add3A_9, %dma_start3A_95] : memref<10240x64xf32, #tpu.memory_space<vmem_shared>> -> memref<128x64xf32, #tpu.memory_space<vmem_shared>>
      %dma_start3A_97 = arith.constant 0 : i32
      %dma_start3A_98 = arith.constant 0 : i32
      %dma_start3A_99 = tpu.memref_slice %arg8[%run_scoped3A, %dma_start3A_97, %dma_start3A_98] : memref<2x128x64xf32, #tpu.memory_space<vmem>> -> memref<1x128x64xf32, #tpu.memory_space<vmem>>
      %dma_start3A_100 = tpu.memref_squeeze %dma_start3A_99 : memref<1x128x64xf32, #tpu.memory_space<vmem>> -> memref<128x64xf32, #tpu.memory_space<vmem>>
      tpu.enqueue_dma source(%dma_start3A_100 : memref<128x64xf32, #tpu.memory_space<vmem>>) target(%dma_start3A_96 : memref<128x64xf32, #tpu.memory_space<vmem_shared>>) target_semaphore(%run_scoped3A_89 : memref<!tpu.dma_semaphore, #tpu.memory_space<semaphore_mem>>)
      %dma_wait3A = arith.constant 0 : i32
      %dma_wait3A_101 = arith.constant 0 : i32
      %dma_wait3A_102 = tpu.memref_slice %arg8[%run_scoped3A, %dma_wait3A, %dma_wait3A_101] : memref<2x128x64xf32, #tpu.memory_space<vmem>> -> memref<1x128x64xf32, #tpu.memory_space<vmem>>
      %dma_wait3A_103 = tpu.memref_squeeze %dma_wait3A_102 : memref<1x128x64xf32, #tpu.memory_space<vmem>> -> memref<128x64xf32, #tpu.memory_space<vmem>>
      %dma_wait3A_104 = arith.constant 0 : i32
      %dma_wait3A_105 = tpu.memref_slice %arg9[%add3A_9, %dma_wait3A_104] : memref<10240x64xf32, #tpu.memory_space<vmem_shared>> -> memref<128x64xf32, #tpu.memory_space<vmem_shared>>
      %dma_wait3A_106 = arith.constant 0 : i32
      %dma_wait3A_107 = tpu.memref_slice %arg9[%add3A_9, %dma_wait3A_106] : memref<10240x64xf32, #tpu.memory_space<vmem_shared>> -> memref<128x64xf32, #tpu.memory_space<vmem_shared>>
      %dma_wait3A_108 = arith.constant 0 : i32
      %dma_wait3A_109 = arith.constant 0 : i32
      %dma_wait3A_110 = tpu.memref_slice %arg8[%run_scoped3A, %dma_wait3A_108, %dma_wait3A_109] : memref<2x128x64xf32, #tpu.memory_space<vmem>> -> memref<1x128x64xf32, #tpu.memory_space<vmem>>
      %dma_wait3A_111 = tpu.memref_squeeze %dma_wait3A_110 : memref<1x128x64xf32, #tpu.memory_space<vmem>> -> memref<128x64xf32, #tpu.memory_space<vmem>>
      tpu.wait_dma2 semaphore(%run_scoped3A_89 : memref<!tpu.dma_semaphore, #tpu.memory_space<semaphore_mem>>) src(%dma_wait3A_111 : memref<128x64xf32, #tpu.memory_space<vmem>>) dst(%dma_wait3A_107 : memref<128x64xf32, #tpu.memory_space<vmem_shared>>)
      tpu.yield
    }) : () -> ()
    %mul3A_10 = arith.constant 640 : i32
    %mul3A_11 = arith.muli %arg1, %mul3A_10 : i32
    %add3A_12 = arith.constant 128 : i32
    %add3A_13 = arith.addi %mul3A_11, %add3A_12 : i32
    %run_scoped3A_14 = arith.constant 0 : i32
    "tpu.region"() ({
      %run_scoped3A_89 = tpu.sem_alloc : memref<!tpu.dma_semaphore, #tpu.memory_space<semaphore_mem>>
      %dma_start3A = arith.constant 0 : i32
      %dma_start3A_90 = arith.constant 0 : i32
      %dma_start3A_91 = tpu.memref_slice %arg8[%run_scoped3A_14, %dma_start3A, %dma_start3A_90] : memref<2x128x64xf32, #tpu.memory_space<vmem>> -> memref<1x128x64xf32, #tpu.memory_space<vmem>>
      %dma_start3A_92 = tpu.memref_squeeze %dma_start3A_91 : memref<1x128x64xf32, #tpu.memory_space<vmem>> -> memref<128x64xf32, #tpu.memory_space<vmem>>
      %dma_start3A_93 = arith.constant 0 : i32
      %dma_start3A_94 = tpu.memref_slice %arg9[%add3A_13, %dma_start3A_93] : memref<10240x64xf32, #tpu.memory_space<vmem_shared>> -> memref<128x64xf32, #tpu.memory_space<vmem_shared>>
      %dma_start3A_95 = arith.constant 0 : i32
      %dma_start3A_96 = tpu.memref_slice %arg9[%add3A_13, %dma_start3A_95] : memref<10240x64xf32, #tpu.memory_space<vmem_shared>> -> memref<128x64xf32, #tpu.memory_space<vmem_shared>>
      %dma_start3A_97 = arith.constant 0 : i32
      %dma_start3A_98 = arith.constant 0 : i32
      %dma_start3A_99 = tpu.memref_slice %arg8[%run_scoped3A_14, %dma_start3A_97, %dma_start3A_98] : memref<2x128x64xf32, #tpu.memory_space<vmem>> -> memref<1x128x64xf32, #tpu.memory_space<vmem>>
      %dma_start3A_100 = tpu.memref_squeeze %dma_start3A_99 : memref<1x128x64xf32, #tpu.memory_space<vmem>> -> memref<128x64xf32, #tpu.memory_space<vmem>>
      tpu.enqueue_dma source(%dma_start3A_100 : memref<128x64xf32, #tpu.memory_space<vmem>>) target(%dma_start3A_96 : memref<128x64xf32, #tpu.memory_space<vmem_shared>>) target_semaphore(%run_scoped3A_89 : memref<!tpu.dma_semaphore, #tpu.memory_space<semaphore_mem>>)
      %dma_wait3A = arith.constant 0 : i32
      %dma_wait3A_101 = arith.constant 0 : i32
      %dma_wait3A_102 = tpu.memref_slice %arg8[%run_scoped3A_14, %dma_wait3A, %dma_wait3A_101] : memref<2x128x64xf32, #tpu.memory_space<vmem>> -> memref<1x128x64xf32, #tpu.memory_space<vmem>>
      %dma_wait3A_103 = tpu.memref_squeeze %dma_wait3A_102 : memref<1x128x64xf32, #tpu.memory_space<vmem>> -> memref<128x64xf32, #tpu.memory_space<vmem>>
      %dma_wait3A_104 = arith.constant 0 : i32
      %dma_wait3A_105 = tpu.memref_slice %arg9[%add3A_13, %dma_wait3A_104] : memref<10240x64xf32, #tpu.memory_space<vmem_shared>> -> memref<128x64xf32, #tpu.memory_space<vmem_shared>>
      %dma_wait3A_106 = arith.constant 0 : i32
      %dma_wait3A_107 = tpu.memref_slice %arg9[%add3A_13, %dma_wait3A_106] : memref<10240x64xf32, #tpu.memory_space<vmem_shared>> -> memref<128x64xf32, #tpu.memory_space<vmem_shared>>
      %dma_wait3A_108 = arith.constant 0 : i32
      %dma_wait3A_109 = arith.constant 0 : i32
      %dma_wait3A_110 = tpu.memref_slice %arg8[%run_scoped3A_14, %dma_wait3A_108, %dma_wait3A_109] : memref<2x128x64xf32, #tpu.memory_space<vmem>> -> memref<1x128x64xf32, #tpu.memory_space<vmem>>
      %dma_wait3A_111 = tpu.memref_squeeze %dma_wait3A_110 : memref<1x128x64xf32, #tpu.memory_space<vmem>> -> memref<128x64xf32, #tpu.memory_space<vmem>>
      tpu.wait_dma2 semaphore(%run_scoped3A_89 : memref<!tpu.dma_semaphore, #tpu.memory_space<semaphore_mem>>) src(%dma_wait3A_111 : memref<128x64xf32, #tpu.memory_space<vmem>>) dst(%dma_wait3A_107 : memref<128x64xf32, #tpu.memory_space<vmem_shared>>)
      tpu.yield
    }) : () -> ()
    %mul3A_15 = arith.constant 640 : i32
    %mul3A_16 = arith.muli %arg1, %mul3A_15 : i32
    %add3A_17 = arith.constant 256 : i32
    %add3A_18 = arith.addi %mul3A_16, %add3A_17 : i32
    %run_scoped3A_19 = arith.constant 0 : i32
    "tpu.region"() ({
      %run_scoped3A_89 = tpu.sem_alloc : memref<!tpu.dma_semaphore, #tpu.memory_space<semaphore_mem>>
      %dma_start3A = arith.constant 0 : i32
      %dma_start3A_90 = arith.constant 0 : i32
      %dma_start3A_91 = tpu.memref_slice %arg8[%run_scoped3A_19, %dma_start3A, %dma_start3A_90] : memref<2x128x64xf32, #tpu.memory_space<vmem>> -> memref<1x128x64xf32, #tpu.memory_space<vmem>>
      %dma_start3A_92 = tpu.memref_squeeze %dma_start3A_91 : memref<1x128x64xf32, #tpu.memory_space<vmem>> -> memref<128x64xf32, #tpu.memory_space<vmem>>
      %dma_start3A_93 = arith.constant 0 : i32
      %dma_start3A_94 = tpu.memref_slice %arg9[%add3A_18, %dma_start3A_93] : memref<10240x64xf32, #tpu.memory_space<vmem_shared>> -> memref<128x64xf32, #tpu.memory_space<vmem_shared>>
      %dma_start3A_95 = arith.constant 0 : i32
      %dma_start3A_96 = tpu.memref_slice %arg9[%add3A_18, %dma_start3A_95] : memref<10240x64xf32, #tpu.memory_space<vmem_shared>> -> memref<128x64xf32, #tpu.memory_space<vmem_shared>>
      %dma_start3A_97 = arith.constant 0 : i32
      %dma_start3A_98 = arith.constant 0 : i32
      %dma_start3A_99 = tpu.memref_slice %arg8[%run_scoped3A_19, %dma_start3A_97, %dma_start3A_98] : memref<2x128x64xf32, #tpu.memory_space<vmem>> -> memref<1x128x64xf32, #tpu.memory_space<vmem>>
      %dma_start3A_100 = tpu.memref_squeeze %dma_start3A_99 : memref<1x128x64xf32, #tpu.memory_space<vmem>> -> memref<128x64xf32, #tpu.memory_space<vmem>>
      tpu.enqueue_dma source(%dma_start3A_100 : memref<128x64xf32, #tpu.memory_space<vmem>>) target(%dma_start3A_96 : memref<128x64xf32, #tpu.memory_space<vmem_shared>>) target_semaphore(%run_scoped3A_89 : memref<!tpu.dma_semaphore, #tpu.memory_space<semaphore_mem>>)
      %dma_wait3A = arith.constant 0 : i32
      %dma_wait3A_101 = arith.constant 0 : i32
      %dma_wait3A_102 = tpu.memref_slice %arg8[%run_scoped3A_19, %dma_wait3A, %dma_wait3A_101] : memref<2x128x64xf32, #tpu.memory_space<vmem>> -> memref<1x128x64xf32, #tpu.memory_space<vmem>>
      %dma_wait3A_103 = tpu.memref_squeeze %dma_wait3A_102 : memref<1x128x64xf32, #tpu.memory_space<vmem>> -> memref<128x64xf32, #tpu.memory_space<vmem>>
      %dma_wait3A_104 = arith.constant 0 : i32
      %dma_wait3A_105 = tpu.memref_slice %arg9[%add3A_18, %dma_wait3A_104] : memref<10240x64xf32, #tpu.memory_space<vmem_shared>> -> memref<128x64xf32, #tpu.memory_space<vmem_shared>>
      %dma_wait3A_106 = arith.constant 0 : i32
      %dma_wait3A_107 = tpu.memref_slice %arg9[%add3A_18, %dma_wait3A_106] : memref<10240x64xf32, #tpu.memory_space<vmem_shared>> -> memref<128x64xf32, #tpu.memory_space<vmem_shared>>
      %dma_wait3A_108 = arith.constant 0 : i32
      %dma_wait3A_109 = arith.constant 0 : i32
      %dma_wait3A_110 = tpu.memref_slice %arg8[%run_scoped3A_19, %dma_wait3A_108, %dma_wait3A_109] : memref<2x128x64xf32, #tpu.memory_space<vmem>> -> memref<1x128x64xf32, #tpu.memory_space<vmem>>
      %dma_wait3A_111 = tpu.memref_squeeze %dma_wait3A_110 : memref<1x128x64xf32, #tpu.memory_space<vmem>> -> memref<128x64xf32, #tpu.memory_space<vmem>>
      tpu.wait_dma2 semaphore(%run_scoped3A_89 : memref<!tpu.dma_semaphore, #tpu.memory_space<semaphore_mem>>) src(%dma_wait3A_111 : memref<128x64xf32, #tpu.memory_space<vmem>>) dst(%dma_wait3A_107 : memref<128x64xf32, #tpu.memory_space<vmem_shared>>)
      tpu.yield
    }) : () -> ()
    %mul3A_20 = arith.constant 640 : i32
    %mul3A_21 = arith.muli %arg1, %mul3A_20 : i32
    %add3A_22 = arith.constant 384 : i32
    %add3A_23 = arith.addi %mul3A_21, %add3A_22 : i32
    %run_scoped3A_24 = arith.constant 0 : i32
    "tpu.region"() ({
      %run_scoped3A_89 = tpu.sem_alloc : memref<!tpu.dma_semaphore, #tpu.memory_space<semaphore_mem>>
      %dma_start3A = arith.constant 0 : i32
      %dma_start3A_90 = arith.constant 0 : i32
      %dma_start3A_91 = tpu.memref_slice %arg8[%run_scoped3A_24, %dma_start3A, %dma_start3A_90] : memref<2x128x64xf32, #tpu.memory_space<vmem>> -> memref<1x128x64xf32, #tpu.memory_space<vmem>>
      %dma_start3A_92 = tpu.memref_squeeze %dma_start3A_91 : memref<1x128x64xf32, #tpu.memory_space<vmem>> -> memref<128x64xf32, #tpu.memory_space<vmem>>
      %dma_start3A_93 = arith.constant 0 : i32
      %dma_start3A_94 = tpu.memref_slice %arg9[%add3A_23, %dma_start3A_93] : memref<10240x64xf32, #tpu.memory_space<vmem_shared>> -> memref<128x64xf32, #tpu.memory_space<vmem_shared>>
      %dma_start3A_95 = arith.constant 0 : i32
      %dma_start3A_96 = tpu.memref_slice %arg9[%add3A_23, %dma_start3A_95] : memref<10240x64xf32, #tpu.memory_space<vmem_shared>> -> memref<128x64xf32, #tpu.memory_space<vmem_shared>>
      %dma_start3A_97 = arith.constant 0 : i32
      %dma_start3A_98 = arith.constant 0 : i32
      %dma_start3A_99 = tpu.memref_slice %arg8[%run_scoped3A_24, %dma_start3A_97, %dma_start3A_98] : memref<2x128x64xf32, #tpu.memory_space<vmem>> -> memref<1x128x64xf32, #tpu.memory_space<vmem>>
      %dma_start3A_100 = tpu.memref_squeeze %dma_start3A_99 : memref<1x128x64xf32, #tpu.memory_space<vmem>> -> memref<128x64xf32, #tpu.memory_space<vmem>>
      tpu.enqueue_dma source(%dma_start3A_100 : memref<128x64xf32, #tpu.memory_space<vmem>>) target(%dma_start3A_96 : memref<128x64xf32, #tpu.memory_space<vmem_shared>>) target_semaphore(%run_scoped3A_89 : memref<!tpu.dma_semaphore, #tpu.memory_space<semaphore_mem>>)
      %dma_wait3A = arith.constant 0 : i32
      %dma_wait3A_101 = arith.constant 0 : i32
      %dma_wait3A_102 = tpu.memref_slice %arg8[%run_scoped3A_24, %dma_wait3A, %dma_wait3A_101] : memref<2x128x64xf32, #tpu.memory_space<vmem>> -> memref<1x128x64xf32, #tpu.memory_space<vmem>>
      %dma_wait3A_103 = tpu.memref_squeeze %dma_wait3A_102 : memref<1x128x64xf32, #tpu.memory_space<vmem>> -> memref<128x64xf32, #tpu.memory_space<vmem>>
      %dma_wait3A_104 = arith.constant 0 : i32
      %dma_wait3A_105 = tpu.memref_slice %arg9[%add3A_23, %dma_wait3A_104] : memref<10240x64xf32, #tpu.memory_space<vmem_shared>> -> memref<128x64xf32, #tpu.memory_space<vmem_shared>>
      %dma_wait3A_106 = arith.constant 0 : i32
      %dma_wait3A_107 = tpu.memref_slice %arg9[%add3A_23, %dma_wait3A_106] : memref<10240x64xf32, #tpu.memory_space<vmem_shared>> -> memref<128x64xf32, #tpu.memory_space<vmem_shared>>
      %dma_wait3A_108 = arith.constant 0 : i32
      %dma_wait3A_109 = arith.constant 0 : i32
      %dma_wait3A_110 = tpu.memref_slice %arg8[%run_scoped3A_24, %dma_wait3A_108, %dma_wait3A_109] : memref<2x128x64xf32, #tpu.memory_space<vmem>> -> memref<1x128x64xf32, #tpu.memory_space<vmem>>
      %dma_wait3A_111 = tpu.memref_squeeze %dma_wait3A_110 : memref<1x128x64xf32, #tpu.memory_space<vmem>> -> memref<128x64xf32, #tpu.memory_space<vmem>>
      tpu.wait_dma2 semaphore(%run_scoped3A_89 : memref<!tpu.dma_semaphore, #tpu.memory_space<semaphore_mem>>) src(%dma_wait3A_111 : memref<128x64xf32, #tpu.memory_space<vmem>>) dst(%dma_wait3A_107 : memref<128x64xf32, #tpu.memory_space<vmem_shared>>)
      tpu.yield
    }) : () -> ()
    %mul3A_25 = arith.constant 640 : i32
    %mul3A_26 = arith.muli %arg1, %mul3A_25 : i32
    %add3A_27 = arith.constant 512 : i32
    %add3A_28 = arith.addi %mul3A_26, %add3A_27 : i32
    %run_scoped3A_29 = arith.constant 0 : i32
    "tpu.region"() ({
      %run_scoped3A_89 = tpu.sem_alloc : memref<!tpu.dma_semaphore, #tpu.memory_space<semaphore_mem>>
      %dma_start3A = arith.constant 0 : i32
      %dma_start3A_90 = arith.constant 0 : i32
      %dma_start3A_91 = tpu.memref_slice %arg8[%run_scoped3A_29, %dma_start3A, %dma_start3A_90] : memref<2x128x64xf32, #tpu.memory_space<vmem>> -> memref<1x128x64xf32, #tpu.memory_space<vmem>>
      %dma_start3A_92 = tpu.memref_squeeze %dma_start3A_91 : memref<1x128x64xf32, #tpu.memory_space<vmem>> -> memref<128x64xf32, #tpu.memory_space<vmem>>
      %dma_start3A_93 = arith.constant 0 : i32
      %dma_start3A_94 = tpu.memref_slice %arg9[%add3A_28, %dma_start3A_93] : memref<10240x64xf32, #tpu.memory_space<vmem_shared>> -> memref<128x64xf32, #tpu.memory_space<vmem_shared>>
      %dma_start3A_95 = arith.constant 0 : i32
      %dma_start3A_96 = tpu.memref_slice %arg9[%add3A_28, %dma_start3A_95] : memref<10240x64xf32, #tpu.memory_space<vmem_shared>> -> memref<128x64xf32, #tpu.memory_space<vmem_shared>>
      %dma_start3A_97 = arith.constant 0 : i32
      %dma_start3A_98 = arith.constant 0 : i32
      %dma_start3A_99 = tpu.memref_slice %arg8[%run_scoped3A_29, %dma_start3A_97, %dma_start3A_98] : memref<2x128x64xf32, #tpu.memory_space<vmem>> -> memref<1x128x64xf32, #tpu.memory_space<vmem>>
      %dma_start3A_100 = tpu.memref_squeeze %dma_start3A_99 : memref<1x128x64xf32, #tpu.memory_space<vmem>> -> memref<128x64xf32, #tpu.memory_space<vmem>>
      tpu.enqueue_dma source(%dma_start3A_100 : memref<128x64xf32, #tpu.memory_space<vmem>>) target(%dma_start3A_96 : memref<128x64xf32, #tpu.memory_space<vmem_shared>>) target_semaphore(%run_scoped3A_89 : memref<!tpu.dma_semaphore, #tpu.memory_space<semaphore_mem>>)
      %dma_wait3A = arith.constant 0 : i32
      %dma_wait3A_101 = arith.constant 0 : i32
      %dma_wait3A_102 = tpu.memref_slice %arg8[%run_scoped3A_29, %dma_wait3A, %dma_wait3A_101] : memref<2x128x64xf32, #tpu.memory_space<vmem>> -> memref<1x128x64xf32, #tpu.memory_space<vmem>>
      %dma_wait3A_103 = tpu.memref_squeeze %dma_wait3A_102 : memref<1x128x64xf32, #tpu.memory_space<vmem>> -> memref<128x64xf32, #tpu.memory_space<vmem>>
      %dma_wait3A_104 = arith.constant 0 : i32
      %dma_wait3A_105 = tpu.memref_slice %arg9[%add3A_28, %dma_wait3A_104] : memref<10240x64xf32, #tpu.memory_space<vmem_shared>> -> memref<128x64xf32, #tpu.memory_space<vmem_shared>>
      %dma_wait3A_106 = arith.constant 0 : i32
      %dma_wait3A_107 = tpu.memref_slice %arg9[%add3A_28, %dma_wait3A_106] : memref<10240x64xf32, #tpu.memory_space<vmem_shared>> -> memref<128x64xf32, #tpu.memory_space<vmem_shared>>
      %dma_wait3A_108 = arith.constant 0 : i32
      %dma_wait3A_109 = arith.constant 0 : i32
      %dma_wait3A_110 = tpu.memref_slice %arg8[%run_scoped3A_29, %dma_wait3A_108, %dma_wait3A_109] : memref<2x128x64xf32, #tpu.memory_space<vmem>> -> memref<1x128x64xf32, #tpu.memory_space<vmem>>
      %dma_wait3A_111 = tpu.memref_squeeze %dma_wait3A_110 : memref<1x128x64xf32, #tpu.memory_space<vmem>> -> memref<128x64xf32, #tpu.memory_space<vmem>>
      tpu.wait_dma2 semaphore(%run_scoped3A_89 : memref<!tpu.dma_semaphore, #tpu.memory_space<semaphore_mem>>) src(%dma_wait3A_111 : memref<128x64xf32, #tpu.memory_space<vmem>>) dst(%dma_wait3A_107 : memref<128x64xf32, #tpu.memory_space<vmem_shared>>)
      tpu.yield
    }) : () -> ()
    %barrier3A = arith.constant 0 : index
    tpu.barrier barrier_id(%barrier3A)
    %mul3A_30 = arith.constant 80 : i32
    %mul3A_31 = arith.muli %add3A, %mul3A_30 : i32
    %scan3A_32 = arith.constant 0 : i32
    %scan3A_33 = arith.constant 0 : i32
    %scan3A_34 = arith.constant 10 : i32
    %scan3A_35 = arith.addi %scan3A_33, %scan3A_34 : i32
    %scan3A_36 = arith.constant 1 : i32
    scf.for %scan3A_89 = %scan3A_33 to %scan3A_35 step %scan3A_36  : i32 {
      %mul3A_90 = arith.constant 8 : i32
      %mul3A_91 = arith.muli %scan3A_89, %mul3A_90 : i32
      %add3A_92 = arith.addi %mul3A_31, %mul3A_91 : i32
      "tpu.region"() ({
        %run_scoped3A_302 = tpu.sem_alloc : memref<!tpu.dma_semaphore, #tpu.memory_space<semaphore_mem>>
        %dma_start3A_303 = arith.constant 0 : i32
        %dma_start3A_304 = tpu.memref_slice %arg3[%add3A_92, %dma_start3A_303] : memref<2560x128xi32, #tpu.memory_space<hbm>> -> memref<8x128xi32, #tpu.memory_space<hbm>>
        %dma_start3A_305 = arith.constant 0 : i32
        %dma_start3A_306 = tpu.memref_slice %arg3[%add3A_92, %dma_start3A_305] : memref<2560x128xi32, #tpu.memory_space<hbm>> -> memref<8x128xi32, #tpu.memory_space<hbm>>
        tpu.enqueue_dma source(%dma_start3A_306 : memref<8x128xi32, #tpu.memory_space<hbm>>) target(%arg6 : memref<8x128xi32, #tpu.memory_space<vmem>>) target_semaphore(%run_scoped3A_302 : memref<!tpu.dma_semaphore, #tpu.memory_space<semaphore_mem>>)
        %dma_wait3A_307 = arith.constant 0 : i32
        %dma_wait3A_308 = tpu.memref_slice %arg3[%add3A_92, %dma_wait3A_307] : memref<2560x128xi32, #tpu.memory_space<hbm>> -> memref<8x128xi32, #tpu.memory_space<hbm>>
        %dma_wait3A_309 = arith.constant 0 : i32
        %dma_wait3A_310 = tpu.memref_slice %arg3[%add3A_92, %dma_wait3A_309] : memref<2560x128xi32, #tpu.memory_space<hbm>> -> memref<8x128xi32, #tpu.memory_space<hbm>>
        tpu.wait_dma2 semaphore(%run_scoped3A_302 : memref<!tpu.dma_semaphore, #tpu.memory_space<semaphore_mem>>) src(%dma_wait3A_310 : memref<8x128xi32, #tpu.memory_space<hbm>>) dst(%arg6 : memref<8x128xi32, #tpu.memory_space<vmem>>)
        tpu.yield
      }) : () -> ()
      %mul3A_93 = arith.constant 8 : i32
      %mul3A_94 = arith.muli %scan3A_89, %mul3A_93 : i32
      %add3A_95 = arith.addi %mul3A_31, %mul3A_94 : i32
      "tpu.region"() ({
        %run_scoped3A_302 = tpu.sem_alloc : memref<!tpu.dma_semaphore, #tpu.memory_space<semaphore_mem>>
        %dma_start3A_303 = arith.constant 0 : i32
        %dma_start3A_304 = tpu.memref_slice %arg4[%add3A_95, %dma_start3A_303] : memref<2560x128xi32, #tpu.memory_space<hbm>> -> memref<8x128xi32, #tpu.memory_space<hbm>>
        %dma_start3A_305 = arith.constant 0 : i32
        %dma_start3A_306 = tpu.memref_slice %arg4[%add3A_95, %dma_start3A_305] : memref<2560x128xi32, #tpu.memory_space<hbm>> -> memref<8x128xi32, #tpu.memory_space<hbm>>
        tpu.enqueue_dma source(%dma_start3A_306 : memref<8x128xi32, #tpu.memory_space<hbm>>) target(%arg7 : memref<8x128xi32, #tpu.memory_space<vmem>>) target_semaphore(%run_scoped3A_302 : memref<!tpu.dma_semaphore, #tpu.memory_space<semaphore_mem>>)
        %dma_wait3A_307 = arith.constant 0 : i32
        %dma_wait3A_308 = tpu.memref_slice %arg4[%add3A_95, %dma_wait3A_307] : memref<2560x128xi32, #tpu.memory_space<hbm>> -> memref<8x128xi32, #tpu.memory_space<hbm>>
        %dma_wait3A_309 = arith.constant 0 : i32
        %dma_wait3A_310 = tpu.memref_slice %arg4[%add3A_95, %dma_wait3A_309] : memref<2560x128xi32, #tpu.memory_space<hbm>> -> memref<8x128xi32, #tpu.memory_space<hbm>>
        tpu.wait_dma2 semaphore(%run_scoped3A_302 : memref<!tpu.dma_semaphore, #tpu.memory_space<semaphore_mem>>) src(%dma_wait3A_310 : memref<8x128xi32, #tpu.memory_space<hbm>>) dst(%arg7 : memref<8x128xi32, #tpu.memory_space<vmem>>)
        tpu.yield
      }) : () -> ()
      %dma_start3A = arith.constant 0 : i32
      %dma_start3A_96 = arith.constant 0 : i32
      %dma_start3A_97 = arith.constant 0 : i32
      %dma_start3A_98 = arith.constant 0 : i32
      %dma_start3A_99 = tpu.memref_slice %arg8[%dma_start3A_96, %dma_start3A_97, %dma_start3A_98] : memref<2x128x64xf32, #tpu.memory_space<vmem>> -> memref<1x128x64xf32, #tpu.memory_space<vmem>>
      %dma_start3A_100 = tpu.memref_squeeze %dma_start3A_99 : memref<1x128x64xf32, #tpu.memory_space<vmem>> -> memref<128x64xf32, #tpu.memory_space<vmem>>
      %dma_start3A_101 = arith.constant 0 : i32
      %dma_start3A_102 = tpu.memref_slice %arg6[%dma_start3A, %dma_start3A_101] : memref<8x128xi32, #tpu.memory_space<vmem>> -> memref<1x128xi32, #tpu.memory_space<vmem>>
      %dma_start3A_103 = tpu.memref_squeeze %dma_start3A_102 : memref<1x128xi32, #tpu.memory_space<vmem>> -> memref<128xi32, #tpu.memory_space<vmem>>
      %dma_start3A_104 = arith.constant 0 : i32
      %dma_start3A_105 = arith.constant 0 : i32
      %dma_start3A_106 = tpu.memref_slice %arg2[%dma_start3A_104, %dma_start3A_105] : memref<10000x64xf32, #tpu.memory_space<hbm>> -> memref<10000x64xf32, #tpu.memory_space<hbm>>
      tpu.enqueue_indirect_dma source(%dma_start3A_106 : memref<10000x64xf32, #tpu.memory_space<hbm>>) target(%dma_start3A_100 : memref<128x64xf32, #tpu.memory_space<vmem>>) offsets(%dma_start3A_103 : memref<128xi32, #tpu.memory_space<vmem>>) semaphore(%arg10 : memref<!tpu.dma_semaphore, #tpu.memory_space<semaphore_mem>>)
      %dma_start3A_107 = arith.constant 1 : i32
      %dma_start3A_108 = arith.constant 1 : i32
      %dma_start3A_109 = arith.constant 0 : i32
      %dma_start3A_110 = arith.constant 0 : i32
      %dma_start3A_111 = tpu.memref_slice %arg8[%dma_start3A_108, %dma_start3A_109, %dma_start3A_110] : memref<2x128x64xf32, #tpu.memory_space<vmem>> -> memref<1x128x64xf32, #tpu.memory_space<vmem>>
      %dma_start3A_112 = tpu.memref_squeeze %dma_start3A_111 : memref<1x128x64xf32, #tpu.memory_space<vmem>> -> memref<128x64xf32, #tpu.memory_space<vmem>>
      %dma_start3A_113 = arith.constant 0 : i32
      %dma_start3A_114 = tpu.memref_slice %arg6[%dma_start3A_107, %dma_start3A_113] : memref<8x128xi32, #tpu.memory_space<vmem>> -> memref<1x128xi32, #tpu.memory_space<vmem>>
      %dma_start3A_115 = tpu.memref_squeeze %dma_start3A_114 : memref<1x128xi32, #tpu.memory_space<vmem>> -> memref<128xi32, #tpu.memory_space<vmem>>
      %dma_start3A_116 = arith.constant 0 : i32
      %dma_start3A_117 = arith.constant 0 : i32
      %dma_start3A_118 = tpu.memref_slice %arg2[%dma_start3A_116, %dma_start3A_117] : memref<10000x64xf32, #tpu.memory_space<hbm>> -> memref<10000x64xf32, #tpu.memory_space<hbm>>
      tpu.enqueue_indirect_dma source(%dma_start3A_118 : memref<10000x64xf32, #tpu.memory_space<hbm>>) target(%dma_start3A_112 : memref<128x64xf32, #tpu.memory_space<vmem>>) offsets(%dma_start3A_115 : memref<128xi32, #tpu.memory_space<vmem>>) semaphore(%arg11 : memref<!tpu.dma_semaphore, #tpu.memory_space<semaphore_mem>>)
      %dma_wait3A = arith.constant 0 : i32
      %dma_wait3A_119 = arith.constant 0 : i32
      %dma_wait3A_120 = arith.constant 0 : i32
      %dma_wait3A_121 = arith.constant 0 : i32
      %dma_wait3A_122 = tpu.memref_slice %arg8[%dma_wait3A_119, %dma_wait3A_120, %dma_wait3A_121] : memref<2x128x64xf32, #tpu.memory_space<vmem>> -> memref<1x128x64xf32, #tpu.memory_space<vmem>>
      %dma_wait3A_123 = tpu.memref_squeeze %dma_wait3A_122 : memref<1x128x64xf32, #tpu.memory_space<vmem>> -> memref<128x64xf32, #tpu.memory_space<vmem>>
      %dma_wait3A_124 = arith.constant 0 : i32
      %dma_wait3A_125 = tpu.memref_slice %arg6[%dma_wait3A, %dma_wait3A_124] : memref<8x128xi32, #tpu.memory_space<vmem>> -> memref<1x128xi32, #tpu.memory_space<vmem>>
      %dma_wait3A_126 = tpu.memref_squeeze %dma_wait3A_125 : memref<1x128xi32, #tpu.memory_space<vmem>> -> memref<128xi32, #tpu.memory_space<vmem>>
      %dma_wait3A_127 = arith.constant 0 : i32
      %dma_wait3A_128 = arith.constant 0 : i32
      %dma_wait3A_129 = tpu.memref_slice %arg2[%dma_wait3A_127, %dma_wait3A_128] : memref<10000x64xf32, #tpu.memory_space<hbm>> -> memref<10000x64xf32, #tpu.memory_space<hbm>>
      tpu.wait_indirect_dma semaphore(%arg10 : memref<!tpu.dma_semaphore, #tpu.memory_space<semaphore_mem>>) src(%dma_wait3A_129 : memref<10000x64xf32, #tpu.memory_space<hbm>>) dst(%dma_wait3A_123 : memref<128x64xf32, #tpu.memory_space<vmem>>)
      %run_scoped3A_130 = arith.constant 0 : i32
      %run_scoped3A_131 = arith.constant 0 : i32
      "tpu.region"() ({
        %run_scoped3A_302 = tpu.sem_alloc : memref<!tpu.dma_semaphore, #tpu.memory_space<semaphore_mem>>
        %dma_start3A_303 = arith.constant 0 : i32
        %dma_start3A_304 = arith.constant 0 : i32
        %dma_start3A_305 = tpu.memref_slice %arg8[%run_scoped3A_130, %dma_start3A_303, %dma_start3A_304] : memref<2x128x64xf32, #tpu.memory_space<vmem>> -> memref<1x128x64xf32, #tpu.memory_space<vmem>>
        %dma_start3A_306 = tpu.memref_squeeze %dma_start3A_305 : memref<1x128x64xf32, #tpu.memory_space<vmem>> -> memref<128x64xf32, #tpu.memory_space<vmem>>
        %dma_start3A_307 = arith.constant 0 : i32
        %dma_start3A_308 = tpu.memref_slice %arg7[%run_scoped3A_131, %dma_start3A_307] : memref<8x128xi32, #tpu.memory_space<vmem>> -> memref<1x128xi32, #tpu.memory_space<vmem>>
        %dma_start3A_309 = tpu.memref_squeeze %dma_start3A_308 : memref<1x128xi32, #tpu.memory_space<vmem>> -> memref<128xi32, #tpu.memory_space<vmem>>
        %dma_start3A_310 = arith.constant 0 : i32
        %dma_start3A_311 = arith.constant 0 : i32
        %dma_start3A_312 = tpu.memref_slice %arg9[%dma_start3A_310, %dma_start3A_311] : memref<10240x64xf32, #tpu.memory_space<vmem_shared>> -> memref<10240x64xf32, #tpu.memory_space<vmem_shared>>
        tpu.enqueue_indirect_dma source(%dma_start3A_306 : memref<128x64xf32, #tpu.memory_space<vmem>>) target(%dma_start3A_312 : memref<10240x64xf32, #tpu.memory_space<vmem_shared>>) offsets(%dma_start3A_309 : memref<128xi32, #tpu.memory_space<vmem>>) semaphore(%run_scoped3A_302 : memref<!tpu.dma_semaphore, #tpu.memory_space<semaphore_mem>>) {add = true}
        %dma_wait3A_313 = arith.constant 0 : i32
        %dma_wait3A_314 = arith.constant 0 : i32
        %dma_wait3A_315 = tpu.memref_slice %arg8[%run_scoped3A_130, %dma_wait3A_313, %dma_wait3A_314] : memref<2x128x64xf32, #tpu.memory_space<vmem>> -> memref<1x128x64xf32, #tpu.memory_space<vmem>>
        %dma_wait3A_316 = tpu.memref_squeeze %dma_wait3A_315 : memref<1x128x64xf32, #tpu.memory_space<vmem>> -> memref<128x64xf32, #tpu.memory_space<vmem>>
        %dma_wait3A_317 = arith.constant 0 : i32
        %dma_wait3A_318 = tpu.memref_slice %arg7[%run_scoped3A_131, %dma_wait3A_317] : memref<8x128xi32, #tpu.memory_space<vmem>> -> memref<1x128xi32, #tpu.memory_space<vmem>>
        %dma_wait3A_319 = tpu.memref_squeeze %dma_wait3A_318 : memref<1x128xi32, #tpu.memory_space<vmem>> -> memref<128xi32, #tpu.memory_space<vmem>>
        %dma_wait3A_320 = arith.constant 0 : i32
        %dma_wait3A_321 = arith.constant 0 : i32
        %dma_wait3A_322 = tpu.memref_slice %arg9[%dma_wait3A_320, %dma_wait3A_321] : memref<10240x64xf32, #tpu.memory_space<vmem_shared>> -> memref<10240x64xf32, #tpu.memory_space<vmem_shared>>
        tpu.wait_indirect_dma semaphore(%run_scoped3A_302 : memref<!tpu.dma_semaphore, #tpu.memory_space<semaphore_mem>>) src(%dma_wait3A_316 : memref<128x64xf32, #tpu.memory_space<vmem>>) dst(%dma_wait3A_322 : memref<10240x64xf32, #tpu.memory_space<vmem_shared>>)
        tpu.yield
      }) : () -> ()
      %dma_start3A_132 = arith.constant 2 : i32
      %dma_start3A_133 = arith.constant 0 : i32
      %dma_start3A_134 = arith.constant 0 : i32
      %dma_start3A_135 = arith.constant 0 : i32
      %dma_start3A_136 = tpu.memref_slice %arg8[%dma_start3A_133, %dma_start3A_134, %dma_start3A_135] : memref<2x128x64xf32, #tpu.memory_space<vmem>> -> memref<1x128x64xf32, #tpu.memory_space<vmem>>
      %dma_start3A_137 = tpu.memref_squeeze %dma_start3A_136 : memref<1x128x64xf32, #tpu.memory_space<vmem>> -> memref<128x64xf32, #tpu.memory_space<vmem>>
      %dma_start3A_138 = arith.constant 0 : i32
      %dma_start3A_139 = tpu.memref_slice %arg6[%dma_start3A_132, %dma_start3A_138] : memref<8x128xi32, #tpu.memory_space<vmem>> -> memref<1x128xi32, #tpu.memory_space<vmem>>
      %dma_start3A_140 = tpu.memref_squeeze %dma_start3A_139 : memref<1x128xi32, #tpu.memory_space<vmem>> -> memref<128xi32, #tpu.memory_space<vmem>>
      %dma_start3A_141 = arith.constant 0 : i32
      %dma_start3A_142 = arith.constant 0 : i32
      %dma_start3A_143 = tpu.memref_slice %arg2[%dma_start3A_141, %dma_start3A_142] : memref<10000x64xf32, #tpu.memory_space<hbm>> -> memref<10000x64xf32, #tpu.memory_space<hbm>>
      tpu.enqueue_indirect_dma source(%dma_start3A_143 : memref<10000x64xf32, #tpu.memory_space<hbm>>) target(%dma_start3A_137 : memref<128x64xf32, #tpu.memory_space<vmem>>) offsets(%dma_start3A_140 : memref<128xi32, #tpu.memory_space<vmem>>) semaphore(%arg10 : memref<!tpu.dma_semaphore, #tpu.memory_space<semaphore_mem>>)
      %dma_wait3A_144 = arith.constant 1 : i32
      %dma_wait3A_145 = arith.constant 1 : i32
      %dma_wait3A_146 = arith.constant 0 : i32
      %dma_wait3A_147 = arith.constant 0 : i32
      %dma_wait3A_148 = tpu.memref_slice %arg8[%dma_wait3A_145, %dma_wait3A_146, %dma_wait3A_147] : memref<2x128x64xf32, #tpu.memory_space<vmem>> -> memref<1x128x64xf32, #tpu.memory_space<vmem>>
      %dma_wait3A_149 = tpu.memref_squeeze %dma_wait3A_148 : memref<1x128x64xf32, #tpu.memory_space<vmem>> -> memref<128x64xf32, #tpu.memory_space<vmem>>
      %dma_wait3A_150 = arith.constant 0 : i32
      %dma_wait3A_151 = tpu.memref_slice %arg6[%dma_wait3A_144, %dma_wait3A_150] : memref<8x128xi32, #tpu.memory_space<vmem>> -> memref<1x128xi32, #tpu.memory_space<vmem>>
      %dma_wait3A_152 = tpu.memref_squeeze %dma_wait3A_151 : memref<1x128xi32, #tpu.memory_space<vmem>> -> memref<128xi32, #tpu.memory_space<vmem>>
      %dma_wait3A_153 = arith.constant 0 : i32
      %dma_wait3A_154 = arith.constant 0 : i32
      %dma_wait3A_155 = tpu.memref_slice %arg2[%dma_wait3A_153, %dma_wait3A_154] : memref<10000x64xf32, #tpu.memory_space<hbm>> -> memref<10000x64xf32, #tpu.memory_space<hbm>>
      tpu.wait_indirect_dma semaphore(%arg11 : memref<!tpu.dma_semaphore, #tpu.memory_space<semaphore_mem>>) src(%dma_wait3A_155 : memref<10000x64xf32, #tpu.memory_space<hbm>>) dst(%dma_wait3A_149 : memref<128x64xf32, #tpu.memory_space<vmem>>)
      %run_scoped3A_156 = arith.constant 1 : i32
      %run_scoped3A_157 = arith.constant 1 : i32
      "tpu.region"() ({
        %run_scoped3A_302 = tpu.sem_alloc : memref<!tpu.dma_semaphore, #tpu.memory_space<semaphore_mem>>
        %dma_start3A_303 = arith.constant 0 : i32
        %dma_start3A_304 = arith.constant 0 : i32
        %dma_start3A_305 = tpu.memref_slice %arg8[%run_scoped3A_156, %dma_start3A_303, %dma_start3A_304] : memref<2x128x64xf32, #tpu.memory_space<vmem>> -> memref<1x128x64xf32, #tpu.memory_space<vmem>>
        %dma_start3A_306 = tpu.memref_squeeze %dma_start3A_305 : memref<1x128x64xf32, #tpu.memory_space<vmem>> -> memref<128x64xf32, #tpu.memory_space<vmem>>
        %dma_start3A_307 = arith.constant 0 : i32
        %dma_start3A_308 = tpu.memref_slice %arg7[%run_scoped3A_157, %dma_start3A_307] : memref<8x128xi32, #tpu.memory_space<vmem>> -> memref<1x128xi32, #tpu.memory_space<vmem>>
        %dma_start3A_309 = tpu.memref_squeeze %dma_start3A_308 : memref<1x128xi32, #tpu.memory_space<vmem>> -> memref<128xi32, #tpu.memory_space<vmem>>
        %dma_start3A_310 = arith.constant 0 : i32
        %dma_start3A_311 = arith.constant 0 : i32
        %dma_start3A_312 = tpu.memref_slice %arg9[%dma_start3A_310, %dma_start3A_311] : memref<10240x64xf32, #tpu.memory_space<vmem_shared>> -> memref<10240x64xf32, #tpu.memory_space<vmem_shared>>
        tpu.enqueue_indirect_dma source(%dma_start3A_306 : memref<128x64xf32, #tpu.memory_space<vmem>>) target(%dma_start3A_312 : memref<10240x64xf32, #tpu.memory_space<vmem_shared>>) offsets(%dma_start3A_309 : memref<128xi32, #tpu.memory_space<vmem>>) semaphore(%run_scoped3A_302 : memref<!tpu.dma_semaphore, #tpu.memory_space<semaphore_mem>>) {add = true}
        %dma_wait3A_313 = arith.constant 0 : i32
        %dma_wait3A_314 = arith.constant 0 : i32
        %dma_wait3A_315 = tpu.memref_slice %arg8[%run_scoped3A_156, %dma_wait3A_313, %dma_wait3A_314] : memref<2x128x64xf32, #tpu.memory_space<vmem>> -> memref<1x128x64xf32, #tpu.memory_space<vmem>>
        %dma_wait3A_316 = tpu.memref_squeeze %dma_wait3A_315 : memref<1x128x64xf32, #tpu.memory_space<vmem>> -> memref<128x64xf32, #tpu.memory_space<vmem>>
        %dma_wait3A_317 = arith.constant 0 : i32
        %dma_wait3A_318 = tpu.memref_slice %arg7[%run_scoped3A_157, %dma_wait3A_317] : memref<8x128xi32, #tpu.memory_space<vmem>> -> memref<1x128xi32, #tpu.memory_space<vmem>>
        %dma_wait3A_319 = tpu.memref_squeeze %dma_wait3A_318 : memref<1x128xi32, #tpu.memory_space<vmem>> -> memref<128xi32, #tpu.memory_space<vmem>>
        %dma_wait3A_320 = arith.constant 0 : i32
        %dma_wait3A_321 = arith.constant 0 : i32
        %dma_wait3A_322 = tpu.memref_slice %arg9[%dma_wait3A_320, %dma_wait3A_321] : memref<10240x64xf32, #tpu.memory_space<vmem_shared>> -> memref<10240x64xf32, #tpu.memory_space<vmem_shared>>
        tpu.wait_indirect_dma semaphore(%run_scoped3A_302 : memref<!tpu.dma_semaphore, #tpu.memory_space<semaphore_mem>>) src(%dma_wait3A_316 : memref<128x64xf32, #tpu.memory_space<vmem>>) dst(%dma_wait3A_322 : memref<10240x64xf32, #tpu.memory_space<vmem_shared>>)
        tpu.yield
      }) : () -> ()
      %dma_start3A_158 = arith.constant 3 : i32
      %dma_start3A_159 = arith.constant 1 : i32
      %dma_start3A_160 = arith.constant 0 : i32
      %dma_start3A_161 = arith.constant 0 : i32
      %dma_start3A_162 = tpu.memref_slice %arg8[%dma_start3A_159, %dma_start3A_160, %dma_start3A_161] : memref<2x128x64xf32, #tpu.memory_space<vmem>> -> memref<1x128x64xf32, #tpu.memory_space<vmem>>
      %dma_start3A_163 = tpu.memref_squeeze %dma_start3A_162 : memref<1x128x64xf32, #tpu.memory_space<vmem>> -> memref<128x64xf32, #tpu.memory_space<vmem>>
      %dma_start3A_164 = arith.constant 0 : i32
      %dma_start3A_165 = tpu.memref_slice %arg6[%dma_start3A_158, %dma_start3A_164] : memref<8x128xi32, #tpu.memory_space<vmem>> -> memref<1x128xi32, #tpu.memory_space<vmem>>
      %dma_start3A_166 = tpu.memref_squeeze %dma_start3A_165 : memref<1x128xi32, #tpu.memory_space<vmem>> -> memref<128xi32, #tpu.memory_space<vmem>>
      %dma_start3A_167 = arith.constant 0 : i32
      %dma_start3A_168 = arith.constant 0 : i32
      %dma_start3A_169 = tpu.memref_slice %arg2[%dma_start3A_167, %dma_start3A_168] : memref<10000x64xf32, #tpu.memory_space<hbm>> -> memref<10000x64xf32, #tpu.memory_space<hbm>>
      tpu.enqueue_indirect_dma source(%dma_start3A_169 : memref<10000x64xf32, #tpu.memory_space<hbm>>) target(%dma_start3A_163 : memref<128x64xf32, #tpu.memory_space<vmem>>) offsets(%dma_start3A_166 : memref<128xi32, #tpu.memory_space<vmem>>) semaphore(%arg11 : memref<!tpu.dma_semaphore, #tpu.memory_space<semaphore_mem>>)
      %dma_wait3A_170 = arith.constant 2 : i32
      %dma_wait3A_171 = arith.constant 0 : i32
      %dma_wait3A_172 = arith.constant 0 : i32
      %dma_wait3A_173 = arith.constant 0 : i32
      %dma_wait3A_174 = tpu.memref_slice %arg8[%dma_wait3A_171, %dma_wait3A_172, %dma_wait3A_173] : memref<2x128x64xf32, #tpu.memory_space<vmem>> -> memref<1x128x64xf32, #tpu.memory_space<vmem>>
      %dma_wait3A_175 = tpu.memref_squeeze %dma_wait3A_174 : memref<1x128x64xf32, #tpu.memory_space<vmem>> -> memref<128x64xf32, #tpu.memory_space<vmem>>
      %dma_wait3A_176 = arith.constant 0 : i32
      %dma_wait3A_177 = tpu.memref_slice %arg6[%dma_wait3A_170, %dma_wait3A_176] : memref<8x128xi32, #tpu.memory_space<vmem>> -> memref<1x128xi32, #tpu.memory_space<vmem>>
      %dma_wait3A_178 = tpu.memref_squeeze %dma_wait3A_177 : memref<1x128xi32, #tpu.memory_space<vmem>> -> memref<128xi32, #tpu.memory_space<vmem>>
      %dma_wait3A_179 = arith.constant 0 : i32
      %dma_wait3A_180 = arith.constant 0 : i32
      %dma_wait3A_181 = tpu.memref_slice %arg2[%dma_wait3A_179, %dma_wait3A_180] : memref<10000x64xf32, #tpu.memory_space<hbm>> -> memref<10000x64xf32, #tpu.memory_space<hbm>>
      tpu.wait_indirect_dma semaphore(%arg10 : memref<!tpu.dma_semaphore, #tpu.memory_space<semaphore_mem>>) src(%dma_wait3A_181 : memref<10000x64xf32, #tpu.memory_space<hbm>>) dst(%dma_wait3A_175 : memref<128x64xf32, #tpu.memory_space<vmem>>)
      %run_scoped3A_182 = arith.constant 0 : i32
      %run_scoped3A_183 = arith.constant 2 : i32
      "tpu.region"() ({
        %run_scoped3A_302 = tpu.sem_alloc : memref<!tpu.dma_semaphore, #tpu.memory_space<semaphore_mem>>
        %dma_start3A_303 = arith.constant 0 : i32
        %dma_start3A_304 = arith.constant 0 : i32
        %dma_start3A_305 = tpu.memref_slice %arg8[%run_scoped3A_182, %dma_start3A_303, %dma_start3A_304] : memref<2x128x64xf32, #tpu.memory_space<vmem>> -> memref<1x128x64xf32, #tpu.memory_space<vmem>>
        %dma_start3A_306 = tpu.memref_squeeze %dma_start3A_305 : memref<1x128x64xf32, #tpu.memory_space<vmem>> -> memref<128x64xf32, #tpu.memory_space<vmem>>
        %dma_start3A_307 = arith.constant 0 : i32
        %dma_start3A_308 = tpu.memref_slice %arg7[%run_scoped3A_183, %dma_start3A_307] : memref<8x128xi32, #tpu.memory_space<vmem>> -> memref<1x128xi32, #tpu.memory_space<vmem>>
        %dma_start3A_309 = tpu.memref_squeeze %dma_start3A_308 : memref<1x128xi32, #tpu.memory_space<vmem>> -> memref<128xi32, #tpu.memory_space<vmem>>
        %dma_start3A_310 = arith.constant 0 : i32
        %dma_start3A_311 = arith.constant 0 : i32
        %dma_start3A_312 = tpu.memref_slice %arg9[%dma_start3A_310, %dma_start3A_311] : memref<10240x64xf32, #tpu.memory_space<vmem_shared>> -> memref<10240x64xf32, #tpu.memory_space<vmem_shared>>
        tpu.enqueue_indirect_dma source(%dma_start3A_306 : memref<128x64xf32, #tpu.memory_space<vmem>>) target(%dma_start3A_312 : memref<10240x64xf32, #tpu.memory_space<vmem_shared>>) offsets(%dma_start3A_309 : memref<128xi32, #tpu.memory_space<vmem>>) semaphore(%run_scoped3A_302 : memref<!tpu.dma_semaphore, #tpu.memory_space<semaphore_mem>>) {add = true}
        %dma_wait3A_313 = arith.constant 0 : i32
        %dma_wait3A_314 = arith.constant 0 : i32
        %dma_wait3A_315 = tpu.memref_slice %arg8[%run_scoped3A_182, %dma_wait3A_313, %dma_wait3A_314] : memref<2x128x64xf32, #tpu.memory_space<vmem>> -> memref<1x128x64xf32, #tpu.memory_space<vmem>>
        %dma_wait3A_316 = tpu.memref_squeeze %dma_wait3A_315 : memref<1x128x64xf32, #tpu.memory_space<vmem>> -> memref<128x64xf32, #tpu.memory_space<vmem>>
        %dma_wait3A_317 = arith.constant 0 : i32
        %dma_wait3A_318 = tpu.memref_slice %arg7[%run_scoped3A_183, %dma_wait3A_317] : memref<8x128xi32, #tpu.memory_space<vmem>> -> memref<1x128xi32, #tpu.memory_space<vmem>>
        %dma_wait3A_319 = tpu.memref_squeeze %dma_wait3A_318 : memref<1x128xi32, #tpu.memory_space<vmem>> -> memref<128xi32, #tpu.memory_space<vmem>>
        %dma_wait3A_320 = arith.constant 0 : i32
        %dma_wait3A_321 = arith.constant 0 : i32
        %dma_wait3A_322 = tpu.memref_slice %arg9[%dma_wait3A_320, %dma_wait3A_321] : memref<10240x64xf32, #tpu.memory_space<vmem_shared>> -> memref<10240x64xf32, #tpu.memory_space<vmem_shared>>
        tpu.wait_indirect_dma semaphore(%run_scoped3A_302 : memref<!tpu.dma_semaphore, #tpu.memory_space<semaphore_mem>>) src(%dma_wait3A_316 : memref<128x64xf32, #tpu.memory_space<vmem>>) dst(%dma_wait3A_322 : memref<10240x64xf32, #tpu.memory_space<vmem_shared>>)
        tpu.yield
      }) : () -> ()
      %dma_start3A_184 = arith.constant 4 : i32
      %dma_start3A_185 = arith.constant 0 : i32
      %dma_start3A_186 = arith.constant 0 : i32
      %dma_start3A_187 = arith.constant 0 : i32
      %dma_start3A_188 = tpu.memref_slice %arg8[%dma_start3A_185, %dma_start3A_186, %dma_start3A_187] : memref<2x128x64xf32, #tpu.memory_space<vmem>> -> memref<1x128x64xf32, #tpu.memory_space<vmem>>
      %dma_start3A_189 = tpu.memref_squeeze %dma_start3A_188 : memref<1x128x64xf32, #tpu.memory_space<vmem>> -> memref<128x64xf32, #tpu.memory_space<vmem>>
      %dma_start3A_190 = arith.constant 0 : i32
      %dma_start3A_191 = tpu.memref_slice %arg6[%dma_start3A_184, %dma_start3A_190] : memref<8x128xi32, #tpu.memory_space<vmem>> -> memref<1x128xi32, #tpu.memory_space<vmem>>
      %dma_start3A_192 = tpu.memref_squeeze %dma_start3A_191 : memref<1x128xi32, #tpu.memory_space<vmem>> -> memref<128xi32, #tpu.memory_space<vmem>>
      %dma_start3A_193 = arith.constant 0 : i32
      %dma_start3A_194 = arith.constant 0 : i32
      %dma_start3A_195 = tpu.memref_slice %arg2[%dma_start3A_193, %dma_start3A_194] : memref<10000x64xf32, #tpu.memory_space<hbm>> -> memref<10000x64xf32, #tpu.memory_space<hbm>>
      tpu.enqueue_indirect_dma source(%dma_start3A_195 : memref<10000x64xf32, #tpu.memory_space<hbm>>) target(%dma_start3A_189 : memref<128x64xf32, #tpu.memory_space<vmem>>) offsets(%dma_start3A_192 : memref<128xi32, #tpu.memory_space<vmem>>) semaphore(%arg10 : memref<!tpu.dma_semaphore, #tpu.memory_space<semaphore_mem>>)
      %dma_wait3A_196 = arith.constant 3 : i32
      %dma_wait3A_197 = arith.constant 1 : i32
      %dma_wait3A_198 = arith.constant 0 : i32
      %dma_wait3A_199 = arith.constant 0 : i32
      %dma_wait3A_200 = tpu.memref_slice %arg8[%dma_wait3A_197, %dma_wait3A_198, %dma_wait3A_199] : memref<2x128x64xf32, #tpu.memory_space<vmem>> -> memref<1x128x64xf32, #tpu.memory_space<vmem>>
      %dma_wait3A_201 = tpu.memref_squeeze %dma_wait3A_200 : memref<1x128x64xf32, #tpu.memory_space<vmem>> -> memref<128x64xf32, #tpu.memory_space<vmem>>
      %dma_wait3A_202 = arith.constant 0 : i32
      %dma_wait3A_203 = tpu.memref_slice %arg6[%dma_wait3A_196, %dma_wait3A_202] : memref<8x128xi32, #tpu.memory_space<vmem>> -> memref<1x128xi32, #tpu.memory_space<vmem>>
      %dma_wait3A_204 = tpu.memref_squeeze %dma_wait3A_203 : memref<1x128xi32, #tpu.memory_space<vmem>> -> memref<128xi32, #tpu.memory_space<vmem>>
      %dma_wait3A_205 = arith.constant 0 : i32
      %dma_wait3A_206 = arith.constant 0 : i32
      %dma_wait3A_207 = tpu.memref_slice %arg2[%dma_wait3A_205, %dma_wait3A_206] : memref<10000x64xf32, #tpu.memory_space<hbm>> -> memref<10000x64xf32, #tpu.memory_space<hbm>>
      tpu.wait_indirect_dma semaphore(%arg11 : memref<!tpu.dma_semaphore, #tpu.memory_space<semaphore_mem>>) src(%dma_wait3A_207 : memref<10000x64xf32, #tpu.memory_space<hbm>>) dst(%dma_wait3A_201 : memref<128x64xf32, #tpu.memory_space<vmem>>)
      %run_scoped3A_208 = arith.constant 1 : i32
      %run_scoped3A_209 = arith.constant 3 : i32
      "tpu.region"() ({
        %run_scoped3A_302 = tpu.sem_alloc : memref<!tpu.dma_semaphore, #tpu.memory_space<semaphore_mem>>
        %dma_start3A_303 = arith.constant 0 : i32
        %dma_start3A_304 = arith.constant 0 : i32
        %dma_start3A_305 = tpu.memref_slice %arg8[%run_scoped3A_208, %dma_start3A_303, %dma_start3A_304] : memref<2x128x64xf32, #tpu.memory_space<vmem>> -> memref<1x128x64xf32, #tpu.memory_space<vmem>>
        %dma_start3A_306 = tpu.memref_squeeze %dma_start3A_305 : memref<1x128x64xf32, #tpu.memory_space<vmem>> -> memref<128x64xf32, #tpu.memory_space<vmem>>
        %dma_start3A_307 = arith.constant 0 : i32
        %dma_start3A_308 = tpu.memref_slice %arg7[%run_scoped3A_209, %dma_start3A_307] : memref<8x128xi32, #tpu.memory_space<vmem>> -> memref<1x128xi32, #tpu.memory_space<vmem>>
        %dma_start3A_309 = tpu.memref_squeeze %dma_start3A_308 : memref<1x128xi32, #tpu.memory_space<vmem>> -> memref<128xi32, #tpu.memory_space<vmem>>
        %dma_start3A_310 = arith.constant 0 : i32
        %dma_start3A_311 = arith.constant 0 : i32
        %dma_start3A_312 = tpu.memref_slice %arg9[%dma_start3A_310, %dma_start3A_311] : memref<10240x64xf32, #tpu.memory_space<vmem_shared>> -> memref<10240x64xf32, #tpu.memory_space<vmem_shared>>
        tpu.enqueue_indirect_dma source(%dma_start3A_306 : memref<128x64xf32, #tpu.memory_space<vmem>>) target(%dma_start3A_312 : memref<10240x64xf32, #tpu.memory_space<vmem_shared>>) offsets(%dma_start3A_309 : memref<128xi32, #tpu.memory_space<vmem>>) semaphore(%run_scoped3A_302 : memref<!tpu.dma_semaphore, #tpu.memory_space<semaphore_mem>>) {add = true}
        %dma_wait3A_313 = arith.constant 0 : i32
        %dma_wait3A_314 = arith.constant 0 : i32
        %dma_wait3A_315 = tpu.memref_slice %arg8[%run_scoped3A_208, %dma_wait3A_313, %dma_wait3A_314] : memref<2x128x64xf32, #tpu.memory_space<vmem>> -> memref<1x128x64xf32, #tpu.memory_space<vmem>>
        %dma_wait3A_316 = tpu.memref_squeeze %dma_wait3A_315 : memref<1x128x64xf32, #tpu.memory_space<vmem>> -> memref<128x64xf32, #tpu.memory_space<vmem>>
        %dma_wait3A_317 = arith.constant 0 : i32
        %dma_wait3A_318 = tpu.memref_slice %arg7[%run_scoped3A_209, %dma_wait3A_317] : memref<8x128xi32, #tpu.memory_space<vmem>> -> memref<1x128xi32, #tpu.memory_space<vmem>>
        %dma_wait3A_319 = tpu.memref_squeeze %dma_wait3A_318 : memref<1x128xi32, #tpu.memory_space<vmem>> -> memref<128xi32, #tpu.memory_space<vmem>>
        %dma_wait3A_320 = arith.constant 0 : i32
        %dma_wait3A_321 = arith.constant 0 : i32
        %dma_wait3A_322 = tpu.memref_slice %arg9[%dma_wait3A_320, %dma_wait3A_321] : memref<10240x64xf32, #tpu.memory_space<vmem_shared>> -> memref<10240x64xf32, #tpu.memory_space<vmem_shared>>
        tpu.wait_indirect_dma semaphore(%run_scoped3A_302 : memref<!tpu.dma_semaphore, #tpu.memory_space<semaphore_mem>>) src(%dma_wait3A_316 : memref<128x64xf32, #tpu.memory_space<vmem>>) dst(%dma_wait3A_322 : memref<10240x64xf32, #tpu.memory_space<vmem_shared>>)
        tpu.yield
      }) : () -> ()
      %dma_start3A_210 = arith.constant 5 : i32
      %dma_start3A_211 = arith.constant 1 : i32
      %dma_start3A_212 = arith.constant 0 : i32
      %dma_start3A_213 = arith.constant 0 : i32
      %dma_start3A_214 = tpu.memref_slice %arg8[%dma_start3A_211, %dma_start3A_212, %dma_start3A_213] : memref<2x128x64xf32, #tpu.memory_space<vmem>> -> memref<1x128x64xf32, #tpu.memory_space<vmem>>
      %dma_start3A_215 = tpu.memref_squeeze %dma_start3A_214 : memref<1x128x64xf32, #tpu.memory_space<vmem>> -> memref<128x64xf32, #tpu.memory_space<vmem>>
      %dma_start3A_216 = arith.constant 0 : i32
      %dma_start3A_217 = tpu.memref_slice %arg6[%dma_start3A_210, %dma_start3A_216] : memref<8x128xi32, #tpu.memory_space<vmem>> -> memref<1x128xi32, #tpu.memory_space<vmem>>
      %dma_start3A_218 = tpu.memref_squeeze %dma_start3A_217 : memref<1x128xi32, #tpu.memory_space<vmem>> -> memref<128xi32, #tpu.memory_space<vmem>>
      %dma_start3A_219 = arith.constant 0 : i32
      %dma_start3A_220 = arith.constant 0 : i32
      %dma_start3A_221 = tpu.memref_slice %arg2[%dma_start3A_219, %dma_start3A_220] : memref<10000x64xf32, #tpu.memory_space<hbm>> -> memref<10000x64xf32, #tpu.memory_space<hbm>>
      tpu.enqueue_indirect_dma source(%dma_start3A_221 : memref<10000x64xf32, #tpu.memory_space<hbm>>) target(%dma_start3A_215 : memref<128x64xf32, #tpu.memory_space<vmem>>) offsets(%dma_start3A_218 : memref<128xi32, #tpu.memory_space<vmem>>) semaphore(%arg11 : memref<!tpu.dma_semaphore, #tpu.memory_space<semaphore_mem>>)
      %dma_wait3A_222 = arith.constant 4 : i32
      %dma_wait3A_223 = arith.constant 0 : i32
      %dma_wait3A_224 = arith.constant 0 : i32
      %dma_wait3A_225 = arith.constant 0 : i32
      %dma_wait3A_226 = tpu.memref_slice %arg8[%dma_wait3A_223, %dma_wait3A_224, %dma_wait3A_225] : memref<2x128x64xf32, #tpu.memory_space<vmem>> -> memref<1x128x64xf32, #tpu.memory_space<vmem>>
      %dma_wait3A_227 = tpu.memref_squeeze %dma_wait3A_226 : memref<1x128x64xf32, #tpu.memory_space<vmem>> -> memref<128x64xf32, #tpu.memory_space<vmem>>
      %dma_wait3A_228 = arith.constant 0 : i32
      %dma_wait3A_229 = tpu.memref_slice %arg6[%dma_wait3A_222, %dma_wait3A_228] : memref<8x128xi32, #tpu.memory_space<vmem>> -> memref<1x128xi32, #tpu.memory_space<vmem>>
      %dma_wait3A_230 = tpu.memref_squeeze %dma_wait3A_229 : memref<1x128xi32, #tpu.memory_space<vmem>> -> memref<128xi32, #tpu.memory_space<vmem>>
      %dma_wait3A_231 = arith.constant 0 : i32
      %dma_wait3A_232 = arith.constant 0 : i32
      %dma_wait3A_233 = tpu.memref_slice %arg2[%dma_wait3A_231, %dma_wait3A_232] : memref<10000x64xf32, #tpu.memory_space<hbm>> -> memref<10000x64xf32, #tpu.memory_space<hbm>>
      tpu.wait_indirect_dma semaphore(%arg10 : memref<!tpu.dma_semaphore, #tpu.memory_space<semaphore_mem>>) src(%dma_wait3A_233 : memref<10000x64xf32, #tpu.memory_space<hbm>>) dst(%dma_wait3A_227 : memref<128x64xf32, #tpu.memory_space<vmem>>)
      %run_scoped3A_234 = arith.constant 0 : i32
      %run_scoped3A_235 = arith.constant 4 : i32
      "tpu.region"() ({
        %run_scoped3A_302 = tpu.sem_alloc : memref<!tpu.dma_semaphore, #tpu.memory_space<semaphore_mem>>
        %dma_start3A_303 = arith.constant 0 : i32
        %dma_start3A_304 = arith.constant 0 : i32
        %dma_start3A_305 = tpu.memref_slice %arg8[%run_scoped3A_234, %dma_start3A_303, %dma_start3A_304] : memref<2x128x64xf32, #tpu.memory_space<vmem>> -> memref<1x128x64xf32, #tpu.memory_space<vmem>>
        %dma_start3A_306 = tpu.memref_squeeze %dma_start3A_305 : memref<1x128x64xf32, #tpu.memory_space<vmem>> -> memref<128x64xf32, #tpu.memory_space<vmem>>
        %dma_start3A_307 = arith.constant 0 : i32
        %dma_start3A_308 = tpu.memref_slice %arg7[%run_scoped3A_235, %dma_start3A_307] : memref<8x128xi32, #tpu.memory_space<vmem>> -> memref<1x128xi32, #tpu.memory_space<vmem>>
        %dma_start3A_309 = tpu.memref_squeeze %dma_start3A_308 : memref<1x128xi32, #tpu.memory_space<vmem>> -> memref<128xi32, #tpu.memory_space<vmem>>
        %dma_start3A_310 = arith.constant 0 : i32
        %dma_start3A_311 = arith.constant 0 : i32
        %dma_start3A_312 = tpu.memref_slice %arg9[%dma_start3A_310, %dma_start3A_311] : memref<10240x64xf32, #tpu.memory_space<vmem_shared>> -> memref<10240x64xf32, #tpu.memory_space<vmem_shared>>
        tpu.enqueue_indirect_dma source(%dma_start3A_306 : memref<128x64xf32, #tpu.memory_space<vmem>>) target(%dma_start3A_312 : memref<10240x64xf32, #tpu.memory_space<vmem_shared>>) offsets(%dma_start3A_309 : memref<128xi32, #tpu.memory_space<vmem>>) semaphore(%run_scoped3A_302 : memref<!tpu.dma_semaphore, #tpu.memory_space<semaphore_mem>>) {add = true}
        %dma_wait3A_313 = arith.constant 0 : i32
        %dma_wait3A_314 = arith.constant 0 : i32
        %dma_wait3A_315 = tpu.memref_slice %arg8[%run_scoped3A_234, %dma_wait3A_313, %dma_wait3A_314] : memref<2x128x64xf32, #tpu.memory_space<vmem>> -> memref<1x128x64xf32, #tpu.memory_space<vmem>>
        %dma_wait3A_316 = tpu.memref_squeeze %dma_wait3A_315 : memref<1x128x64xf32, #tpu.memory_space<vmem>> -> memref<128x64xf32, #tpu.memory_space<vmem>>
        %dma_wait3A_317 = arith.constant 0 : i32
        %dma_wait3A_318 = tpu.memref_slice %arg7[%run_scoped3A_235, %dma_wait3A_317] : memref<8x128xi32, #tpu.memory_space<vmem>> -> memref<1x128xi32, #tpu.memory_space<vmem>>
        %dma_wait3A_319 = tpu.memref_squeeze %dma_wait3A_318 : memref<1x128xi32, #tpu.memory_space<vmem>> -> memref<128xi32, #tpu.memory_space<vmem>>
        %dma_wait3A_320 = arith.constant 0 : i32
        %dma_wait3A_321 = arith.constant 0 : i32
        %dma_wait3A_322 = tpu.memref_slice %arg9[%dma_wait3A_320, %dma_wait3A_321] : memref<10240x64xf32, #tpu.memory_space<vmem_shared>> -> memref<10240x64xf32, #tpu.memory_space<vmem_shared>>
        tpu.wait_indirect_dma semaphore(%run_scoped3A_302 : memref<!tpu.dma_semaphore, #tpu.memory_space<semaphore_mem>>) src(%dma_wait3A_316 : memref<128x64xf32, #tpu.memory_space<vmem>>) dst(%dma_wait3A_322 : memref<10240x64xf32, #tpu.memory_space<vmem_shared>>)
        tpu.yield
      }) : () -> ()
      %dma_start3A_236 = arith.constant 6 : i32
      %dma_start3A_237 = arith.constant 0 : i32
      %dma_start3A_238 = arith.constant 0 : i32
      %dma_start3A_239 = arith.constant 0 : i32
      %dma_start3A_240 = tpu.memref_slice %arg8[%dma_start3A_237, %dma_start3A_238, %dma_start3A_239] : memref<2x128x64xf32, #tpu.memory_space<vmem>> -> memref<1x128x64xf32, #tpu.memory_space<vmem>>
      %dma_start3A_241 = tpu.memref_squeeze %dma_start3A_240 : memref<1x128x64xf32, #tpu.memory_space<vmem>> -> memref<128x64xf32, #tpu.memory_space<vmem>>
      %dma_start3A_242 = arith.constant 0 : i32
      %dma_start3A_243 = tpu.memref_slice %arg6[%dma_start3A_236, %dma_start3A_242] : memref<8x128xi32, #tpu.memory_space<vmem>> -> memref<1x128xi32, #tpu.memory_space<vmem>>
      %dma_start3A_244 = tpu.memref_squeeze %dma_start3A_243 : memref<1x128xi32, #tpu.memory_space<vmem>> -> memref<128xi32, #tpu.memory_space<vmem>>
      %dma_start3A_245 = arith.constant 0 : i32
      %dma_start3A_246 = arith.constant 0 : i32
      %dma_start3A_247 = tpu.memref_slice %arg2[%dma_start3A_245, %dma_start3A_246] : memref<10000x64xf32, #tpu.memory_space<hbm>> -> memref<10000x64xf32, #tpu.memory_space<hbm>>
      tpu.enqueue_indirect_dma source(%dma_start3A_247 : memref<10000x64xf32, #tpu.memory_space<hbm>>) target(%dma_start3A_241 : memref<128x64xf32, #tpu.memory_space<vmem>>) offsets(%dma_start3A_244 : memref<128xi32, #tpu.memory_space<vmem>>) semaphore(%arg10 : memref<!tpu.dma_semaphore, #tpu.memory_space<semaphore_mem>>)
      %dma_wait3A_248 = arith.constant 5 : i32
      %dma_wait3A_249 = arith.constant 1 : i32
      %dma_wait3A_250 = arith.constant 0 : i32
      %dma_wait3A_251 = arith.constant 0 : i32
      %dma_wait3A_252 = tpu.memref_slice %arg8[%dma_wait3A_249, %dma_wait3A_250, %dma_wait3A_251] : memref<2x128x64xf32, #tpu.memory_space<vmem>> -> memref<1x128x64xf32, #tpu.memory_space<vmem>>
      %dma_wait3A_253 = tpu.memref_squeeze %dma_wait3A_252 : memref<1x128x64xf32, #tpu.memory_space<vmem>> -> memref<128x64xf32, #tpu.memory_space<vmem>>
      %dma_wait3A_254 = arith.constant 0 : i32
      %dma_wait3A_255 = tpu.memref_slice %arg6[%dma_wait3A_248, %dma_wait3A_254] : memref<8x128xi32, #tpu.memory_space<vmem>> -> memref<1x128xi32, #tpu.memory_space<vmem>>
      %dma_wait3A_256 = tpu.memref_squeeze %dma_wait3A_255 : memref<1x128xi32, #tpu.memory_space<vmem>> -> memref<128xi32, #tpu.memory_space<vmem>>
      %dma_wait3A_257 = arith.constant 0 : i32
      %dma_wait3A_258 = arith.constant 0 : i32
      %dma_wait3A_259 = tpu.memref_slice %arg2[%dma_wait3A_257, %dma_wait3A_258] : memref<10000x64xf32, #tpu.memory_space<hbm>> -> memref<10000x64xf32, #tpu.memory_space<hbm>>
      tpu.wait_indirect_dma semaphore(%arg11 : memref<!tpu.dma_semaphore, #tpu.memory_space<semaphore_mem>>) src(%dma_wait3A_259 : memref<10000x64xf32, #tpu.memory_space<hbm>>) dst(%dma_wait3A_253 : memref<128x64xf32, #tpu.memory_space<vmem>>)
      %run_scoped3A_260 = arith.constant 1 : i32
      %run_scoped3A_261 = arith.constant 5 : i32
      "tpu.region"() ({
        %run_scoped3A_302 = tpu.sem_alloc : memref<!tpu.dma_semaphore, #tpu.memory_space<semaphore_mem>>
        %dma_start3A_303 = arith.constant 0 : i32
        %dma_start3A_304 = arith.constant 0 : i32
        %dma_start3A_305 = tpu.memref_slice %arg8[%run_scoped3A_260, %dma_start3A_303, %dma_start3A_304] : memref<2x128x64xf32, #tpu.memory_space<vmem>> -> memref<1x128x64xf32, #tpu.memory_space<vmem>>
        %dma_start3A_306 = tpu.memref_squeeze %dma_start3A_305 : memref<1x128x64xf32, #tpu.memory_space<vmem>> -> memref<128x64xf32, #tpu.memory_space<vmem>>
        %dma_start3A_307 = arith.constant 0 : i32
        %dma_start3A_308 = tpu.memref_slice %arg7[%run_scoped3A_261, %dma_start3A_307] : memref<8x128xi32, #tpu.memory_space<vmem>> -> memref<1x128xi32, #tpu.memory_space<vmem>>
        %dma_start3A_309 = tpu.memref_squeeze %dma_start3A_308 : memref<1x128xi32, #tpu.memory_space<vmem>> -> memref<128xi32, #tpu.memory_space<vmem>>
        %dma_start3A_310 = arith.constant 0 : i32
        %dma_start3A_311 = arith.constant 0 : i32
        %dma_start3A_312 = tpu.memref_slice %arg9[%dma_start3A_310, %dma_start3A_311] : memref<10240x64xf32, #tpu.memory_space<vmem_shared>> -> memref<10240x64xf32, #tpu.memory_space<vmem_shared>>
        tpu.enqueue_indirect_dma source(%dma_start3A_306 : memref<128x64xf32, #tpu.memory_space<vmem>>) target(%dma_start3A_312 : memref<10240x64xf32, #tpu.memory_space<vmem_shared>>) offsets(%dma_start3A_309 : memref<128xi32, #tpu.memory_space<vmem>>) semaphore(%run_scoped3A_302 : memref<!tpu.dma_semaphore, #tpu.memory_space<semaphore_mem>>) {add = true}
        %dma_wait3A_313 = arith.constant 0 : i32
        %dma_wait3A_314 = arith.constant 0 : i32
        %dma_wait3A_315 = tpu.memref_slice %arg8[%run_scoped3A_260, %dma_wait3A_313, %dma_wait3A_314] : memref<2x128x64xf32, #tpu.memory_space<vmem>> -> memref<1x128x64xf32, #tpu.memory_space<vmem>>
        %dma_wait3A_316 = tpu.memref_squeeze %dma_wait3A_315 : memref<1x128x64xf32, #tpu.memory_space<vmem>> -> memref<128x64xf32, #tpu.memory_space<vmem>>
        %dma_wait3A_317 = arith.constant 0 : i32
        %dma_wait3A_318 = tpu.memref_slice %arg7[%run_scoped3A_261, %dma_wait3A_317] : memref<8x128xi32, #tpu.memory_space<vmem>> -> memref<1x128xi32, #tpu.memory_space<vmem>>
        %dma_wait3A_319 = tpu.memref_squeeze %dma_wait3A_318 : memref<1x128xi32, #tpu.memory_space<vmem>> -> memref<128xi32, #tpu.memory_space<vmem>>
        %dma_wait3A_320 = arith.constant 0 : i32
        %dma_wait3A_321 = arith.constant 0 : i32
        %dma_wait3A_322 = tpu.memref_slice %arg9[%dma_wait3A_320, %dma_wait3A_321] : memref<10240x64xf32, #tpu.memory_space<vmem_shared>> -> memref<10240x64xf32, #tpu.memory_space<vmem_shared>>
        tpu.wait_indirect_dma semaphore(%run_scoped3A_302 : memref<!tpu.dma_semaphore, #tpu.memory_space<semaphore_mem>>) src(%dma_wait3A_316 : memref<128x64xf32, #tpu.memory_space<vmem>>) dst(%dma_wait3A_322 : memref<10240x64xf32, #tpu.memory_space<vmem_shared>>)
        tpu.yield
      }) : () -> ()
      %dma_start3A_262 = arith.constant 7 : i32
      %dma_start3A_263 = arith.constant 1 : i32
      %dma_start3A_264 = arith.constant 0 : i32
      %dma_start3A_265 = arith.constant 0 : i32
      %dma_start3A_266 = tpu.memref_slice %arg8[%dma_start3A_263, %dma_start3A_264, %dma_start3A_265] : memref<2x128x64xf32, #tpu.memory_space<vmem>> -> memref<1x128x64xf32, #tpu.memory_space<vmem>>
      %dma_start3A_267 = tpu.memref_squeeze %dma_start3A_266 : memref<1x128x64xf32, #tpu.memory_space<vmem>> -> memref<128x64xf32, #tpu.memory_space<vmem>>
      %dma_start3A_268 = arith.constant 0 : i32
      %dma_start3A_269 = tpu.memref_slice %arg6[%dma_start3A_262, %dma_start3A_268] : memref<8x128xi32, #tpu.memory_space<vmem>> -> memref<1x128xi32, #tpu.memory_space<vmem>>
      %dma_start3A_270 = tpu.memref_squeeze %dma_start3A_269 : memref<1x128xi32, #tpu.memory_space<vmem>> -> memref<128xi32, #tpu.memory_space<vmem>>
      %dma_start3A_271 = arith.constant 0 : i32
      %dma_start3A_272 = arith.constant 0 : i32
      %dma_start3A_273 = tpu.memref_slice %arg2[%dma_start3A_271, %dma_start3A_272] : memref<10000x64xf32, #tpu.memory_space<hbm>> -> memref<10000x64xf32, #tpu.memory_space<hbm>>
      tpu.enqueue_indirect_dma source(%dma_start3A_273 : memref<10000x64xf32, #tpu.memory_space<hbm>>) target(%dma_start3A_267 : memref<128x64xf32, #tpu.memory_space<vmem>>) offsets(%dma_start3A_270 : memref<128xi32, #tpu.memory_space<vmem>>) semaphore(%arg11 : memref<!tpu.dma_semaphore, #tpu.memory_space<semaphore_mem>>)
      %dma_wait3A_274 = arith.constant 6 : i32
      %dma_wait3A_275 = arith.constant 0 : i32
      %dma_wait3A_276 = arith.constant 0 : i32
      %dma_wait3A_277 = arith.constant 0 : i32
      %dma_wait3A_278 = tpu.memref_slice %arg8[%dma_wait3A_275, %dma_wait3A_276, %dma_wait3A_277] : memref<2x128x64xf32, #tpu.memory_space<vmem>> -> memref<1x128x64xf32, #tpu.memory_space<vmem>>
      %dma_wait3A_279 = tpu.memref_squeeze %dma_wait3A_278 : memref<1x128x64xf32, #tpu.memory_space<vmem>> -> memref<128x64xf32, #tpu.memory_space<vmem>>
      %dma_wait3A_280 = arith.constant 0 : i32
      %dma_wait3A_281 = tpu.memref_slice %arg6[%dma_wait3A_274, %dma_wait3A_280] : memref<8x128xi32, #tpu.memory_space<vmem>> -> memref<1x128xi32, #tpu.memory_space<vmem>>
      %dma_wait3A_282 = tpu.memref_squeeze %dma_wait3A_281 : memref<1x128xi32, #tpu.memory_space<vmem>> -> memref<128xi32, #tpu.memory_space<vmem>>
      %dma_wait3A_283 = arith.constant 0 : i32
      %dma_wait3A_284 = arith.constant 0 : i32
      %dma_wait3A_285 = tpu.memref_slice %arg2[%dma_wait3A_283, %dma_wait3A_284] : memref<10000x64xf32, #tpu.memory_space<hbm>> -> memref<10000x64xf32, #tpu.memory_space<hbm>>
      tpu.wait_indirect_dma semaphore(%arg10 : memref<!tpu.dma_semaphore, #tpu.memory_space<semaphore_mem>>) src(%dma_wait3A_285 : memref<10000x64xf32, #tpu.memory_space<hbm>>) dst(%dma_wait3A_279 : memref<128x64xf32, #tpu.memory_space<vmem>>)
      %run_scoped3A_286 = arith.constant 0 : i32
      %run_scoped3A_287 = arith.constant 6 : i32
      "tpu.region"() ({
        %run_scoped3A_302 = tpu.sem_alloc : memref<!tpu.dma_semaphore, #tpu.memory_space<semaphore_mem>>
        %dma_start3A_303 = arith.constant 0 : i32
        %dma_start3A_304 = arith.constant 0 : i32
        %dma_start3A_305 = tpu.memref_slice %arg8[%run_scoped3A_286, %dma_start3A_303, %dma_start3A_304] : memref<2x128x64xf32, #tpu.memory_space<vmem>> -> memref<1x128x64xf32, #tpu.memory_space<vmem>>
        %dma_start3A_306 = tpu.memref_squeeze %dma_start3A_305 : memref<1x128x64xf32, #tpu.memory_space<vmem>> -> memref<128x64xf32, #tpu.memory_space<vmem>>
        %dma_start3A_307 = arith.constant 0 : i32
        %dma_start3A_308 = tpu.memref_slice %arg7[%run_scoped3A_287, %dma_start3A_307] : memref<8x128xi32, #tpu.memory_space<vmem>> -> memref<1x128xi32, #tpu.memory_space<vmem>>
        %dma_start3A_309 = tpu.memref_squeeze %dma_start3A_308 : memref<1x128xi32, #tpu.memory_space<vmem>> -> memref<128xi32, #tpu.memory_space<vmem>>
        %dma_start3A_310 = arith.constant 0 : i32
        %dma_start3A_311 = arith.constant 0 : i32
        %dma_start3A_312 = tpu.memref_slice %arg9[%dma_start3A_310, %dma_start3A_311] : memref<10240x64xf32, #tpu.memory_space<vmem_shared>> -> memref<10240x64xf32, #tpu.memory_space<vmem_shared>>
        tpu.enqueue_indirect_dma source(%dma_start3A_306 : memref<128x64xf32, #tpu.memory_space<vmem>>) target(%dma_start3A_312 : memref<10240x64xf32, #tpu.memory_space<vmem_shared>>) offsets(%dma_start3A_309 : memref<128xi32, #tpu.memory_space<vmem>>) semaphore(%run_scoped3A_302 : memref<!tpu.dma_semaphore, #tpu.memory_space<semaphore_mem>>) {add = true}
        %dma_wait3A_313 = arith.constant 0 : i32
        %dma_wait3A_314 = arith.constant 0 : i32
        %dma_wait3A_315 = tpu.memref_slice %arg8[%run_scoped3A_286, %dma_wait3A_313, %dma_wait3A_314] : memref<2x128x64xf32, #tpu.memory_space<vmem>> -> memref<1x128x64xf32, #tpu.memory_space<vmem>>
        %dma_wait3A_316 = tpu.memref_squeeze %dma_wait3A_315 : memref<1x128x64xf32, #tpu.memory_space<vmem>> -> memref<128x64xf32, #tpu.memory_space<vmem>>
        %dma_wait3A_317 = arith.constant 0 : i32
        %dma_wait3A_318 = tpu.memref_slice %arg7[%run_scoped3A_287, %dma_wait3A_317] : memref<8x128xi32, #tpu.memory_space<vmem>> -> memref<1x128xi32, #tpu.memory_space<vmem>>
        %dma_wait3A_319 = tpu.memref_squeeze %dma_wait3A_318 : memref<1x128xi32, #tpu.memory_space<vmem>> -> memref<128xi32, #tpu.memory_space<vmem>>
        %dma_wait3A_320 = arith.constant 0 : i32
        %dma_wait3A_321 = arith.constant 0 : i32
        %dma_wait3A_322 = tpu.memref_slice %arg9[%dma_wait3A_320, %dma_wait3A_321] : memref<10240x64xf32, #tpu.memory_space<vmem_shared>> -> memref<10240x64xf32, #tpu.memory_space<vmem_shared>>
        tpu.wait_indirect_dma semaphore(%run_scoped3A_302 : memref<!tpu.dma_semaphore, #tpu.memory_space<semaphore_mem>>) src(%dma_wait3A_316 : memref<128x64xf32, #tpu.memory_space<vmem>>) dst(%dma_wait3A_322 : memref<10240x64xf32, #tpu.memory_space<vmem_shared>>)
        tpu.yield
      }) : () -> ()
      %dma_wait3A_288 = arith.constant 7 : i32
      %dma_wait3A_289 = arith.constant 1 : i32
      %dma_wait3A_290 = arith.constant 0 : i32
      %dma_wait3A_291 = arith.constant 0 : i32
      %dma_wait3A_292 = tpu.memref_slice %arg8[%dma_wait3A_289, %dma_wait3A_290, %dma_wait3A_291] : memref<2x128x64xf32, #tpu.memory_space<vmem>> -> memref<1x128x64xf32, #tpu.memory_space<vmem>>
      %dma_wait3A_293 = tpu.memref_squeeze %dma_wait3A_292 : memref<1x128x64xf32, #tpu.memory_space<vmem>> -> memref<128x64xf32, #tpu.memory_space<vmem>>
      %dma_wait3A_294 = arith.constant 0 : i32
      %dma_wait3A_295 = tpu.memref_slice %arg6[%dma_wait3A_288, %dma_wait3A_294] : memref<8x128xi32, #tpu.memory_space<vmem>> -> memref<1x128xi32, #tpu.memory_space<vmem>>
      %dma_wait3A_296 = tpu.memref_squeeze %dma_wait3A_295 : memref<1x128xi32, #tpu.memory_space<vmem>> -> memref<128xi32, #tpu.memory_space<vmem>>
      %dma_wait3A_297 = arith.constant 0 : i32
      %dma_wait3A_298 = arith.constant 0 : i32
      %dma_wait3A_299 = tpu.memref_slice %arg2[%dma_wait3A_297, %dma_wait3A_298] : memref<10000x64xf32, #tpu.memory_space<hbm>> -> memref<10000x64xf32, #tpu.memory_space<hbm>>
      tpu.wait_indirect_dma semaphore(%arg11 : memref<!tpu.dma_semaphore, #tpu.memory_space<semaphore_mem>>) src(%dma_wait3A_299 : memref<10000x64xf32, #tpu.memory_space<hbm>>) dst(%dma_wait3A_293 : memref<128x64xf32, #tpu.memory_space<vmem>>)
      %run_scoped3A_300 = arith.constant 1 : i32
      %run_scoped3A_301 = arith.constant 7 : i32
      "tpu.region"() ({
        %run_scoped3A_302 = tpu.sem_alloc : memref<!tpu.dma_semaphore, #tpu.memory_space<semaphore_mem>>
        %dma_start3A_303 = arith.constant 0 : i32
        %dma_start3A_304 = arith.constant 0 : i32
        %dma_start3A_305 = tpu.memref_slice %arg8[%run_scoped3A_300, %dma_start3A_303, %dma_start3A_304] : memref<2x128x64xf32, #tpu.memory_space<vmem>> -> memref<1x128x64xf32, #tpu.memory_space<vmem>>
        %dma_start3A_306 = tpu.memref_squeeze %dma_start3A_305 : memref<1x128x64xf32, #tpu.memory_space<vmem>> -> memref<128x64xf32, #tpu.memory_space<vmem>>
        %dma_start3A_307 = arith.constant 0 : i32
        %dma_start3A_308 = tpu.memref_slice %arg7[%run_scoped3A_301, %dma_start3A_307] : memref<8x128xi32, #tpu.memory_space<vmem>> -> memref<1x128xi32, #tpu.memory_space<vmem>>
        %dma_start3A_309 = tpu.memref_squeeze %dma_start3A_308 : memref<1x128xi32, #tpu.memory_space<vmem>> -> memref<128xi32, #tpu.memory_space<vmem>>
        %dma_start3A_310 = arith.constant 0 : i32
        %dma_start3A_311 = arith.constant 0 : i32
        %dma_start3A_312 = tpu.memref_slice %arg9[%dma_start3A_310, %dma_start3A_311] : memref<10240x64xf32, #tpu.memory_space<vmem_shared>> -> memref<10240x64xf32, #tpu.memory_space<vmem_shared>>
        tpu.enqueue_indirect_dma source(%dma_start3A_306 : memref<128x64xf32, #tpu.memory_space<vmem>>) target(%dma_start3A_312 : memref<10240x64xf32, #tpu.memory_space<vmem_shared>>) offsets(%dma_start3A_309 : memref<128xi32, #tpu.memory_space<vmem>>) semaphore(%run_scoped3A_302 : memref<!tpu.dma_semaphore, #tpu.memory_space<semaphore_mem>>) {add = true}
        %dma_wait3A_313 = arith.constant 0 : i32
        %dma_wait3A_314 = arith.constant 0 : i32
        %dma_wait3A_315 = tpu.memref_slice %arg8[%run_scoped3A_300, %dma_wait3A_313, %dma_wait3A_314] : memref<2x128x64xf32, #tpu.memory_space<vmem>> -> memref<1x128x64xf32, #tpu.memory_space<vmem>>
        %dma_wait3A_316 = tpu.memref_squeeze %dma_wait3A_315 : memref<1x128x64xf32, #tpu.memory_space<vmem>> -> memref<128x64xf32, #tpu.memory_space<vmem>>
        %dma_wait3A_317 = arith.constant 0 : i32
        %dma_wait3A_318 = tpu.memref_slice %arg7[%run_scoped3A_301, %dma_wait3A_317] : memref<8x128xi32, #tpu.memory_space<vmem>> -> memref<1x128xi32, #tpu.memory_space<vmem>>
        %dma_wait3A_319 = tpu.memref_squeeze %dma_wait3A_318 : memref<1x128xi32, #tpu.memory_space<vmem>> -> memref<128xi32, #tpu.memory_space<vmem>>
        %dma_wait3A_320 = arith.constant 0 : i32
        %dma_wait3A_321 = arith.constant 0 : i32
        %dma_wait3A_322 = tpu.memref_slice %arg9[%dma_wait3A_320, %dma_wait3A_321] : memref<10240x64xf32, #tpu.memory_space<vmem_shared>> -> memref<10240x64xf32, #tpu.memory_space<vmem_shared>>
        tpu.wait_indirect_dma semaphore(%run_scoped3A_302 : memref<!tpu.dma_semaphore, #tpu.memory_space<semaphore_mem>>) src(%dma_wait3A_316 : memref<128x64xf32, #tpu.memory_space<vmem>>) dst(%dma_wait3A_322 : memref<10240x64xf32, #tpu.memory_space<vmem_shared>>)
        tpu.yield
      }) : () -> ()
    }
    %scan3A_37 = arith.constant 10 : i32
    %barrier3A_38 = arith.constant 0 : index
    tpu.barrier barrier_id(%barrier3A_38)
    %mul3A_39 = arith.constant 640 : i32
    %mul3A_40 = arith.muli %arg1, %mul3A_39 : i32
    %add3A_41 = arith.constant 0 : i32
    %add3A_42 = arith.addi %mul3A_40, %add3A_41 : i32
    %run_scoped3A_43 = arith.constant 0 : i32
    "tpu.region"() ({
      %run_scoped3A_89 = tpu.sem_alloc : memref<!tpu.dma_semaphore, #tpu.memory_space<semaphore_mem>>
      %dma_start3A = arith.constant 0 : i32
      %dma_start3A_90 = arith.constant 0 : i32
      %dma_start3A_91 = tpu.memref_slice %arg8[%run_scoped3A_43, %dma_start3A, %dma_start3A_90] : memref<2x128x64xf32, #tpu.memory_space<vmem>> -> memref<1x128x64xf32, #tpu.memory_space<vmem>>
      %dma_start3A_92 = tpu.memref_squeeze %dma_start3A_91 : memref<1x128x64xf32, #tpu.memory_space<vmem>> -> memref<128x64xf32, #tpu.memory_space<vmem>>
      %dma_start3A_93 = arith.constant 0 : i32
      %dma_start3A_94 = tpu.memref_slice %arg9[%add3A_42, %dma_start3A_93] : memref<10240x64xf32, #tpu.memory_space<vmem_shared>> -> memref<128x64xf32, #tpu.memory_space<vmem_shared>>
      %dma_start3A_95 = arith.constant 0 : i32
      %dma_start3A_96 = arith.constant 0 : i32
      %dma_start3A_97 = tpu.memref_slice %arg8[%run_scoped3A_43, %dma_start3A_95, %dma_start3A_96] : memref<2x128x64xf32, #tpu.memory_space<vmem>> -> memref<1x128x64xf32, #tpu.memory_space<vmem>>
      %dma_start3A_98 = tpu.memref_squeeze %dma_start3A_97 : memref<1x128x64xf32, #tpu.memory_space<vmem>> -> memref<128x64xf32, #tpu.memory_space<vmem>>
      %dma_start3A_99 = arith.constant 0 : i32
      %dma_start3A_100 = tpu.memref_slice %arg9[%add3A_42, %dma_start3A_99] : memref<10240x64xf32, #tpu.memory_space<vmem_shared>> -> memref<128x64xf32, #tpu.memory_space<vmem_shared>>
      tpu.enqueue_dma source(%dma_start3A_100 : memref<128x64xf32, #tpu.memory_space<vmem_shared>>) target(%dma_start3A_98 : memref<128x64xf32, #tpu.memory_space<vmem>>) target_semaphore(%run_scoped3A_89 : memref<!tpu.dma_semaphore, #tpu.memory_space<semaphore_mem>>)
      %dma_wait3A = arith.constant 0 : i32
      %dma_wait3A_101 = arith.constant 0 : i32
      %dma_wait3A_102 = tpu.memref_slice %arg8[%run_scoped3A_43, %dma_wait3A, %dma_wait3A_101] : memref<2x128x64xf32, #tpu.memory_space<vmem>> -> memref<1x128x64xf32, #tpu.memory_space<vmem>>
      %dma_wait3A_103 = tpu.memref_squeeze %dma_wait3A_102 : memref<1x128x64xf32, #tpu.memory_space<vmem>> -> memref<128x64xf32, #tpu.memory_space<vmem>>
      %dma_wait3A_104 = arith.constant 0 : i32
      %dma_wait3A_105 = tpu.memref_slice %arg9[%add3A_42, %dma_wait3A_104] : memref<10240x64xf32, #tpu.memory_space<vmem_shared>> -> memref<128x64xf32, #tpu.memory_space<vmem_shared>>
      %dma_wait3A_106 = arith.constant 0 : i32
      %dma_wait3A_107 = arith.constant 0 : i32
      %dma_wait3A_108 = tpu.memref_slice %arg8[%run_scoped3A_43, %dma_wait3A_106, %dma_wait3A_107] : memref<2x128x64xf32, #tpu.memory_space<vmem>> -> memref<1x128x64xf32, #tpu.memory_space<vmem>>
      %dma_wait3A_109 = tpu.memref_squeeze %dma_wait3A_108 : memref<1x128x64xf32, #tpu.memory_space<vmem>> -> memref<128x64xf32, #tpu.memory_space<vmem>>
      %dma_wait3A_110 = arith.constant 0 : i32
      %dma_wait3A_111 = tpu.memref_slice %arg9[%add3A_42, %dma_wait3A_110] : memref<10240x64xf32, #tpu.memory_space<vmem_shared>> -> memref<128x64xf32, #tpu.memory_space<vmem_shared>>
      tpu.wait_dma2 semaphore(%run_scoped3A_89 : memref<!tpu.dma_semaphore, #tpu.memory_space<semaphore_mem>>) src(%dma_wait3A_111 : memref<128x64xf32, #tpu.memory_space<vmem_shared>>) dst(%dma_wait3A_109 : memref<128x64xf32, #tpu.memory_space<vmem>>)
      tpu.yield
    }) : () -> ()
    %mul3A_44 = arith.constant 640 : i32
    %mul3A_45 = arith.muli %arg1, %mul3A_44 : i32
    %add3A_46 = arith.constant 0 : i32
    %add3A_47 = arith.addi %mul3A_45, %add3A_46 : i32
    %run_scoped3A_48 = arith.constant 0 : i32
    "tpu.region"() ({
      %run_scoped3A_89 = tpu.sem_alloc : memref<!tpu.dma_semaphore, #tpu.memory_space<semaphore_mem>>
      %dma_start3A = arith.constant 0 : i32
      %dma_start3A_90 = arith.constant 0 : i32
      %dma_start3A_91 = tpu.memref_slice %arg8[%run_scoped3A_48, %dma_start3A, %dma_start3A_90] : memref<2x128x64xf32, #tpu.memory_space<vmem>> -> memref<1x128x64xf32, #tpu.memory_space<vmem>>
      %dma_start3A_92 = tpu.memref_squeeze %dma_start3A_91 : memref<1x128x64xf32, #tpu.memory_space<vmem>> -> memref<128x64xf32, #tpu.memory_space<vmem>>
      %dma_start3A_93 = arith.constant 0 : i32
      %dma_start3A_94 = tpu.memref_slice %arg5[%arg0, %add3A_47, %dma_start3A_93] : memref<2x10240x64xf32, #tpu.memory_space<hbm>> -> memref<1x128x64xf32, #tpu.memory_space<hbm>>
      %dma_start3A_95 = tpu.memref_squeeze %dma_start3A_94 : memref<1x128x64xf32, #tpu.memory_space<hbm>> -> memref<128x64xf32, #tpu.memory_space<hbm>>
      %dma_start3A_96 = arith.constant 0 : i32
      %dma_start3A_97 = tpu.memref_slice %arg5[%arg0, %add3A_47, %dma_start3A_96] : memref<2x10240x64xf32, #tpu.memory_space<hbm>> -> memref<1x128x64xf32, #tpu.memory_space<hbm>>
      %dma_start3A_98 = tpu.memref_squeeze %dma_start3A_97 : memref<1x128x64xf32, #tpu.memory_space<hbm>> -> memref<128x64xf32, #tpu.memory_space<hbm>>
      %dma_start3A_99 = arith.constant 0 : i32
      %dma_start3A_100 = arith.constant 0 : i32
      %dma_start3A_101 = tpu.memref_slice %arg8[%run_scoped3A_48, %dma_start3A_99, %dma_start3A_100] : memref<2x128x64xf32, #tpu.memory_space<vmem>> -> memref<1x128x64xf32, #tpu.memory_space<vmem>>
      %dma_start3A_102 = tpu.memref_squeeze %dma_start3A_101 : memref<1x128x64xf32, #tpu.memory_space<vmem>> -> memref<128x64xf32, #tpu.memory_space<vmem>>
      tpu.enqueue_dma source(%dma_start3A_102 : memref<128x64xf32, #tpu.memory_space<vmem>>) target(%dma_start3A_98 : memref<128x64xf32, #tpu.memory_space<hbm>>) target_semaphore(%run_scoped3A_89 : memref<!tpu.dma_semaphore, #tpu.memory_space<semaphore_mem>>)
      %dma_wait3A = arith.constant 0 : i32
      %dma_wait3A_103 = arith.constant 0 : i32
      %dma_wait3A_104 = tpu.memref_slice %arg8[%run_scoped3A_48, %dma_wait3A, %dma_wait3A_103] : memref<2x128x64xf32, #tpu.memory_space<vmem>> -> memref<1x128x64xf32, #tpu.memory_space<vmem>>
      %dma_wait3A_105 = tpu.memref_squeeze %dma_wait3A_104 : memref<1x128x64xf32, #tpu.memory_space<vmem>> -> memref<128x64xf32, #tpu.memory_space<vmem>>
      %dma_wait3A_106 = arith.constant 0 : i32
      %dma_wait3A_107 = tpu.memref_slice %arg5[%arg0, %add3A_47, %dma_wait3A_106] : memref<2x10240x64xf32, #tpu.memory_space<hbm>> -> memref<1x128x64xf32, #tpu.memory_space<hbm>>
      %dma_wait3A_108 = tpu.memref_squeeze %dma_wait3A_107 : memref<1x128x64xf32, #tpu.memory_space<hbm>> -> memref<128x64xf32, #tpu.memory_space<hbm>>
      %dma_wait3A_109 = arith.constant 0 : i32
      %dma_wait3A_110 = tpu.memref_slice %arg5[%arg0, %add3A_47, %dma_wait3A_109] : memref<2x10240x64xf32, #tpu.memory_space<hbm>> -> memref<1x128x64xf32, #tpu.memory_space<hbm>>
      %dma_wait3A_111 = tpu.memref_squeeze %dma_wait3A_110 : memref<1x128x64xf32, #tpu.memory_space<hbm>> -> memref<128x64xf32, #tpu.memory_space<hbm>>
      %dma_wait3A_112 = arith.constant 0 : i32
      %dma_wait3A_113 = arith.constant 0 : i32
      %dma_wait3A_114 = tpu.memref_slice %arg8[%run_scoped3A_48, %dma_wait3A_112, %dma_wait3A_113] : memref<2x128x64xf32, #tpu.memory_space<vmem>> -> memref<1x128x64xf32, #tpu.memory_space<vmem>>
      %dma_wait3A_115 = tpu.memref_squeeze %dma_wait3A_114 : memref<1x128x64xf32, #tpu.memory_space<vmem>> -> memref<128x64xf32, #tpu.memory_space<vmem>>
      tpu.wait_dma2 semaphore(%run_scoped3A_89 : memref<!tpu.dma_semaphore, #tpu.memory_space<semaphore_mem>>) src(%dma_wait3A_115 : memref<128x64xf32, #tpu.memory_space<vmem>>) dst(%dma_wait3A_111 : memref<128x64xf32, #tpu.memory_space<hbm>>)
      tpu.yield
    }) : () -> ()
    %mul3A_49 = arith.constant 640 : i32
    %mul3A_50 = arith.muli %arg1, %mul3A_49 : i32
    %add3A_51 = arith.constant 128 : i32
    %add3A_52 = arith.addi %mul3A_50, %add3A_51 : i32
    %run_scoped3A_53 = arith.constant 0 : i32
    "tpu.region"() ({
      %run_scoped3A_89 = tpu.sem_alloc : memref<!tpu.dma_semaphore, #tpu.memory_space<semaphore_mem>>
      %dma_start3A = arith.constant 0 : i32
      %dma_start3A_90 = arith.constant 0 : i32
      %dma_start3A_91 = tpu.memref_slice %arg8[%run_scoped3A_53, %dma_start3A, %dma_start3A_90] : memref<2x128x64xf32, #tpu.memory_space<vmem>> -> memref<1x128x64xf32, #tpu.memory_space<vmem>>
      %dma_start3A_92 = tpu.memref_squeeze %dma_start3A_91 : memref<1x128x64xf32, #tpu.memory_space<vmem>> -> memref<128x64xf32, #tpu.memory_space<vmem>>
      %dma_start3A_93 = arith.constant 0 : i32
      %dma_start3A_94 = tpu.memref_slice %arg9[%add3A_52, %dma_start3A_93] : memref<10240x64xf32, #tpu.memory_space<vmem_shared>> -> memref<128x64xf32, #tpu.memory_space<vmem_shared>>
      %dma_start3A_95 = arith.constant 0 : i32
      %dma_start3A_96 = arith.constant 0 : i32
      %dma_start3A_97 = tpu.memref_slice %arg8[%run_scoped3A_53, %dma_start3A_95, %dma_start3A_96] : memref<2x128x64xf32, #tpu.memory_space<vmem>> -> memref<1x128x64xf32, #tpu.memory_space<vmem>>
      %dma_start3A_98 = tpu.memref_squeeze %dma_start3A_97 : memref<1x128x64xf32, #tpu.memory_space<vmem>> -> memref<128x64xf32, #tpu.memory_space<vmem>>
      %dma_start3A_99 = arith.constant 0 : i32
      %dma_start3A_100 = tpu.memref_slice %arg9[%add3A_52, %dma_start3A_99] : memref<10240x64xf32, #tpu.memory_space<vmem_shared>> -> memref<128x64xf32, #tpu.memory_space<vmem_shared>>
      tpu.enqueue_dma source(%dma_start3A_100 : memref<128x64xf32, #tpu.memory_space<vmem_shared>>) target(%dma_start3A_98 : memref<128x64xf32, #tpu.memory_space<vmem>>) target_semaphore(%run_scoped3A_89 : memref<!tpu.dma_semaphore, #tpu.memory_space<semaphore_mem>>)
      %dma_wait3A = arith.constant 0 : i32
      %dma_wait3A_101 = arith.constant 0 : i32
      %dma_wait3A_102 = tpu.memref_slice %arg8[%run_scoped3A_53, %dma_wait3A, %dma_wait3A_101] : memref<2x128x64xf32, #tpu.memory_space<vmem>> -> memref<1x128x64xf32, #tpu.memory_space<vmem>>
      %dma_wait3A_103 = tpu.memref_squeeze %dma_wait3A_102 : memref<1x128x64xf32, #tpu.memory_space<vmem>> -> memref<128x64xf32, #tpu.memory_space<vmem>>
      %dma_wait3A_104 = arith.constant 0 : i32
      %dma_wait3A_105 = tpu.memref_slice %arg9[%add3A_52, %dma_wait3A_104] : memref<10240x64xf32, #tpu.memory_space<vmem_shared>> -> memref<128x64xf32, #tpu.memory_space<vmem_shared>>
      %dma_wait3A_106 = arith.constant 0 : i32
      %dma_wait3A_107 = arith.constant 0 : i32
      %dma_wait3A_108 = tpu.memref_slice %arg8[%run_scoped3A_53, %dma_wait3A_106, %dma_wait3A_107] : memref<2x128x64xf32, #tpu.memory_space<vmem>> -> memref<1x128x64xf32, #tpu.memory_space<vmem>>
      %dma_wait3A_109 = tpu.memref_squeeze %dma_wait3A_108 : memref<1x128x64xf32, #tpu.memory_space<vmem>> -> memref<128x64xf32, #tpu.memory_space<vmem>>
      %dma_wait3A_110 = arith.constant 0 : i32
      %dma_wait3A_111 = tpu.memref_slice %arg9[%add3A_52, %dma_wait3A_110] : memref<10240x64xf32, #tpu.memory_space<vmem_shared>> -> memref<128x64xf32, #tpu.memory_space<vmem_shared>>
      tpu.wait_dma2 semaphore(%run_scoped3A_89 : memref<!tpu.dma_semaphore, #tpu.memory_space<semaphore_mem>>) src(%dma_wait3A_111 : memref<128x64xf32, #tpu.memory_space<vmem_shared>>) dst(%dma_wait3A_109 : memref<128x64xf32, #tpu.memory_space<vmem>>)
      tpu.yield
    }) : () -> ()
    %mul3A_54 = arith.constant 640 : i32
    %mul3A_55 = arith.muli %arg1, %mul3A_54 : i32
    %add3A_56 = arith.constant 128 : i32
    %add3A_57 = arith.addi %mul3A_55, %add3A_56 : i32
    %run_scoped3A_58 = arith.constant 0 : i32
    "tpu.region"() ({
      %run_scoped3A_89 = tpu.sem_alloc : memref<!tpu.dma_semaphore, #tpu.memory_space<semaphore_mem>>
      %dma_start3A = arith.constant 0 : i32
      %dma_start3A_90 = arith.constant 0 : i32
      %dma_start3A_91 = tpu.memref_slice %arg8[%run_scoped3A_58, %dma_start3A, %dma_start3A_90] : memref<2x128x64xf32, #tpu.memory_space<vmem>> -> memref<1x128x64xf32, #tpu.memory_space<vmem>>
      %dma_start3A_92 = tpu.memref_squeeze %dma_start3A_91 : memref<1x128x64xf32, #tpu.memory_space<vmem>> -> memref<128x64xf32, #tpu.memory_space<vmem>>
      %dma_start3A_93 = arith.constant 0 : i32
      %dma_start3A_94 = tpu.memref_slice %arg5[%arg0, %add3A_57, %dma_start3A_93] : memref<2x10240x64xf32, #tpu.memory_space<hbm>> -> memref<1x128x64xf32, #tpu.memory_space<hbm>>
      %dma_start3A_95 = tpu.memref_squeeze %dma_start3A_94 : memref<1x128x64xf32, #tpu.memory_space<hbm>> -> memref<128x64xf32, #tpu.memory_space<hbm>>
      %dma_start3A_96 = arith.constant 0 : i32
      %dma_start3A_97 = tpu.memref_slice %arg5[%arg0, %add3A_57, %dma_start3A_96] : memref<2x10240x64xf32, #tpu.memory_space<hbm>> -> memref<1x128x64xf32, #tpu.memory_space<hbm>>
      %dma_start3A_98 = tpu.memref_squeeze %dma_start3A_97 : memref<1x128x64xf32, #tpu.memory_space<hbm>> -> memref<128x64xf32, #tpu.memory_space<hbm>>
      %dma_start3A_99 = arith.constant 0 : i32
      %dma_start3A_100 = arith.constant 0 : i32
      %dma_start3A_101 = tpu.memref_slice %arg8[%run_scoped3A_58, %dma_start3A_99, %dma_start3A_100] : memref<2x128x64xf32, #tpu.memory_space<vmem>> -> memref<1x128x64xf32, #tpu.memory_space<vmem>>
      %dma_start3A_102 = tpu.memref_squeeze %dma_start3A_101 : memref<1x128x64xf32, #tpu.memory_space<vmem>> -> memref<128x64xf32, #tpu.memory_space<vmem>>
      tpu.enqueue_dma source(%dma_start3A_102 : memref<128x64xf32, #tpu.memory_space<vmem>>) target(%dma_start3A_98 : memref<128x64xf32, #tpu.memory_space<hbm>>) target_semaphore(%run_scoped3A_89 : memref<!tpu.dma_semaphore, #tpu.memory_space<semaphore_mem>>)
      %dma_wait3A = arith.constant 0 : i32
      %dma_wait3A_103 = arith.constant 0 : i32
      %dma_wait3A_104 = tpu.memref_slice %arg8[%run_scoped3A_58, %dma_wait3A, %dma_wait3A_103] : memref<2x128x64xf32, #tpu.memory_space<vmem>> -> memref<1x128x64xf32, #tpu.memory_space<vmem>>
      %dma_wait3A_105 = tpu.memref_squeeze %dma_wait3A_104 : memref<1x128x64xf32, #tpu.memory_space<vmem>> -> memref<128x64xf32, #tpu.memory_space<vmem>>
      %dma_wait3A_106 = arith.constant 0 : i32
      %dma_wait3A_107 = tpu.memref_slice %arg5[%arg0, %add3A_57, %dma_wait3A_106] : memref<2x10240x64xf32, #tpu.memory_space<hbm>> -> memref<1x128x64xf32, #tpu.memory_space<hbm>>
      %dma_wait3A_108 = tpu.memref_squeeze %dma_wait3A_107 : memref<1x128x64xf32, #tpu.memory_space<hbm>> -> memref<128x64xf32, #tpu.memory_space<hbm>>
      %dma_wait3A_109 = arith.constant 0 : i32
      %dma_wait3A_110 = tpu.memref_slice %arg5[%arg0, %add3A_57, %dma_wait3A_109] : memref<2x10240x64xf32, #tpu.memory_space<hbm>> -> memref<1x128x64xf32, #tpu.memory_space<hbm>>
      %dma_wait3A_111 = tpu.memref_squeeze %dma_wait3A_110 : memref<1x128x64xf32, #tpu.memory_space<hbm>> -> memref<128x64xf32, #tpu.memory_space<hbm>>
      %dma_wait3A_112 = arith.constant 0 : i32
      %dma_wait3A_113 = arith.constant 0 : i32
      %dma_wait3A_114 = tpu.memref_slice %arg8[%run_scoped3A_58, %dma_wait3A_112, %dma_wait3A_113] : memref<2x128x64xf32, #tpu.memory_space<vmem>> -> memref<1x128x64xf32, #tpu.memory_space<vmem>>
      %dma_wait3A_115 = tpu.memref_squeeze %dma_wait3A_114 : memref<1x128x64xf32, #tpu.memory_space<vmem>> -> memref<128x64xf32, #tpu.memory_space<vmem>>
      tpu.wait_dma2 semaphore(%run_scoped3A_89 : memref<!tpu.dma_semaphore, #tpu.memory_space<semaphore_mem>>) src(%dma_wait3A_115 : memref<128x64xf32, #tpu.memory_space<vmem>>) dst(%dma_wait3A_111 : memref<128x64xf32, #tpu.memory_space<hbm>>)
      tpu.yield
    }) : () -> ()
    %mul3A_59 = arith.constant 640 : i32
    %mul3A_60 = arith.muli %arg1, %mul3A_59 : i32
    %add3A_61 = arith.constant 256 : i32
    %add3A_62 = arith.addi %mul3A_60, %add3A_61 : i32
    %run_scoped3A_63 = arith.constant 0 : i32
    "tpu.region"() ({
      %run_scoped3A_89 = tpu.sem_alloc : memref<!tpu.dma_semaphore, #tpu.memory_space<semaphore_mem>>
      %dma_start3A = arith.constant 0 : i32
      %dma_start3A_90 = arith.constant 0 : i32
      %dma_start3A_91 = tpu.memref_slice %arg8[%run_scoped3A_63, %dma_start3A, %dma_start3A_90] : memref<2x128x64xf32, #tpu.memory_space<vmem>> -> memref<1x128x64xf32, #tpu.memory_space<vmem>>
      %dma_start3A_92 = tpu.memref_squeeze %dma_start3A_91 : memref<1x128x64xf32, #tpu.memory_space<vmem>> -> memref<128x64xf32, #tpu.memory_space<vmem>>
      %dma_start3A_93 = arith.constant 0 : i32
      %dma_start3A_94 = tpu.memref_slice %arg9[%add3A_62, %dma_start3A_93] : memref<10240x64xf32, #tpu.memory_space<vmem_shared>> -> memref<128x64xf32, #tpu.memory_space<vmem_shared>>
      %dma_start3A_95 = arith.constant 0 : i32
      %dma_start3A_96 = arith.constant 0 : i32
      %dma_start3A_97 = tpu.memref_slice %arg8[%run_scoped3A_63, %dma_start3A_95, %dma_start3A_96] : memref<2x128x64xf32, #tpu.memory_space<vmem>> -> memref<1x128x64xf32, #tpu.memory_space<vmem>>
      %dma_start3A_98 = tpu.memref_squeeze %dma_start3A_97 : memref<1x128x64xf32, #tpu.memory_space<vmem>> -> memref<128x64xf32, #tpu.memory_space<vmem>>
      %dma_start3A_99 = arith.constant 0 : i32
      %dma_start3A_100 = tpu.memref_slice %arg9[%add3A_62, %dma_start3A_99] : memref<10240x64xf32, #tpu.memory_space<vmem_shared>> -> memref<128x64xf32, #tpu.memory_space<vmem_shared>>
      tpu.enqueue_dma source(%dma_start3A_100 : memref<128x64xf32, #tpu.memory_space<vmem_shared>>) target(%dma_start3A_98 : memref<128x64xf32, #tpu.memory_space<vmem>>) target_semaphore(%run_scoped3A_89 : memref<!tpu.dma_semaphore, #tpu.memory_space<semaphore_mem>>)
      %dma_wait3A = arith.constant 0 : i32
      %dma_wait3A_101 = arith.constant 0 : i32
      %dma_wait3A_102 = tpu.memref_slice %arg8[%run_scoped3A_63, %dma_wait3A, %dma_wait3A_101] : memref<2x128x64xf32, #tpu.memory_space<vmem>> -> memref<1x128x64xf32, #tpu.memory_space<vmem>>
      %dma_wait3A_103 = tpu.memref_squeeze %dma_wait3A_102 : memref<1x128x64xf32, #tpu.memory_space<vmem>> -> memref<128x64xf32, #tpu.memory_space<vmem>>
      %dma_wait3A_104 = arith.constant 0 : i32
      %dma_wait3A_105 = tpu.memref_slice %arg9[%add3A_62, %dma_wait3A_104] : memref<10240x64xf32, #tpu.memory_space<vmem_shared>> -> memref<128x64xf32, #tpu.memory_space<vmem_shared>>
      %dma_wait3A_106 = arith.constant 0 : i32
      %dma_wait3A_107 = arith.constant 0 : i32
      %dma_wait3A_108 = tpu.memref_slice %arg8[%run_scoped3A_63, %dma_wait3A_106, %dma_wait3A_107] : memref<2x128x64xf32, #tpu.memory_space<vmem>> -> memref<1x128x64xf32, #tpu.memory_space<vmem>>
      %dma_wait3A_109 = tpu.memref_squeeze %dma_wait3A_108 : memref<1x128x64xf32, #tpu.memory_space<vmem>> -> memref<128x64xf32, #tpu.memory_space<vmem>>
      %dma_wait3A_110 = arith.constant 0 : i32
      %dma_wait3A_111 = tpu.memref_slice %arg9[%add3A_62, %dma_wait3A_110] : memref<10240x64xf32, #tpu.memory_space<vmem_shared>> -> memref<128x64xf32, #tpu.memory_space<vmem_shared>>
      tpu.wait_dma2 semaphore(%run_scoped3A_89 : memref<!tpu.dma_semaphore, #tpu.memory_space<semaphore_mem>>) src(%dma_wait3A_111 : memref<128x64xf32, #tpu.memory_space<vmem_shared>>) dst(%dma_wait3A_109 : memref<128x64xf32, #tpu.memory_space<vmem>>)
      tpu.yield
    }) : () -> ()
    %mul3A_64 = arith.constant 640 : i32
    %mul3A_65 = arith.muli %arg1, %mul3A_64 : i32
    %add3A_66 = arith.constant 256 : i32
    %add3A_67 = arith.addi %mul3A_65, %add3A_66 : i32
    %run_scoped3A_68 = arith.constant 0 : i32
    "tpu.region"() ({
      %run_scoped3A_89 = tpu.sem_alloc : memref<!tpu.dma_semaphore, #tpu.memory_space<semaphore_mem>>
      %dma_start3A = arith.constant 0 : i32
      %dma_start3A_90 = arith.constant 0 : i32
      %dma_start3A_91 = tpu.memref_slice %arg8[%run_scoped3A_68, %dma_start3A, %dma_start3A_90] : memref<2x128x64xf32, #tpu.memory_space<vmem>> -> memref<1x128x64xf32, #tpu.memory_space<vmem>>
      %dma_start3A_92 = tpu.memref_squeeze %dma_start3A_91 : memref<1x128x64xf32, #tpu.memory_space<vmem>> -> memref<128x64xf32, #tpu.memory_space<vmem>>
      %dma_start3A_93 = arith.constant 0 : i32
      %dma_start3A_94 = tpu.memref_slice %arg5[%arg0, %add3A_67, %dma_start3A_93] : memref<2x10240x64xf32, #tpu.memory_space<hbm>> -> memref<1x128x64xf32, #tpu.memory_space<hbm>>
      %dma_start3A_95 = tpu.memref_squeeze %dma_start3A_94 : memref<1x128x64xf32, #tpu.memory_space<hbm>> -> memref<128x64xf32, #tpu.memory_space<hbm>>
      %dma_start3A_96 = arith.constant 0 : i32
      %dma_start3A_97 = tpu.memref_slice %arg5[%arg0, %add3A_67, %dma_start3A_96] : memref<2x10240x64xf32, #tpu.memory_space<hbm>> -> memref<1x128x64xf32, #tpu.memory_space<hbm>>
      %dma_start3A_98 = tpu.memref_squeeze %dma_start3A_97 : memref<1x128x64xf32, #tpu.memory_space<hbm>> -> memref<128x64xf32, #tpu.memory_space<hbm>>
      %dma_start3A_99 = arith.constant 0 : i32
      %dma_start3A_100 = arith.constant 0 : i32
      %dma_start3A_101 = tpu.memref_slice %arg8[%run_scoped3A_68, %dma_start3A_99, %dma_start3A_100] : memref<2x128x64xf32, #tpu.memory_space<vmem>> -> memref<1x128x64xf32, #tpu.memory_space<vmem>>
      %dma_start3A_102 = tpu.memref_squeeze %dma_start3A_101 : memref<1x128x64xf32, #tpu.memory_space<vmem>> -> memref<128x64xf32, #tpu.memory_space<vmem>>
      tpu.enqueue_dma source(%dma_start3A_102 : memref<128x64xf32, #tpu.memory_space<vmem>>) target(%dma_start3A_98 : memref<128x64xf32, #tpu.memory_space<hbm>>) target_semaphore(%run_scoped3A_89 : memref<!tpu.dma_semaphore, #tpu.memory_space<semaphore_mem>>)
      %dma_wait3A = arith.constant 0 : i32
      %dma_wait3A_103 = arith.constant 0 : i32
      %dma_wait3A_104 = tpu.memref_slice %arg8[%run_scoped3A_68, %dma_wait3A, %dma_wait3A_103] : memref<2x128x64xf32, #tpu.memory_space<vmem>> -> memref<1x128x64xf32, #tpu.memory_space<vmem>>
      %dma_wait3A_105 = tpu.memref_squeeze %dma_wait3A_104 : memref<1x128x64xf32, #tpu.memory_space<vmem>> -> memref<128x64xf32, #tpu.memory_space<vmem>>
      %dma_wait3A_106 = arith.constant 0 : i32
      %dma_wait3A_107 = tpu.memref_slice %arg5[%arg0, %add3A_67, %dma_wait3A_106] : memref<2x10240x64xf32, #tpu.memory_space<hbm>> -> memref<1x128x64xf32, #tpu.memory_space<hbm>>
      %dma_wait3A_108 = tpu.memref_squeeze %dma_wait3A_107 : memref<1x128x64xf32, #tpu.memory_space<hbm>> -> memref<128x64xf32, #tpu.memory_space<hbm>>
      %dma_wait3A_109 = arith.constant 0 : i32
      %dma_wait3A_110 = tpu.memref_slice %arg5[%arg0, %add3A_67, %dma_wait3A_109] : memref<2x10240x64xf32, #tpu.memory_space<hbm>> -> memref<1x128x64xf32, #tpu.memory_space<hbm>>
      %dma_wait3A_111 = tpu.memref_squeeze %dma_wait3A_110 : memref<1x128x64xf32, #tpu.memory_space<hbm>> -> memref<128x64xf32, #tpu.memory_space<hbm>>
      %dma_wait3A_112 = arith.constant 0 : i32
      %dma_wait3A_113 = arith.constant 0 : i32
      %dma_wait3A_114 = tpu.memref_slice %arg8[%run_scoped3A_68, %dma_wait3A_112, %dma_wait3A_113] : memref<2x128x64xf32, #tpu.memory_space<vmem>> -> memref<1x128x64xf32, #tpu.memory_space<vmem>>
      %dma_wait3A_115 = tpu.memref_squeeze %dma_wait3A_114 : memref<1x128x64xf32, #tpu.memory_space<vmem>> -> memref<128x64xf32, #tpu.memory_space<vmem>>
      tpu.wait_dma2 semaphore(%run_scoped3A_89 : memref<!tpu.dma_semaphore, #tpu.memory_space<semaphore_mem>>) src(%dma_wait3A_115 : memref<128x64xf32, #tpu.memory_space<vmem>>) dst(%dma_wait3A_111 : memref<128x64xf32, #tpu.memory_space<hbm>>)
      tpu.yield
    }) : () -> ()
    %mul3A_69 = arith.constant 640 : i32
    %mul3A_70 = arith.muli %arg1, %mul3A_69 : i32
    %add3A_71 = arith.constant 384 : i32
    %add3A_72 = arith.addi %mul3A_70, %add3A_71 : i32
    %run_scoped3A_73 = arith.constant 0 : i32
    "tpu.region"() ({
      %run_scoped3A_89 = tpu.sem_alloc : memref<!tpu.dma_semaphore, #tpu.memory_space<semaphore_mem>>
      %dma_start3A = arith.constant 0 : i32
      %dma_start3A_90 = arith.constant 0 : i32
      %dma_start3A_91 = tpu.memref_slice %arg8[%run_scoped3A_73, %dma_start3A, %dma_start3A_90] : memref<2x128x64xf32, #tpu.memory_space<vmem>> -> memref<1x128x64xf32, #tpu.memory_space<vmem>>
      %dma_start3A_92 = tpu.memref_squeeze %dma_start3A_91 : memref<1x128x64xf32, #tpu.memory_space<vmem>> -> memref<128x64xf32, #tpu.memory_space<vmem>>
      %dma_start3A_93 = arith.constant 0 : i32
      %dma_start3A_94 = tpu.memref_slice %arg9[%add3A_72, %dma_start3A_93] : memref<10240x64xf32, #tpu.memory_space<vmem_shared>> -> memref<128x64xf32, #tpu.memory_space<vmem_shared>>
      %dma_start3A_95 = arith.constant 0 : i32
      %dma_start3A_96 = arith.constant 0 : i32
      %dma_start3A_97 = tpu.memref_slice %arg8[%run_scoped3A_73, %dma_start3A_95, %dma_start3A_96] : memref<2x128x64xf32, #tpu.memory_space<vmem>> -> memref<1x128x64xf32, #tpu.memory_space<vmem>>
      %dma_start3A_98 = tpu.memref_squeeze %dma_start3A_97 : memref<1x128x64xf32, #tpu.memory_space<vmem>> -> memref<128x64xf32, #tpu.memory_space<vmem>>
      %dma_start3A_99 = arith.constant 0 : i32
      %dma_start3A_100 = tpu.memref_slice %arg9[%add3A_72, %dma_start3A_99] : memref<10240x64xf32, #tpu.memory_space<vmem_shared>> -> memref<128x64xf32, #tpu.memory_space<vmem_shared>>
      tpu.enqueue_dma source(%dma_start3A_100 : memref<128x64xf32, #tpu.memory_space<vmem_shared>>) target(%dma_start3A_98 : memref<128x64xf32, #tpu.memory_space<vmem>>) target_semaphore(%run_scoped3A_89 : memref<!tpu.dma_semaphore, #tpu.memory_space<semaphore_mem>>)
      %dma_wait3A = arith.constant 0 : i32
      %dma_wait3A_101 = arith.constant 0 : i32
      %dma_wait3A_102 = tpu.memref_slice %arg8[%run_scoped3A_73, %dma_wait3A, %dma_wait3A_101] : memref<2x128x64xf32, #tpu.memory_space<vmem>> -> memref<1x128x64xf32, #tpu.memory_space<vmem>>
      %dma_wait3A_103 = tpu.memref_squeeze %dma_wait3A_102 : memref<1x128x64xf32, #tpu.memory_space<vmem>> -> memref<128x64xf32, #tpu.memory_space<vmem>>
      %dma_wait3A_104 = arith.constant 0 : i32
      %dma_wait3A_105 = tpu.memref_slice %arg9[%add3A_72, %dma_wait3A_104] : memref<10240x64xf32, #tpu.memory_space<vmem_shared>> -> memref<128x64xf32, #tpu.memory_space<vmem_shared>>
      %dma_wait3A_106 = arith.constant 0 : i32
      %dma_wait3A_107 = arith.constant 0 : i32
      %dma_wait3A_108 = tpu.memref_slice %arg8[%run_scoped3A_73, %dma_wait3A_106, %dma_wait3A_107] : memref<2x128x64xf32, #tpu.memory_space<vmem>> -> memref<1x128x64xf32, #tpu.memory_space<vmem>>
      %dma_wait3A_109 = tpu.memref_squeeze %dma_wait3A_108 : memref<1x128x64xf32, #tpu.memory_space<vmem>> -> memref<128x64xf32, #tpu.memory_space<vmem>>
      %dma_wait3A_110 = arith.constant 0 : i32
      %dma_wait3A_111 = tpu.memref_slice %arg9[%add3A_72, %dma_wait3A_110] : memref<10240x64xf32, #tpu.memory_space<vmem_shared>> -> memref<128x64xf32, #tpu.memory_space<vmem_shared>>
      tpu.wait_dma2 semaphore(%run_scoped3A_89 : memref<!tpu.dma_semaphore, #tpu.memory_space<semaphore_mem>>) src(%dma_wait3A_111 : memref<128x64xf32, #tpu.memory_space<vmem_shared>>) dst(%dma_wait3A_109 : memref<128x64xf32, #tpu.memory_space<vmem>>)
      tpu.yield
    }) : () -> ()
    %mul3A_74 = arith.constant 640 : i32
    %mul3A_75 = arith.muli %arg1, %mul3A_74 : i32
    %add3A_76 = arith.constant 384 : i32
    %add3A_77 = arith.addi %mul3A_75, %add3A_76 : i32
    %run_scoped3A_78 = arith.constant 0 : i32
    "tpu.region"() ({
      %run_scoped3A_89 = tpu.sem_alloc : memref<!tpu.dma_semaphore, #tpu.memory_space<semaphore_mem>>
      %dma_start3A = arith.constant 0 : i32
      %dma_start3A_90 = arith.constant 0 : i32
      %dma_start3A_91 = tpu.memref_slice %arg8[%run_scoped3A_78, %dma_start3A, %dma_start3A_90] : memref<2x128x64xf32, #tpu.memory_space<vmem>> -> memref<1x128x64xf32, #tpu.memory_space<vmem>>
      %dma_start3A_92 = tpu.memref_squeeze %dma_start3A_91 : memref<1x128x64xf32, #tpu.memory_space<vmem>> -> memref<128x64xf32, #tpu.memory_space<vmem>>
      %dma_start3A_93 = arith.constant 0 : i32
      %dma_start3A_94 = tpu.memref_slice %arg5[%arg0, %add3A_77, %dma_start3A_93] : memref<2x10240x64xf32, #tpu.memory_space<hbm>> -> memref<1x128x64xf32, #tpu.memory_space<hbm>>
      %dma_start3A_95 = tpu.memref_squeeze %dma_start3A_94 : memref<1x128x64xf32, #tpu.memory_space<hbm>> -> memref<128x64xf32, #tpu.memory_space<hbm>>
      %dma_start3A_96 = arith.constant 0 : i32
      %dma_start3A_97 = tpu.memref_slice %arg5[%arg0, %add3A_77, %dma_start3A_96] : memref<2x10240x64xf32, #tpu.memory_space<hbm>> -> memref<1x128x64xf32, #tpu.memory_space<hbm>>
      %dma_start3A_98 = tpu.memref_squeeze %dma_start3A_97 : memref<1x128x64xf32, #tpu.memory_space<hbm>> -> memref<128x64xf32, #tpu.memory_space<hbm>>
      %dma_start3A_99 = arith.constant 0 : i32
      %dma_start3A_100 = arith.constant 0 : i32
      %dma_start3A_101 = tpu.memref_slice %arg8[%run_scoped3A_78, %dma_start3A_99, %dma_start3A_100] : memref<2x128x64xf32, #tpu.memory_space<vmem>> -> memref<1x128x64xf32, #tpu.memory_space<vmem>>
      %dma_start3A_102 = tpu.memref_squeeze %dma_start3A_101 : memref<1x128x64xf32, #tpu.memory_space<vmem>> -> memref<128x64xf32, #tpu.memory_space<vmem>>
      tpu.enqueue_dma source(%dma_start3A_102 : memref<128x64xf32, #tpu.memory_space<vmem>>) target(%dma_start3A_98 : memref<128x64xf32, #tpu.memory_space<hbm>>) target_semaphore(%run_scoped3A_89 : memref<!tpu.dma_semaphore, #tpu.memory_space<semaphore_mem>>)
      %dma_wait3A = arith.constant 0 : i32
      %dma_wait3A_103 = arith.constant 0 : i32
      %dma_wait3A_104 = tpu.memref_slice %arg8[%run_scoped3A_78, %dma_wait3A, %dma_wait3A_103] : memref<2x128x64xf32, #tpu.memory_space<vmem>> -> memref<1x128x64xf32, #tpu.memory_space<vmem>>
      %dma_wait3A_105 = tpu.memref_squeeze %dma_wait3A_104 : memref<1x128x64xf32, #tpu.memory_space<vmem>> -> memref<128x64xf32, #tpu.memory_space<vmem>>
      %dma_wait3A_106 = arith.constant 0 : i32
      %dma_wait3A_107 = tpu.memref_slice %arg5[%arg0, %add3A_77, %dma_wait3A_106] : memref<2x10240x64xf32, #tpu.memory_space<hbm>> -> memref<1x128x64xf32, #tpu.memory_space<hbm>>
      %dma_wait3A_108 = tpu.memref_squeeze %dma_wait3A_107 : memref<1x128x64xf32, #tpu.memory_space<hbm>> -> memref<128x64xf32, #tpu.memory_space<hbm>>
      %dma_wait3A_109 = arith.constant 0 : i32
      %dma_wait3A_110 = tpu.memref_slice %arg5[%arg0, %add3A_77, %dma_wait3A_109] : memref<2x10240x64xf32, #tpu.memory_space<hbm>> -> memref<1x128x64xf32, #tpu.memory_space<hbm>>
      %dma_wait3A_111 = tpu.memref_squeeze %dma_wait3A_110 : memref<1x128x64xf32, #tpu.memory_space<hbm>> -> memref<128x64xf32, #tpu.memory_space<hbm>>
      %dma_wait3A_112 = arith.constant 0 : i32
      %dma_wait3A_113 = arith.constant 0 : i32
      %dma_wait3A_114 = tpu.memref_slice %arg8[%run_scoped3A_78, %dma_wait3A_112, %dma_wait3A_113] : memref<2x128x64xf32, #tpu.memory_space<vmem>> -> memref<1x128x64xf32, #tpu.memory_space<vmem>>
      %dma_wait3A_115 = tpu.memref_squeeze %dma_wait3A_114 : memref<1x128x64xf32, #tpu.memory_space<vmem>> -> memref<128x64xf32, #tpu.memory_space<vmem>>
      tpu.wait_dma2 semaphore(%run_scoped3A_89 : memref<!tpu.dma_semaphore, #tpu.memory_space<semaphore_mem>>) src(%dma_wait3A_115 : memref<128x64xf32, #tpu.memory_space<vmem>>) dst(%dma_wait3A_111 : memref<128x64xf32, #tpu.memory_space<hbm>>)
      tpu.yield
    }) : () -> ()
    %mul3A_79 = arith.constant 640 : i32
    %mul3A_80 = arith.muli %arg1, %mul3A_79 : i32
    %add3A_81 = arith.constant 512 : i32
    %add3A_82 = arith.addi %mul3A_80, %add3A_81 : i32
    %run_scoped3A_83 = arith.constant 0 : i32
    "tpu.region"() ({
      %run_scoped3A_89 = tpu.sem_alloc : memref<!tpu.dma_semaphore, #tpu.memory_space<semaphore_mem>>
      %dma_start3A = arith.constant 0 : i32
      %dma_start3A_90 = arith.constant 0 : i32
      %dma_start3A_91 = tpu.memref_slice %arg8[%run_scoped3A_83, %dma_start3A, %dma_start3A_90] : memref<2x128x64xf32, #tpu.memory_space<vmem>> -> memref<1x128x64xf32, #tpu.memory_space<vmem>>
      %dma_start3A_92 = tpu.memref_squeeze %dma_start3A_91 : memref<1x128x64xf32, #tpu.memory_space<vmem>> -> memref<128x64xf32, #tpu.memory_space<vmem>>
      %dma_start3A_93 = arith.constant 0 : i32
      %dma_start3A_94 = tpu.memref_slice %arg9[%add3A_82, %dma_start3A_93] : memref<10240x64xf32, #tpu.memory_space<vmem_shared>> -> memref<128x64xf32, #tpu.memory_space<vmem_shared>>
      %dma_start3A_95 = arith.constant 0 : i32
      %dma_start3A_96 = arith.constant 0 : i32
      %dma_start3A_97 = tpu.memref_slice %arg8[%run_scoped3A_83, %dma_start3A_95, %dma_start3A_96] : memref<2x128x64xf32, #tpu.memory_space<vmem>> -> memref<1x128x64xf32, #tpu.memory_space<vmem>>
      %dma_start3A_98 = tpu.memref_squeeze %dma_start3A_97 : memref<1x128x64xf32, #tpu.memory_space<vmem>> -> memref<128x64xf32, #tpu.memory_space<vmem>>
      %dma_start3A_99 = arith.constant 0 : i32
      %dma_start3A_100 = tpu.memref_slice %arg9[%add3A_82, %dma_start3A_99] : memref<10240x64xf32, #tpu.memory_space<vmem_shared>> -> memref<128x64xf32, #tpu.memory_space<vmem_shared>>
      tpu.enqueue_dma source(%dma_start3A_100 : memref<128x64xf32, #tpu.memory_space<vmem_shared>>) target(%dma_start3A_98 : memref<128x64xf32, #tpu.memory_space<vmem>>) target_semaphore(%run_scoped3A_89 : memref<!tpu.dma_semaphore, #tpu.memory_space<semaphore_mem>>)
      %dma_wait3A = arith.constant 0 : i32
      %dma_wait3A_101 = arith.constant 0 : i32
      %dma_wait3A_102 = tpu.memref_slice %arg8[%run_scoped3A_83, %dma_wait3A, %dma_wait3A_101] : memref<2x128x64xf32, #tpu.memory_space<vmem>> -> memref<1x128x64xf32, #tpu.memory_space<vmem>>
      %dma_wait3A_103 = tpu.memref_squeeze %dma_wait3A_102 : memref<1x128x64xf32, #tpu.memory_space<vmem>> -> memref<128x64xf32, #tpu.memory_space<vmem>>
      %dma_wait3A_104 = arith.constant 0 : i32
      %dma_wait3A_105 = tpu.memref_slice %arg9[%add3A_82, %dma_wait3A_104] : memref<10240x64xf32, #tpu.memory_space<vmem_shared>> -> memref<128x64xf32, #tpu.memory_space<vmem_shared>>
      %dma_wait3A_106 = arith.constant 0 : i32
      %dma_wait3A_107 = arith.constant 0 : i32
      %dma_wait3A_108 = tpu.memref_slice %arg8[%run_scoped3A_83, %dma_wait3A_106, %dma_wait3A_107] : memref<2x128x64xf32, #tpu.memory_space<vmem>> -> memref<1x128x64xf32, #tpu.memory_space<vmem>>
      %dma_wait3A_109 = tpu.memref_squeeze %dma_wait3A_108 : memref<1x128x64xf32, #tpu.memory_space<vmem>> -> memref<128x64xf32, #tpu.memory_space<vmem>>
      %dma_wait3A_110 = arith.constant 0 : i32
      %dma_wait3A_111 = tpu.memref_slice %arg9[%add3A_82, %dma_wait3A_110] : memref<10240x64xf32, #tpu.memory_space<vmem_shared>> -> memref<128x64xf32, #tpu.memory_space<vmem_shared>>
      tpu.wait_dma2 semaphore(%run_scoped3A_89 : memref<!tpu.dma_semaphore, #tpu.memory_space<semaphore_mem>>) src(%dma_wait3A_111 : memref<128x64xf32, #tpu.memory_space<vmem_shared>>) dst(%dma_wait3A_109 : memref<128x64xf32, #tpu.memory_space<vmem>>)
      tpu.yield
    }) : () -> ()
    %mul3A_84 = arith.constant 640 : i32
    %mul3A_85 = arith.muli %arg1, %mul3A_84 : i32
    %add3A_86 = arith.constant 512 : i32
    %add3A_87 = arith.addi %mul3A_85, %add3A_86 : i32
    %run_scoped3A_88 = arith.constant 0 : i32
    "tpu.region"() ({
      %run_scoped3A_89 = tpu.sem_alloc : memref<!tpu.dma_semaphore, #tpu.memory_space<semaphore_mem>>
      %dma_start3A = arith.constant 0 : i32
      %dma_start3A_90 = arith.constant 0 : i32
      %dma_start3A_91 = tpu.memref_slice %arg8[%run_scoped3A_88, %dma_start3A, %dma_start3A_90] : memref<2x128x64xf32, #tpu.memory_space<vmem>> -> memref<1x128x64xf32, #tpu.memory_space<vmem>>
      %dma_start3A_92 = tpu.memref_squeeze %dma_start3A_91 : memref<1x128x64xf32, #tpu.memory_space<vmem>> -> memref<128x64xf32, #tpu.memory_space<vmem>>
      %dma_start3A_93 = arith.constant 0 : i32
      %dma_start3A_94 = tpu.memref_slice %arg5[%arg0, %add3A_87, %dma_start3A_93] : memref<2x10240x64xf32, #tpu.memory_space<hbm>> -> memref<1x128x64xf32, #tpu.memory_space<hbm>>
      %dma_start3A_95 = tpu.memref_squeeze %dma_start3A_94 : memref<1x128x64xf32, #tpu.memory_space<hbm>> -> memref<128x64xf32, #tpu.memory_space<hbm>>
      %dma_start3A_96 = arith.constant 0 : i32
      %dma_start3A_97 = tpu.memref_slice %arg5[%arg0, %add3A_87, %dma_start3A_96] : memref<2x10240x64xf32, #tpu.memory_space<hbm>> -> memref<1x128x64xf32, #tpu.memory_space<hbm>>
      %dma_start3A_98 = tpu.memref_squeeze %dma_start3A_97 : memref<1x128x64xf32, #tpu.memory_space<hbm>> -> memref<128x64xf32, #tpu.memory_space<hbm>>
      %dma_start3A_99 = arith.constant 0 : i32
      %dma_start3A_100 = arith.constant 0 : i32
      %dma_start3A_101 = tpu.memref_slice %arg8[%run_scoped3A_88, %dma_start3A_99, %dma_start3A_100] : memref<2x128x64xf32, #tpu.memory_space<vmem>> -> memref<1x128x64xf32, #tpu.memory_space<vmem>>
      %dma_start3A_102 = tpu.memref_squeeze %dma_start3A_101 : memref<1x128x64xf32, #tpu.memory_space<vmem>> -> memref<128x64xf32, #tpu.memory_space<vmem>>
      tpu.enqueue_dma source(%dma_start3A_102 : memref<128x64xf32, #tpu.memory_space<vmem>>) target(%dma_start3A_98 : memref<128x64xf32, #tpu.memory_space<hbm>>) target_semaphore(%run_scoped3A_89 : memref<!tpu.dma_semaphore, #tpu.memory_space<semaphore_mem>>)
      %dma_wait3A = arith.constant 0 : i32
      %dma_wait3A_103 = arith.constant 0 : i32
      %dma_wait3A_104 = tpu.memref_slice %arg8[%run_scoped3A_88, %dma_wait3A, %dma_wait3A_103] : memref<2x128x64xf32, #tpu.memory_space<vmem>> -> memref<1x128x64xf32, #tpu.memory_space<vmem>>
      %dma_wait3A_105 = tpu.memref_squeeze %dma_wait3A_104 : memref<1x128x64xf32, #tpu.memory_space<vmem>> -> memref<128x64xf32, #tpu.memory_space<vmem>>
      %dma_wait3A_106 = arith.constant 0 : i32
      %dma_wait3A_107 = tpu.memref_slice %arg5[%arg0, %add3A_87, %dma_wait3A_106] : memref<2x10240x64xf32, #tpu.memory_space<hbm>> -> memref<1x128x64xf32, #tpu.memory_space<hbm>>
      %dma_wait3A_108 = tpu.memref_squeeze %dma_wait3A_107 : memref<1x128x64xf32, #tpu.memory_space<hbm>> -> memref<128x64xf32, #tpu.memory_space<hbm>>
      %dma_wait3A_109 = arith.constant 0 : i32
      %dma_wait3A_110 = tpu.memref_slice %arg5[%arg0, %add3A_87, %dma_wait3A_109] : memref<2x10240x64xf32, #tpu.memory_space<hbm>> -> memref<1x128x64xf32, #tpu.memory_space<hbm>>
      %dma_wait3A_111 = tpu.memref_squeeze %dma_wait3A_110 : memref<1x128x64xf32, #tpu.memory_space<hbm>> -> memref<128x64xf32, #tpu.memory_space<hbm>>
      %dma_wait3A_112 = arith.constant 0 : i32
      %dma_wait3A_113 = arith.constant 0 : i32
      %dma_wait3A_114 = tpu.memref_slice %arg8[%run_scoped3A_88, %dma_wait3A_112, %dma_wait3A_113] : memref<2x128x64xf32, #tpu.memory_space<vmem>> -> memref<1x128x64xf32, #tpu.memory_space<vmem>>
      %dma_wait3A_115 = tpu.memref_squeeze %dma_wait3A_114 : memref<1x128x64xf32, #tpu.memory_space<vmem>> -> memref<128x64xf32, #tpu.memory_space<vmem>>
      tpu.wait_dma2 semaphore(%run_scoped3A_89 : memref<!tpu.dma_semaphore, #tpu.memory_space<semaphore_mem>>) src(%dma_wait3A_115 : memref<128x64xf32, #tpu.memory_space<vmem>>) dst(%dma_wait3A_111 : memref<128x64xf32, #tpu.memory_space<hbm>>)
      tpu.yield
    }) : () -> ()
    return
  }
}

#map = affine_map<(d0, d1) -> (0, 0)>
#map1 = affine_map<(d0, d1) -> (0, 0, 0)>
module attributes {stable_mosaic.version = 14 : i64} {
  func.func @msg_kernel(%arg0: i32, %arg1: i32, %arg2: memref<10000x16xf32, #tpu.memory_space<hbm>>, %arg3: memref<2560x128xi32, #tpu.memory_space<hbm>>, %arg4: memref<2560x128xi32, #tpu.memory_space<hbm>>, %arg5: memref<2x10240x16xf32, #tpu.memory_space<hbm>>, %arg6: memref<8x128xi32, #tpu.memory_space<vmem>>, %arg7: memref<8x128xi32, #tpu.memory_space<vmem>>, %arg8: memref<2x128x16xf32, #tpu.memory_space<vmem>>, %arg9: memref<10240x16xf32, #tpu.memory_space<vmem_shared>>, %arg10: memref<!tpu.dma_semaphore, #tpu.memory_space<semaphore_mem>>, %arg11: memref<!tpu.dma_semaphore, #tpu.memory_space<semaphore_mem>>) attributes {dimension_semantics = [#tpu.dimension_semantics<core_parallel>, #tpu.dimension_semantics<subcore_parallel>], iteration_bounds = array<i64: 2, 16>, scalar_prefetch = 0 : i64, scratch_operands = 6 : i64, tpu.core_type = #tpu.core_type<sc_vector_subcore>, window_params = [{transform_indices = #map}, {transform_indices = #map}, {transform_indices = #map}, {transform_indices = #map1}]} {
    %mul3A = arith.constant 2 : i32
    %mul3A_0 = arith.muli %arg1, %mul3A : i32
    %add3A = arith.addi %mul3A_0, %arg0 : i32
    %scan3A = arith.constant 0 : i32
    %scan3A_1 = arith.constant 0 : i32
    %scan3A_2 = arith.constant 128 : i32
    %scan3A_3 = arith.addi %scan3A_1, %scan3A_2 : i32
    %scan3A_4 = arith.constant 1 : i32
    scf.for %scan3A_89 = %scan3A_1 to %scan3A_3 step %scan3A_4  : i32 {
      %broadcast_in_dim3A = arith.constant 0.000000e+00 : f32
      %broadcast_in_dim3A_90 = vector.broadcast %broadcast_in_dim3A : f32 to vector<16xf32>
      %swap3A = arith.constant 0 : i32
      %swap3A_91 = arith.index_cast %swap3A : i32 to index
      %swap3A_92 = arith.index_cast %scan3A_89 : i32 to index
      %swap3A_93 = arith.constant 0 : index
      %swap3A_94 = tpu.vector_load %arg8[%swap3A_91, %swap3A_92, %swap3A_93] {strides = array<i32>} : memref<2x128x16xf32, #tpu.memory_space<vmem>>, vector<1x1x16xf32>,
      %swap3A_95 = vector.shape_cast %swap3A_94 : vector<1x1x16xf32> to vector<16xf32>
      %swap3A_96 = vector.shape_cast %broadcast_in_dim3A_90 : vector<16xf32> to vector<1x1x16xf32>
      tpu.vector_store %arg8[%swap3A_91, %swap3A_92, %swap3A_93], %swap3A_96 {strides = array<i32>} : memref<2x128x16xf32, #tpu.memory_space<vmem>>, vector<1x1x16xf32>,
    }
    %scan3A_5 = arith.constant 128 : i32
    %mul3A_6 = arith.constant 640 : i32
    %mul3A_7 = arith.muli %arg1, %mul3A_6 : i32
    %add3A_8 = arith.constant 0 : i32
    %add3A_9 = arith.addi %mul3A_7, %add3A_8 : i32
    %run_scoped3A = arith.constant 0 : i32
    "tpu.region"() ({
      %run_scoped3A_89 = tpu.sem_alloc : memref<!tpu.dma_semaphore, #tpu.memory_space<semaphore_mem>>
      %dma_start3A = arith.constant 0 : i32
      %dma_start3A_90 = arith.constant 0 : i32
      %dma_start3A_91 = tpu.memref_slice %arg8[%run_scoped3A, %dma_start3A, %dma_start3A_90] : memref<2x128x16xf32, #tpu.memory_space<vmem>> -> memref<1x128x16xf32, #tpu.memory_space<vmem>>
      %dma_start3A_92 = tpu.memref_squeeze %dma_start3A_91 : memref<1x128x16xf32, #tpu.memory_space<vmem>> -> memref<128x16xf32, #tpu.memory_space<vmem>>
      %dma_start3A_93 = arith.constant 0 : i32
      %dma_start3A_94 = tpu.memref_slice %arg9[%add3A_9, %dma_start3A_93] : memref<10240x16xf32, #tpu.memory_space<vmem_shared>> -> memref<128x16xf32, #tpu.memory_space<vmem_shared>>
      %dma_start3A_95 = arith.constant 0 : i32
      %dma_start3A_96 = tpu.memref_slice %arg9[%add3A_9, %dma_start3A_95] : memref<10240x16xf32, #tpu.memory_space<vmem_shared>> -> memref<128x16xf32, #tpu.memory_space<vmem_shared>>
      %dma_start3A_97 = arith.constant 0 : i32
      %dma_start3A_98 = arith.constant 0 : i32
      %dma_start3A_99 = tpu.memref_slice %arg8[%run_scoped3A, %dma_start3A_97, %dma_start3A_98] : memref<2x128x16xf32, #tpu.memory_space<vmem>> -> memref<1x128x16xf32, #tpu.memory_space<vmem>>
      %dma_start3A_100 = tpu.memref_squeeze %dma_start3A_99 : memref<1x128x16xf32, #tpu.memory_space<vmem>> -> memref<128x16xf32, #tpu.memory_space<vmem>>
      tpu.enqueue_dma source(%dma_start3A_100 : memref<128x16xf32, #tpu.memory_space<vmem>>) target(%dma_start3A_96 : memref<128x16xf32, #tpu.memory_space<vmem_shared>>) target_semaphore(%run_scoped3A_89 : memref<!tpu.dma_semaphore, #tpu.memory_space<semaphore_mem>>)
      %dma_wait3A = arith.constant 0 : i32
      %dma_wait3A_101 = arith.constant 0 : i32
      %dma_wait3A_102 = tpu.memref_slice %arg8[%run_scoped3A, %dma_wait3A, %dma_wait3A_101] : memref<2x128x16xf32, #tpu.memory_space<vmem>> -> memref<1x128x16xf32, #tpu.memory_space<vmem>>
      %dma_wait3A_103 = tpu.memref_squeeze %dma_wait3A_102 : memref<1x128x16xf32, #tpu.memory_space<vmem>> -> memref<128x16xf32, #tpu.memory_space<vmem>>
      %dma_wait3A_104 = arith.constant 0 : i32
      %dma_wait3A_105 = tpu.memref_slice %arg9[%add3A_9, %dma_wait3A_104] : memref<10240x16xf32, #tpu.memory_space<vmem_shared>> -> memref<128x16xf32, #tpu.memory_space<vmem_shared>>
      %dma_wait3A_106 = arith.constant 0 : i32
      %dma_wait3A_107 = tpu.memref_slice %arg9[%add3A_9, %dma_wait3A_106] : memref<10240x16xf32, #tpu.memory_space<vmem_shared>> -> memref<128x16xf32, #tpu.memory_space<vmem_shared>>
      %dma_wait3A_108 = arith.constant 0 : i32
      %dma_wait3A_109 = arith.constant 0 : i32
      %dma_wait3A_110 = tpu.memref_slice %arg8[%run_scoped3A, %dma_wait3A_108, %dma_wait3A_109] : memref<2x128x16xf32, #tpu.memory_space<vmem>> -> memref<1x128x16xf32, #tpu.memory_space<vmem>>
      %dma_wait3A_111 = tpu.memref_squeeze %dma_wait3A_110 : memref<1x128x16xf32, #tpu.memory_space<vmem>> -> memref<128x16xf32, #tpu.memory_space<vmem>>
      tpu.wait_dma2 semaphore(%run_scoped3A_89 : memref<!tpu.dma_semaphore, #tpu.memory_space<semaphore_mem>>) src(%dma_wait3A_111 : memref<128x16xf32, #tpu.memory_space<vmem>>) dst(%dma_wait3A_107 : memref<128x16xf32, #tpu.memory_space<vmem_shared>>)
      tpu.yield
    }) : () -> ()
    %mul3A_10 = arith.constant 640 : i32
    %mul3A_11 = arith.muli %arg1, %mul3A_10 : i32
    %add3A_12 = arith.constant 128 : i32
    %add3A_13 = arith.addi %mul3A_11, %add3A_12 : i32
    %run_scoped3A_14 = arith.constant 0 : i32
    "tpu.region"() ({
      %run_scoped3A_89 = tpu.sem_alloc : memref<!tpu.dma_semaphore, #tpu.memory_space<semaphore_mem>>
      %dma_start3A = arith.constant 0 : i32
      %dma_start3A_90 = arith.constant 0 : i32
      %dma_start3A_91 = tpu.memref_slice %arg8[%run_scoped3A_14, %dma_start3A, %dma_start3A_90] : memref<2x128x16xf32, #tpu.memory_space<vmem>> -> memref<1x128x16xf32, #tpu.memory_space<vmem>>
      %dma_start3A_92 = tpu.memref_squeeze %dma_start3A_91 : memref<1x128x16xf32, #tpu.memory_space<vmem>> -> memref<128x16xf32, #tpu.memory_space<vmem>>
      %dma_start3A_93 = arith.constant 0 : i32
      %dma_start3A_94 = tpu.memref_slice %arg9[%add3A_13, %dma_start3A_93] : memref<10240x16xf32, #tpu.memory_space<vmem_shared>> -> memref<128x16xf32, #tpu.memory_space<vmem_shared>>
      %dma_start3A_95 = arith.constant 0 : i32
      %dma_start3A_96 = tpu.memref_slice %arg9[%add3A_13, %dma_start3A_95] : memref<10240x16xf32, #tpu.memory_space<vmem_shared>> -> memref<128x16xf32, #tpu.memory_space<vmem_shared>>
      %dma_start3A_97 = arith.constant 0 : i32
      %dma_start3A_98 = arith.constant 0 : i32
      %dma_start3A_99 = tpu.memref_slice %arg8[%run_scoped3A_14, %dma_start3A_97, %dma_start3A_98] : memref<2x128x16xf32, #tpu.memory_space<vmem>> -> memref<1x128x16xf32, #tpu.memory_space<vmem>>
      %dma_start3A_100 = tpu.memref_squeeze %dma_start3A_99 : memref<1x128x16xf32, #tpu.memory_space<vmem>> -> memref<128x16xf32, #tpu.memory_space<vmem>>
      tpu.enqueue_dma source(%dma_start3A_100 : memref<128x16xf32, #tpu.memory_space<vmem>>) target(%dma_start3A_96 : memref<128x16xf32, #tpu.memory_space<vmem_shared>>) target_semaphore(%run_scoped3A_89 : memref<!tpu.dma_semaphore, #tpu.memory_space<semaphore_mem>>)
      %dma_wait3A = arith.constant 0 : i32
      %dma_wait3A_101 = arith.constant 0 : i32
      %dma_wait3A_102 = tpu.memref_slice %arg8[%run_scoped3A_14, %dma_wait3A, %dma_wait3A_101] : memref<2x128x16xf32, #tpu.memory_space<vmem>> -> memref<1x128x16xf32, #tpu.memory_space<vmem>>
      %dma_wait3A_103 = tpu.memref_squeeze %dma_wait3A_102 : memref<1x128x16xf32, #tpu.memory_space<vmem>> -> memref<128x16xf32, #tpu.memory_space<vmem>>
      %dma_wait3A_104 = arith.constant 0 : i32
      %dma_wait3A_105 = tpu.memref_slice %arg9[%add3A_13, %dma_wait3A_104] : memref<10240x16xf32, #tpu.memory_space<vmem_shared>> -> memref<128x16xf32, #tpu.memory_space<vmem_shared>>
      %dma_wait3A_106 = arith.constant 0 : i32
      %dma_wait3A_107 = tpu.memref_slice %arg9[%add3A_13, %dma_wait3A_106] : memref<10240x16xf32, #tpu.memory_space<vmem_shared>> -> memref<128x16xf32, #tpu.memory_space<vmem_shared>>
      %dma_wait3A_108 = arith.constant 0 : i32
      %dma_wait3A_109 = arith.constant 0 : i32
      %dma_wait3A_110 = tpu.memref_slice %arg8[%run_scoped3A_14, %dma_wait3A_108, %dma_wait3A_109] : memref<2x128x16xf32, #tpu.memory_space<vmem>> -> memref<1x128x16xf32, #tpu.memory_space<vmem>>
      %dma_wait3A_111 = tpu.memref_squeeze %dma_wait3A_110 : memref<1x128x16xf32, #tpu.memory_space<vmem>> -> memref<128x16xf32, #tpu.memory_space<vmem>>
      tpu.wait_dma2 semaphore(%run_scoped3A_89 : memref<!tpu.dma_semaphore, #tpu.memory_space<semaphore_mem>>) src(%dma_wait3A_111 : memref<128x16xf32, #tpu.memory_space<vmem>>) dst(%dma_wait3A_107 : memref<128x16xf32, #tpu.memory_space<vmem_shared>>)
      tpu.yield
    }) : () -> ()
    %mul3A_15 = arith.constant 640 : i32
    %mul3A_16 = arith.muli %arg1, %mul3A_15 : i32
    %add3A_17 = arith.constant 256 : i32
    %add3A_18 = arith.addi %mul3A_16, %add3A_17 : i32
    %run_scoped3A_19 = arith.constant 0 : i32
    "tpu.region"() ({
      %run_scoped3A_89 = tpu.sem_alloc : memref<!tpu.dma_semaphore, #tpu.memory_space<semaphore_mem>>
      %dma_start3A = arith.constant 0 : i32
      %dma_start3A_90 = arith.constant 0 : i32
      %dma_start3A_91 = tpu.memref_slice %arg8[%run_scoped3A_19, %dma_start3A, %dma_start3A_90] : memref<2x128x16xf32, #tpu.memory_space<vmem>> -> memref<1x128x16xf32, #tpu.memory_space<vmem>>
      %dma_start3A_92 = tpu.memref_squeeze %dma_start3A_91 : memref<1x128x16xf32, #tpu.memory_space<vmem>> -> memref<128x16xf32, #tpu.memory_space<vmem>>
      %dma_start3A_93 = arith.constant 0 : i32
      %dma_start3A_94 = tpu.memref_slice %arg9[%add3A_18, %dma_start3A_93] : memref<10240x16xf32, #tpu.memory_space<vmem_shared>> -> memref<128x16xf32, #tpu.memory_space<vmem_shared>>
      %dma_start3A_95 = arith.constant 0 : i32
      %dma_start3A_96 = tpu.memref_slice %arg9[%add3A_18, %dma_start3A_95] : memref<10240x16xf32, #tpu.memory_space<vmem_shared>> -> memref<128x16xf32, #tpu.memory_space<vmem_shared>>
      %dma_start3A_97 = arith.constant 0 : i32
      %dma_start3A_98 = arith.constant 0 : i32
      %dma_start3A_99 = tpu.memref_slice %arg8[%run_scoped3A_19, %dma_start3A_97, %dma_start3A_98] : memref<2x128x16xf32, #tpu.memory_space<vmem>> -> memref<1x128x16xf32, #tpu.memory_space<vmem>>
      %dma_start3A_100 = tpu.memref_squeeze %dma_start3A_99 : memref<1x128x16xf32, #tpu.memory_space<vmem>> -> memref<128x16xf32, #tpu.memory_space<vmem>>
      tpu.enqueue_dma source(%dma_start3A_100 : memref<128x16xf32, #tpu.memory_space<vmem>>) target(%dma_start3A_96 : memref<128x16xf32, #tpu.memory_space<vmem_shared>>) target_semaphore(%run_scoped3A_89 : memref<!tpu.dma_semaphore, #tpu.memory_space<semaphore_mem>>)
      %dma_wait3A = arith.constant 0 : i32
      %dma_wait3A_101 = arith.constant 0 : i32
      %dma_wait3A_102 = tpu.memref_slice %arg8[%run_scoped3A_19, %dma_wait3A, %dma_wait3A_101] : memref<2x128x16xf32, #tpu.memory_space<vmem>> -> memref<1x128x16xf32, #tpu.memory_space<vmem>>
      %dma_wait3A_103 = tpu.memref_squeeze %dma_wait3A_102 : memref<1x128x16xf32, #tpu.memory_space<vmem>> -> memref<128x16xf32, #tpu.memory_space<vmem>>
      %dma_wait3A_104 = arith.constant 0 : i32
      %dma_wait3A_105 = tpu.memref_slice %arg9[%add3A_18, %dma_wait3A_104] : memref<10240x16xf32, #tpu.memory_space<vmem_shared>> -> memref<128x16xf32, #tpu.memory_space<vmem_shared>>
      %dma_wait3A_106 = arith.constant 0 : i32
      %dma_wait3A_107 = tpu.memref_slice %arg9[%add3A_18, %dma_wait3A_106] : memref<10240x16xf32, #tpu.memory_space<vmem_shared>> -> memref<128x16xf32, #tpu.memory_space<vmem_shared>>
      %dma_wait3A_108 = arith.constant 0 : i32
      %dma_wait3A_109 = arith.constant 0 : i32
      %dma_wait3A_110 = tpu.memref_slice %arg8[%run_scoped3A_19, %dma_wait3A_108, %dma_wait3A_109] : memref<2x128x16xf32, #tpu.memory_space<vmem>> -> memref<1x128x16xf32, #tpu.memory_space<vmem>>
      %dma_wait3A_111 = tpu.memref_squeeze %dma_wait3A_110 : memref<1x128x16xf32, #tpu.memory_space<vmem>> -> memref<128x16xf32, #tpu.memory_space<vmem>>
      tpu.wait_dma2 semaphore(%run_scoped3A_89 : memref<!tpu.dma_semaphore, #tpu.memory_space<semaphore_mem>>) src(%dma_wait3A_111 : memref<128x16xf32, #tpu.memory_space<vmem>>) dst(%dma_wait3A_107 : memref<128x16xf32, #tpu.memory_space<vmem_shared>>)
      tpu.yield
    }) : () -> ()
    %mul3A_20 = arith.constant 640 : i32
    %mul3A_21 = arith.muli %arg1, %mul3A_20 : i32
    %add3A_22 = arith.constant 384 : i32
    %add3A_23 = arith.addi %mul3A_21, %add3A_22 : i32
    %run_scoped3A_24 = arith.constant 0 : i32
    "tpu.region"() ({
      %run_scoped3A_89 = tpu.sem_alloc : memref<!tpu.dma_semaphore, #tpu.memory_space<semaphore_mem>>
      %dma_start3A = arith.constant 0 : i32
      %dma_start3A_90 = arith.constant 0 : i32
      %dma_start3A_91 = tpu.memref_slice %arg8[%run_scoped3A_24, %dma_start3A, %dma_start3A_90] : memref<2x128x16xf32, #tpu.memory_space<vmem>> -> memref<1x128x16xf32, #tpu.memory_space<vmem>>
      %dma_start3A_92 = tpu.memref_squeeze %dma_start3A_91 : memref<1x128x16xf32, #tpu.memory_space<vmem>> -> memref<128x16xf32, #tpu.memory_space<vmem>>
      %dma_start3A_93 = arith.constant 0 : i32
      %dma_start3A_94 = tpu.memref_slice %arg9[%add3A_23, %dma_start3A_93] : memref<10240x16xf32, #tpu.memory_space<vmem_shared>> -> memref<128x16xf32, #tpu.memory_space<vmem_shared>>
      %dma_start3A_95 = arith.constant 0 : i32
      %dma_start3A_96 = tpu.memref_slice %arg9[%add3A_23, %dma_start3A_95] : memref<10240x16xf32, #tpu.memory_space<vmem_shared>> -> memref<128x16xf32, #tpu.memory_space<vmem_shared>>
      %dma_start3A_97 = arith.constant 0 : i32
      %dma_start3A_98 = arith.constant 0 : i32
      %dma_start3A_99 = tpu.memref_slice %arg8[%run_scoped3A_24, %dma_start3A_97, %dma_start3A_98] : memref<2x128x16xf32, #tpu.memory_space<vmem>> -> memref<1x128x16xf32, #tpu.memory_space<vmem>>
      %dma_start3A_100 = tpu.memref_squeeze %dma_start3A_99 : memref<1x128x16xf32, #tpu.memory_space<vmem>> -> memref<128x16xf32, #tpu.memory_space<vmem>>
      tpu.enqueue_dma source(%dma_start3A_100 : memref<128x16xf32, #tpu.memory_space<vmem>>) target(%dma_start3A_96 : memref<128x16xf32, #tpu.memory_space<vmem_shared>>) target_semaphore(%run_scoped3A_89 : memref<!tpu.dma_semaphore, #tpu.memory_space<semaphore_mem>>)
      %dma_wait3A = arith.constant 0 : i32
      %dma_wait3A_101 = arith.constant 0 : i32
      %dma_wait3A_102 = tpu.memref_slice %arg8[%run_scoped3A_24, %dma_wait3A, %dma_wait3A_101] : memref<2x128x16xf32, #tpu.memory_space<vmem>> -> memref<1x128x16xf32, #tpu.memory_space<vmem>>
      %dma_wait3A_103 = tpu.memref_squeeze %dma_wait3A_102 : memref<1x128x16xf32, #tpu.memory_space<vmem>> -> memref<128x16xf32, #tpu.memory_space<vmem>>
      %dma_wait3A_104 = arith.constant 0 : i32
      %dma_wait3A_105 = tpu.memref_slice %arg9[%add3A_23, %dma_wait3A_104] : memref<10240x16xf32, #tpu.memory_space<vmem_shared>> -> memref<128x16xf32, #tpu.memory_space<vmem_shared>>
      %dma_wait3A_106 = arith.constant 0 : i32
      %dma_wait3A_107 = tpu.memref_slice %arg9[%add3A_23, %dma_wait3A_106] : memref<10240x16xf32, #tpu.memory_space<vmem_shared>> -> memref<128x16xf32, #tpu.memory_space<vmem_shared>>
      %dma_wait3A_108 = arith.constant 0 : i32
      %dma_wait3A_109 = arith.constant 0 : i32
      %dma_wait3A_110 = tpu.memref_slice %arg8[%run_scoped3A_24, %dma_wait3A_108, %dma_wait3A_109] : memref<2x128x16xf32, #tpu.memory_space<vmem>> -> memref<1x128x16xf32, #tpu.memory_space<vmem>>
      %dma_wait3A_111 = tpu.memref_squeeze %dma_wait3A_110 : memref<1x128x16xf32, #tpu.memory_space<vmem>> -> memref<128x16xf32, #tpu.memory_space<vmem>>
      tpu.wait_dma2 semaphore(%run_scoped3A_89 : memref<!tpu.dma_semaphore, #tpu.memory_space<semaphore_mem>>) src(%dma_wait3A_111 : memref<128x16xf32, #tpu.memory_space<vmem>>) dst(%dma_wait3A_107 : memref<128x16xf32, #tpu.memory_space<vmem_shared>>)
      tpu.yield
    }) : () -> ()
    %mul3A_25 = arith.constant 640 : i32
    %mul3A_26 = arith.muli %arg1, %mul3A_25 : i32
    %add3A_27 = arith.constant 512 : i32
    %add3A_28 = arith.addi %mul3A_26, %add3A_27 : i32
    %run_scoped3A_29 = arith.constant 0 : i32
    "tpu.region"() ({
      %run_scoped3A_89 = tpu.sem_alloc : memref<!tpu.dma_semaphore, #tpu.memory_space<semaphore_mem>>
      %dma_start3A = arith.constant 0 : i32
      %dma_start3A_90 = arith.constant 0 : i32
      %dma_start3A_91 = tpu.memref_slice %arg8[%run_scoped3A_29, %dma_start3A, %dma_start3A_90] : memref<2x128x16xf32, #tpu.memory_space<vmem>> -> memref<1x128x16xf32, #tpu.memory_space<vmem>>
      %dma_start3A_92 = tpu.memref_squeeze %dma_start3A_91 : memref<1x128x16xf32, #tpu.memory_space<vmem>> -> memref<128x16xf32, #tpu.memory_space<vmem>>
      %dma_start3A_93 = arith.constant 0 : i32
      %dma_start3A_94 = tpu.memref_slice %arg9[%add3A_28, %dma_start3A_93] : memref<10240x16xf32, #tpu.memory_space<vmem_shared>> -> memref<128x16xf32, #tpu.memory_space<vmem_shared>>
      %dma_start3A_95 = arith.constant 0 : i32
      %dma_start3A_96 = tpu.memref_slice %arg9[%add3A_28, %dma_start3A_95] : memref<10240x16xf32, #tpu.memory_space<vmem_shared>> -> memref<128x16xf32, #tpu.memory_space<vmem_shared>>
      %dma_start3A_97 = arith.constant 0 : i32
      %dma_start3A_98 = arith.constant 0 : i32
      %dma_start3A_99 = tpu.memref_slice %arg8[%run_scoped3A_29, %dma_start3A_97, %dma_start3A_98] : memref<2x128x16xf32, #tpu.memory_space<vmem>> -> memref<1x128x16xf32, #tpu.memory_space<vmem>>
      %dma_start3A_100 = tpu.memref_squeeze %dma_start3A_99 : memref<1x128x16xf32, #tpu.memory_space<vmem>> -> memref<128x16xf32, #tpu.memory_space<vmem>>
      tpu.enqueue_dma source(%dma_start3A_100 : memref<128x16xf32, #tpu.memory_space<vmem>>) target(%dma_start3A_96 : memref<128x16xf32, #tpu.memory_space<vmem_shared>>) target_semaphore(%run_scoped3A_89 : memref<!tpu.dma_semaphore, #tpu.memory_space<semaphore_mem>>)
      %dma_wait3A = arith.constant 0 : i32
      %dma_wait3A_101 = arith.constant 0 : i32
      %dma_wait3A_102 = tpu.memref_slice %arg8[%run_scoped3A_29, %dma_wait3A, %dma_wait3A_101] : memref<2x128x16xf32, #tpu.memory_space<vmem>> -> memref<1x128x16xf32, #tpu.memory_space<vmem>>
      %dma_wait3A_103 = tpu.memref_squeeze %dma_wait3A_102 : memref<1x128x16xf32, #tpu.memory_space<vmem>> -> memref<128x16xf32, #tpu.memory_space<vmem>>
      %dma_wait3A_104 = arith.constant 0 : i32
      %dma_wait3A_105 = tpu.memref_slice %arg9[%add3A_28, %dma_wait3A_104] : memref<10240x16xf32, #tpu.memory_space<vmem_shared>> -> memref<128x16xf32, #tpu.memory_space<vmem_shared>>
      %dma_wait3A_106 = arith.constant 0 : i32
      %dma_wait3A_107 = tpu.memref_slice %arg9[%add3A_28, %dma_wait3A_106] : memref<10240x16xf32, #tpu.memory_space<vmem_shared>> -> memref<128x16xf32, #tpu.memory_space<vmem_shared>>
      %dma_wait3A_108 = arith.constant 0 : i32
      %dma_wait3A_109 = arith.constant 0 : i32
      %dma_wait3A_110 = tpu.memref_slice %arg8[%run_scoped3A_29, %dma_wait3A_108, %dma_wait3A_109] : memref<2x128x16xf32, #tpu.memory_space<vmem>> -> memref<1x128x16xf32, #tpu.memory_space<vmem>>
      %dma_wait3A_111 = tpu.memref_squeeze %dma_wait3A_110 : memref<1x128x16xf32, #tpu.memory_space<vmem>> -> memref<128x16xf32, #tpu.memory_space<vmem>>
      tpu.wait_dma2 semaphore(%run_scoped3A_89 : memref<!tpu.dma_semaphore, #tpu.memory_space<semaphore_mem>>) src(%dma_wait3A_111 : memref<128x16xf32, #tpu.memory_space<vmem>>) dst(%dma_wait3A_107 : memref<128x16xf32, #tpu.memory_space<vmem_shared>>)
      tpu.yield
    }) : () -> ()
    %barrier3A = arith.constant 0 : index
    tpu.barrier barrier_id(%barrier3A)
    %mul3A_30 = arith.constant 80 : i32
    %mul3A_31 = arith.muli %add3A, %mul3A_30 : i32
    %scan3A_32 = arith.constant 0 : i32
    %scan3A_33 = arith.constant 0 : i32
    %scan3A_34 = arith.constant 10 : i32
    %scan3A_35 = arith.addi %scan3A_33, %scan3A_34 : i32
    %scan3A_36 = arith.constant 1 : i32
    scf.for %scan3A_89 = %scan3A_33 to %scan3A_35 step %scan3A_36  : i32 {
      %mul3A_90 = arith.constant 8 : i32
      %mul3A_91 = arith.muli %scan3A_89, %mul3A_90 : i32
      %add3A_92 = arith.addi %mul3A_31, %mul3A_91 : i32
      "tpu.region"() ({
        %run_scoped3A_302 = tpu.sem_alloc : memref<!tpu.dma_semaphore, #tpu.memory_space<semaphore_mem>>
        %dma_start3A_303 = arith.constant 0 : i32
        %dma_start3A_304 = tpu.memref_slice %arg3[%add3A_92, %dma_start3A_303] : memref<2560x128xi32, #tpu.memory_space<hbm>> -> memref<8x128xi32, #tpu.memory_space<hbm>>
        %dma_start3A_305 = arith.constant 0 : i32
        %dma_start3A_306 = tpu.memref_slice %arg3[%add3A_92, %dma_start3A_305] : memref<2560x128xi32, #tpu.memory_space<hbm>> -> memref<8x128xi32, #tpu.memory_space<hbm>>
        tpu.enqueue_dma source(%dma_start3A_306 : memref<8x128xi32, #tpu.memory_space<hbm>>) target(%arg6 : memref<8x128xi32, #tpu.memory_space<vmem>>) target_semaphore(%run_scoped3A_302 : memref<!tpu.dma_semaphore, #tpu.memory_space<semaphore_mem>>)
        %dma_wait3A_307 = arith.constant 0 : i32
        %dma_wait3A_308 = tpu.memref_slice %arg3[%add3A_92, %dma_wait3A_307] : memref<2560x128xi32, #tpu.memory_space<hbm>> -> memref<8x128xi32, #tpu.memory_space<hbm>>
        %dma_wait3A_309 = arith.constant 0 : i32
        %dma_wait3A_310 = tpu.memref_slice %arg3[%add3A_92, %dma_wait3A_309] : memref<2560x128xi32, #tpu.memory_space<hbm>> -> memref<8x128xi32, #tpu.memory_space<hbm>>
        tpu.wait_dma2 semaphore(%run_scoped3A_302 : memref<!tpu.dma_semaphore, #tpu.memory_space<semaphore_mem>>) src(%dma_wait3A_310 : memref<8x128xi32, #tpu.memory_space<hbm>>) dst(%arg6 : memref<8x128xi32, #tpu.memory_space<vmem>>)
        tpu.yield
      }) : () -> ()
      %mul3A_93 = arith.constant 8 : i32
      %mul3A_94 = arith.muli %scan3A_89, %mul3A_93 : i32
      %add3A_95 = arith.addi %mul3A_31, %mul3A_94 : i32
      "tpu.region"() ({
        %run_scoped3A_302 = tpu.sem_alloc : memref<!tpu.dma_semaphore, #tpu.memory_space<semaphore_mem>>
        %dma_start3A_303 = arith.constant 0 : i32
        %dma_start3A_304 = tpu.memref_slice %arg4[%add3A_95, %dma_start3A_303] : memref<2560x128xi32, #tpu.memory_space<hbm>> -> memref<8x128xi32, #tpu.memory_space<hbm>>
        %dma_start3A_305 = arith.constant 0 : i32
        %dma_start3A_306 = tpu.memref_slice %arg4[%add3A_95, %dma_start3A_305] : memref<2560x128xi32, #tpu.memory_space<hbm>> -> memref<8x128xi32, #tpu.memory_space<hbm>>
        tpu.enqueue_dma source(%dma_start3A_306 : memref<8x128xi32, #tpu.memory_space<hbm>>) target(%arg7 : memref<8x128xi32, #tpu.memory_space<vmem>>) target_semaphore(%run_scoped3A_302 : memref<!tpu.dma_semaphore, #tpu.memory_space<semaphore_mem>>)
        %dma_wait3A_307 = arith.constant 0 : i32
        %dma_wait3A_308 = tpu.memref_slice %arg4[%add3A_95, %dma_wait3A_307] : memref<2560x128xi32, #tpu.memory_space<hbm>> -> memref<8x128xi32, #tpu.memory_space<hbm>>
        %dma_wait3A_309 = arith.constant 0 : i32
        %dma_wait3A_310 = tpu.memref_slice %arg4[%add3A_95, %dma_wait3A_309] : memref<2560x128xi32, #tpu.memory_space<hbm>> -> memref<8x128xi32, #tpu.memory_space<hbm>>
        tpu.wait_dma2 semaphore(%run_scoped3A_302 : memref<!tpu.dma_semaphore, #tpu.memory_space<semaphore_mem>>) src(%dma_wait3A_310 : memref<8x128xi32, #tpu.memory_space<hbm>>) dst(%arg7 : memref<8x128xi32, #tpu.memory_space<vmem>>)
        tpu.yield
      }) : () -> ()
      %dma_start3A = arith.constant 0 : i32
      %dma_start3A_96 = arith.constant 0 : i32
      %dma_start3A_97 = arith.constant 0 : i32
      %dma_start3A_98 = arith.constant 0 : i32
      %dma_start3A_99 = tpu.memref_slice %arg8[%dma_start3A_96, %dma_start3A_97, %dma_start3A_98] : memref<2x128x16xf32, #tpu.memory_space<vmem>> -> memref<1x128x16xf32, #tpu.memory_space<vmem>>
      %dma_start3A_100 = tpu.memref_squeeze %dma_start3A_99 : memref<1x128x16xf32, #tpu.memory_space<vmem>> -> memref<128x16xf32, #tpu.memory_space<vmem>>
      %dma_start3A_101 = arith.constant 0 : i32
      %dma_start3A_102 = tpu.memref_slice %arg6[%dma_start3A, %dma_start3A_101] : memref<8x128xi32, #tpu.memory_space<vmem>> -> memref<1x128xi32, #tpu.memory_space<vmem>>
      %dma_start3A_103 = tpu.memref_squeeze %dma_start3A_102 : memref<1x128xi32, #tpu.memory_space<vmem>> -> memref<128xi32, #tpu.memory_space<vmem>>
      %dma_start3A_104 = arith.constant 0 : i32
      %dma_start3A_105 = arith.constant 0 : i32
      %dma_start3A_106 = tpu.memref_slice %arg2[%dma_start3A_104, %dma_start3A_105] : memref<10000x16xf32, #tpu.memory_space<hbm>> -> memref<10000x16xf32, #tpu.memory_space<hbm>>
      tpu.enqueue_indirect_dma source(%dma_start3A_106 : memref<10000x16xf32, #tpu.memory_space<hbm>>) target(%dma_start3A_100 : memref<128x16xf32, #tpu.memory_space<vmem>>) offsets(%dma_start3A_103 : memref<128xi32, #tpu.memory_space<vmem>>) semaphore(%arg10 : memref<!tpu.dma_semaphore, #tpu.memory_space<semaphore_mem>>)
      %dma_start3A_107 = arith.constant 1 : i32
      %dma_start3A_108 = arith.constant 1 : i32
      %dma_start3A_109 = arith.constant 0 : i32
      %dma_start3A_110 = arith.constant 0 : i32
      %dma_start3A_111 = tpu.memref_slice %arg8[%dma_start3A_108, %dma_start3A_109, %dma_start3A_110] : memref<2x128x16xf32, #tpu.memory_space<vmem>> -> memref<1x128x16xf32, #tpu.memory_space<vmem>>
      %dma_start3A_112 = tpu.memref_squeeze %dma_start3A_111 : memref<1x128x16xf32, #tpu.memory_space<vmem>> -> memref<128x16xf32, #tpu.memory_space<vmem>>
      %dma_start3A_113 = arith.constant 0 : i32
      %dma_start3A_114 = tpu.memref_slice %arg6[%dma_start3A_107, %dma_start3A_113] : memref<8x128xi32, #tpu.memory_space<vmem>> -> memref<1x128xi32, #tpu.memory_space<vmem>>
      %dma_start3A_115 = tpu.memref_squeeze %dma_start3A_114 : memref<1x128xi32, #tpu.memory_space<vmem>> -> memref<128xi32, #tpu.memory_space<vmem>>
      %dma_start3A_116 = arith.constant 0 : i32
      %dma_start3A_117 = arith.constant 0 : i32
      %dma_start3A_118 = tpu.memref_slice %arg2[%dma_start3A_116, %dma_start3A_117] : memref<10000x16xf32, #tpu.memory_space<hbm>> -> memref<10000x16xf32, #tpu.memory_space<hbm>>
      tpu.enqueue_indirect_dma source(%dma_start3A_118 : memref<10000x16xf32, #tpu.memory_space<hbm>>) target(%dma_start3A_112 : memref<128x16xf32, #tpu.memory_space<vmem>>) offsets(%dma_start3A_115 : memref<128xi32, #tpu.memory_space<vmem>>) semaphore(%arg11 : memref<!tpu.dma_semaphore, #tpu.memory_space<semaphore_mem>>)
      %dma_wait3A = arith.constant 0 : i32
      %dma_wait3A_119 = arith.constant 0 : i32
      %dma_wait3A_120 = arith.constant 0 : i32
      %dma_wait3A_121 = arith.constant 0 : i32
      %dma_wait3A_122 = tpu.memref_slice %arg8[%dma_wait3A_119, %dma_wait3A_120, %dma_wait3A_121] : memref<2x128x16xf32, #tpu.memory_space<vmem>> -> memref<1x128x16xf32, #tpu.memory_space<vmem>>
      %dma_wait3A_123 = tpu.memref_squeeze %dma_wait3A_122 : memref<1x128x16xf32, #tpu.memory_space<vmem>> -> memref<128x16xf32, #tpu.memory_space<vmem>>
      %dma_wait3A_124 = arith.constant 0 : i32
      %dma_wait3A_125 = tpu.memref_slice %arg6[%dma_wait3A, %dma_wait3A_124] : memref<8x128xi32, #tpu.memory_space<vmem>> -> memref<1x128xi32, #tpu.memory_space<vmem>>
      %dma_wait3A_126 = tpu.memref_squeeze %dma_wait3A_125 : memref<1x128xi32, #tpu.memory_space<vmem>> -> memref<128xi32, #tpu.memory_space<vmem>>
      %dma_wait3A_127 = arith.constant 0 : i32
      %dma_wait3A_128 = arith.constant 0 : i32
      %dma_wait3A_129 = tpu.memref_slice %arg2[%dma_wait3A_127, %dma_wait3A_128] : memref<10000x16xf32, #tpu.memory_space<hbm>> -> memref<10000x16xf32, #tpu.memory_space<hbm>>
      tpu.wait_indirect_dma semaphore(%arg10 : memref<!tpu.dma_semaphore, #tpu.memory_space<semaphore_mem>>) src(%dma_wait3A_129 : memref<10000x16xf32, #tpu.memory_space<hbm>>) dst(%dma_wait3A_123 : memref<128x16xf32, #tpu.memory_space<vmem>>)
      %run_scoped3A_130 = arith.constant 0 : i32
      %run_scoped3A_131 = arith.constant 0 : i32
      "tpu.region"() ({
        %run_scoped3A_302 = tpu.sem_alloc : memref<!tpu.dma_semaphore, #tpu.memory_space<semaphore_mem>>
        %dma_start3A_303 = arith.constant 0 : i32
        %dma_start3A_304 = arith.constant 0 : i32
        %dma_start3A_305 = tpu.memref_slice %arg8[%run_scoped3A_130, %dma_start3A_303, %dma_start3A_304] : memref<2x128x16xf32, #tpu.memory_space<vmem>> -> memref<1x128x16xf32, #tpu.memory_space<vmem>>
        %dma_start3A_306 = tpu.memref_squeeze %dma_start3A_305 : memref<1x128x16xf32, #tpu.memory_space<vmem>> -> memref<128x16xf32, #tpu.memory_space<vmem>>
        %dma_start3A_307 = arith.constant 0 : i32
        %dma_start3A_308 = tpu.memref_slice %arg7[%run_scoped3A_131, %dma_start3A_307] : memref<8x128xi32, #tpu.memory_space<vmem>> -> memref<1x128xi32, #tpu.memory_space<vmem>>
        %dma_start3A_309 = tpu.memref_squeeze %dma_start3A_308 : memref<1x128xi32, #tpu.memory_space<vmem>> -> memref<128xi32, #tpu.memory_space<vmem>>
        %dma_start3A_310 = arith.constant 0 : i32
        %dma_start3A_311 = arith.constant 0 : i32
        %dma_start3A_312 = tpu.memref_slice %arg9[%dma_start3A_310, %dma_start3A_311] : memref<10240x16xf32, #tpu.memory_space<vmem_shared>> -> memref<10240x16xf32, #tpu.memory_space<vmem_shared>>
        tpu.enqueue_indirect_dma source(%dma_start3A_306 : memref<128x16xf32, #tpu.memory_space<vmem>>) target(%dma_start3A_312 : memref<10240x16xf32, #tpu.memory_space<vmem_shared>>) offsets(%dma_start3A_309 : memref<128xi32, #tpu.memory_space<vmem>>) semaphore(%run_scoped3A_302 : memref<!tpu.dma_semaphore, #tpu.memory_space<semaphore_mem>>) {add = true}
        %dma_wait3A_313 = arith.constant 0 : i32
        %dma_wait3A_314 = arith.constant 0 : i32
        %dma_wait3A_315 = tpu.memref_slice %arg8[%run_scoped3A_130, %dma_wait3A_313, %dma_wait3A_314] : memref<2x128x16xf32, #tpu.memory_space<vmem>> -> memref<1x128x16xf32, #tpu.memory_space<vmem>>
        %dma_wait3A_316 = tpu.memref_squeeze %dma_wait3A_315 : memref<1x128x16xf32, #tpu.memory_space<vmem>> -> memref<128x16xf32, #tpu.memory_space<vmem>>
        %dma_wait3A_317 = arith.constant 0 : i32
        %dma_wait3A_318 = tpu.memref_slice %arg7[%run_scoped3A_131, %dma_wait3A_317] : memref<8x128xi32, #tpu.memory_space<vmem>> -> memref<1x128xi32, #tpu.memory_space<vmem>>
        %dma_wait3A_319 = tpu.memref_squeeze %dma_wait3A_318 : memref<1x128xi32, #tpu.memory_space<vmem>> -> memref<128xi32, #tpu.memory_space<vmem>>
        %dma_wait3A_320 = arith.constant 0 : i32
        %dma_wait3A_321 = arith.constant 0 : i32
        %dma_wait3A_322 = tpu.memref_slice %arg9[%dma_wait3A_320, %dma_wait3A_321] : memref<10240x16xf32, #tpu.memory_space<vmem_shared>> -> memref<10240x16xf32, #tpu.memory_space<vmem_shared>>
        tpu.wait_indirect_dma semaphore(%run_scoped3A_302 : memref<!tpu.dma_semaphore, #tpu.memory_space<semaphore_mem>>) src(%dma_wait3A_316 : memref<128x16xf32, #tpu.memory_space<vmem>>) dst(%dma_wait3A_322 : memref<10240x16xf32, #tpu.memory_space<vmem_shared>>)
        tpu.yield
      }) : () -> ()
      %dma_start3A_132 = arith.constant 2 : i32
      %dma_start3A_133 = arith.constant 0 : i32
      %dma_start3A_134 = arith.constant 0 : i32
      %dma_start3A_135 = arith.constant 0 : i32
      %dma_start3A_136 = tpu.memref_slice %arg8[%dma_start3A_133, %dma_start3A_134, %dma_start3A_135] : memref<2x128x16xf32, #tpu.memory_space<vmem>> -> memref<1x128x16xf32, #tpu.memory_space<vmem>>
      %dma_start3A_137 = tpu.memref_squeeze %dma_start3A_136 : memref<1x128x16xf32, #tpu.memory_space<vmem>> -> memref<128x16xf32, #tpu.memory_space<vmem>>
      %dma_start3A_138 = arith.constant 0 : i32
      %dma_start3A_139 = tpu.memref_slice %arg6[%dma_start3A_132, %dma_start3A_138] : memref<8x128xi32, #tpu.memory_space<vmem>> -> memref<1x128xi32, #tpu.memory_space<vmem>>
      %dma_start3A_140 = tpu.memref_squeeze %dma_start3A_139 : memref<1x128xi32, #tpu.memory_space<vmem>> -> memref<128xi32, #tpu.memory_space<vmem>>
      %dma_start3A_141 = arith.constant 0 : i32
      %dma_start3A_142 = arith.constant 0 : i32
      %dma_start3A_143 = tpu.memref_slice %arg2[%dma_start3A_141, %dma_start3A_142] : memref<10000x16xf32, #tpu.memory_space<hbm>> -> memref<10000x16xf32, #tpu.memory_space<hbm>>
      tpu.enqueue_indirect_dma source(%dma_start3A_143 : memref<10000x16xf32, #tpu.memory_space<hbm>>) target(%dma_start3A_137 : memref<128x16xf32, #tpu.memory_space<vmem>>) offsets(%dma_start3A_140 : memref<128xi32, #tpu.memory_space<vmem>>) semaphore(%arg10 : memref<!tpu.dma_semaphore, #tpu.memory_space<semaphore_mem>>)
      %dma_wait3A_144 = arith.constant 1 : i32
      %dma_wait3A_145 = arith.constant 1 : i32
      %dma_wait3A_146 = arith.constant 0 : i32
      %dma_wait3A_147 = arith.constant 0 : i32
      %dma_wait3A_148 = tpu.memref_slice %arg8[%dma_wait3A_145, %dma_wait3A_146, %dma_wait3A_147] : memref<2x128x16xf32, #tpu.memory_space<vmem>> -> memref<1x128x16xf32, #tpu.memory_space<vmem>>
      %dma_wait3A_149 = tpu.memref_squeeze %dma_wait3A_148 : memref<1x128x16xf32, #tpu.memory_space<vmem>> -> memref<128x16xf32, #tpu.memory_space<vmem>>
      %dma_wait3A_150 = arith.constant 0 : i32
      %dma_wait3A_151 = tpu.memref_slice %arg6[%dma_wait3A_144, %dma_wait3A_150] : memref<8x128xi32, #tpu.memory_space<vmem>> -> memref<1x128xi32, #tpu.memory_space<vmem>>
      %dma_wait3A_152 = tpu.memref_squeeze %dma_wait3A_151 : memref<1x128xi32, #tpu.memory_space<vmem>> -> memref<128xi32, #tpu.memory_space<vmem>>
      %dma_wait3A_153 = arith.constant 0 : i32
      %dma_wait3A_154 = arith.constant 0 : i32
      %dma_wait3A_155 = tpu.memref_slice %arg2[%dma_wait3A_153, %dma_wait3A_154] : memref<10000x16xf32, #tpu.memory_space<hbm>> -> memref<10000x16xf32, #tpu.memory_space<hbm>>
      tpu.wait_indirect_dma semaphore(%arg11 : memref<!tpu.dma_semaphore, #tpu.memory_space<semaphore_mem>>) src(%dma_wait3A_155 : memref<10000x16xf32, #tpu.memory_space<hbm>>) dst(%dma_wait3A_149 : memref<128x16xf32, #tpu.memory_space<vmem>>)
      %run_scoped3A_156 = arith.constant 1 : i32
      %run_scoped3A_157 = arith.constant 1 : i32
      "tpu.region"() ({
        %run_scoped3A_302 = tpu.sem_alloc : memref<!tpu.dma_semaphore, #tpu.memory_space<semaphore_mem>>
        %dma_start3A_303 = arith.constant 0 : i32
        %dma_start3A_304 = arith.constant 0 : i32
        %dma_start3A_305 = tpu.memref_slice %arg8[%run_scoped3A_156, %dma_start3A_303, %dma_start3A_304] : memref<2x128x16xf32, #tpu.memory_space<vmem>> -> memref<1x128x16xf32, #tpu.memory_space<vmem>>
        %dma_start3A_306 = tpu.memref_squeeze %dma_start3A_305 : memref<1x128x16xf32, #tpu.memory_space<vmem>> -> memref<128x16xf32, #tpu.memory_space<vmem>>
        %dma_start3A_307 = arith.constant 0 : i32
        %dma_start3A_308 = tpu.memref_slice %arg7[%run_scoped3A_157, %dma_start3A_307] : memref<8x128xi32, #tpu.memory_space<vmem>> -> memref<1x128xi32, #tpu.memory_space<vmem>>
        %dma_start3A_309 = tpu.memref_squeeze %dma_start3A_308 : memref<1x128xi32, #tpu.memory_space<vmem>> -> memref<128xi32, #tpu.memory_space<vmem>>
        %dma_start3A_310 = arith.constant 0 : i32
        %dma_start3A_311 = arith.constant 0 : i32
        %dma_start3A_312 = tpu.memref_slice %arg9[%dma_start3A_310, %dma_start3A_311] : memref<10240x16xf32, #tpu.memory_space<vmem_shared>> -> memref<10240x16xf32, #tpu.memory_space<vmem_shared>>
        tpu.enqueue_indirect_dma source(%dma_start3A_306 : memref<128x16xf32, #tpu.memory_space<vmem>>) target(%dma_start3A_312 : memref<10240x16xf32, #tpu.memory_space<vmem_shared>>) offsets(%dma_start3A_309 : memref<128xi32, #tpu.memory_space<vmem>>) semaphore(%run_scoped3A_302 : memref<!tpu.dma_semaphore, #tpu.memory_space<semaphore_mem>>) {add = true}
        %dma_wait3A_313 = arith.constant 0 : i32
        %dma_wait3A_314 = arith.constant 0 : i32
        %dma_wait3A_315 = tpu.memref_slice %arg8[%run_scoped3A_156, %dma_wait3A_313, %dma_wait3A_314] : memref<2x128x16xf32, #tpu.memory_space<vmem>> -> memref<1x128x16xf32, #tpu.memory_space<vmem>>
        %dma_wait3A_316 = tpu.memref_squeeze %dma_wait3A_315 : memref<1x128x16xf32, #tpu.memory_space<vmem>> -> memref<128x16xf32, #tpu.memory_space<vmem>>
        %dma_wait3A_317 = arith.constant 0 : i32
        %dma_wait3A_318 = tpu.memref_slice %arg7[%run_scoped3A_157, %dma_wait3A_317] : memref<8x128xi32, #tpu.memory_space<vmem>> -> memref<1x128xi32, #tpu.memory_space<vmem>>
        %dma_wait3A_319 = tpu.memref_squeeze %dma_wait3A_318 : memref<1x128xi32, #tpu.memory_space<vmem>> -> memref<128xi32, #tpu.memory_space<vmem>>
        %dma_wait3A_320 = arith.constant 0 : i32
        %dma_wait3A_321 = arith.constant 0 : i32
        %dma_wait3A_322 = tpu.memref_slice %arg9[%dma_wait3A_320, %dma_wait3A_321] : memref<10240x16xf32, #tpu.memory_space<vmem_shared>> -> memref<10240x16xf32, #tpu.memory_space<vmem_shared>>
        tpu.wait_indirect_dma semaphore(%run_scoped3A_302 : memref<!tpu.dma_semaphore, #tpu.memory_space<semaphore_mem>>) src(%dma_wait3A_316 : memref<128x16xf32, #tpu.memory_space<vmem>>) dst(%dma_wait3A_322 : memref<10240x16xf32, #tpu.memory_space<vmem_shared>>)
        tpu.yield
      }) : () -> ()
      %dma_start3A_158 = arith.constant 3 : i32
      %dma_start3A_159 = arith.constant 1 : i32
      %dma_start3A_160 = arith.constant 0 : i32
      %dma_start3A_161 = arith.constant 0 : i32
      %dma_start3A_162 = tpu.memref_slice %arg8[%dma_start3A_159, %dma_start3A_160, %dma_start3A_161] : memref<2x128x16xf32, #tpu.memory_space<vmem>> -> memref<1x128x16xf32, #tpu.memory_space<vmem>>
      %dma_start3A_163 = tpu.memref_squeeze %dma_start3A_162 : memref<1x128x16xf32, #tpu.memory_space<vmem>> -> memref<128x16xf32, #tpu.memory_space<vmem>>
      %dma_start3A_164 = arith.constant 0 : i32
      %dma_start3A_165 = tpu.memref_slice %arg6[%dma_start3A_158, %dma_start3A_164] : memref<8x128xi32, #tpu.memory_space<vmem>> -> memref<1x128xi32, #tpu.memory_space<vmem>>
      %dma_start3A_166 = tpu.memref_squeeze %dma_start3A_165 : memref<1x128xi32, #tpu.memory_space<vmem>> -> memref<128xi32, #tpu.memory_space<vmem>>
      %dma_start3A_167 = arith.constant 0 : i32
      %dma_start3A_168 = arith.constant 0 : i32
      %dma_start3A_169 = tpu.memref_slice %arg2[%dma_start3A_167, %dma_start3A_168] : memref<10000x16xf32, #tpu.memory_space<hbm>> -> memref<10000x16xf32, #tpu.memory_space<hbm>>
      tpu.enqueue_indirect_dma source(%dma_start3A_169 : memref<10000x16xf32, #tpu.memory_space<hbm>>) target(%dma_start3A_163 : memref<128x16xf32, #tpu.memory_space<vmem>>) offsets(%dma_start3A_166 : memref<128xi32, #tpu.memory_space<vmem>>) semaphore(%arg11 : memref<!tpu.dma_semaphore, #tpu.memory_space<semaphore_mem>>)
      %dma_wait3A_170 = arith.constant 2 : i32
      %dma_wait3A_171 = arith.constant 0 : i32
      %dma_wait3A_172 = arith.constant 0 : i32
      %dma_wait3A_173 = arith.constant 0 : i32
      %dma_wait3A_174 = tpu.memref_slice %arg8[%dma_wait3A_171, %dma_wait3A_172, %dma_wait3A_173] : memref<2x128x16xf32, #tpu.memory_space<vmem>> -> memref<1x128x16xf32, #tpu.memory_space<vmem>>
      %dma_wait3A_175 = tpu.memref_squeeze %dma_wait3A_174 : memref<1x128x16xf32, #tpu.memory_space<vmem>> -> memref<128x16xf32, #tpu.memory_space<vmem>>
      %dma_wait3A_176 = arith.constant 0 : i32
      %dma_wait3A_177 = tpu.memref_slice %arg6[%dma_wait3A_170, %dma_wait3A_176] : memref<8x128xi32, #tpu.memory_space<vmem>> -> memref<1x128xi32, #tpu.memory_space<vmem>>
      %dma_wait3A_178 = tpu.memref_squeeze %dma_wait3A_177 : memref<1x128xi32, #tpu.memory_space<vmem>> -> memref<128xi32, #tpu.memory_space<vmem>>
      %dma_wait3A_179 = arith.constant 0 : i32
      %dma_wait3A_180 = arith.constant 0 : i32
      %dma_wait3A_181 = tpu.memref_slice %arg2[%dma_wait3A_179, %dma_wait3A_180] : memref<10000x16xf32, #tpu.memory_space<hbm>> -> memref<10000x16xf32, #tpu.memory_space<hbm>>
      tpu.wait_indirect_dma semaphore(%arg10 : memref<!tpu.dma_semaphore, #tpu.memory_space<semaphore_mem>>) src(%dma_wait3A_181 : memref<10000x16xf32, #tpu.memory_space<hbm>>) dst(%dma_wait3A_175 : memref<128x16xf32, #tpu.memory_space<vmem>>)
      %run_scoped3A_182 = arith.constant 0 : i32
      %run_scoped3A_183 = arith.constant 2 : i32
      "tpu.region"() ({
        %run_scoped3A_302 = tpu.sem_alloc : memref<!tpu.dma_semaphore, #tpu.memory_space<semaphore_mem>>
        %dma_start3A_303 = arith.constant 0 : i32
        %dma_start3A_304 = arith.constant 0 : i32
        %dma_start3A_305 = tpu.memref_slice %arg8[%run_scoped3A_182, %dma_start3A_303, %dma_start3A_304] : memref<2x128x16xf32, #tpu.memory_space<vmem>> -> memref<1x128x16xf32, #tpu.memory_space<vmem>>
        %dma_start3A_306 = tpu.memref_squeeze %dma_start3A_305 : memref<1x128x16xf32, #tpu.memory_space<vmem>> -> memref<128x16xf32, #tpu.memory_space<vmem>>
        %dma_start3A_307 = arith.constant 0 : i32
        %dma_start3A_308 = tpu.memref_slice %arg7[%run_scoped3A_183, %dma_start3A_307] : memref<8x128xi32, #tpu.memory_space<vmem>> -> memref<1x128xi32, #tpu.memory_space<vmem>>
        %dma_start3A_309 = tpu.memref_squeeze %dma_start3A_308 : memref<1x128xi32, #tpu.memory_space<vmem>> -> memref<128xi32, #tpu.memory_space<vmem>>
        %dma_start3A_310 = arith.constant 0 : i32
        %dma_start3A_311 = arith.constant 0 : i32
        %dma_start3A_312 = tpu.memref_slice %arg9[%dma_start3A_310, %dma_start3A_311] : memref<10240x16xf32, #tpu.memory_space<vmem_shared>> -> memref<10240x16xf32, #tpu.memory_space<vmem_shared>>
        tpu.enqueue_indirect_dma source(%dma_start3A_306 : memref<128x16xf32, #tpu.memory_space<vmem>>) target(%dma_start3A_312 : memref<10240x16xf32, #tpu.memory_space<vmem_shared>>) offsets(%dma_start3A_309 : memref<128xi32, #tpu.memory_space<vmem>>) semaphore(%run_scoped3A_302 : memref<!tpu.dma_semaphore, #tpu.memory_space<semaphore_mem>>) {add = true}
        %dma_wait3A_313 = arith.constant 0 : i32
        %dma_wait3A_314 = arith.constant 0 : i32
        %dma_wait3A_315 = tpu.memref_slice %arg8[%run_scoped3A_182, %dma_wait3A_313, %dma_wait3A_314] : memref<2x128x16xf32, #tpu.memory_space<vmem>> -> memref<1x128x16xf32, #tpu.memory_space<vmem>>
        %dma_wait3A_316 = tpu.memref_squeeze %dma_wait3A_315 : memref<1x128x16xf32, #tpu.memory_space<vmem>> -> memref<128x16xf32, #tpu.memory_space<vmem>>
        %dma_wait3A_317 = arith.constant 0 : i32
        %dma_wait3A_318 = tpu.memref_slice %arg7[%run_scoped3A_183, %dma_wait3A_317] : memref<8x128xi32, #tpu.memory_space<vmem>> -> memref<1x128xi32, #tpu.memory_space<vmem>>
        %dma_wait3A_319 = tpu.memref_squeeze %dma_wait3A_318 : memref<1x128xi32, #tpu.memory_space<vmem>> -> memref<128xi32, #tpu.memory_space<vmem>>
        %dma_wait3A_320 = arith.constant 0 : i32
        %dma_wait3A_321 = arith.constant 0 : i32
        %dma_wait3A_322 = tpu.memref_slice %arg9[%dma_wait3A_320, %dma_wait3A_321] : memref<10240x16xf32, #tpu.memory_space<vmem_shared>> -> memref<10240x16xf32, #tpu.memory_space<vmem_shared>>
        tpu.wait_indirect_dma semaphore(%run_scoped3A_302 : memref<!tpu.dma_semaphore, #tpu.memory_space<semaphore_mem>>) src(%dma_wait3A_316 : memref<128x16xf32, #tpu.memory_space<vmem>>) dst(%dma_wait3A_322 : memref<10240x16xf32, #tpu.memory_space<vmem_shared>>)
        tpu.yield
      }) : () -> ()
      %dma_start3A_184 = arith.constant 4 : i32
      %dma_start3A_185 = arith.constant 0 : i32
      %dma_start3A_186 = arith.constant 0 : i32
      %dma_start3A_187 = arith.constant 0 : i32
      %dma_start3A_188 = tpu.memref_slice %arg8[%dma_start3A_185, %dma_start3A_186, %dma_start3A_187] : memref<2x128x16xf32, #tpu.memory_space<vmem>> -> memref<1x128x16xf32, #tpu.memory_space<vmem>>
      %dma_start3A_189 = tpu.memref_squeeze %dma_start3A_188 : memref<1x128x16xf32, #tpu.memory_space<vmem>> -> memref<128x16xf32, #tpu.memory_space<vmem>>
      %dma_start3A_190 = arith.constant 0 : i32
      %dma_start3A_191 = tpu.memref_slice %arg6[%dma_start3A_184, %dma_start3A_190] : memref<8x128xi32, #tpu.memory_space<vmem>> -> memref<1x128xi32, #tpu.memory_space<vmem>>
      %dma_start3A_192 = tpu.memref_squeeze %dma_start3A_191 : memref<1x128xi32, #tpu.memory_space<vmem>> -> memref<128xi32, #tpu.memory_space<vmem>>
      %dma_start3A_193 = arith.constant 0 : i32
      %dma_start3A_194 = arith.constant 0 : i32
      %dma_start3A_195 = tpu.memref_slice %arg2[%dma_start3A_193, %dma_start3A_194] : memref<10000x16xf32, #tpu.memory_space<hbm>> -> memref<10000x16xf32, #tpu.memory_space<hbm>>
      tpu.enqueue_indirect_dma source(%dma_start3A_195 : memref<10000x16xf32, #tpu.memory_space<hbm>>) target(%dma_start3A_189 : memref<128x16xf32, #tpu.memory_space<vmem>>) offsets(%dma_start3A_192 : memref<128xi32, #tpu.memory_space<vmem>>) semaphore(%arg10 : memref<!tpu.dma_semaphore, #tpu.memory_space<semaphore_mem>>)
      %dma_wait3A_196 = arith.constant 3 : i32
      %dma_wait3A_197 = arith.constant 1 : i32
      %dma_wait3A_198 = arith.constant 0 : i32
      %dma_wait3A_199 = arith.constant 0 : i32
      %dma_wait3A_200 = tpu.memref_slice %arg8[%dma_wait3A_197, %dma_wait3A_198, %dma_wait3A_199] : memref<2x128x16xf32, #tpu.memory_space<vmem>> -> memref<1x128x16xf32, #tpu.memory_space<vmem>>
      %dma_wait3A_201 = tpu.memref_squeeze %dma_wait3A_200 : memref<1x128x16xf32, #tpu.memory_space<vmem>> -> memref<128x16xf32, #tpu.memory_space<vmem>>
      %dma_wait3A_202 = arith.constant 0 : i32
      %dma_wait3A_203 = tpu.memref_slice %arg6[%dma_wait3A_196, %dma_wait3A_202] : memref<8x128xi32, #tpu.memory_space<vmem>> -> memref<1x128xi32, #tpu.memory_space<vmem>>
      %dma_wait3A_204 = tpu.memref_squeeze %dma_wait3A_203 : memref<1x128xi32, #tpu.memory_space<vmem>> -> memref<128xi32, #tpu.memory_space<vmem>>
      %dma_wait3A_205 = arith.constant 0 : i32
      %dma_wait3A_206 = arith.constant 0 : i32
      %dma_wait3A_207 = tpu.memref_slice %arg2[%dma_wait3A_205, %dma_wait3A_206] : memref<10000x16xf32, #tpu.memory_space<hbm>> -> memref<10000x16xf32, #tpu.memory_space<hbm>>
      tpu.wait_indirect_dma semaphore(%arg11 : memref<!tpu.dma_semaphore, #tpu.memory_space<semaphore_mem>>) src(%dma_wait3A_207 : memref<10000x16xf32, #tpu.memory_space<hbm>>) dst(%dma_wait3A_201 : memref<128x16xf32, #tpu.memory_space<vmem>>)
      %run_scoped3A_208 = arith.constant 1 : i32
      %run_scoped3A_209 = arith.constant 3 : i32
      "tpu.region"() ({
        %run_scoped3A_302 = tpu.sem_alloc : memref<!tpu.dma_semaphore, #tpu.memory_space<semaphore_mem>>
        %dma_start3A_303 = arith.constant 0 : i32
        %dma_start3A_304 = arith.constant 0 : i32
        %dma_start3A_305 = tpu.memref_slice %arg8[%run_scoped3A_208, %dma_start3A_303, %dma_start3A_304] : memref<2x128x16xf32, #tpu.memory_space<vmem>> -> memref<1x128x16xf32, #tpu.memory_space<vmem>>
        %dma_start3A_306 = tpu.memref_squeeze %dma_start3A_305 : memref<1x128x16xf32, #tpu.memory_space<vmem>> -> memref<128x16xf32, #tpu.memory_space<vmem>>
        %dma_start3A_307 = arith.constant 0 : i32
        %dma_start3A_308 = tpu.memref_slice %arg7[%run_scoped3A_209, %dma_start3A_307] : memref<8x128xi32, #tpu.memory_space<vmem>> -> memref<1x128xi32, #tpu.memory_space<vmem>>
        %dma_start3A_309 = tpu.memref_squeeze %dma_start3A_308 : memref<1x128xi32, #tpu.memory_space<vmem>> -> memref<128xi32, #tpu.memory_space<vmem>>
        %dma_start3A_310 = arith.constant 0 : i32
        %dma_start3A_311 = arith.constant 0 : i32
        %dma_start3A_312 = tpu.memref_slice %arg9[%dma_start3A_310, %dma_start3A_311] : memref<10240x16xf32, #tpu.memory_space<vmem_shared>> -> memref<10240x16xf32, #tpu.memory_space<vmem_shared>>
        tpu.enqueue_indirect_dma source(%dma_start3A_306 : memref<128x16xf32, #tpu.memory_space<vmem>>) target(%dma_start3A_312 : memref<10240x16xf32, #tpu.memory_space<vmem_shared>>) offsets(%dma_start3A_309 : memref<128xi32, #tpu.memory_space<vmem>>) semaphore(%run_scoped3A_302 : memref<!tpu.dma_semaphore, #tpu.memory_space<semaphore_mem>>) {add = true}
        %dma_wait3A_313 = arith.constant 0 : i32
        %dma_wait3A_314 = arith.constant 0 : i32
        %dma_wait3A_315 = tpu.memref_slice %arg8[%run_scoped3A_208, %dma_wait3A_313, %dma_wait3A_314] : memref<2x128x16xf32, #tpu.memory_space<vmem>> -> memref<1x128x16xf32, #tpu.memory_space<vmem>>
        %dma_wait3A_316 = tpu.memref_squeeze %dma_wait3A_315 : memref<1x128x16xf32, #tpu.memory_space<vmem>> -> memref<128x16xf32, #tpu.memory_space<vmem>>
        %dma_wait3A_317 = arith.constant 0 : i32
        %dma_wait3A_318 = tpu.memref_slice %arg7[%run_scoped3A_209, %dma_wait3A_317] : memref<8x128xi32, #tpu.memory_space<vmem>> -> memref<1x128xi32, #tpu.memory_space<vmem>>
        %dma_wait3A_319 = tpu.memref_squeeze %dma_wait3A_318 : memref<1x128xi32, #tpu.memory_space<vmem>> -> memref<128xi32, #tpu.memory_space<vmem>>
        %dma_wait3A_320 = arith.constant 0 : i32
        %dma_wait3A_321 = arith.constant 0 : i32
        %dma_wait3A_322 = tpu.memref_slice %arg9[%dma_wait3A_320, %dma_wait3A_321] : memref<10240x16xf32, #tpu.memory_space<vmem_shared>> -> memref<10240x16xf32, #tpu.memory_space<vmem_shared>>
        tpu.wait_indirect_dma semaphore(%run_scoped3A_302 : memref<!tpu.dma_semaphore, #tpu.memory_space<semaphore_mem>>) src(%dma_wait3A_316 : memref<128x16xf32, #tpu.memory_space<vmem>>) dst(%dma_wait3A_322 : memref<10240x16xf32, #tpu.memory_space<vmem_shared>>)
        tpu.yield
      }) : () -> ()
      %dma_start3A_210 = arith.constant 5 : i32
      %dma_start3A_211 = arith.constant 1 : i32
      %dma_start3A_212 = arith.constant 0 : i32
      %dma_start3A_213 = arith.constant 0 : i32
      %dma_start3A_214 = tpu.memref_slice %arg8[%dma_start3A_211, %dma_start3A_212, %dma_start3A_213] : memref<2x128x16xf32, #tpu.memory_space<vmem>> -> memref<1x128x16xf32, #tpu.memory_space<vmem>>
      %dma_start3A_215 = tpu.memref_squeeze %dma_start3A_214 : memref<1x128x16xf32, #tpu.memory_space<vmem>> -> memref<128x16xf32, #tpu.memory_space<vmem>>
      %dma_start3A_216 = arith.constant 0 : i32
      %dma_start3A_217 = tpu.memref_slice %arg6[%dma_start3A_210, %dma_start3A_216] : memref<8x128xi32, #tpu.memory_space<vmem>> -> memref<1x128xi32, #tpu.memory_space<vmem>>
      %dma_start3A_218 = tpu.memref_squeeze %dma_start3A_217 : memref<1x128xi32, #tpu.memory_space<vmem>> -> memref<128xi32, #tpu.memory_space<vmem>>
      %dma_start3A_219 = arith.constant 0 : i32
      %dma_start3A_220 = arith.constant 0 : i32
      %dma_start3A_221 = tpu.memref_slice %arg2[%dma_start3A_219, %dma_start3A_220] : memref<10000x16xf32, #tpu.memory_space<hbm>> -> memref<10000x16xf32, #tpu.memory_space<hbm>>
      tpu.enqueue_indirect_dma source(%dma_start3A_221 : memref<10000x16xf32, #tpu.memory_space<hbm>>) target(%dma_start3A_215 : memref<128x16xf32, #tpu.memory_space<vmem>>) offsets(%dma_start3A_218 : memref<128xi32, #tpu.memory_space<vmem>>) semaphore(%arg11 : memref<!tpu.dma_semaphore, #tpu.memory_space<semaphore_mem>>)
      %dma_wait3A_222 = arith.constant 4 : i32
      %dma_wait3A_223 = arith.constant 0 : i32
      %dma_wait3A_224 = arith.constant 0 : i32
      %dma_wait3A_225 = arith.constant 0 : i32
      %dma_wait3A_226 = tpu.memref_slice %arg8[%dma_wait3A_223, %dma_wait3A_224, %dma_wait3A_225] : memref<2x128x16xf32, #tpu.memory_space<vmem>> -> memref<1x128x16xf32, #tpu.memory_space<vmem>>
      %dma_wait3A_227 = tpu.memref_squeeze %dma_wait3A_226 : memref<1x128x16xf32, #tpu.memory_space<vmem>> -> memref<128x16xf32, #tpu.memory_space<vmem>>
      %dma_wait3A_228 = arith.constant 0 : i32
      %dma_wait3A_229 = tpu.memref_slice %arg6[%dma_wait3A_222, %dma_wait3A_228] : memref<8x128xi32, #tpu.memory_space<vmem>> -> memref<1x128xi32, #tpu.memory_space<vmem>>
      %dma_wait3A_230 = tpu.memref_squeeze %dma_wait3A_229 : memref<1x128xi32, #tpu.memory_space<vmem>> -> memref<128xi32, #tpu.memory_space<vmem>>
      %dma_wait3A_231 = arith.constant 0 : i32
      %dma_wait3A_232 = arith.constant 0 : i32
      %dma_wait3A_233 = tpu.memref_slice %arg2[%dma_wait3A_231, %dma_wait3A_232] : memref<10000x16xf32, #tpu.memory_space<hbm>> -> memref<10000x16xf32, #tpu.memory_space<hbm>>
      tpu.wait_indirect_dma semaphore(%arg10 : memref<!tpu.dma_semaphore, #tpu.memory_space<semaphore_mem>>) src(%dma_wait3A_233 : memref<10000x16xf32, #tpu.memory_space<hbm>>) dst(%dma_wait3A_227 : memref<128x16xf32, #tpu.memory_space<vmem>>)
      %run_scoped3A_234 = arith.constant 0 : i32
      %run_scoped3A_235 = arith.constant 4 : i32
      "tpu.region"() ({
        %run_scoped3A_302 = tpu.sem_alloc : memref<!tpu.dma_semaphore, #tpu.memory_space<semaphore_mem>>
        %dma_start3A_303 = arith.constant 0 : i32
        %dma_start3A_304 = arith.constant 0 : i32
        %dma_start3A_305 = tpu.memref_slice %arg8[%run_scoped3A_234, %dma_start3A_303, %dma_start3A_304] : memref<2x128x16xf32, #tpu.memory_space<vmem>> -> memref<1x128x16xf32, #tpu.memory_space<vmem>>
        %dma_start3A_306 = tpu.memref_squeeze %dma_start3A_305 : memref<1x128x16xf32, #tpu.memory_space<vmem>> -> memref<128x16xf32, #tpu.memory_space<vmem>>
        %dma_start3A_307 = arith.constant 0 : i32
        %dma_start3A_308 = tpu.memref_slice %arg7[%run_scoped3A_235, %dma_start3A_307] : memref<8x128xi32, #tpu.memory_space<vmem>> -> memref<1x128xi32, #tpu.memory_space<vmem>>
        %dma_start3A_309 = tpu.memref_squeeze %dma_start3A_308 : memref<1x128xi32, #tpu.memory_space<vmem>> -> memref<128xi32, #tpu.memory_space<vmem>>
        %dma_start3A_310 = arith.constant 0 : i32
        %dma_start3A_311 = arith.constant 0 : i32
        %dma_start3A_312 = tpu.memref_slice %arg9[%dma_start3A_310, %dma_start3A_311] : memref<10240x16xf32, #tpu.memory_space<vmem_shared>> -> memref<10240x16xf32, #tpu.memory_space<vmem_shared>>
        tpu.enqueue_indirect_dma source(%dma_start3A_306 : memref<128x16xf32, #tpu.memory_space<vmem>>) target(%dma_start3A_312 : memref<10240x16xf32, #tpu.memory_space<vmem_shared>>) offsets(%dma_start3A_309 : memref<128xi32, #tpu.memory_space<vmem>>) semaphore(%run_scoped3A_302 : memref<!tpu.dma_semaphore, #tpu.memory_space<semaphore_mem>>) {add = true}
        %dma_wait3A_313 = arith.constant 0 : i32
        %dma_wait3A_314 = arith.constant 0 : i32
        %dma_wait3A_315 = tpu.memref_slice %arg8[%run_scoped3A_234, %dma_wait3A_313, %dma_wait3A_314] : memref<2x128x16xf32, #tpu.memory_space<vmem>> -> memref<1x128x16xf32, #tpu.memory_space<vmem>>
        %dma_wait3A_316 = tpu.memref_squeeze %dma_wait3A_315 : memref<1x128x16xf32, #tpu.memory_space<vmem>> -> memref<128x16xf32, #tpu.memory_space<vmem>>
        %dma_wait3A_317 = arith.constant 0 : i32
        %dma_wait3A_318 = tpu.memref_slice %arg7[%run_scoped3A_235, %dma_wait3A_317] : memref<8x128xi32, #tpu.memory_space<vmem>> -> memref<1x128xi32, #tpu.memory_space<vmem>>
        %dma_wait3A_319 = tpu.memref_squeeze %dma_wait3A_318 : memref<1x128xi32, #tpu.memory_space<vmem>> -> memref<128xi32, #tpu.memory_space<vmem>>
        %dma_wait3A_320 = arith.constant 0 : i32
        %dma_wait3A_321 = arith.constant 0 : i32
        %dma_wait3A_322 = tpu.memref_slice %arg9[%dma_wait3A_320, %dma_wait3A_321] : memref<10240x16xf32, #tpu.memory_space<vmem_shared>> -> memref<10240x16xf32, #tpu.memory_space<vmem_shared>>
        tpu.wait_indirect_dma semaphore(%run_scoped3A_302 : memref<!tpu.dma_semaphore, #tpu.memory_space<semaphore_mem>>) src(%dma_wait3A_316 : memref<128x16xf32, #tpu.memory_space<vmem>>) dst(%dma_wait3A_322 : memref<10240x16xf32, #tpu.memory_space<vmem_shared>>)
        tpu.yield
      }) : () -> ()
      %dma_start3A_236 = arith.constant 6 : i32
      %dma_start3A_237 = arith.constant 0 : i32
      %dma_start3A_238 = arith.constant 0 : i32
      %dma_start3A_239 = arith.constant 0 : i32
      %dma_start3A_240 = tpu.memref_slice %arg8[%dma_start3A_237, %dma_start3A_238, %dma_start3A_239] : memref<2x128x16xf32, #tpu.memory_space<vmem>> -> memref<1x128x16xf32, #tpu.memory_space<vmem>>
      %dma_start3A_241 = tpu.memref_squeeze %dma_start3A_240 : memref<1x128x16xf32, #tpu.memory_space<vmem>> -> memref<128x16xf32, #tpu.memory_space<vmem>>
      %dma_start3A_242 = arith.constant 0 : i32
      %dma_start3A_243 = tpu.memref_slice %arg6[%dma_start3A_236, %dma_start3A_242] : memref<8x128xi32, #tpu.memory_space<vmem>> -> memref<1x128xi32, #tpu.memory_space<vmem>>
      %dma_start3A_244 = tpu.memref_squeeze %dma_start3A_243 : memref<1x128xi32, #tpu.memory_space<vmem>> -> memref<128xi32, #tpu.memory_space<vmem>>
      %dma_start3A_245 = arith.constant 0 : i32
      %dma_start3A_246 = arith.constant 0 : i32
      %dma_start3A_247 = tpu.memref_slice %arg2[%dma_start3A_245, %dma_start3A_246] : memref<10000x16xf32, #tpu.memory_space<hbm>> -> memref<10000x16xf32, #tpu.memory_space<hbm>>
      tpu.enqueue_indirect_dma source(%dma_start3A_247 : memref<10000x16xf32, #tpu.memory_space<hbm>>) target(%dma_start3A_241 : memref<128x16xf32, #tpu.memory_space<vmem>>) offsets(%dma_start3A_244 : memref<128xi32, #tpu.memory_space<vmem>>) semaphore(%arg10 : memref<!tpu.dma_semaphore, #tpu.memory_space<semaphore_mem>>)
      %dma_wait3A_248 = arith.constant 5 : i32
      %dma_wait3A_249 = arith.constant 1 : i32
      %dma_wait3A_250 = arith.constant 0 : i32
      %dma_wait3A_251 = arith.constant 0 : i32
      %dma_wait3A_252 = tpu.memref_slice %arg8[%dma_wait3A_249, %dma_wait3A_250, %dma_wait3A_251] : memref<2x128x16xf32, #tpu.memory_space<vmem>> -> memref<1x128x16xf32, #tpu.memory_space<vmem>>
      %dma_wait3A_253 = tpu.memref_squeeze %dma_wait3A_252 : memref<1x128x16xf32, #tpu.memory_space<vmem>> -> memref<128x16xf32, #tpu.memory_space<vmem>>
      %dma_wait3A_254 = arith.constant 0 : i32
      %dma_wait3A_255 = tpu.memref_slice %arg6[%dma_wait3A_248, %dma_wait3A_254] : memref<8x128xi32, #tpu.memory_space<vmem>> -> memref<1x128xi32, #tpu.memory_space<vmem>>
      %dma_wait3A_256 = tpu.memref_squeeze %dma_wait3A_255 : memref<1x128xi32, #tpu.memory_space<vmem>> -> memref<128xi32, #tpu.memory_space<vmem>>
      %dma_wait3A_257 = arith.constant 0 : i32
      %dma_wait3A_258 = arith.constant 0 : i32
      %dma_wait3A_259 = tpu.memref_slice %arg2[%dma_wait3A_257, %dma_wait3A_258] : memref<10000x16xf32, #tpu.memory_space<hbm>> -> memref<10000x16xf32, #tpu.memory_space<hbm>>
      tpu.wait_indirect_dma semaphore(%arg11 : memref<!tpu.dma_semaphore, #tpu.memory_space<semaphore_mem>>) src(%dma_wait3A_259 : memref<10000x16xf32, #tpu.memory_space<hbm>>) dst(%dma_wait3A_253 : memref<128x16xf32, #tpu.memory_space<vmem>>)
      %run_scoped3A_260 = arith.constant 1 : i32
      %run_scoped3A_261 = arith.constant 5 : i32
      "tpu.region"() ({
        %run_scoped3A_302 = tpu.sem_alloc : memref<!tpu.dma_semaphore, #tpu.memory_space<semaphore_mem>>
        %dma_start3A_303 = arith.constant 0 : i32
        %dma_start3A_304 = arith.constant 0 : i32
        %dma_start3A_305 = tpu.memref_slice %arg8[%run_scoped3A_260, %dma_start3A_303, %dma_start3A_304] : memref<2x128x16xf32, #tpu.memory_space<vmem>> -> memref<1x128x16xf32, #tpu.memory_space<vmem>>
        %dma_start3A_306 = tpu.memref_squeeze %dma_start3A_305 : memref<1x128x16xf32, #tpu.memory_space<vmem>> -> memref<128x16xf32, #tpu.memory_space<vmem>>
        %dma_start3A_307 = arith.constant 0 : i32
        %dma_start3A_308 = tpu.memref_slice %arg7[%run_scoped3A_261, %dma_start3A_307] : memref<8x128xi32, #tpu.memory_space<vmem>> -> memref<1x128xi32, #tpu.memory_space<vmem>>
        %dma_start3A_309 = tpu.memref_squeeze %dma_start3A_308 : memref<1x128xi32, #tpu.memory_space<vmem>> -> memref<128xi32, #tpu.memory_space<vmem>>
        %dma_start3A_310 = arith.constant 0 : i32
        %dma_start3A_311 = arith.constant 0 : i32
        %dma_start3A_312 = tpu.memref_slice %arg9[%dma_start3A_310, %dma_start3A_311] : memref<10240x16xf32, #tpu.memory_space<vmem_shared>> -> memref<10240x16xf32, #tpu.memory_space<vmem_shared>>
        tpu.enqueue_indirect_dma source(%dma_start3A_306 : memref<128x16xf32, #tpu.memory_space<vmem>>) target(%dma_start3A_312 : memref<10240x16xf32, #tpu.memory_space<vmem_shared>>) offsets(%dma_start3A_309 : memref<128xi32, #tpu.memory_space<vmem>>) semaphore(%run_scoped3A_302 : memref<!tpu.dma_semaphore, #tpu.memory_space<semaphore_mem>>) {add = true}
        %dma_wait3A_313 = arith.constant 0 : i32
        %dma_wait3A_314 = arith.constant 0 : i32
        %dma_wait3A_315 = tpu.memref_slice %arg8[%run_scoped3A_260, %dma_wait3A_313, %dma_wait3A_314] : memref<2x128x16xf32, #tpu.memory_space<vmem>> -> memref<1x128x16xf32, #tpu.memory_space<vmem>>
        %dma_wait3A_316 = tpu.memref_squeeze %dma_wait3A_315 : memref<1x128x16xf32, #tpu.memory_space<vmem>> -> memref<128x16xf32, #tpu.memory_space<vmem>>
        %dma_wait3A_317 = arith.constant 0 : i32
        %dma_wait3A_318 = tpu.memref_slice %arg7[%run_scoped3A_261, %dma_wait3A_317] : memref<8x128xi32, #tpu.memory_space<vmem>> -> memref<1x128xi32, #tpu.memory_space<vmem>>
        %dma_wait3A_319 = tpu.memref_squeeze %dma_wait3A_318 : memref<1x128xi32, #tpu.memory_space<vmem>> -> memref<128xi32, #tpu.memory_space<vmem>>
        %dma_wait3A_320 = arith.constant 0 : i32
        %dma_wait3A_321 = arith.constant 0 : i32
        %dma_wait3A_322 = tpu.memref_slice %arg9[%dma_wait3A_320, %dma_wait3A_321] : memref<10240x16xf32, #tpu.memory_space<vmem_shared>> -> memref<10240x16xf32, #tpu.memory_space<vmem_shared>>
        tpu.wait_indirect_dma semaphore(%run_scoped3A_302 : memref<!tpu.dma_semaphore, #tpu.memory_space<semaphore_mem>>) src(%dma_wait3A_316 : memref<128x16xf32, #tpu.memory_space<vmem>>) dst(%dma_wait3A_322 : memref<10240x16xf32, #tpu.memory_space<vmem_shared>>)
        tpu.yield
      }) : () -> ()
      %dma_start3A_262 = arith.constant 7 : i32
      %dma_start3A_263 = arith.constant 1 : i32
      %dma_start3A_264 = arith.constant 0 : i32
      %dma_start3A_265 = arith.constant 0 : i32
      %dma_start3A_266 = tpu.memref_slice %arg8[%dma_start3A_263, %dma_start3A_264, %dma_start3A_265] : memref<2x128x16xf32, #tpu.memory_space<vmem>> -> memref<1x128x16xf32, #tpu.memory_space<vmem>>
      %dma_start3A_267 = tpu.memref_squeeze %dma_start3A_266 : memref<1x128x16xf32, #tpu.memory_space<vmem>> -> memref<128x16xf32, #tpu.memory_space<vmem>>
      %dma_start3A_268 = arith.constant 0 : i32
      %dma_start3A_269 = tpu.memref_slice %arg6[%dma_start3A_262, %dma_start3A_268] : memref<8x128xi32, #tpu.memory_space<vmem>> -> memref<1x128xi32, #tpu.memory_space<vmem>>
      %dma_start3A_270 = tpu.memref_squeeze %dma_start3A_269 : memref<1x128xi32, #tpu.memory_space<vmem>> -> memref<128xi32, #tpu.memory_space<vmem>>
      %dma_start3A_271 = arith.constant 0 : i32
      %dma_start3A_272 = arith.constant 0 : i32
      %dma_start3A_273 = tpu.memref_slice %arg2[%dma_start3A_271, %dma_start3A_272] : memref<10000x16xf32, #tpu.memory_space<hbm>> -> memref<10000x16xf32, #tpu.memory_space<hbm>>
      tpu.enqueue_indirect_dma source(%dma_start3A_273 : memref<10000x16xf32, #tpu.memory_space<hbm>>) target(%dma_start3A_267 : memref<128x16xf32, #tpu.memory_space<vmem>>) offsets(%dma_start3A_270 : memref<128xi32, #tpu.memory_space<vmem>>) semaphore(%arg11 : memref<!tpu.dma_semaphore, #tpu.memory_space<semaphore_mem>>)
      %dma_wait3A_274 = arith.constant 6 : i32
      %dma_wait3A_275 = arith.constant 0 : i32
      %dma_wait3A_276 = arith.constant 0 : i32
      %dma_wait3A_277 = arith.constant 0 : i32
      %dma_wait3A_278 = tpu.memref_slice %arg8[%dma_wait3A_275, %dma_wait3A_276, %dma_wait3A_277] : memref<2x128x16xf32, #tpu.memory_space<vmem>> -> memref<1x128x16xf32, #tpu.memory_space<vmem>>
      %dma_wait3A_279 = tpu.memref_squeeze %dma_wait3A_278 : memref<1x128x16xf32, #tpu.memory_space<vmem>> -> memref<128x16xf32, #tpu.memory_space<vmem>>
      %dma_wait3A_280 = arith.constant 0 : i32
      %dma_wait3A_281 = tpu.memref_slice %arg6[%dma_wait3A_274, %dma_wait3A_280] : memref<8x128xi32, #tpu.memory_space<vmem>> -> memref<1x128xi32, #tpu.memory_space<vmem>>
      %dma_wait3A_282 = tpu.memref_squeeze %dma_wait3A_281 : memref<1x128xi32, #tpu.memory_space<vmem>> -> memref<128xi32, #tpu.memory_space<vmem>>
      %dma_wait3A_283 = arith.constant 0 : i32
      %dma_wait3A_284 = arith.constant 0 : i32
      %dma_wait3A_285 = tpu.memref_slice %arg2[%dma_wait3A_283, %dma_wait3A_284] : memref<10000x16xf32, #tpu.memory_space<hbm>> -> memref<10000x16xf32, #tpu.memory_space<hbm>>
      tpu.wait_indirect_dma semaphore(%arg10 : memref<!tpu.dma_semaphore, #tpu.memory_space<semaphore_mem>>) src(%dma_wait3A_285 : memref<10000x16xf32, #tpu.memory_space<hbm>>) dst(%dma_wait3A_279 : memref<128x16xf32, #tpu.memory_space<vmem>>)
      %run_scoped3A_286 = arith.constant 0 : i32
      %run_scoped3A_287 = arith.constant 6 : i32
      "tpu.region"() ({
        %run_scoped3A_302 = tpu.sem_alloc : memref<!tpu.dma_semaphore, #tpu.memory_space<semaphore_mem>>
        %dma_start3A_303 = arith.constant 0 : i32
        %dma_start3A_304 = arith.constant 0 : i32
        %dma_start3A_305 = tpu.memref_slice %arg8[%run_scoped3A_286, %dma_start3A_303, %dma_start3A_304] : memref<2x128x16xf32, #tpu.memory_space<vmem>> -> memref<1x128x16xf32, #tpu.memory_space<vmem>>
        %dma_start3A_306 = tpu.memref_squeeze %dma_start3A_305 : memref<1x128x16xf32, #tpu.memory_space<vmem>> -> memref<128x16xf32, #tpu.memory_space<vmem>>
        %dma_start3A_307 = arith.constant 0 : i32
        %dma_start3A_308 = tpu.memref_slice %arg7[%run_scoped3A_287, %dma_start3A_307] : memref<8x128xi32, #tpu.memory_space<vmem>> -> memref<1x128xi32, #tpu.memory_space<vmem>>
        %dma_start3A_309 = tpu.memref_squeeze %dma_start3A_308 : memref<1x128xi32, #tpu.memory_space<vmem>> -> memref<128xi32, #tpu.memory_space<vmem>>
        %dma_start3A_310 = arith.constant 0 : i32
        %dma_start3A_311 = arith.constant 0 : i32
        %dma_start3A_312 = tpu.memref_slice %arg9[%dma_start3A_310, %dma_start3A_311] : memref<10240x16xf32, #tpu.memory_space<vmem_shared>> -> memref<10240x16xf32, #tpu.memory_space<vmem_shared>>
        tpu.enqueue_indirect_dma source(%dma_start3A_306 : memref<128x16xf32, #tpu.memory_space<vmem>>) target(%dma_start3A_312 : memref<10240x16xf32, #tpu.memory_space<vmem_shared>>) offsets(%dma_start3A_309 : memref<128xi32, #tpu.memory_space<vmem>>) semaphore(%run_scoped3A_302 : memref<!tpu.dma_semaphore, #tpu.memory_space<semaphore_mem>>) {add = true}
        %dma_wait3A_313 = arith.constant 0 : i32
        %dma_wait3A_314 = arith.constant 0 : i32
        %dma_wait3A_315 = tpu.memref_slice %arg8[%run_scoped3A_286, %dma_wait3A_313, %dma_wait3A_314] : memref<2x128x16xf32, #tpu.memory_space<vmem>> -> memref<1x128x16xf32, #tpu.memory_space<vmem>>
        %dma_wait3A_316 = tpu.memref_squeeze %dma_wait3A_315 : memref<1x128x16xf32, #tpu.memory_space<vmem>> -> memref<128x16xf32, #tpu.memory_space<vmem>>
        %dma_wait3A_317 = arith.constant 0 : i32
        %dma_wait3A_318 = tpu.memref_slice %arg7[%run_scoped3A_287, %dma_wait3A_317] : memref<8x128xi32, #tpu.memory_space<vmem>> -> memref<1x128xi32, #tpu.memory_space<vmem>>
        %dma_wait3A_319 = tpu.memref_squeeze %dma_wait3A_318 : memref<1x128xi32, #tpu.memory_space<vmem>> -> memref<128xi32, #tpu.memory_space<vmem>>
        %dma_wait3A_320 = arith.constant 0 : i32
        %dma_wait3A_321 = arith.constant 0 : i32
        %dma_wait3A_322 = tpu.memref_slice %arg9[%dma_wait3A_320, %dma_wait3A_321] : memref<10240x16xf32, #tpu.memory_space<vmem_shared>> -> memref<10240x16xf32, #tpu.memory_space<vmem_shared>>
        tpu.wait_indirect_dma semaphore(%run_scoped3A_302 : memref<!tpu.dma_semaphore, #tpu.memory_space<semaphore_mem>>) src(%dma_wait3A_316 : memref<128x16xf32, #tpu.memory_space<vmem>>) dst(%dma_wait3A_322 : memref<10240x16xf32, #tpu.memory_space<vmem_shared>>)
        tpu.yield
      }) : () -> ()
      %dma_wait3A_288 = arith.constant 7 : i32
      %dma_wait3A_289 = arith.constant 1 : i32
      %dma_wait3A_290 = arith.constant 0 : i32
      %dma_wait3A_291 = arith.constant 0 : i32
      %dma_wait3A_292 = tpu.memref_slice %arg8[%dma_wait3A_289, %dma_wait3A_290, %dma_wait3A_291] : memref<2x128x16xf32, #tpu.memory_space<vmem>> -> memref<1x128x16xf32, #tpu.memory_space<vmem>>
      %dma_wait3A_293 = tpu.memref_squeeze %dma_wait3A_292 : memref<1x128x16xf32, #tpu.memory_space<vmem>> -> memref<128x16xf32, #tpu.memory_space<vmem>>
      %dma_wait3A_294 = arith.constant 0 : i32
      %dma_wait3A_295 = tpu.memref_slice %arg6[%dma_wait3A_288, %dma_wait3A_294] : memref<8x128xi32, #tpu.memory_space<vmem>> -> memref<1x128xi32, #tpu.memory_space<vmem>>
      %dma_wait3A_296 = tpu.memref_squeeze %dma_wait3A_295 : memref<1x128xi32, #tpu.memory_space<vmem>> -> memref<128xi32, #tpu.memory_space<vmem>>
      %dma_wait3A_297 = arith.constant 0 : i32
      %dma_wait3A_298 = arith.constant 0 : i32
      %dma_wait3A_299 = tpu.memref_slice %arg2[%dma_wait3A_297, %dma_wait3A_298] : memref<10000x16xf32, #tpu.memory_space<hbm>> -> memref<10000x16xf32, #tpu.memory_space<hbm>>
      tpu.wait_indirect_dma semaphore(%arg11 : memref<!tpu.dma_semaphore, #tpu.memory_space<semaphore_mem>>) src(%dma_wait3A_299 : memref<10000x16xf32, #tpu.memory_space<hbm>>) dst(%dma_wait3A_293 : memref<128x16xf32, #tpu.memory_space<vmem>>)
      %run_scoped3A_300 = arith.constant 1 : i32
      %run_scoped3A_301 = arith.constant 7 : i32
      "tpu.region"() ({
        %run_scoped3A_302 = tpu.sem_alloc : memref<!tpu.dma_semaphore, #tpu.memory_space<semaphore_mem>>
        %dma_start3A_303 = arith.constant 0 : i32
        %dma_start3A_304 = arith.constant 0 : i32
        %dma_start3A_305 = tpu.memref_slice %arg8[%run_scoped3A_300, %dma_start3A_303, %dma_start3A_304] : memref<2x128x16xf32, #tpu.memory_space<vmem>> -> memref<1x128x16xf32, #tpu.memory_space<vmem>>
        %dma_start3A_306 = tpu.memref_squeeze %dma_start3A_305 : memref<1x128x16xf32, #tpu.memory_space<vmem>> -> memref<128x16xf32, #tpu.memory_space<vmem>>
        %dma_start3A_307 = arith.constant 0 : i32
        %dma_start3A_308 = tpu.memref_slice %arg7[%run_scoped3A_301, %dma_start3A_307] : memref<8x128xi32, #tpu.memory_space<vmem>> -> memref<1x128xi32, #tpu.memory_space<vmem>>
        %dma_start3A_309 = tpu.memref_squeeze %dma_start3A_308 : memref<1x128xi32, #tpu.memory_space<vmem>> -> memref<128xi32, #tpu.memory_space<vmem>>
        %dma_start3A_310 = arith.constant 0 : i32
        %dma_start3A_311 = arith.constant 0 : i32
        %dma_start3A_312 = tpu.memref_slice %arg9[%dma_start3A_310, %dma_start3A_311] : memref<10240x16xf32, #tpu.memory_space<vmem_shared>> -> memref<10240x16xf32, #tpu.memory_space<vmem_shared>>
        tpu.enqueue_indirect_dma source(%dma_start3A_306 : memref<128x16xf32, #tpu.memory_space<vmem>>) target(%dma_start3A_312 : memref<10240x16xf32, #tpu.memory_space<vmem_shared>>) offsets(%dma_start3A_309 : memref<128xi32, #tpu.memory_space<vmem>>) semaphore(%run_scoped3A_302 : memref<!tpu.dma_semaphore, #tpu.memory_space<semaphore_mem>>) {add = true}
        %dma_wait3A_313 = arith.constant 0 : i32
        %dma_wait3A_314 = arith.constant 0 : i32
        %dma_wait3A_315 = tpu.memref_slice %arg8[%run_scoped3A_300, %dma_wait3A_313, %dma_wait3A_314] : memref<2x128x16xf32, #tpu.memory_space<vmem>> -> memref<1x128x16xf32, #tpu.memory_space<vmem>>
        %dma_wait3A_316 = tpu.memref_squeeze %dma_wait3A_315 : memref<1x128x16xf32, #tpu.memory_space<vmem>> -> memref<128x16xf32, #tpu.memory_space<vmem>>
        %dma_wait3A_317 = arith.constant 0 : i32
        %dma_wait3A_318 = tpu.memref_slice %arg7[%run_scoped3A_301, %dma_wait3A_317] : memref<8x128xi32, #tpu.memory_space<vmem>> -> memref<1x128xi32, #tpu.memory_space<vmem>>
        %dma_wait3A_319 = tpu.memref_squeeze %dma_wait3A_318 : memref<1x128xi32, #tpu.memory_space<vmem>> -> memref<128xi32, #tpu.memory_space<vmem>>
        %dma_wait3A_320 = arith.constant 0 : i32
        %dma_wait3A_321 = arith.constant 0 : i32
        %dma_wait3A_322 = tpu.memref_slice %arg9[%dma_wait3A_320, %dma_wait3A_321] : memref<10240x16xf32, #tpu.memory_space<vmem_shared>> -> memref<10240x16xf32, #tpu.memory_space<vmem_shared>>
        tpu.wait_indirect_dma semaphore(%run_scoped3A_302 : memref<!tpu.dma_semaphore, #tpu.memory_space<semaphore_mem>>) src(%dma_wait3A_316 : memref<128x16xf32, #tpu.memory_space<vmem>>) dst(%dma_wait3A_322 : memref<10240x16xf32, #tpu.memory_space<vmem_shared>>)
        tpu.yield
      }) : () -> ()
    }
    %scan3A_37 = arith.constant 10 : i32
    %barrier3A_38 = arith.constant 0 : index
    tpu.barrier barrier_id(%barrier3A_38)
    %mul3A_39 = arith.constant 640 : i32
    %mul3A_40 = arith.muli %arg1, %mul3A_39 : i32
    %add3A_41 = arith.constant 0 : i32
    %add3A_42 = arith.addi %mul3A_40, %add3A_41 : i32
    %run_scoped3A_43 = arith.constant 0 : i32
    "tpu.region"() ({
      %run_scoped3A_89 = tpu.sem_alloc : memref<!tpu.dma_semaphore, #tpu.memory_space<semaphore_mem>>
      %dma_start3A = arith.constant 0 : i32
      %dma_start3A_90 = arith.constant 0 : i32
      %dma_start3A_91 = tpu.memref_slice %arg8[%run_scoped3A_43, %dma_start3A, %dma_start3A_90] : memref<2x128x16xf32, #tpu.memory_space<vmem>> -> memref<1x128x16xf32, #tpu.memory_space<vmem>>
      %dma_start3A_92 = tpu.memref_squeeze %dma_start3A_91 : memref<1x128x16xf32, #tpu.memory_space<vmem>> -> memref<128x16xf32, #tpu.memory_space<vmem>>
      %dma_start3A_93 = arith.constant 0 : i32
      %dma_start3A_94 = tpu.memref_slice %arg9[%add3A_42, %dma_start3A_93] : memref<10240x16xf32, #tpu.memory_space<vmem_shared>> -> memref<128x16xf32, #tpu.memory_space<vmem_shared>>
      %dma_start3A_95 = arith.constant 0 : i32
      %dma_start3A_96 = arith.constant 0 : i32
      %dma_start3A_97 = tpu.memref_slice %arg8[%run_scoped3A_43, %dma_start3A_95, %dma_start3A_96] : memref<2x128x16xf32, #tpu.memory_space<vmem>> -> memref<1x128x16xf32, #tpu.memory_space<vmem>>
      %dma_start3A_98 = tpu.memref_squeeze %dma_start3A_97 : memref<1x128x16xf32, #tpu.memory_space<vmem>> -> memref<128x16xf32, #tpu.memory_space<vmem>>
      %dma_start3A_99 = arith.constant 0 : i32
      %dma_start3A_100 = tpu.memref_slice %arg9[%add3A_42, %dma_start3A_99] : memref<10240x16xf32, #tpu.memory_space<vmem_shared>> -> memref<128x16xf32, #tpu.memory_space<vmem_shared>>
      tpu.enqueue_dma source(%dma_start3A_100 : memref<128x16xf32, #tpu.memory_space<vmem_shared>>) target(%dma_start3A_98 : memref<128x16xf32, #tpu.memory_space<vmem>>) target_semaphore(%run_scoped3A_89 : memref<!tpu.dma_semaphore, #tpu.memory_space<semaphore_mem>>)
      %dma_wait3A = arith.constant 0 : i32
      %dma_wait3A_101 = arith.constant 0 : i32
      %dma_wait3A_102 = tpu.memref_slice %arg8[%run_scoped3A_43, %dma_wait3A, %dma_wait3A_101] : memref<2x128x16xf32, #tpu.memory_space<vmem>> -> memref<1x128x16xf32, #tpu.memory_space<vmem>>
      %dma_wait3A_103 = tpu.memref_squeeze %dma_wait3A_102 : memref<1x128x16xf32, #tpu.memory_space<vmem>> -> memref<128x16xf32, #tpu.memory_space<vmem>>
      %dma_wait3A_104 = arith.constant 0 : i32
      %dma_wait3A_105 = tpu.memref_slice %arg9[%add3A_42, %dma_wait3A_104] : memref<10240x16xf32, #tpu.memory_space<vmem_shared>> -> memref<128x16xf32, #tpu.memory_space<vmem_shared>>
      %dma_wait3A_106 = arith.constant 0 : i32
      %dma_wait3A_107 = arith.constant 0 : i32
      %dma_wait3A_108 = tpu.memref_slice %arg8[%run_scoped3A_43, %dma_wait3A_106, %dma_wait3A_107] : memref<2x128x16xf32, #tpu.memory_space<vmem>> -> memref<1x128x16xf32, #tpu.memory_space<vmem>>
      %dma_wait3A_109 = tpu.memref_squeeze %dma_wait3A_108 : memref<1x128x16xf32, #tpu.memory_space<vmem>> -> memref<128x16xf32, #tpu.memory_space<vmem>>
      %dma_wait3A_110 = arith.constant 0 : i32
      %dma_wait3A_111 = tpu.memref_slice %arg9[%add3A_42, %dma_wait3A_110] : memref<10240x16xf32, #tpu.memory_space<vmem_shared>> -> memref<128x16xf32, #tpu.memory_space<vmem_shared>>
      tpu.wait_dma2 semaphore(%run_scoped3A_89 : memref<!tpu.dma_semaphore, #tpu.memory_space<semaphore_mem>>) src(%dma_wait3A_111 : memref<128x16xf32, #tpu.memory_space<vmem_shared>>) dst(%dma_wait3A_109 : memref<128x16xf32, #tpu.memory_space<vmem>>)
      tpu.yield
    }) : () -> ()
    %mul3A_44 = arith.constant 640 : i32
    %mul3A_45 = arith.muli %arg1, %mul3A_44 : i32
    %add3A_46 = arith.constant 0 : i32
    %add3A_47 = arith.addi %mul3A_45, %add3A_46 : i32
    %run_scoped3A_48 = arith.constant 0 : i32
    "tpu.region"() ({
      %run_scoped3A_89 = tpu.sem_alloc : memref<!tpu.dma_semaphore, #tpu.memory_space<semaphore_mem>>
      %dma_start3A = arith.constant 0 : i32
      %dma_start3A_90 = arith.constant 0 : i32
      %dma_start3A_91 = tpu.memref_slice %arg8[%run_scoped3A_48, %dma_start3A, %dma_start3A_90] : memref<2x128x16xf32, #tpu.memory_space<vmem>> -> memref<1x128x16xf32, #tpu.memory_space<vmem>>
      %dma_start3A_92 = tpu.memref_squeeze %dma_start3A_91 : memref<1x128x16xf32, #tpu.memory_space<vmem>> -> memref<128x16xf32, #tpu.memory_space<vmem>>
      %dma_start3A_93 = arith.constant 0 : i32
      %dma_start3A_94 = tpu.memref_slice %arg5[%arg0, %add3A_47, %dma_start3A_93] : memref<2x10240x16xf32, #tpu.memory_space<hbm>> -> memref<1x128x16xf32, #tpu.memory_space<hbm>>
      %dma_start3A_95 = tpu.memref_squeeze %dma_start3A_94 : memref<1x128x16xf32, #tpu.memory_space<hbm>> -> memref<128x16xf32, #tpu.memory_space<hbm>>
      %dma_start3A_96 = arith.constant 0 : i32
      %dma_start3A_97 = tpu.memref_slice %arg5[%arg0, %add3A_47, %dma_start3A_96] : memref<2x10240x16xf32, #tpu.memory_space<hbm>> -> memref<1x128x16xf32, #tpu.memory_space<hbm>>
      %dma_start3A_98 = tpu.memref_squeeze %dma_start3A_97 : memref<1x128x16xf32, #tpu.memory_space<hbm>> -> memref<128x16xf32, #tpu.memory_space<hbm>>
      %dma_start3A_99 = arith.constant 0 : i32
      %dma_start3A_100 = arith.constant 0 : i32
      %dma_start3A_101 = tpu.memref_slice %arg8[%run_scoped3A_48, %dma_start3A_99, %dma_start3A_100] : memref<2x128x16xf32, #tpu.memory_space<vmem>> -> memref<1x128x16xf32, #tpu.memory_space<vmem>>
      %dma_start3A_102 = tpu.memref_squeeze %dma_start3A_101 : memref<1x128x16xf32, #tpu.memory_space<vmem>> -> memref<128x16xf32, #tpu.memory_space<vmem>>
      tpu.enqueue_dma source(%dma_start3A_102 : memref<128x16xf32, #tpu.memory_space<vmem>>) target(%dma_start3A_98 : memref<128x16xf32, #tpu.memory_space<hbm>>) target_semaphore(%run_scoped3A_89 : memref<!tpu.dma_semaphore, #tpu.memory_space<semaphore_mem>>)
      %dma_wait3A = arith.constant 0 : i32
      %dma_wait3A_103 = arith.constant 0 : i32
      %dma_wait3A_104 = tpu.memref_slice %arg8[%run_scoped3A_48, %dma_wait3A, %dma_wait3A_103] : memref<2x128x16xf32, #tpu.memory_space<vmem>> -> memref<1x128x16xf32, #tpu.memory_space<vmem>>
      %dma_wait3A_105 = tpu.memref_squeeze %dma_wait3A_104 : memref<1x128x16xf32, #tpu.memory_space<vmem>> -> memref<128x16xf32, #tpu.memory_space<vmem>>
      %dma_wait3A_106 = arith.constant 0 : i32
      %dma_wait3A_107 = tpu.memref_slice %arg5[%arg0, %add3A_47, %dma_wait3A_106] : memref<2x10240x16xf32, #tpu.memory_space<hbm>> -> memref<1x128x16xf32, #tpu.memory_space<hbm>>
      %dma_wait3A_108 = tpu.memref_squeeze %dma_wait3A_107 : memref<1x128x16xf32, #tpu.memory_space<hbm>> -> memref<128x16xf32, #tpu.memory_space<hbm>>
      %dma_wait3A_109 = arith.constant 0 : i32
      %dma_wait3A_110 = tpu.memref_slice %arg5[%arg0, %add3A_47, %dma_wait3A_109] : memref<2x10240x16xf32, #tpu.memory_space<hbm>> -> memref<1x128x16xf32, #tpu.memory_space<hbm>>
      %dma_wait3A_111 = tpu.memref_squeeze %dma_wait3A_110 : memref<1x128x16xf32, #tpu.memory_space<hbm>> -> memref<128x16xf32, #tpu.memory_space<hbm>>
      %dma_wait3A_112 = arith.constant 0 : i32
      %dma_wait3A_113 = arith.constant 0 : i32
      %dma_wait3A_114 = tpu.memref_slice %arg8[%run_scoped3A_48, %dma_wait3A_112, %dma_wait3A_113] : memref<2x128x16xf32, #tpu.memory_space<vmem>> -> memref<1x128x16xf32, #tpu.memory_space<vmem>>
      %dma_wait3A_115 = tpu.memref_squeeze %dma_wait3A_114 : memref<1x128x16xf32, #tpu.memory_space<vmem>> -> memref<128x16xf32, #tpu.memory_space<vmem>>
      tpu.wait_dma2 semaphore(%run_scoped3A_89 : memref<!tpu.dma_semaphore, #tpu.memory_space<semaphore_mem>>) src(%dma_wait3A_115 : memref<128x16xf32, #tpu.memory_space<vmem>>) dst(%dma_wait3A_111 : memref<128x16xf32, #tpu.memory_space<hbm>>)
      tpu.yield
    }) : () -> ()
    %mul3A_49 = arith.constant 640 : i32
    %mul3A_50 = arith.muli %arg1, %mul3A_49 : i32
    %add3A_51 = arith.constant 128 : i32
    %add3A_52 = arith.addi %mul3A_50, %add3A_51 : i32
    %run_scoped3A_53 = arith.constant 0 : i32
    "tpu.region"() ({
      %run_scoped3A_89 = tpu.sem_alloc : memref<!tpu.dma_semaphore, #tpu.memory_space<semaphore_mem>>
      %dma_start3A = arith.constant 0 : i32
      %dma_start3A_90 = arith.constant 0 : i32
      %dma_start3A_91 = tpu.memref_slice %arg8[%run_scoped3A_53, %dma_start3A, %dma_start3A_90] : memref<2x128x16xf32, #tpu.memory_space<vmem>> -> memref<1x128x16xf32, #tpu.memory_space<vmem>>
      %dma_start3A_92 = tpu.memref_squeeze %dma_start3A_91 : memref<1x128x16xf32, #tpu.memory_space<vmem>> -> memref<128x16xf32, #tpu.memory_space<vmem>>
      %dma_start3A_93 = arith.constant 0 : i32
      %dma_start3A_94 = tpu.memref_slice %arg9[%add3A_52, %dma_start3A_93] : memref<10240x16xf32, #tpu.memory_space<vmem_shared>> -> memref<128x16xf32, #tpu.memory_space<vmem_shared>>
      %dma_start3A_95 = arith.constant 0 : i32
      %dma_start3A_96 = arith.constant 0 : i32
      %dma_start3A_97 = tpu.memref_slice %arg8[%run_scoped3A_53, %dma_start3A_95, %dma_start3A_96] : memref<2x128x16xf32, #tpu.memory_space<vmem>> -> memref<1x128x16xf32, #tpu.memory_space<vmem>>
      %dma_start3A_98 = tpu.memref_squeeze %dma_start3A_97 : memref<1x128x16xf32, #tpu.memory_space<vmem>> -> memref<128x16xf32, #tpu.memory_space<vmem>>
      %dma_start3A_99 = arith.constant 0 : i32
      %dma_start3A_100 = tpu.memref_slice %arg9[%add3A_52, %dma_start3A_99] : memref<10240x16xf32, #tpu.memory_space<vmem_shared>> -> memref<128x16xf32, #tpu.memory_space<vmem_shared>>
      tpu.enqueue_dma source(%dma_start3A_100 : memref<128x16xf32, #tpu.memory_space<vmem_shared>>) target(%dma_start3A_98 : memref<128x16xf32, #tpu.memory_space<vmem>>) target_semaphore(%run_scoped3A_89 : memref<!tpu.dma_semaphore, #tpu.memory_space<semaphore_mem>>)
      %dma_wait3A = arith.constant 0 : i32
      %dma_wait3A_101 = arith.constant 0 : i32
      %dma_wait3A_102 = tpu.memref_slice %arg8[%run_scoped3A_53, %dma_wait3A, %dma_wait3A_101] : memref<2x128x16xf32, #tpu.memory_space<vmem>> -> memref<1x128x16xf32, #tpu.memory_space<vmem>>
      %dma_wait3A_103 = tpu.memref_squeeze %dma_wait3A_102 : memref<1x128x16xf32, #tpu.memory_space<vmem>> -> memref<128x16xf32, #tpu.memory_space<vmem>>
      %dma_wait3A_104 = arith.constant 0 : i32
      %dma_wait3A_105 = tpu.memref_slice %arg9[%add3A_52, %dma_wait3A_104] : memref<10240x16xf32, #tpu.memory_space<vmem_shared>> -> memref<128x16xf32, #tpu.memory_space<vmem_shared>>
      %dma_wait3A_106 = arith.constant 0 : i32
      %dma_wait3A_107 = arith.constant 0 : i32
      %dma_wait3A_108 = tpu.memref_slice %arg8[%run_scoped3A_53, %dma_wait3A_106, %dma_wait3A_107] : memref<2x128x16xf32, #tpu.memory_space<vmem>> -> memref<1x128x16xf32, #tpu.memory_space<vmem>>
      %dma_wait3A_109 = tpu.memref_squeeze %dma_wait3A_108 : memref<1x128x16xf32, #tpu.memory_space<vmem>> -> memref<128x16xf32, #tpu.memory_space<vmem>>
      %dma_wait3A_110 = arith.constant 0 : i32
      %dma_wait3A_111 = tpu.memref_slice %arg9[%add3A_52, %dma_wait3A_110] : memref<10240x16xf32, #tpu.memory_space<vmem_shared>> -> memref<128x16xf32, #tpu.memory_space<vmem_shared>>
      tpu.wait_dma2 semaphore(%run_scoped3A_89 : memref<!tpu.dma_semaphore, #tpu.memory_space<semaphore_mem>>) src(%dma_wait3A_111 : memref<128x16xf32, #tpu.memory_space<vmem_shared>>) dst(%dma_wait3A_109 : memref<128x16xf32, #tpu.memory_space<vmem>>)
      tpu.yield
    }) : () -> ()
    %mul3A_54 = arith.constant 640 : i32
    %mul3A_55 = arith.muli %arg1, %mul3A_54 : i32
    %add3A_56 = arith.constant 128 : i32
    %add3A_57 = arith.addi %mul3A_55, %add3A_56 : i32
    %run_scoped3A_58 = arith.constant 0 : i32
    "tpu.region"() ({
      %run_scoped3A_89 = tpu.sem_alloc : memref<!tpu.dma_semaphore, #tpu.memory_space<semaphore_mem>>
      %dma_start3A = arith.constant 0 : i32
      %dma_start3A_90 = arith.constant 0 : i32
      %dma_start3A_91 = tpu.memref_slice %arg8[%run_scoped3A_58, %dma_start3A, %dma_start3A_90] : memref<2x128x16xf32, #tpu.memory_space<vmem>> -> memref<1x128x16xf32, #tpu.memory_space<vmem>>
      %dma_start3A_92 = tpu.memref_squeeze %dma_start3A_91 : memref<1x128x16xf32, #tpu.memory_space<vmem>> -> memref<128x16xf32, #tpu.memory_space<vmem>>
      %dma_start3A_93 = arith.constant 0 : i32
      %dma_start3A_94 = tpu.memref_slice %arg5[%arg0, %add3A_57, %dma_start3A_93] : memref<2x10240x16xf32, #tpu.memory_space<hbm>> -> memref<1x128x16xf32, #tpu.memory_space<hbm>>
      %dma_start3A_95 = tpu.memref_squeeze %dma_start3A_94 : memref<1x128x16xf32, #tpu.memory_space<hbm>> -> memref<128x16xf32, #tpu.memory_space<hbm>>
      %dma_start3A_96 = arith.constant 0 : i32
      %dma_start3A_97 = tpu.memref_slice %arg5[%arg0, %add3A_57, %dma_start3A_96] : memref<2x10240x16xf32, #tpu.memory_space<hbm>> -> memref<1x128x16xf32, #tpu.memory_space<hbm>>
      %dma_start3A_98 = tpu.memref_squeeze %dma_start3A_97 : memref<1x128x16xf32, #tpu.memory_space<hbm>> -> memref<128x16xf32, #tpu.memory_space<hbm>>
      %dma_start3A_99 = arith.constant 0 : i32
      %dma_start3A_100 = arith.constant 0 : i32
      %dma_start3A_101 = tpu.memref_slice %arg8[%run_scoped3A_58, %dma_start3A_99, %dma_start3A_100] : memref<2x128x16xf32, #tpu.memory_space<vmem>> -> memref<1x128x16xf32, #tpu.memory_space<vmem>>
      %dma_start3A_102 = tpu.memref_squeeze %dma_start3A_101 : memref<1x128x16xf32, #tpu.memory_space<vmem>> -> memref<128x16xf32, #tpu.memory_space<vmem>>
      tpu.enqueue_dma source(%dma_start3A_102 : memref<128x16xf32, #tpu.memory_space<vmem>>) target(%dma_start3A_98 : memref<128x16xf32, #tpu.memory_space<hbm>>) target_semaphore(%run_scoped3A_89 : memref<!tpu.dma_semaphore, #tpu.memory_space<semaphore_mem>>)
      %dma_wait3A = arith.constant 0 : i32
      %dma_wait3A_103 = arith.constant 0 : i32
      %dma_wait3A_104 = tpu.memref_slice %arg8[%run_scoped3A_58, %dma_wait3A, %dma_wait3A_103] : memref<2x128x16xf32, #tpu.memory_space<vmem>> -> memref<1x128x16xf32, #tpu.memory_space<vmem>>
      %dma_wait3A_105 = tpu.memref_squeeze %dma_wait3A_104 : memref<1x128x16xf32, #tpu.memory_space<vmem>> -> memref<128x16xf32, #tpu.memory_space<vmem>>
      %dma_wait3A_106 = arith.constant 0 : i32
      %dma_wait3A_107 = tpu.memref_slice %arg5[%arg0, %add3A_57, %dma_wait3A_106] : memref<2x10240x16xf32, #tpu.memory_space<hbm>> -> memref<1x128x16xf32, #tpu.memory_space<hbm>>
      %dma_wait3A_108 = tpu.memref_squeeze %dma_wait3A_107 : memref<1x128x16xf32, #tpu.memory_space<hbm>> -> memref<128x16xf32, #tpu.memory_space<hbm>>
      %dma_wait3A_109 = arith.constant 0 : i32
      %dma_wait3A_110 = tpu.memref_slice %arg5[%arg0, %add3A_57, %dma_wait3A_109] : memref<2x10240x16xf32, #tpu.memory_space<hbm>> -> memref<1x128x16xf32, #tpu.memory_space<hbm>>
      %dma_wait3A_111 = tpu.memref_squeeze %dma_wait3A_110 : memref<1x128x16xf32, #tpu.memory_space<hbm>> -> memref<128x16xf32, #tpu.memory_space<hbm>>
      %dma_wait3A_112 = arith.constant 0 : i32
      %dma_wait3A_113 = arith.constant 0 : i32
      %dma_wait3A_114 = tpu.memref_slice %arg8[%run_scoped3A_58, %dma_wait3A_112, %dma_wait3A_113] : memref<2x128x16xf32, #tpu.memory_space<vmem>> -> memref<1x128x16xf32, #tpu.memory_space<vmem>>
      %dma_wait3A_115 = tpu.memref_squeeze %dma_wait3A_114 : memref<1x128x16xf32, #tpu.memory_space<vmem>> -> memref<128x16xf32, #tpu.memory_space<vmem>>
      tpu.wait_dma2 semaphore(%run_scoped3A_89 : memref<!tpu.dma_semaphore, #tpu.memory_space<semaphore_mem>>) src(%dma_wait3A_115 : memref<128x16xf32, #tpu.memory_space<vmem>>) dst(%dma_wait3A_111 : memref<128x16xf32, #tpu.memory_space<hbm>>)
      tpu.yield
    }) : () -> ()
    %mul3A_59 = arith.constant 640 : i32
    %mul3A_60 = arith.muli %arg1, %mul3A_59 : i32
    %add3A_61 = arith.constant 256 : i32
    %add3A_62 = arith.addi %mul3A_60, %add3A_61 : i32
    %run_scoped3A_63 = arith.constant 0 : i32
    "tpu.region"() ({
      %run_scoped3A_89 = tpu.sem_alloc : memref<!tpu.dma_semaphore, #tpu.memory_space<semaphore_mem>>
      %dma_start3A = arith.constant 0 : i32
      %dma_start3A_90 = arith.constant 0 : i32
      %dma_start3A_91 = tpu.memref_slice %arg8[%run_scoped3A_63, %dma_start3A, %dma_start3A_90] : memref<2x128x16xf32, #tpu.memory_space<vmem>> -> memref<1x128x16xf32, #tpu.memory_space<vmem>>
      %dma_start3A_92 = tpu.memref_squeeze %dma_start3A_91 : memref<1x128x16xf32, #tpu.memory_space<vmem>> -> memref<128x16xf32, #tpu.memory_space<vmem>>
      %dma_start3A_93 = arith.constant 0 : i32
      %dma_start3A_94 = tpu.memref_slice %arg9[%add3A_62, %dma_start3A_93] : memref<10240x16xf32, #tpu.memory_space<vmem_shared>> -> memref<128x16xf32, #tpu.memory_space<vmem_shared>>
      %dma_start3A_95 = arith.constant 0 : i32
      %dma_start3A_96 = arith.constant 0 : i32
      %dma_start3A_97 = tpu.memref_slice %arg8[%run_scoped3A_63, %dma_start3A_95, %dma_start3A_96] : memref<2x128x16xf32, #tpu.memory_space<vmem>> -> memref<1x128x16xf32, #tpu.memory_space<vmem>>
      %dma_start3A_98 = tpu.memref_squeeze %dma_start3A_97 : memref<1x128x16xf32, #tpu.memory_space<vmem>> -> memref<128x16xf32, #tpu.memory_space<vmem>>
      %dma_start3A_99 = arith.constant 0 : i32
      %dma_start3A_100 = tpu.memref_slice %arg9[%add3A_62, %dma_start3A_99] : memref<10240x16xf32, #tpu.memory_space<vmem_shared>> -> memref<128x16xf32, #tpu.memory_space<vmem_shared>>
      tpu.enqueue_dma source(%dma_start3A_100 : memref<128x16xf32, #tpu.memory_space<vmem_shared>>) target(%dma_start3A_98 : memref<128x16xf32, #tpu.memory_space<vmem>>) target_semaphore(%run_scoped3A_89 : memref<!tpu.dma_semaphore, #tpu.memory_space<semaphore_mem>>)
      %dma_wait3A = arith.constant 0 : i32
      %dma_wait3A_101 = arith.constant 0 : i32
      %dma_wait3A_102 = tpu.memref_slice %arg8[%run_scoped3A_63, %dma_wait3A, %dma_wait3A_101] : memref<2x128x16xf32, #tpu.memory_space<vmem>> -> memref<1x128x16xf32, #tpu.memory_space<vmem>>
      %dma_wait3A_103 = tpu.memref_squeeze %dma_wait3A_102 : memref<1x128x16xf32, #tpu.memory_space<vmem>> -> memref<128x16xf32, #tpu.memory_space<vmem>>
      %dma_wait3A_104 = arith.constant 0 : i32
      %dma_wait3A_105 = tpu.memref_slice %arg9[%add3A_62, %dma_wait3A_104] : memref<10240x16xf32, #tpu.memory_space<vmem_shared>> -> memref<128x16xf32, #tpu.memory_space<vmem_shared>>
      %dma_wait3A_106 = arith.constant 0 : i32
      %dma_wait3A_107 = arith.constant 0 : i32
      %dma_wait3A_108 = tpu.memref_slice %arg8[%run_scoped3A_63, %dma_wait3A_106, %dma_wait3A_107] : memref<2x128x16xf32, #tpu.memory_space<vmem>> -> memref<1x128x16xf32, #tpu.memory_space<vmem>>
      %dma_wait3A_109 = tpu.memref_squeeze %dma_wait3A_108 : memref<1x128x16xf32, #tpu.memory_space<vmem>> -> memref<128x16xf32, #tpu.memory_space<vmem>>
      %dma_wait3A_110 = arith.constant 0 : i32
      %dma_wait3A_111 = tpu.memref_slice %arg9[%add3A_62, %dma_wait3A_110] : memref<10240x16xf32, #tpu.memory_space<vmem_shared>> -> memref<128x16xf32, #tpu.memory_space<vmem_shared>>
      tpu.wait_dma2 semaphore(%run_scoped3A_89 : memref<!tpu.dma_semaphore, #tpu.memory_space<semaphore_mem>>) src(%dma_wait3A_111 : memref<128x16xf32, #tpu.memory_space<vmem_shared>>) dst(%dma_wait3A_109 : memref<128x16xf32, #tpu.memory_space<vmem>>)
      tpu.yield
    }) : () -> ()
    %mul3A_64 = arith.constant 640 : i32
    %mul3A_65 = arith.muli %arg1, %mul3A_64 : i32
    %add3A_66 = arith.constant 256 : i32
    %add3A_67 = arith.addi %mul3A_65, %add3A_66 : i32
    %run_scoped3A_68 = arith.constant 0 : i32
    "tpu.region"() ({
      %run_scoped3A_89 = tpu.sem_alloc : memref<!tpu.dma_semaphore, #tpu.memory_space<semaphore_mem>>
      %dma_start3A = arith.constant 0 : i32
      %dma_start3A_90 = arith.constant 0 : i32
      %dma_start3A_91 = tpu.memref_slice %arg8[%run_scoped3A_68, %dma_start3A, %dma_start3A_90] : memref<2x128x16xf32, #tpu.memory_space<vmem>> -> memref<1x128x16xf32, #tpu.memory_space<vmem>>
      %dma_start3A_92 = tpu.memref_squeeze %dma_start3A_91 : memref<1x128x16xf32, #tpu.memory_space<vmem>> -> memref<128x16xf32, #tpu.memory_space<vmem>>
      %dma_start3A_93 = arith.constant 0 : i32
      %dma_start3A_94 = tpu.memref_slice %arg5[%arg0, %add3A_67, %dma_start3A_93] : memref<2x10240x16xf32, #tpu.memory_space<hbm>> -> memref<1x128x16xf32, #tpu.memory_space<hbm>>
      %dma_start3A_95 = tpu.memref_squeeze %dma_start3A_94 : memref<1x128x16xf32, #tpu.memory_space<hbm>> -> memref<128x16xf32, #tpu.memory_space<hbm>>
      %dma_start3A_96 = arith.constant 0 : i32
      %dma_start3A_97 = tpu.memref_slice %arg5[%arg0, %add3A_67, %dma_start3A_96] : memref<2x10240x16xf32, #tpu.memory_space<hbm>> -> memref<1x128x16xf32, #tpu.memory_space<hbm>>
      %dma_start3A_98 = tpu.memref_squeeze %dma_start3A_97 : memref<1x128x16xf32, #tpu.memory_space<hbm>> -> memref<128x16xf32, #tpu.memory_space<hbm>>
      %dma_start3A_99 = arith.constant 0 : i32
      %dma_start3A_100 = arith.constant 0 : i32
      %dma_start3A_101 = tpu.memref_slice %arg8[%run_scoped3A_68, %dma_start3A_99, %dma_start3A_100] : memref<2x128x16xf32, #tpu.memory_space<vmem>> -> memref<1x128x16xf32, #tpu.memory_space<vmem>>
      %dma_start3A_102 = tpu.memref_squeeze %dma_start3A_101 : memref<1x128x16xf32, #tpu.memory_space<vmem>> -> memref<128x16xf32, #tpu.memory_space<vmem>>
      tpu.enqueue_dma source(%dma_start3A_102 : memref<128x16xf32, #tpu.memory_space<vmem>>) target(%dma_start3A_98 : memref<128x16xf32, #tpu.memory_space<hbm>>) target_semaphore(%run_scoped3A_89 : memref<!tpu.dma_semaphore, #tpu.memory_space<semaphore_mem>>)
      %dma_wait3A = arith.constant 0 : i32
      %dma_wait3A_103 = arith.constant 0 : i32
      %dma_wait3A_104 = tpu.memref_slice %arg8[%run_scoped3A_68, %dma_wait3A, %dma_wait3A_103] : memref<2x128x16xf32, #tpu.memory_space<vmem>> -> memref<1x128x16xf32, #tpu.memory_space<vmem>>
      %dma_wait3A_105 = tpu.memref_squeeze %dma_wait3A_104 : memref<1x128x16xf32, #tpu.memory_space<vmem>> -> memref<128x16xf32, #tpu.memory_space<vmem>>
      %dma_wait3A_106 = arith.constant 0 : i32
      %dma_wait3A_107 = tpu.memref_slice %arg5[%arg0, %add3A_67, %dma_wait3A_106] : memref<2x10240x16xf32, #tpu.memory_space<hbm>> -> memref<1x128x16xf32, #tpu.memory_space<hbm>>
      %dma_wait3A_108 = tpu.memref_squeeze %dma_wait3A_107 : memref<1x128x16xf32, #tpu.memory_space<hbm>> -> memref<128x16xf32, #tpu.memory_space<hbm>>
      %dma_wait3A_109 = arith.constant 0 : i32
      %dma_wait3A_110 = tpu.memref_slice %arg5[%arg0, %add3A_67, %dma_wait3A_109] : memref<2x10240x16xf32, #tpu.memory_space<hbm>> -> memref<1x128x16xf32, #tpu.memory_space<hbm>>
      %dma_wait3A_111 = tpu.memref_squeeze %dma_wait3A_110 : memref<1x128x16xf32, #tpu.memory_space<hbm>> -> memref<128x16xf32, #tpu.memory_space<hbm>>
      %dma_wait3A_112 = arith.constant 0 : i32
      %dma_wait3A_113 = arith.constant 0 : i32
      %dma_wait3A_114 = tpu.memref_slice %arg8[%run_scoped3A_68, %dma_wait3A_112, %dma_wait3A_113] : memref<2x128x16xf32, #tpu.memory_space<vmem>> -> memref<1x128x16xf32, #tpu.memory_space<vmem>>
      %dma_wait3A_115 = tpu.memref_squeeze %dma_wait3A_114 : memref<1x128x16xf32, #tpu.memory_space<vmem>> -> memref<128x16xf32, #tpu.memory_space<vmem>>
      tpu.wait_dma2 semaphore(%run_scoped3A_89 : memref<!tpu.dma_semaphore, #tpu.memory_space<semaphore_mem>>) src(%dma_wait3A_115 : memref<128x16xf32, #tpu.memory_space<vmem>>) dst(%dma_wait3A_111 : memref<128x16xf32, #tpu.memory_space<hbm>>)
      tpu.yield
    }) : () -> ()
    %mul3A_69 = arith.constant 640 : i32
    %mul3A_70 = arith.muli %arg1, %mul3A_69 : i32
    %add3A_71 = arith.constant 384 : i32
    %add3A_72 = arith.addi %mul3A_70, %add3A_71 : i32
    %run_scoped3A_73 = arith.constant 0 : i32
    "tpu.region"() ({
      %run_scoped3A_89 = tpu.sem_alloc : memref<!tpu.dma_semaphore, #tpu.memory_space<semaphore_mem>>
      %dma_start3A = arith.constant 0 : i32
      %dma_start3A_90 = arith.constant 0 : i32
      %dma_start3A_91 = tpu.memref_slice %arg8[%run_scoped3A_73, %dma_start3A, %dma_start3A_90] : memref<2x128x16xf32, #tpu.memory_space<vmem>> -> memref<1x128x16xf32, #tpu.memory_space<vmem>>
      %dma_start3A_92 = tpu.memref_squeeze %dma_start3A_91 : memref<1x128x16xf32, #tpu.memory_space<vmem>> -> memref<128x16xf32, #tpu.memory_space<vmem>>
      %dma_start3A_93 = arith.constant 0 : i32
      %dma_start3A_94 = tpu.memref_slice %arg9[%add3A_72, %dma_start3A_93] : memref<10240x16xf32, #tpu.memory_space<vmem_shared>> -> memref<128x16xf32, #tpu.memory_space<vmem_shared>>
      %dma_start3A_95 = arith.constant 0 : i32
      %dma_start3A_96 = arith.constant 0 : i32
      %dma_start3A_97 = tpu.memref_slice %arg8[%run_scoped3A_73, %dma_start3A_95, %dma_start3A_96] : memref<2x128x16xf32, #tpu.memory_space<vmem>> -> memref<1x128x16xf32, #tpu.memory_space<vmem>>
      %dma_start3A_98 = tpu.memref_squeeze %dma_start3A_97 : memref<1x128x16xf32, #tpu.memory_space<vmem>> -> memref<128x16xf32, #tpu.memory_space<vmem>>
      %dma_start3A_99 = arith.constant 0 : i32
      %dma_start3A_100 = tpu.memref_slice %arg9[%add3A_72, %dma_start3A_99] : memref<10240x16xf32, #tpu.memory_space<vmem_shared>> -> memref<128x16xf32, #tpu.memory_space<vmem_shared>>
      tpu.enqueue_dma source(%dma_start3A_100 : memref<128x16xf32, #tpu.memory_space<vmem_shared>>) target(%dma_start3A_98 : memref<128x16xf32, #tpu.memory_space<vmem>>) target_semaphore(%run_scoped3A_89 : memref<!tpu.dma_semaphore, #tpu.memory_space<semaphore_mem>>)
      %dma_wait3A = arith.constant 0 : i32
      %dma_wait3A_101 = arith.constant 0 : i32
      %dma_wait3A_102 = tpu.memref_slice %arg8[%run_scoped3A_73, %dma_wait3A, %dma_wait3A_101] : memref<2x128x16xf32, #tpu.memory_space<vmem>> -> memref<1x128x16xf32, #tpu.memory_space<vmem>>
      %dma_wait3A_103 = tpu.memref_squeeze %dma_wait3A_102 : memref<1x128x16xf32, #tpu.memory_space<vmem>> -> memref<128x16xf32, #tpu.memory_space<vmem>>
      %dma_wait3A_104 = arith.constant 0 : i32
      %dma_wait3A_105 = tpu.memref_slice %arg9[%add3A_72, %dma_wait3A_104] : memref<10240x16xf32, #tpu.memory_space<vmem_shared>> -> memref<128x16xf32, #tpu.memory_space<vmem_shared>>
      %dma_wait3A_106 = arith.constant 0 : i32
      %dma_wait3A_107 = arith.constant 0 : i32
      %dma_wait3A_108 = tpu.memref_slice %arg8[%run_scoped3A_73, %dma_wait3A_106, %dma_wait3A_107] : memref<2x128x16xf32, #tpu.memory_space<vmem>> -> memref<1x128x16xf32, #tpu.memory_space<vmem>>
      %dma_wait3A_109 = tpu.memref_squeeze %dma_wait3A_108 : memref<1x128x16xf32, #tpu.memory_space<vmem>> -> memref<128x16xf32, #tpu.memory_space<vmem>>
      %dma_wait3A_110 = arith.constant 0 : i32
      %dma_wait3A_111 = tpu.memref_slice %arg9[%add3A_72, %dma_wait3A_110] : memref<10240x16xf32, #tpu.memory_space<vmem_shared>> -> memref<128x16xf32, #tpu.memory_space<vmem_shared>>
      tpu.wait_dma2 semaphore(%run_scoped3A_89 : memref<!tpu.dma_semaphore, #tpu.memory_space<semaphore_mem>>) src(%dma_wait3A_111 : memref<128x16xf32, #tpu.memory_space<vmem_shared>>) dst(%dma_wait3A_109 : memref<128x16xf32, #tpu.memory_space<vmem>>)
      tpu.yield
    }) : () -> ()
    %mul3A_74 = arith.constant 640 : i32
    %mul3A_75 = arith.muli %arg1, %mul3A_74 : i32
    %add3A_76 = arith.constant 384 : i32
    %add3A_77 = arith.addi %mul3A_75, %add3A_76 : i32
    %run_scoped3A_78 = arith.constant 0 : i32
    "tpu.region"() ({
      %run_scoped3A_89 = tpu.sem_alloc : memref<!tpu.dma_semaphore, #tpu.memory_space<semaphore_mem>>
      %dma_start3A = arith.constant 0 : i32
      %dma_start3A_90 = arith.constant 0 : i32
      %dma_start3A_91 = tpu.memref_slice %arg8[%run_scoped3A_78, %dma_start3A, %dma_start3A_90] : memref<2x128x16xf32, #tpu.memory_space<vmem>> -> memref<1x128x16xf32, #tpu.memory_space<vmem>>
      %dma_start3A_92 = tpu.memref_squeeze %dma_start3A_91 : memref<1x128x16xf32, #tpu.memory_space<vmem>> -> memref<128x16xf32, #tpu.memory_space<vmem>>
      %dma_start3A_93 = arith.constant 0 : i32
      %dma_start3A_94 = tpu.memref_slice %arg5[%arg0, %add3A_77, %dma_start3A_93] : memref<2x10240x16xf32, #tpu.memory_space<hbm>> -> memref<1x128x16xf32, #tpu.memory_space<hbm>>
      %dma_start3A_95 = tpu.memref_squeeze %dma_start3A_94 : memref<1x128x16xf32, #tpu.memory_space<hbm>> -> memref<128x16xf32, #tpu.memory_space<hbm>>
      %dma_start3A_96 = arith.constant 0 : i32
      %dma_start3A_97 = tpu.memref_slice %arg5[%arg0, %add3A_77, %dma_start3A_96] : memref<2x10240x16xf32, #tpu.memory_space<hbm>> -> memref<1x128x16xf32, #tpu.memory_space<hbm>>
      %dma_start3A_98 = tpu.memref_squeeze %dma_start3A_97 : memref<1x128x16xf32, #tpu.memory_space<hbm>> -> memref<128x16xf32, #tpu.memory_space<hbm>>
      %dma_start3A_99 = arith.constant 0 : i32
      %dma_start3A_100 = arith.constant 0 : i32
      %dma_start3A_101 = tpu.memref_slice %arg8[%run_scoped3A_78, %dma_start3A_99, %dma_start3A_100] : memref<2x128x16xf32, #tpu.memory_space<vmem>> -> memref<1x128x16xf32, #tpu.memory_space<vmem>>
      %dma_start3A_102 = tpu.memref_squeeze %dma_start3A_101 : memref<1x128x16xf32, #tpu.memory_space<vmem>> -> memref<128x16xf32, #tpu.memory_space<vmem>>
      tpu.enqueue_dma source(%dma_start3A_102 : memref<128x16xf32, #tpu.memory_space<vmem>>) target(%dma_start3A_98 : memref<128x16xf32, #tpu.memory_space<hbm>>) target_semaphore(%run_scoped3A_89 : memref<!tpu.dma_semaphore, #tpu.memory_space<semaphore_mem>>)
      %dma_wait3A = arith.constant 0 : i32
      %dma_wait3A_103 = arith.constant 0 : i32
      %dma_wait3A_104 = tpu.memref_slice %arg8[%run_scoped3A_78, %dma_wait3A, %dma_wait3A_103] : memref<2x128x16xf32, #tpu.memory_space<vmem>> -> memref<1x128x16xf32, #tpu.memory_space<vmem>>
      %dma_wait3A_105 = tpu.memref_squeeze %dma_wait3A_104 : memref<1x128x16xf32, #tpu.memory_space<vmem>> -> memref<128x16xf32, #tpu.memory_space<vmem>>
      %dma_wait3A_106 = arith.constant 0 : i32
      %dma_wait3A_107 = tpu.memref_slice %arg5[%arg0, %add3A_77, %dma_wait3A_106] : memref<2x10240x16xf32, #tpu.memory_space<hbm>> -> memref<1x128x16xf32, #tpu.memory_space<hbm>>
      %dma_wait3A_108 = tpu.memref_squeeze %dma_wait3A_107 : memref<1x128x16xf32, #tpu.memory_space<hbm>> -> memref<128x16xf32, #tpu.memory_space<hbm>>
      %dma_wait3A_109 = arith.constant 0 : i32
      %dma_wait3A_110 = tpu.memref_slice %arg5[%arg0, %add3A_77, %dma_wait3A_109] : memref<2x10240x16xf32, #tpu.memory_space<hbm>> -> memref<1x128x16xf32, #tpu.memory_space<hbm>>
      %dma_wait3A_111 = tpu.memref_squeeze %dma_wait3A_110 : memref<1x128x16xf32, #tpu.memory_space<hbm>> -> memref<128x16xf32, #tpu.memory_space<hbm>>
      %dma_wait3A_112 = arith.constant 0 : i32
      %dma_wait3A_113 = arith.constant 0 : i32
      %dma_wait3A_114 = tpu.memref_slice %arg8[%run_scoped3A_78, %dma_wait3A_112, %dma_wait3A_113] : memref<2x128x16xf32, #tpu.memory_space<vmem>> -> memref<1x128x16xf32, #tpu.memory_space<vmem>>
      %dma_wait3A_115 = tpu.memref_squeeze %dma_wait3A_114 : memref<1x128x16xf32, #tpu.memory_space<vmem>> -> memref<128x16xf32, #tpu.memory_space<vmem>>
      tpu.wait_dma2 semaphore(%run_scoped3A_89 : memref<!tpu.dma_semaphore, #tpu.memory_space<semaphore_mem>>) src(%dma_wait3A_115 : memref<128x16xf32, #tpu.memory_space<vmem>>) dst(%dma_wait3A_111 : memref<128x16xf32, #tpu.memory_space<hbm>>)
      tpu.yield
    }) : () -> ()
    %mul3A_79 = arith.constant 640 : i32
    %mul3A_80 = arith.muli %arg1, %mul3A_79 : i32
    %add3A_81 = arith.constant 512 : i32
    %add3A_82 = arith.addi %mul3A_80, %add3A_81 : i32
    %run_scoped3A_83 = arith.constant 0 : i32
    "tpu.region"() ({
      %run_scoped3A_89 = tpu.sem_alloc : memref<!tpu.dma_semaphore, #tpu.memory_space<semaphore_mem>>
      %dma_start3A = arith.constant 0 : i32
      %dma_start3A_90 = arith.constant 0 : i32
      %dma_start3A_91 = tpu.memref_slice %arg8[%run_scoped3A_83, %dma_start3A, %dma_start3A_90] : memref<2x128x16xf32, #tpu.memory_space<vmem>> -> memref<1x128x16xf32, #tpu.memory_space<vmem>>
      %dma_start3A_92 = tpu.memref_squeeze %dma_start3A_91 : memref<1x128x16xf32, #tpu.memory_space<vmem>> -> memref<128x16xf32, #tpu.memory_space<vmem>>
      %dma_start3A_93 = arith.constant 0 : i32
      %dma_start3A_94 = tpu.memref_slice %arg9[%add3A_82, %dma_start3A_93] : memref<10240x16xf32, #tpu.memory_space<vmem_shared>> -> memref<128x16xf32, #tpu.memory_space<vmem_shared>>
      %dma_start3A_95 = arith.constant 0 : i32
      %dma_start3A_96 = arith.constant 0 : i32
      %dma_start3A_97 = tpu.memref_slice %arg8[%run_scoped3A_83, %dma_start3A_95, %dma_start3A_96] : memref<2x128x16xf32, #tpu.memory_space<vmem>> -> memref<1x128x16xf32, #tpu.memory_space<vmem>>
      %dma_start3A_98 = tpu.memref_squeeze %dma_start3A_97 : memref<1x128x16xf32, #tpu.memory_space<vmem>> -> memref<128x16xf32, #tpu.memory_space<vmem>>
      %dma_start3A_99 = arith.constant 0 : i32
      %dma_start3A_100 = tpu.memref_slice %arg9[%add3A_82, %dma_start3A_99] : memref<10240x16xf32, #tpu.memory_space<vmem_shared>> -> memref<128x16xf32, #tpu.memory_space<vmem_shared>>
      tpu.enqueue_dma source(%dma_start3A_100 : memref<128x16xf32, #tpu.memory_space<vmem_shared>>) target(%dma_start3A_98 : memref<128x16xf32, #tpu.memory_space<vmem>>) target_semaphore(%run_scoped3A_89 : memref<!tpu.dma_semaphore, #tpu.memory_space<semaphore_mem>>)
      %dma_wait3A = arith.constant 0 : i32
      %dma_wait3A_101 = arith.constant 0 : i32
      %dma_wait3A_102 = tpu.memref_slice %arg8[%run_scoped3A_83, %dma_wait3A, %dma_wait3A_101] : memref<2x128x16xf32, #tpu.memory_space<vmem>> -> memref<1x128x16xf32, #tpu.memory_space<vmem>>
      %dma_wait3A_103 = tpu.memref_squeeze %dma_wait3A_102 : memref<1x128x16xf32, #tpu.memory_space<vmem>> -> memref<128x16xf32, #tpu.memory_space<vmem>>
      %dma_wait3A_104 = arith.constant 0 : i32
      %dma_wait3A_105 = tpu.memref_slice %arg9[%add3A_82, %dma_wait3A_104] : memref<10240x16xf32, #tpu.memory_space<vmem_shared>> -> memref<128x16xf32, #tpu.memory_space<vmem_shared>>
      %dma_wait3A_106 = arith.constant 0 : i32
      %dma_wait3A_107 = arith.constant 0 : i32
      %dma_wait3A_108 = tpu.memref_slice %arg8[%run_scoped3A_83, %dma_wait3A_106, %dma_wait3A_107] : memref<2x128x16xf32, #tpu.memory_space<vmem>> -> memref<1x128x16xf32, #tpu.memory_space<vmem>>
      %dma_wait3A_109 = tpu.memref_squeeze %dma_wait3A_108 : memref<1x128x16xf32, #tpu.memory_space<vmem>> -> memref<128x16xf32, #tpu.memory_space<vmem>>
      %dma_wait3A_110 = arith.constant 0 : i32
      %dma_wait3A_111 = tpu.memref_slice %arg9[%add3A_82, %dma_wait3A_110] : memref<10240x16xf32, #tpu.memory_space<vmem_shared>> -> memref<128x16xf32, #tpu.memory_space<vmem_shared>>
      tpu.wait_dma2 semaphore(%run_scoped3A_89 : memref<!tpu.dma_semaphore, #tpu.memory_space<semaphore_mem>>) src(%dma_wait3A_111 : memref<128x16xf32, #tpu.memory_space<vmem_shared>>) dst(%dma_wait3A_109 : memref<128x16xf32, #tpu.memory_space<vmem>>)
      tpu.yield
    }) : () -> ()
    %mul3A_84 = arith.constant 640 : i32
    %mul3A_85 = arith.muli %arg1, %mul3A_84 : i32
    %add3A_86 = arith.constant 512 : i32
    %add3A_87 = arith.addi %mul3A_85, %add3A_86 : i32
    %run_scoped3A_88 = arith.constant 0 : i32
    "tpu.region"() ({
      %run_scoped3A_89 = tpu.sem_alloc : memref<!tpu.dma_semaphore, #tpu.memory_space<semaphore_mem>>
      %dma_start3A = arith.constant 0 : i32
      %dma_start3A_90 = arith.constant 0 : i32
      %dma_start3A_91 = tpu.memref_slice %arg8[%run_scoped3A_88, %dma_start3A, %dma_start3A_90] : memref<2x128x16xf32, #tpu.memory_space<vmem>> -> memref<1x128x16xf32, #tpu.memory_space<vmem>>
      %dma_start3A_92 = tpu.memref_squeeze %dma_start3A_91 : memref<1x128x16xf32, #tpu.memory_space<vmem>> -> memref<128x16xf32, #tpu.memory_space<vmem>>
      %dma_start3A_93 = arith.constant 0 : i32
      %dma_start3A_94 = tpu.memref_slice %arg5[%arg0, %add3A_87, %dma_start3A_93] : memref<2x10240x16xf32, #tpu.memory_space<hbm>> -> memref<1x128x16xf32, #tpu.memory_space<hbm>>
      %dma_start3A_95 = tpu.memref_squeeze %dma_start3A_94 : memref<1x128x16xf32, #tpu.memory_space<hbm>> -> memref<128x16xf32, #tpu.memory_space<hbm>>
      %dma_start3A_96 = arith.constant 0 : i32
      %dma_start3A_97 = tpu.memref_slice %arg5[%arg0, %add3A_87, %dma_start3A_96] : memref<2x10240x16xf32, #tpu.memory_space<hbm>> -> memref<1x128x16xf32, #tpu.memory_space<hbm>>
      %dma_start3A_98 = tpu.memref_squeeze %dma_start3A_97 : memref<1x128x16xf32, #tpu.memory_space<hbm>> -> memref<128x16xf32, #tpu.memory_space<hbm>>
      %dma_start3A_99 = arith.constant 0 : i32
      %dma_start3A_100 = arith.constant 0 : i32
      %dma_start3A_101 = tpu.memref_slice %arg8[%run_scoped3A_88, %dma_start3A_99, %dma_start3A_100] : memref<2x128x16xf32, #tpu.memory_space<vmem>> -> memref<1x128x16xf32, #tpu.memory_space<vmem>>
      %dma_start3A_102 = tpu.memref_squeeze %dma_start3A_101 : memref<1x128x16xf32, #tpu.memory_space<vmem>> -> memref<128x16xf32, #tpu.memory_space<vmem>>
      tpu.enqueue_dma source(%dma_start3A_102 : memref<128x16xf32, #tpu.memory_space<vmem>>) target(%dma_start3A_98 : memref<128x16xf32, #tpu.memory_space<hbm>>) target_semaphore(%run_scoped3A_89 : memref<!tpu.dma_semaphore, #tpu.memory_space<semaphore_mem>>)
      %dma_wait3A = arith.constant 0 : i32
      %dma_wait3A_103 = arith.constant 0 : i32
      %dma_wait3A_104 = tpu.memref_slice %arg8[%run_scoped3A_88, %dma_wait3A, %dma_wait3A_103] : memref<2x128x16xf32, #tpu.memory_space<vmem>> -> memref<1x128x16xf32, #tpu.memory_space<vmem>>
      %dma_wait3A_105 = tpu.memref_squeeze %dma_wait3A_104 : memref<1x128x16xf32, #tpu.memory_space<vmem>> -> memref<128x16xf32, #tpu.memory_space<vmem>>
      %dma_wait3A_106 = arith.constant 0 : i32
      %dma_wait3A_107 = tpu.memref_slice %arg5[%arg0, %add3A_87, %dma_wait3A_106] : memref<2x10240x16xf32, #tpu.memory_space<hbm>> -> memref<1x128x16xf32, #tpu.memory_space<hbm>>
      %dma_wait3A_108 = tpu.memref_squeeze %dma_wait3A_107 : memref<1x128x16xf32, #tpu.memory_space<hbm>> -> memref<128x16xf32, #tpu.memory_space<hbm>>
      %dma_wait3A_109 = arith.constant 0 : i32
      %dma_wait3A_110 = tpu.memref_slice %arg5[%arg0, %add3A_87, %dma_wait3A_109] : memref<2x10240x16xf32, #tpu.memory_space<hbm>> -> memref<1x128x16xf32, #tpu.memory_space<hbm>>
      %dma_wait3A_111 = tpu.memref_squeeze %dma_wait3A_110 : memref<1x128x16xf32, #tpu.memory_space<hbm>> -> memref<128x16xf32, #tpu.memory_space<hbm>>
      %dma_wait3A_112 = arith.constant 0 : i32
      %dma_wait3A_113 = arith.constant 0 : i32
      %dma_wait3A_114 = tpu.memref_slice %arg8[%run_scoped3A_88, %dma_wait3A_112, %dma_wait3A_113] : memref<2x128x16xf32, #tpu.memory_space<vmem>> -> memref<1x128x16xf32, #tpu.memory_space<vmem>>
      %dma_wait3A_115 = tpu.memref_squeeze %dma_wait3A_114 : memref<1x128x16xf32, #tpu.memory_space<vmem>> -> memref<128x16xf32, #tpu.memory_space<vmem>>
      tpu.wait_dma2 semaphore(%run_scoped3A_89 : memref<!tpu.dma_semaphore, #tpu.memory_space<semaphore_mem>>) src(%dma_wait3A_115 : memref<128x16xf32, #tpu.memory_space<vmem>>) dst(%dma_wait3A_111 : memref<128x16xf32, #tpu.memory_space<hbm>>)
      tpu.yield
    }) : () -> ()
    return
  }
}

#map = affine_map<(d0, d1) -> (0, 0)>
#map1 = affine_map<(d0, d1) -> (0)>
module attributes {stable_mosaic.version = 14 : i64} {
  func.func @deg_kernel(%arg0: i32, %arg1: i32, %arg2: memref<2560x128xi32, #tpu.memory_space<hbm>>, %arg3: memref<20480xf32, #tpu.memory_space<hbm>>, %arg4: memref<8x128xi32, #tpu.memory_space<vmem>>, %arg5: memref<128xf32, #tpu.memory_space<vmem>>, %arg6: memref<128xf32, #tpu.memory_space<vmem>>, %arg7: memref<10240xf32, #tpu.memory_space<vmem_shared>>) attributes {dimension_semantics = [#tpu.dimension_semantics<core_parallel>, #tpu.dimension_semantics<subcore_parallel>], iteration_bounds = array<i64: 2, 16>, scalar_prefetch = 0 : i64, scratch_operands = 4 : i64, tpu.core_type = #tpu.core_type<sc_vector_subcore>, window_params = [{transform_indices = #map}, {transform_indices = #map1}]} {
    %mul3A = arith.constant 2 : i32
    %mul3A_0 = arith.muli %arg1, %mul3A : i32
    %add3A = arith.addi %mul3A_0, %arg0 : i32
    %broadcast_in_dim3A = arith.constant 1.000000e+00 : f32
    %broadcast_in_dim3A_1 = vector.broadcast %broadcast_in_dim3A : f32 to vector<16xf32>
    %swap3A = arith.constant 0 : index
    %swap3A_2 = tpu.vector_load %arg5[%swap3A] {strides = array<i32>} : memref<128xf32, #tpu.memory_space<vmem>>, vector<16xf32>,
    %swap3A_3 = vector.shape_cast %swap3A_2 : vector<16xf32> to vector<16xf32>
    %swap3A_4 = vector.shape_cast %broadcast_in_dim3A_1 : vector<16xf32> to vector<16xf32>
    tpu.vector_store %arg5[%swap3A], %swap3A_4 {strides = array<i32>} : memref<128xf32, #tpu.memory_space<vmem>>, vector<16xf32>,
    %broadcast_in_dim3A_5 = arith.constant 1.000000e+00 : f32
    %broadcast_in_dim3A_6 = vector.broadcast %broadcast_in_dim3A_5 : f32 to vector<16xf32>
    %swap3A_7 = arith.constant 16 : index
    %swap3A_8 = tpu.vector_load %arg5[%swap3A_7] {strides = array<i32>} : memref<128xf32, #tpu.memory_space<vmem>>, vector<16xf32>,
    %swap3A_9 = vector.shape_cast %swap3A_8 : vector<16xf32> to vector<16xf32>
    %swap3A_10 = vector.shape_cast %broadcast_in_dim3A_6 : vector<16xf32> to vector<16xf32>
    tpu.vector_store %arg5[%swap3A_7], %swap3A_10 {strides = array<i32>} : memref<128xf32, #tpu.memory_space<vmem>>, vector<16xf32>,
    %broadcast_in_dim3A_11 = arith.constant 1.000000e+00 : f32
    %broadcast_in_dim3A_12 = vector.broadcast %broadcast_in_dim3A_11 : f32 to vector<16xf32>
    %swap3A_13 = arith.constant 32 : index
    %swap3A_14 = tpu.vector_load %arg5[%swap3A_13] {strides = array<i32>} : memref<128xf32, #tpu.memory_space<vmem>>, vector<16xf32>,
    %swap3A_15 = vector.shape_cast %swap3A_14 : vector<16xf32> to vector<16xf32>
    %swap3A_16 = vector.shape_cast %broadcast_in_dim3A_12 : vector<16xf32> to vector<16xf32>
    tpu.vector_store %arg5[%swap3A_13], %swap3A_16 {strides = array<i32>} : memref<128xf32, #tpu.memory_space<vmem>>, vector<16xf32>,
    %broadcast_in_dim3A_17 = arith.constant 1.000000e+00 : f32
    %broadcast_in_dim3A_18 = vector.broadcast %broadcast_in_dim3A_17 : f32 to vector<16xf32>
    %swap3A_19 = arith.constant 48 : index
    %swap3A_20 = tpu.vector_load %arg5[%swap3A_19] {strides = array<i32>} : memref<128xf32, #tpu.memory_space<vmem>>, vector<16xf32>,
    %swap3A_21 = vector.shape_cast %swap3A_20 : vector<16xf32> to vector<16xf32>
    %swap3A_22 = vector.shape_cast %broadcast_in_dim3A_18 : vector<16xf32> to vector<16xf32>
    tpu.vector_store %arg5[%swap3A_19], %swap3A_22 {strides = array<i32>} : memref<128xf32, #tpu.memory_space<vmem>>, vector<16xf32>,
    %broadcast_in_dim3A_23 = arith.constant 1.000000e+00 : f32
    %broadcast_in_dim3A_24 = vector.broadcast %broadcast_in_dim3A_23 : f32 to vector<16xf32>
    %swap3A_25 = arith.constant 64 : index
    %swap3A_26 = tpu.vector_load %arg5[%swap3A_25] {strides = array<i32>} : memref<128xf32, #tpu.memory_space<vmem>>, vector<16xf32>,
    %swap3A_27 = vector.shape_cast %swap3A_26 : vector<16xf32> to vector<16xf32>
    %swap3A_28 = vector.shape_cast %broadcast_in_dim3A_24 : vector<16xf32> to vector<16xf32>
    tpu.vector_store %arg5[%swap3A_25], %swap3A_28 {strides = array<i32>} : memref<128xf32, #tpu.memory_space<vmem>>, vector<16xf32>,
    %broadcast_in_dim3A_29 = arith.constant 1.000000e+00 : f32
    %broadcast_in_dim3A_30 = vector.broadcast %broadcast_in_dim3A_29 : f32 to vector<16xf32>
    %swap3A_31 = arith.constant 80 : index
    %swap3A_32 = tpu.vector_load %arg5[%swap3A_31] {strides = array<i32>} : memref<128xf32, #tpu.memory_space<vmem>>, vector<16xf32>,
    %swap3A_33 = vector.shape_cast %swap3A_32 : vector<16xf32> to vector<16xf32>
    %swap3A_34 = vector.shape_cast %broadcast_in_dim3A_30 : vector<16xf32> to vector<16xf32>
    tpu.vector_store %arg5[%swap3A_31], %swap3A_34 {strides = array<i32>} : memref<128xf32, #tpu.memory_space<vmem>>, vector<16xf32>,
    %broadcast_in_dim3A_35 = arith.constant 1.000000e+00 : f32
    %broadcast_in_dim3A_36 = vector.broadcast %broadcast_in_dim3A_35 : f32 to vector<16xf32>
    %swap3A_37 = arith.constant 96 : index
    %swap3A_38 = tpu.vector_load %arg5[%swap3A_37] {strides = array<i32>} : memref<128xf32, #tpu.memory_space<vmem>>, vector<16xf32>,
    %swap3A_39 = vector.shape_cast %swap3A_38 : vector<16xf32> to vector<16xf32>
    %swap3A_40 = vector.shape_cast %broadcast_in_dim3A_36 : vector<16xf32> to vector<16xf32>
    tpu.vector_store %arg5[%swap3A_37], %swap3A_40 {strides = array<i32>} : memref<128xf32, #tpu.memory_space<vmem>>, vector<16xf32>,
    %broadcast_in_dim3A_41 = arith.constant 1.000000e+00 : f32
    %broadcast_in_dim3A_42 = vector.broadcast %broadcast_in_dim3A_41 : f32 to vector<16xf32>
    %swap3A_43 = arith.constant 112 : index
    %swap3A_44 = tpu.vector_load %arg5[%swap3A_43] {strides = array<i32>} : memref<128xf32, #tpu.memory_space<vmem>>, vector<16xf32>,
    %swap3A_45 = vector.shape_cast %swap3A_44 : vector<16xf32> to vector<16xf32>
    %swap3A_46 = vector.shape_cast %broadcast_in_dim3A_42 : vector<16xf32> to vector<16xf32>
    tpu.vector_store %arg5[%swap3A_43], %swap3A_46 {strides = array<i32>} : memref<128xf32, #tpu.memory_space<vmem>>, vector<16xf32>,
    %broadcast_in_dim3A_47 = arith.constant 0.000000e+00 : f32
    %broadcast_in_dim3A_48 = vector.broadcast %broadcast_in_dim3A_47 : f32 to vector<16xf32>
    %swap3A_49 = arith.constant 0 : index
    %swap3A_50 = tpu.vector_load %arg6[%swap3A_49] {strides = array<i32>} : memref<128xf32, #tpu.memory_space<vmem>>, vector<16xf32>,
    %swap3A_51 = vector.shape_cast %swap3A_50 : vector<16xf32> to vector<16xf32>
    %swap3A_52 = vector.shape_cast %broadcast_in_dim3A_48 : vector<16xf32> to vector<16xf32>
    tpu.vector_store %arg6[%swap3A_49], %swap3A_52 {strides = array<i32>} : memref<128xf32, #tpu.memory_space<vmem>>, vector<16xf32>,
    %swap3A_53 = arith.constant 16 : index
    %swap3A_54 = tpu.vector_load %arg6[%swap3A_53] {strides = array<i32>} : memref<128xf32, #tpu.memory_space<vmem>>, vector<16xf32>,
    %swap3A_55 = vector.shape_cast %swap3A_54 : vector<16xf32> to vector<16xf32>
    %swap3A_56 = vector.shape_cast %broadcast_in_dim3A_48 : vector<16xf32> to vector<16xf32>
    tpu.vector_store %arg6[%swap3A_53], %swap3A_56 {strides = array<i32>} : memref<128xf32, #tpu.memory_space<vmem>>, vector<16xf32>,
    %swap3A_57 = arith.constant 32 : index
    %swap3A_58 = tpu.vector_load %arg6[%swap3A_57] {strides = array<i32>} : memref<128xf32, #tpu.memory_space<vmem>>, vector<16xf32>,
    %swap3A_59 = vector.shape_cast %swap3A_58 : vector<16xf32> to vector<16xf32>
    %swap3A_60 = vector.shape_cast %broadcast_in_dim3A_48 : vector<16xf32> to vector<16xf32>
    tpu.vector_store %arg6[%swap3A_57], %swap3A_60 {strides = array<i32>} : memref<128xf32, #tpu.memory_space<vmem>>, vector<16xf32>,
    %swap3A_61 = arith.constant 48 : index
    %swap3A_62 = tpu.vector_load %arg6[%swap3A_61] {strides = array<i32>} : memref<128xf32, #tpu.memory_space<vmem>>, vector<16xf32>,
    %swap3A_63 = vector.shape_cast %swap3A_62 : vector<16xf32> to vector<16xf32>
    %swap3A_64 = vector.shape_cast %broadcast_in_dim3A_48 : vector<16xf32> to vector<16xf32>
    tpu.vector_store %arg6[%swap3A_61], %swap3A_64 {strides = array<i32>} : memref<128xf32, #tpu.memory_space<vmem>>, vector<16xf32>,
    %swap3A_65 = arith.constant 64 : index
    %swap3A_66 = tpu.vector_load %arg6[%swap3A_65] {strides = array<i32>} : memref<128xf32, #tpu.memory_space<vmem>>, vector<16xf32>,
    %swap3A_67 = vector.shape_cast %swap3A_66 : vector<16xf32> to vector<16xf32>
    %swap3A_68 = vector.shape_cast %broadcast_in_dim3A_48 : vector<16xf32> to vector<16xf32>
    tpu.vector_store %arg6[%swap3A_65], %swap3A_68 {strides = array<i32>} : memref<128xf32, #tpu.memory_space<vmem>>, vector<16xf32>,
    %swap3A_69 = arith.constant 80 : index
    %swap3A_70 = tpu.vector_load %arg6[%swap3A_69] {strides = array<i32>} : memref<128xf32, #tpu.memory_space<vmem>>, vector<16xf32>,
    %swap3A_71 = vector.shape_cast %swap3A_70 : vector<16xf32> to vector<16xf32>
    %swap3A_72 = vector.shape_cast %broadcast_in_dim3A_48 : vector<16xf32> to vector<16xf32>
    tpu.vector_store %arg6[%swap3A_69], %swap3A_72 {strides = array<i32>} : memref<128xf32, #tpu.memory_space<vmem>>, vector<16xf32>,
    %swap3A_73 = arith.constant 96 : index
    %swap3A_74 = tpu.vector_load %arg6[%swap3A_73] {strides = array<i32>} : memref<128xf32, #tpu.memory_space<vmem>>, vector<16xf32>,
    %swap3A_75 = vector.shape_cast %swap3A_74 : vector<16xf32> to vector<16xf32>
    %swap3A_76 = vector.shape_cast %broadcast_in_dim3A_48 : vector<16xf32> to vector<16xf32>
    tpu.vector_store %arg6[%swap3A_73], %swap3A_76 {strides = array<i32>} : memref<128xf32, #tpu.memory_space<vmem>>, vector<16xf32>,
    %swap3A_77 = arith.constant 112 : index
    %swap3A_78 = tpu.vector_load %arg6[%swap3A_77] {strides = array<i32>} : memref<128xf32, #tpu.memory_space<vmem>>, vector<16xf32>,
    %swap3A_79 = vector.shape_cast %swap3A_78 : vector<16xf32> to vector<16xf32>
    %swap3A_80 = vector.shape_cast %broadcast_in_dim3A_48 : vector<16xf32> to vector<16xf32>
    tpu.vector_store %arg6[%swap3A_77], %swap3A_80 {strides = array<i32>} : memref<128xf32, #tpu.memory_space<vmem>>, vector<16xf32>,
    %mul3A_81 = arith.constant 640 : i32
    %mul3A_82 = arith.muli %arg1, %mul3A_81 : i32
    %add3A_83 = arith.constant 0 : i32
    %add3A_84 = arith.addi %mul3A_82, %add3A_83 : i32
    "tpu.region"() ({
      %run_scoped3A = tpu.sem_alloc : memref<!tpu.dma_semaphore, #tpu.memory_space<semaphore_mem>>
      %dma_start3A = tpu.memref_slice %arg7[%add3A_84] : memref<10240xf32, #tpu.memory_space<vmem_shared>> -> memref<128xf32, #tpu.memory_space<vmem_shared>>
      %dma_start3A_164 = tpu.memref_slice %arg7[%add3A_84] : memref<10240xf32, #tpu.memory_space<vmem_shared>> -> memref<128xf32, #tpu.memory_space<vmem_shared>>
      tpu.enqueue_dma source(%arg6 : memref<128xf32, #tpu.memory_space<vmem>>) target(%dma_start3A_164 : memref<128xf32, #tpu.memory_space<vmem_shared>>) target_semaphore(%run_scoped3A : memref<!tpu.dma_semaphore, #tpu.memory_space<semaphore_mem>>)
      %dma_wait3A = tpu.memref_slice %arg7[%add3A_84] : memref<10240xf32, #tpu.memory_space<vmem_shared>> -> memref<128xf32, #tpu.memory_space<vmem_shared>>
      %dma_wait3A_165 = tpu.memref_slice %arg7[%add3A_84] : memref<10240xf32, #tpu.memory_space<vmem_shared>> -> memref<128xf32, #tpu.memory_space<vmem_shared>>
      tpu.wait_dma2 semaphore(%run_scoped3A : memref<!tpu.dma_semaphore, #tpu.memory_space<semaphore_mem>>) src(%arg6 : memref<128xf32, #tpu.memory_space<vmem>>) dst(%dma_wait3A_165 : memref<128xf32, #tpu.memory_space<vmem_shared>>)
      tpu.yield
    }) : () -> ()
    %mul3A_85 = arith.constant 640 : i32
    %mul3A_86 = arith.muli %arg1, %mul3A_85 : i32
    %add3A_87 = arith.constant 128 : i32
    %add3A_88 = arith.addi %mul3A_86, %add3A_87 : i32
    "tpu.region"() ({
      %run_scoped3A = tpu.sem_alloc : memref<!tpu.dma_semaphore, #tpu.memory_space<semaphore_mem>>
      %dma_start3A = tpu.memref_slice %arg7[%add3A_88] : memref<10240xf32, #tpu.memory_space<vmem_shared>> -> memref<128xf32, #tpu.memory_space<vmem_shared>>
      %dma_start3A_164 = tpu.memref_slice %arg7[%add3A_88] : memref<10240xf32, #tpu.memory_space<vmem_shared>> -> memref<128xf32, #tpu.memory_space<vmem_shared>>
      tpu.enqueue_dma source(%arg6 : memref<128xf32, #tpu.memory_space<vmem>>) target(%dma_start3A_164 : memref<128xf32, #tpu.memory_space<vmem_shared>>) target_semaphore(%run_scoped3A : memref<!tpu.dma_semaphore, #tpu.memory_space<semaphore_mem>>)
      %dma_wait3A = tpu.memref_slice %arg7[%add3A_88] : memref<10240xf32, #tpu.memory_space<vmem_shared>> -> memref<128xf32, #tpu.memory_space<vmem_shared>>
      %dma_wait3A_165 = tpu.memref_slice %arg7[%add3A_88] : memref<10240xf32, #tpu.memory_space<vmem_shared>> -> memref<128xf32, #tpu.memory_space<vmem_shared>>
      tpu.wait_dma2 semaphore(%run_scoped3A : memref<!tpu.dma_semaphore, #tpu.memory_space<semaphore_mem>>) src(%arg6 : memref<128xf32, #tpu.memory_space<vmem>>) dst(%dma_wait3A_165 : memref<128xf32, #tpu.memory_space<vmem_shared>>)
      tpu.yield
    }) : () -> ()
    %mul3A_89 = arith.constant 640 : i32
    %mul3A_90 = arith.muli %arg1, %mul3A_89 : i32
    %add3A_91 = arith.constant 256 : i32
    %add3A_92 = arith.addi %mul3A_90, %add3A_91 : i32
    "tpu.region"() ({
      %run_scoped3A = tpu.sem_alloc : memref<!tpu.dma_semaphore, #tpu.memory_space<semaphore_mem>>
      %dma_start3A = tpu.memref_slice %arg7[%add3A_92] : memref<10240xf32, #tpu.memory_space<vmem_shared>> -> memref<128xf32, #tpu.memory_space<vmem_shared>>
      %dma_start3A_164 = tpu.memref_slice %arg7[%add3A_92] : memref<10240xf32, #tpu.memory_space<vmem_shared>> -> memref<128xf32, #tpu.memory_space<vmem_shared>>
      tpu.enqueue_dma source(%arg6 : memref<128xf32, #tpu.memory_space<vmem>>) target(%dma_start3A_164 : memref<128xf32, #tpu.memory_space<vmem_shared>>) target_semaphore(%run_scoped3A : memref<!tpu.dma_semaphore, #tpu.memory_space<semaphore_mem>>)
      %dma_wait3A = tpu.memref_slice %arg7[%add3A_92] : memref<10240xf32, #tpu.memory_space<vmem_shared>> -> memref<128xf32, #tpu.memory_space<vmem_shared>>
      %dma_wait3A_165 = tpu.memref_slice %arg7[%add3A_92] : memref<10240xf32, #tpu.memory_space<vmem_shared>> -> memref<128xf32, #tpu.memory_space<vmem_shared>>
      tpu.wait_dma2 semaphore(%run_scoped3A : memref<!tpu.dma_semaphore, #tpu.memory_space<semaphore_mem>>) src(%arg6 : memref<128xf32, #tpu.memory_space<vmem>>) dst(%dma_wait3A_165 : memref<128xf32, #tpu.memory_space<vmem_shared>>)
      tpu.yield
    }) : () -> ()
    %mul3A_93 = arith.constant 640 : i32
    %mul3A_94 = arith.muli %arg1, %mul3A_93 : i32
    %add3A_95 = arith.constant 384 : i32
    %add3A_96 = arith.addi %mul3A_94, %add3A_95 : i32
    "tpu.region"() ({
      %run_scoped3A = tpu.sem_alloc : memref<!tpu.dma_semaphore, #tpu.memory_space<semaphore_mem>>
      %dma_start3A = tpu.memref_slice %arg7[%add3A_96] : memref<10240xf32, #tpu.memory_space<vmem_shared>> -> memref<128xf32, #tpu.memory_space<vmem_shared>>
      %dma_start3A_164 = tpu.memref_slice %arg7[%add3A_96] : memref<10240xf32, #tpu.memory_space<vmem_shared>> -> memref<128xf32, #tpu.memory_space<vmem_shared>>
      tpu.enqueue_dma source(%arg6 : memref<128xf32, #tpu.memory_space<vmem>>) target(%dma_start3A_164 : memref<128xf32, #tpu.memory_space<vmem_shared>>) target_semaphore(%run_scoped3A : memref<!tpu.dma_semaphore, #tpu.memory_space<semaphore_mem>>)
      %dma_wait3A = tpu.memref_slice %arg7[%add3A_96] : memref<10240xf32, #tpu.memory_space<vmem_shared>> -> memref<128xf32, #tpu.memory_space<vmem_shared>>
      %dma_wait3A_165 = tpu.memref_slice %arg7[%add3A_96] : memref<10240xf32, #tpu.memory_space<vmem_shared>> -> memref<128xf32, #tpu.memory_space<vmem_shared>>
      tpu.wait_dma2 semaphore(%run_scoped3A : memref<!tpu.dma_semaphore, #tpu.memory_space<semaphore_mem>>) src(%arg6 : memref<128xf32, #tpu.memory_space<vmem>>) dst(%dma_wait3A_165 : memref<128xf32, #tpu.memory_space<vmem_shared>>)
      tpu.yield
    }) : () -> ()
    %mul3A_97 = arith.constant 640 : i32
    %mul3A_98 = arith.muli %arg1, %mul3A_97 : i32
    %add3A_99 = arith.constant 512 : i32
    %add3A_100 = arith.addi %mul3A_98, %add3A_99 : i32
    "tpu.region"() ({
      %run_scoped3A = tpu.sem_alloc : memref<!tpu.dma_semaphore, #tpu.memory_space<semaphore_mem>>
      %dma_start3A = tpu.memref_slice %arg7[%add3A_100] : memref<10240xf32, #tpu.memory_space<vmem_shared>> -> memref<128xf32, #tpu.memory_space<vmem_shared>>
      %dma_start3A_164 = tpu.memref_slice %arg7[%add3A_100] : memref<10240xf32, #tpu.memory_space<vmem_shared>> -> memref<128xf32, #tpu.memory_space<vmem_shared>>
      tpu.enqueue_dma source(%arg6 : memref<128xf32, #tpu.memory_space<vmem>>) target(%dma_start3A_164 : memref<128xf32, #tpu.memory_space<vmem_shared>>) target_semaphore(%run_scoped3A : memref<!tpu.dma_semaphore, #tpu.memory_space<semaphore_mem>>)
      %dma_wait3A = tpu.memref_slice %arg7[%add3A_100] : memref<10240xf32, #tpu.memory_space<vmem_shared>> -> memref<128xf32, #tpu.memory_space<vmem_shared>>
      %dma_wait3A_165 = tpu.memref_slice %arg7[%add3A_100] : memref<10240xf32, #tpu.memory_space<vmem_shared>> -> memref<128xf32, #tpu.memory_space<vmem_shared>>
      tpu.wait_dma2 semaphore(%run_scoped3A : memref<!tpu.dma_semaphore, #tpu.memory_space<semaphore_mem>>) src(%arg6 : memref<128xf32, #tpu.memory_space<vmem>>) dst(%dma_wait3A_165 : memref<128xf32, #tpu.memory_space<vmem_shared>>)
      tpu.yield
    }) : () -> ()
    %barrier3A = arith.constant 0 : index
    tpu.barrier barrier_id(%barrier3A)
    %mul3A_101 = arith.constant 80 : i32
    %mul3A_102 = arith.muli %add3A, %mul3A_101 : i32
    %scan3A = arith.constant 0 : i32
    %scan3A_103 = arith.constant 0 : i32
    %scan3A_104 = arith.constant 10 : i32
    %scan3A_105 = arith.addi %scan3A_103, %scan3A_104 : i32
    %scan3A_106 = arith.constant 1 : i32
    scf.for %scan3A_164 = %scan3A_103 to %scan3A_105 step %scan3A_106  : i32 {
      %mul3A_165 = arith.constant 8 : i32
      %mul3A_166 = arith.muli %scan3A_164, %mul3A_165 : i32
      %add3A_167 = arith.addi %mul3A_102, %mul3A_166 : i32
      "tpu.region"() ({
        %run_scoped3A_175 = tpu.sem_alloc : memref<!tpu.dma_semaphore, #tpu.memory_space<semaphore_mem>>
        %dma_start3A = arith.constant 0 : i32
        %dma_start3A_176 = tpu.memref_slice %arg2[%add3A_167, %dma_start3A] : memref<2560x128xi32, #tpu.memory_space<hbm>> -> memref<8x128xi32, #tpu.memory_space<hbm>>
        %dma_start3A_177 = arith.constant 0 : i32
        %dma_start3A_178 = tpu.memref_slice %arg2[%add3A_167, %dma_start3A_177] : memref<2560x128xi32, #tpu.memory_space<hbm>> -> memref<8x128xi32, #tpu.memory_space<hbm>>
        tpu.enqueue_dma source(%dma_start3A_178 : memref<8x128xi32, #tpu.memory_space<hbm>>) target(%arg4 : memref<8x128xi32, #tpu.memory_space<vmem>>) target_semaphore(%run_scoped3A_175 : memref<!tpu.dma_semaphore, #tpu.memory_space<semaphore_mem>>)
        %dma_wait3A = arith.constant 0 : i32
        %dma_wait3A_179 = tpu.memref_slice %arg2[%add3A_167, %dma_wait3A] : memref<2560x128xi32, #tpu.memory_space<hbm>> -> memref<8x128xi32, #tpu.memory_space<hbm>>
        %dma_wait3A_180 = arith.constant 0 : i32
        %dma_wait3A_181 = tpu.memref_slice %arg2[%add3A_167, %dma_wait3A_180] : memref<2560x128xi32, #tpu.memory_space<hbm>> -> memref<8x128xi32, #tpu.memory_space<hbm>>
        tpu.wait_dma2 semaphore(%run_scoped3A_175 : memref<!tpu.dma_semaphore, #tpu.memory_space<semaphore_mem>>) src(%dma_wait3A_181 : memref<8x128xi32, #tpu.memory_space<hbm>>) dst(%arg4 : memref<8x128xi32, #tpu.memory_space<vmem>>)
        tpu.yield
      }) : () -> ()
      %run_scoped3A = arith.constant 0 : i32
      "tpu.region"() ({
        %run_scoped3A_175 = tpu.sem_alloc : memref<!tpu.dma_semaphore, #tpu.memory_space<semaphore_mem>>
        %dma_start3A = arith.constant 0 : i32
        %dma_start3A_176 = tpu.memref_slice %arg4[%run_scoped3A, %dma_start3A] : memref<8x128xi32, #tpu.memory_space<vmem>> -> memref<1x128xi32, #tpu.memory_space<vmem>>
        %dma_start3A_177 = tpu.memref_squeeze %dma_start3A_176 : memref<1x128xi32, #tpu.memory_space<vmem>> -> memref<128xi32, #tpu.memory_space<vmem>>
        %dma_start3A_178 = arith.constant 0 : i32
        %dma_start3A_179 = tpu.memref_slice %arg7[%dma_start3A_178] : memref<10240xf32, #tpu.memory_space<vmem_shared>> -> memref<10240xf32, #tpu.memory_space<vmem_shared>>
        tpu.enqueue_indirect_dma source(%arg5 : memref<128xf32, #tpu.memory_space<vmem>>) target(%dma_start3A_179 : memref<10240xf32, #tpu.memory_space<vmem_shared>>) offsets(%dma_start3A_177 : memref<128xi32, #tpu.memory_space<vmem>>) semaphore(%run_scoped3A_175 : memref<!tpu.dma_semaphore, #tpu.memory_space<semaphore_mem>>) {add = true}
        %dma_wait3A = arith.constant 0 : i32
        %dma_wait3A_180 = tpu.memref_slice %arg4[%run_scoped3A, %dma_wait3A] : memref<8x128xi32, #tpu.memory_space<vmem>> -> memref<1x128xi32, #tpu.memory_space<vmem>>
        %dma_wait3A_181 = tpu.memref_squeeze %dma_wait3A_180 : memref<1x128xi32, #tpu.memory_space<vmem>> -> memref<128xi32, #tpu.memory_space<vmem>>
        %dma_wait3A_182 = arith.constant 0 : i32
        %dma_wait3A_183 = tpu.memref_slice %arg7[%dma_wait3A_182] : memref<10240xf32, #tpu.memory_space<vmem_shared>> -> memref<10240xf32, #tpu.memory_space<vmem_shared>>
        tpu.wait_indirect_dma semaphore(%run_scoped3A_175 : memref<!tpu.dma_semaphore, #tpu.memory_space<semaphore_mem>>) src(%arg5 : memref<128xf32, #tpu.memory_space<vmem>>) dst(%dma_wait3A_183 : memref<10240xf32, #tpu.memory_space<vmem_shared>>)
        tpu.yield
      }) : () -> ()
      %run_scoped3A_168 = arith.constant 1 : i32
      "tpu.region"() ({
        %run_scoped3A_175 = tpu.sem_alloc : memref<!tpu.dma_semaphore, #tpu.memory_space<semaphore_mem>>
        %dma_start3A = arith.constant 0 : i32
        %dma_start3A_176 = tpu.memref_slice %arg4[%run_scoped3A_168, %dma_start3A] : memref<8x128xi32, #tpu.memory_space<vmem>> -> memref<1x128xi32, #tpu.memory_space<vmem>>
        %dma_start3A_177 = tpu.memref_squeeze %dma_start3A_176 : memref<1x128xi32, #tpu.memory_space<vmem>> -> memref<128xi32, #tpu.memory_space<vmem>>
        %dma_start3A_178 = arith.constant 0 : i32
        %dma_start3A_179 = tpu.memref_slice %arg7[%dma_start3A_178] : memref<10240xf32, #tpu.memory_space<vmem_shared>> -> memref<10240xf32, #tpu.memory_space<vmem_shared>>
        tpu.enqueue_indirect_dma source(%arg5 : memref<128xf32, #tpu.memory_space<vmem>>) target(%dma_start3A_179 : memref<10240xf32, #tpu.memory_space<vmem_shared>>) offsets(%dma_start3A_177 : memref<128xi32, #tpu.memory_space<vmem>>) semaphore(%run_scoped3A_175 : memref<!tpu.dma_semaphore, #tpu.memory_space<semaphore_mem>>) {add = true}
        %dma_wait3A = arith.constant 0 : i32
        %dma_wait3A_180 = tpu.memref_slice %arg4[%run_scoped3A_168, %dma_wait3A] : memref<8x128xi32, #tpu.memory_space<vmem>> -> memref<1x128xi32, #tpu.memory_space<vmem>>
        %dma_wait3A_181 = tpu.memref_squeeze %dma_wait3A_180 : memref<1x128xi32, #tpu.memory_space<vmem>> -> memref<128xi32, #tpu.memory_space<vmem>>
        %dma_wait3A_182 = arith.constant 0 : i32
        %dma_wait3A_183 = tpu.memref_slice %arg7[%dma_wait3A_182] : memref<10240xf32, #tpu.memory_space<vmem_shared>> -> memref<10240xf32, #tpu.memory_space<vmem_shared>>
        tpu.wait_indirect_dma semaphore(%run_scoped3A_175 : memref<!tpu.dma_semaphore, #tpu.memory_space<semaphore_mem>>) src(%arg5 : memref<128xf32, #tpu.memory_space<vmem>>) dst(%dma_wait3A_183 : memref<10240xf32, #tpu.memory_space<vmem_shared>>)
        tpu.yield
      }) : () -> ()
      %run_scoped3A_169 = arith.constant 2 : i32
      "tpu.region"() ({
        %run_scoped3A_175 = tpu.sem_alloc : memref<!tpu.dma_semaphore, #tpu.memory_space<semaphore_mem>>
        %dma_start3A = arith.constant 0 : i32
        %dma_start3A_176 = tpu.memref_slice %arg4[%run_scoped3A_169, %dma_start3A] : memref<8x128xi32, #tpu.memory_space<vmem>> -> memref<1x128xi32, #tpu.memory_space<vmem>>
        %dma_start3A_177 = tpu.memref_squeeze %dma_start3A_176 : memref<1x128xi32, #tpu.memory_space<vmem>> -> memref<128xi32, #tpu.memory_space<vmem>>
        %dma_start3A_178 = arith.constant 0 : i32
        %dma_start3A_179 = tpu.memref_slice %arg7[%dma_start3A_178] : memref<10240xf32, #tpu.memory_space<vmem_shared>> -> memref<10240xf32, #tpu.memory_space<vmem_shared>>
        tpu.enqueue_indirect_dma source(%arg5 : memref<128xf32, #tpu.memory_space<vmem>>) target(%dma_start3A_179 : memref<10240xf32, #tpu.memory_space<vmem_shared>>) offsets(%dma_start3A_177 : memref<128xi32, #tpu.memory_space<vmem>>) semaphore(%run_scoped3A_175 : memref<!tpu.dma_semaphore, #tpu.memory_space<semaphore_mem>>) {add = true}
        %dma_wait3A = arith.constant 0 : i32
        %dma_wait3A_180 = tpu.memref_slice %arg4[%run_scoped3A_169, %dma_wait3A] : memref<8x128xi32, #tpu.memory_space<vmem>> -> memref<1x128xi32, #tpu.memory_space<vmem>>
        %dma_wait3A_181 = tpu.memref_squeeze %dma_wait3A_180 : memref<1x128xi32, #tpu.memory_space<vmem>> -> memref<128xi32, #tpu.memory_space<vmem>>
        %dma_wait3A_182 = arith.constant 0 : i32
        %dma_wait3A_183 = tpu.memref_slice %arg7[%dma_wait3A_182] : memref<10240xf32, #tpu.memory_space<vmem_shared>> -> memref<10240xf32, #tpu.memory_space<vmem_shared>>
        tpu.wait_indirect_dma semaphore(%run_scoped3A_175 : memref<!tpu.dma_semaphore, #tpu.memory_space<semaphore_mem>>) src(%arg5 : memref<128xf32, #tpu.memory_space<vmem>>) dst(%dma_wait3A_183 : memref<10240xf32, #tpu.memory_space<vmem_shared>>)
        tpu.yield
      }) : () -> ()
      %run_scoped3A_170 = arith.constant 3 : i32
      "tpu.region"() ({
        %run_scoped3A_175 = tpu.sem_alloc : memref<!tpu.dma_semaphore, #tpu.memory_space<semaphore_mem>>
        %dma_start3A = arith.constant 0 : i32
        %dma_start3A_176 = tpu.memref_slice %arg4[%run_scoped3A_170, %dma_start3A] : memref<8x128xi32, #tpu.memory_space<vmem>> -> memref<1x128xi32, #tpu.memory_space<vmem>>
        %dma_start3A_177 = tpu.memref_squeeze %dma_start3A_176 : memref<1x128xi32, #tpu.memory_space<vmem>> -> memref<128xi32, #tpu.memory_space<vmem>>
        %dma_start3A_178 = arith.constant 0 : i32
        %dma_start3A_179 = tpu.memref_slice %arg7[%dma_start3A_178] : memref<10240xf32, #tpu.memory_space<vmem_shared>> -> memref<10240xf32, #tpu.memory_space<vmem_shared>>
        tpu.enqueue_indirect_dma source(%arg5 : memref<128xf32, #tpu.memory_space<vmem>>) target(%dma_start3A_179 : memref<10240xf32, #tpu.memory_space<vmem_shared>>) offsets(%dma_start3A_177 : memref<128xi32, #tpu.memory_space<vmem>>) semaphore(%run_scoped3A_175 : memref<!tpu.dma_semaphore, #tpu.memory_space<semaphore_mem>>) {add = true}
        %dma_wait3A = arith.constant 0 : i32
        %dma_wait3A_180 = tpu.memref_slice %arg4[%run_scoped3A_170, %dma_wait3A] : memref<8x128xi32, #tpu.memory_space<vmem>> -> memref<1x128xi32, #tpu.memory_space<vmem>>
        %dma_wait3A_181 = tpu.memref_squeeze %dma_wait3A_180 : memref<1x128xi32, #tpu.memory_space<vmem>> -> memref<128xi32, #tpu.memory_space<vmem>>
        %dma_wait3A_182 = arith.constant 0 : i32
        %dma_wait3A_183 = tpu.memref_slice %arg7[%dma_wait3A_182] : memref<10240xf32, #tpu.memory_space<vmem_shared>> -> memref<10240xf32, #tpu.memory_space<vmem_shared>>
        tpu.wait_indirect_dma semaphore(%run_scoped3A_175 : memref<!tpu.dma_semaphore, #tpu.memory_space<semaphore_mem>>) src(%arg5 : memref<128xf32, #tpu.memory_space<vmem>>) dst(%dma_wait3A_183 : memref<10240xf32, #tpu.memory_space<vmem_shared>>)
        tpu.yield
      }) : () -> ()
      %run_scoped3A_171 = arith.constant 4 : i32
      "tpu.region"() ({
        %run_scoped3A_175 = tpu.sem_alloc : memref<!tpu.dma_semaphore, #tpu.memory_space<semaphore_mem>>
        %dma_start3A = arith.constant 0 : i32
        %dma_start3A_176 = tpu.memref_slice %arg4[%run_scoped3A_171, %dma_start3A] : memref<8x128xi32, #tpu.memory_space<vmem>> -> memref<1x128xi32, #tpu.memory_space<vmem>>
        %dma_start3A_177 = tpu.memref_squeeze %dma_start3A_176 : memref<1x128xi32, #tpu.memory_space<vmem>> -> memref<128xi32, #tpu.memory_space<vmem>>
        %dma_start3A_178 = arith.constant 0 : i32
        %dma_start3A_179 = tpu.memref_slice %arg7[%dma_start3A_178] : memref<10240xf32, #tpu.memory_space<vmem_shared>> -> memref<10240xf32, #tpu.memory_space<vmem_shared>>
        tpu.enqueue_indirect_dma source(%arg5 : memref<128xf32, #tpu.memory_space<vmem>>) target(%dma_start3A_179 : memref<10240xf32, #tpu.memory_space<vmem_shared>>) offsets(%dma_start3A_177 : memref<128xi32, #tpu.memory_space<vmem>>) semaphore(%run_scoped3A_175 : memref<!tpu.dma_semaphore, #tpu.memory_space<semaphore_mem>>) {add = true}
        %dma_wait3A = arith.constant 0 : i32
        %dma_wait3A_180 = tpu.memref_slice %arg4[%run_scoped3A_171, %dma_wait3A] : memref<8x128xi32, #tpu.memory_space<vmem>> -> memref<1x128xi32, #tpu.memory_space<vmem>>
        %dma_wait3A_181 = tpu.memref_squeeze %dma_wait3A_180 : memref<1x128xi32, #tpu.memory_space<vmem>> -> memref<128xi32, #tpu.memory_space<vmem>>
        %dma_wait3A_182 = arith.constant 0 : i32
        %dma_wait3A_183 = tpu.memref_slice %arg7[%dma_wait3A_182] : memref<10240xf32, #tpu.memory_space<vmem_shared>> -> memref<10240xf32, #tpu.memory_space<vmem_shared>>
        tpu.wait_indirect_dma semaphore(%run_scoped3A_175 : memref<!tpu.dma_semaphore, #tpu.memory_space<semaphore_mem>>) src(%arg5 : memref<128xf32, #tpu.memory_space<vmem>>) dst(%dma_wait3A_183 : memref<10240xf32, #tpu.memory_space<vmem_shared>>)
        tpu.yield
      }) : () -> ()
      %run_scoped3A_172 = arith.constant 5 : i32
      "tpu.region"() ({
        %run_scoped3A_175 = tpu.sem_alloc : memref<!tpu.dma_semaphore, #tpu.memory_space<semaphore_mem>>
        %dma_start3A = arith.constant 0 : i32
        %dma_start3A_176 = tpu.memref_slice %arg4[%run_scoped3A_172, %dma_start3A] : memref<8x128xi32, #tpu.memory_space<vmem>> -> memref<1x128xi32, #tpu.memory_space<vmem>>
        %dma_start3A_177 = tpu.memref_squeeze %dma_start3A_176 : memref<1x128xi32, #tpu.memory_space<vmem>> -> memref<128xi32, #tpu.memory_space<vmem>>
        %dma_start3A_178 = arith.constant 0 : i32
        %dma_start3A_179 = tpu.memref_slice %arg7[%dma_start3A_178] : memref<10240xf32, #tpu.memory_space<vmem_shared>> -> memref<10240xf32, #tpu.memory_space<vmem_shared>>
        tpu.enqueue_indirect_dma source(%arg5 : memref<128xf32, #tpu.memory_space<vmem>>) target(%dma_start3A_179 : memref<10240xf32, #tpu.memory_space<vmem_shared>>) offsets(%dma_start3A_177 : memref<128xi32, #tpu.memory_space<vmem>>) semaphore(%run_scoped3A_175 : memref<!tpu.dma_semaphore, #tpu.memory_space<semaphore_mem>>) {add = true}
        %dma_wait3A = arith.constant 0 : i32
        %dma_wait3A_180 = tpu.memref_slice %arg4[%run_scoped3A_172, %dma_wait3A] : memref<8x128xi32, #tpu.memory_space<vmem>> -> memref<1x128xi32, #tpu.memory_space<vmem>>
        %dma_wait3A_181 = tpu.memref_squeeze %dma_wait3A_180 : memref<1x128xi32, #tpu.memory_space<vmem>> -> memref<128xi32, #tpu.memory_space<vmem>>
        %dma_wait3A_182 = arith.constant 0 : i32
        %dma_wait3A_183 = tpu.memref_slice %arg7[%dma_wait3A_182] : memref<10240xf32, #tpu.memory_space<vmem_shared>> -> memref<10240xf32, #tpu.memory_space<vmem_shared>>
        tpu.wait_indirect_dma semaphore(%run_scoped3A_175 : memref<!tpu.dma_semaphore, #tpu.memory_space<semaphore_mem>>) src(%arg5 : memref<128xf32, #tpu.memory_space<vmem>>) dst(%dma_wait3A_183 : memref<10240xf32, #tpu.memory_space<vmem_shared>>)
        tpu.yield
      }) : () -> ()
      %run_scoped3A_173 = arith.constant 6 : i32
      "tpu.region"() ({
        %run_scoped3A_175 = tpu.sem_alloc : memref<!tpu.dma_semaphore, #tpu.memory_space<semaphore_mem>>
        %dma_start3A = arith.constant 0 : i32
        %dma_start3A_176 = tpu.memref_slice %arg4[%run_scoped3A_173, %dma_start3A] : memref<8x128xi32, #tpu.memory_space<vmem>> -> memref<1x128xi32, #tpu.memory_space<vmem>>
        %dma_start3A_177 = tpu.memref_squeeze %dma_start3A_176 : memref<1x128xi32, #tpu.memory_space<vmem>> -> memref<128xi32, #tpu.memory_space<vmem>>
        %dma_start3A_178 = arith.constant 0 : i32
        %dma_start3A_179 = tpu.memref_slice %arg7[%dma_start3A_178] : memref<10240xf32, #tpu.memory_space<vmem_shared>> -> memref<10240xf32, #tpu.memory_space<vmem_shared>>
        tpu.enqueue_indirect_dma source(%arg5 : memref<128xf32, #tpu.memory_space<vmem>>) target(%dma_start3A_179 : memref<10240xf32, #tpu.memory_space<vmem_shared>>) offsets(%dma_start3A_177 : memref<128xi32, #tpu.memory_space<vmem>>) semaphore(%run_scoped3A_175 : memref<!tpu.dma_semaphore, #tpu.memory_space<semaphore_mem>>) {add = true}
        %dma_wait3A = arith.constant 0 : i32
        %dma_wait3A_180 = tpu.memref_slice %arg4[%run_scoped3A_173, %dma_wait3A] : memref<8x128xi32, #tpu.memory_space<vmem>> -> memref<1x128xi32, #tpu.memory_space<vmem>>
        %dma_wait3A_181 = tpu.memref_squeeze %dma_wait3A_180 : memref<1x128xi32, #tpu.memory_space<vmem>> -> memref<128xi32, #tpu.memory_space<vmem>>
        %dma_wait3A_182 = arith.constant 0 : i32
        %dma_wait3A_183 = tpu.memref_slice %arg7[%dma_wait3A_182] : memref<10240xf32, #tpu.memory_space<vmem_shared>> -> memref<10240xf32, #tpu.memory_space<vmem_shared>>
        tpu.wait_indirect_dma semaphore(%run_scoped3A_175 : memref<!tpu.dma_semaphore, #tpu.memory_space<semaphore_mem>>) src(%arg5 : memref<128xf32, #tpu.memory_space<vmem>>) dst(%dma_wait3A_183 : memref<10240xf32, #tpu.memory_space<vmem_shared>>)
        tpu.yield
      }) : () -> ()
      %run_scoped3A_174 = arith.constant 7 : i32
      "tpu.region"() ({
        %run_scoped3A_175 = tpu.sem_alloc : memref<!tpu.dma_semaphore, #tpu.memory_space<semaphore_mem>>
        %dma_start3A = arith.constant 0 : i32
        %dma_start3A_176 = tpu.memref_slice %arg4[%run_scoped3A_174, %dma_start3A] : memref<8x128xi32, #tpu.memory_space<vmem>> -> memref<1x128xi32, #tpu.memory_space<vmem>>
        %dma_start3A_177 = tpu.memref_squeeze %dma_start3A_176 : memref<1x128xi32, #tpu.memory_space<vmem>> -> memref<128xi32, #tpu.memory_space<vmem>>
        %dma_start3A_178 = arith.constant 0 : i32
        %dma_start3A_179 = tpu.memref_slice %arg7[%dma_start3A_178] : memref<10240xf32, #tpu.memory_space<vmem_shared>> -> memref<10240xf32, #tpu.memory_space<vmem_shared>>
        tpu.enqueue_indirect_dma source(%arg5 : memref<128xf32, #tpu.memory_space<vmem>>) target(%dma_start3A_179 : memref<10240xf32, #tpu.memory_space<vmem_shared>>) offsets(%dma_start3A_177 : memref<128xi32, #tpu.memory_space<vmem>>) semaphore(%run_scoped3A_175 : memref<!tpu.dma_semaphore, #tpu.memory_space<semaphore_mem>>) {add = true}
        %dma_wait3A = arith.constant 0 : i32
        %dma_wait3A_180 = tpu.memref_slice %arg4[%run_scoped3A_174, %dma_wait3A] : memref<8x128xi32, #tpu.memory_space<vmem>> -> memref<1x128xi32, #tpu.memory_space<vmem>>
        %dma_wait3A_181 = tpu.memref_squeeze %dma_wait3A_180 : memref<1x128xi32, #tpu.memory_space<vmem>> -> memref<128xi32, #tpu.memory_space<vmem>>
        %dma_wait3A_182 = arith.constant 0 : i32
        %dma_wait3A_183 = tpu.memref_slice %arg7[%dma_wait3A_182] : memref<10240xf32, #tpu.memory_space<vmem_shared>> -> memref<10240xf32, #tpu.memory_space<vmem_shared>>
        tpu.wait_indirect_dma semaphore(%run_scoped3A_175 : memref<!tpu.dma_semaphore, #tpu.memory_space<semaphore_mem>>) src(%arg5 : memref<128xf32, #tpu.memory_space<vmem>>) dst(%dma_wait3A_183 : memref<10240xf32, #tpu.memory_space<vmem_shared>>)
        tpu.yield
      }) : () -> ()
    }
    %scan3A_107 = arith.constant 10 : i32
    %barrier3A_108 = arith.constant 0 : index
    tpu.barrier barrier_id(%barrier3A_108)
    %mul3A_109 = arith.constant 640 : i32
    %mul3A_110 = arith.muli %arg1, %mul3A_109 : i32
    %add3A_111 = arith.constant 0 : i32
    %add3A_112 = arith.addi %mul3A_110, %add3A_111 : i32
    "tpu.region"() ({
      %run_scoped3A = tpu.sem_alloc : memref<!tpu.dma_semaphore, #tpu.memory_space<semaphore_mem>>
      %dma_start3A = tpu.memref_slice %arg7[%add3A_112] : memref<10240xf32, #tpu.memory_space<vmem_shared>> -> memref<128xf32, #tpu.memory_space<vmem_shared>>
      %dma_start3A_164 = tpu.memref_slice %arg7[%add3A_112] : memref<10240xf32, #tpu.memory_space<vmem_shared>> -> memref<128xf32, #tpu.memory_space<vmem_shared>>
      tpu.enqueue_dma source(%dma_start3A_164 : memref<128xf32, #tpu.memory_space<vmem_shared>>) target(%arg6 : memref<128xf32, #tpu.memory_space<vmem>>) target_semaphore(%run_scoped3A : memref<!tpu.dma_semaphore, #tpu.memory_space<semaphore_mem>>)
      %dma_wait3A = tpu.memref_slice %arg7[%add3A_112] : memref<10240xf32, #tpu.memory_space<vmem_shared>> -> memref<128xf32, #tpu.memory_space<vmem_shared>>
      %dma_wait3A_165 = tpu.memref_slice %arg7[%add3A_112] : memref<10240xf32, #tpu.memory_space<vmem_shared>> -> memref<128xf32, #tpu.memory_space<vmem_shared>>
      tpu.wait_dma2 semaphore(%run_scoped3A : memref<!tpu.dma_semaphore, #tpu.memory_space<semaphore_mem>>) src(%dma_wait3A_165 : memref<128xf32, #tpu.memory_space<vmem_shared>>) dst(%arg6 : memref<128xf32, #tpu.memory_space<vmem>>)
      tpu.yield
    }) : () -> ()
    %mul3A_113 = arith.constant 10240 : i32
    %mul3A_114 = arith.muli %arg0, %mul3A_113 : i32
    %mul3A_115 = arith.constant 640 : i32
    %mul3A_116 = arith.muli %arg1, %mul3A_115 : i32
    %add3A_117 = arith.addi %mul3A_114, %mul3A_116 : i32
    %add3A_118 = arith.constant 0 : i32
    %add3A_119 = arith.addi %add3A_117, %add3A_118 : i32
    "tpu.region"() ({
      %run_scoped3A = tpu.sem_alloc : memref<!tpu.dma_semaphore, #tpu.memory_space<semaphore_mem>>
      %dma_start3A = tpu.memref_slice %arg3[%add3A_119] : memref<20480xf32, #tpu.memory_space<hbm>> -> memref<128xf32, #tpu.memory_space<hbm>>
      %dma_start3A_164 = tpu.memref_slice %arg3[%add3A_119] : memref<20480xf32, #tpu.memory_space<hbm>> -> memref<128xf32, #tpu.memory_space<hbm>>
      tpu.enqueue_dma source(%arg6 : memref<128xf32, #tpu.memory_space<vmem>>) target(%dma_start3A_164 : memref<128xf32, #tpu.memory_space<hbm>>) target_semaphore(%run_scoped3A : memref<!tpu.dma_semaphore, #tpu.memory_space<semaphore_mem>>)
      %dma_wait3A = tpu.memref_slice %arg3[%add3A_119] : memref<20480xf32, #tpu.memory_space<hbm>> -> memref<128xf32, #tpu.memory_space<hbm>>
      %dma_wait3A_165 = tpu.memref_slice %arg3[%add3A_119] : memref<20480xf32, #tpu.memory_space<hbm>> -> memref<128xf32, #tpu.memory_space<hbm>>
      tpu.wait_dma2 semaphore(%run_scoped3A : memref<!tpu.dma_semaphore, #tpu.memory_space<semaphore_mem>>) src(%arg6 : memref<128xf32, #tpu.memory_space<vmem>>) dst(%dma_wait3A_165 : memref<128xf32, #tpu.memory_space<hbm>>)
      tpu.yield
    }) : () -> ()
    %mul3A_120 = arith.constant 640 : i32
    %mul3A_121 = arith.muli %arg1, %mul3A_120 : i32
    %add3A_122 = arith.constant 128 : i32
    %add3A_123 = arith.addi %mul3A_121, %add3A_122 : i32
    "tpu.region"() ({
      %run_scoped3A = tpu.sem_alloc : memref<!tpu.dma_semaphore, #tpu.memory_space<semaphore_mem>>
      %dma_start3A = tpu.memref_slice %arg7[%add3A_123] : memref<10240xf32, #tpu.memory_space<vmem_shared>> -> memref<128xf32, #tpu.memory_space<vmem_shared>>
      %dma_start3A_164 = tpu.memref_slice %arg7[%add3A_123] : memref<10240xf32, #tpu.memory_space<vmem_shared>> -> memref<128xf32, #tpu.memory_space<vmem_shared>>
      tpu.enqueue_dma source(%dma_start3A_164 : memref<128xf32, #tpu.memory_space<vmem_shared>>) target(%arg6 : memref<128xf32, #tpu.memory_space<vmem>>) target_semaphore(%run_scoped3A : memref<!tpu.dma_semaphore, #tpu.memory_space<semaphore_mem>>)
      %dma_wait3A = tpu.memref_slice %arg7[%add3A_123] : memref<10240xf32, #tpu.memory_space<vmem_shared>> -> memref<128xf32, #tpu.memory_space<vmem_shared>>
      %dma_wait3A_165 = tpu.memref_slice %arg7[%add3A_123] : memref<10240xf32, #tpu.memory_space<vmem_shared>> -> memref<128xf32, #tpu.memory_space<vmem_shared>>
      tpu.wait_dma2 semaphore(%run_scoped3A : memref<!tpu.dma_semaphore, #tpu.memory_space<semaphore_mem>>) src(%dma_wait3A_165 : memref<128xf32, #tpu.memory_space<vmem_shared>>) dst(%arg6 : memref<128xf32, #tpu.memory_space<vmem>>)
      tpu.yield
    }) : () -> ()
    %mul3A_124 = arith.constant 10240 : i32
    %mul3A_125 = arith.muli %arg0, %mul3A_124 : i32
    %mul3A_126 = arith.constant 640 : i32
    %mul3A_127 = arith.muli %arg1, %mul3A_126 : i32
    %add3A_128 = arith.addi %mul3A_125, %mul3A_127 : i32
    %add3A_129 = arith.constant 128 : i32
    %add3A_130 = arith.addi %add3A_128, %add3A_129 : i32
    "tpu.region"() ({
      %run_scoped3A = tpu.sem_alloc : memref<!tpu.dma_semaphore, #tpu.memory_space<semaphore_mem>>
      %dma_start3A = tpu.memref_slice %arg3[%add3A_130] : memref<20480xf32, #tpu.memory_space<hbm>> -> memref<128xf32, #tpu.memory_space<hbm>>
      %dma_start3A_164 = tpu.memref_slice %arg3[%add3A_130] : memref<20480xf32, #tpu.memory_space<hbm>> -> memref<128xf32, #tpu.memory_space<hbm>>
      tpu.enqueue_dma source(%arg6 : memref<128xf32, #tpu.memory_space<vmem>>) target(%dma_start3A_164 : memref<128xf32, #tpu.memory_space<hbm>>) target_semaphore(%run_scoped3A : memref<!tpu.dma_semaphore, #tpu.memory_space<semaphore_mem>>)
      %dma_wait3A = tpu.memref_slice %arg3[%add3A_130] : memref<20480xf32, #tpu.memory_space<hbm>> -> memref<128xf32, #tpu.memory_space<hbm>>
      %dma_wait3A_165 = tpu.memref_slice %arg3[%add3A_130] : memref<20480xf32, #tpu.memory_space<hbm>> -> memref<128xf32, #tpu.memory_space<hbm>>
      tpu.wait_dma2 semaphore(%run_scoped3A : memref<!tpu.dma_semaphore, #tpu.memory_space<semaphore_mem>>) src(%arg6 : memref<128xf32, #tpu.memory_space<vmem>>) dst(%dma_wait3A_165 : memref<128xf32, #tpu.memory_space<hbm>>)
      tpu.yield
    }) : () -> ()
    %mul3A_131 = arith.constant 640 : i32
    %mul3A_132 = arith.muli %arg1, %mul3A_131 : i32
    %add3A_133 = arith.constant 256 : i32
    %add3A_134 = arith.addi %mul3A_132, %add3A_133 : i32
    "tpu.region"() ({
      %run_scoped3A = tpu.sem_alloc : memref<!tpu.dma_semaphore, #tpu.memory_space<semaphore_mem>>
      %dma_start3A = tpu.memref_slice %arg7[%add3A_134] : memref<10240xf32, #tpu.memory_space<vmem_shared>> -> memref<128xf32, #tpu.memory_space<vmem_shared>>
      %dma_start3A_164 = tpu.memref_slice %arg7[%add3A_134] : memref<10240xf32, #tpu.memory_space<vmem_shared>> -> memref<128xf32, #tpu.memory_space<vmem_shared>>
      tpu.enqueue_dma source(%dma_start3A_164 : memref<128xf32, #tpu.memory_space<vmem_shared>>) target(%arg6 : memref<128xf32, #tpu.memory_space<vmem>>) target_semaphore(%run_scoped3A : memref<!tpu.dma_semaphore, #tpu.memory_space<semaphore_mem>>)
      %dma_wait3A = tpu.memref_slice %arg7[%add3A_134] : memref<10240xf32, #tpu.memory_space<vmem_shared>> -> memref<128xf32, #tpu.memory_space<vmem_shared>>
      %dma_wait3A_165 = tpu.memref_slice %arg7[%add3A_134] : memref<10240xf32, #tpu.memory_space<vmem_shared>> -> memref<128xf32, #tpu.memory_space<vmem_shared>>
      tpu.wait_dma2 semaphore(%run_scoped3A : memref<!tpu.dma_semaphore, #tpu.memory_space<semaphore_mem>>) src(%dma_wait3A_165 : memref<128xf32, #tpu.memory_space<vmem_shared>>) dst(%arg6 : memref<128xf32, #tpu.memory_space<vmem>>)
      tpu.yield
    }) : () -> ()
    %mul3A_135 = arith.constant 10240 : i32
    %mul3A_136 = arith.muli %arg0, %mul3A_135 : i32
    %mul3A_137 = arith.constant 640 : i32
    %mul3A_138 = arith.muli %arg1, %mul3A_137 : i32
    %add3A_139 = arith.addi %mul3A_136, %mul3A_138 : i32
    %add3A_140 = arith.constant 256 : i32
    %add3A_141 = arith.addi %add3A_139, %add3A_140 : i32
    "tpu.region"() ({
      %run_scoped3A = tpu.sem_alloc : memref<!tpu.dma_semaphore, #tpu.memory_space<semaphore_mem>>
      %dma_start3A = tpu.memref_slice %arg3[%add3A_141] : memref<20480xf32, #tpu.memory_space<hbm>> -> memref<128xf32, #tpu.memory_space<hbm>>
      %dma_start3A_164 = tpu.memref_slice %arg3[%add3A_141] : memref<20480xf32, #tpu.memory_space<hbm>> -> memref<128xf32, #tpu.memory_space<hbm>>
      tpu.enqueue_dma source(%arg6 : memref<128xf32, #tpu.memory_space<vmem>>) target(%dma_start3A_164 : memref<128xf32, #tpu.memory_space<hbm>>) target_semaphore(%run_scoped3A : memref<!tpu.dma_semaphore, #tpu.memory_space<semaphore_mem>>)
      %dma_wait3A = tpu.memref_slice %arg3[%add3A_141] : memref<20480xf32, #tpu.memory_space<hbm>> -> memref<128xf32, #tpu.memory_space<hbm>>
      %dma_wait3A_165 = tpu.memref_slice %arg3[%add3A_141] : memref<20480xf32, #tpu.memory_space<hbm>> -> memref<128xf32, #tpu.memory_space<hbm>>
      tpu.wait_dma2 semaphore(%run_scoped3A : memref<!tpu.dma_semaphore, #tpu.memory_space<semaphore_mem>>) src(%arg6 : memref<128xf32, #tpu.memory_space<vmem>>) dst(%dma_wait3A_165 : memref<128xf32, #tpu.memory_space<hbm>>)
      tpu.yield
    }) : () -> ()
    %mul3A_142 = arith.constant 640 : i32
    %mul3A_143 = arith.muli %arg1, %mul3A_142 : i32
    %add3A_144 = arith.constant 384 : i32
    %add3A_145 = arith.addi %mul3A_143, %add3A_144 : i32
    "tpu.region"() ({
      %run_scoped3A = tpu.sem_alloc : memref<!tpu.dma_semaphore, #tpu.memory_space<semaphore_mem>>
      %dma_start3A = tpu.memref_slice %arg7[%add3A_145] : memref<10240xf32, #tpu.memory_space<vmem_shared>> -> memref<128xf32, #tpu.memory_space<vmem_shared>>
      %dma_start3A_164 = tpu.memref_slice %arg7[%add3A_145] : memref<10240xf32, #tpu.memory_space<vmem_shared>> -> memref<128xf32, #tpu.memory_space<vmem_shared>>
      tpu.enqueue_dma source(%dma_start3A_164 : memref<128xf32, #tpu.memory_space<vmem_shared>>) target(%arg6 : memref<128xf32, #tpu.memory_space<vmem>>) target_semaphore(%run_scoped3A : memref<!tpu.dma_semaphore, #tpu.memory_space<semaphore_mem>>)
      %dma_wait3A = tpu.memref_slice %arg7[%add3A_145] : memref<10240xf32, #tpu.memory_space<vmem_shared>> -> memref<128xf32, #tpu.memory_space<vmem_shared>>
      %dma_wait3A_165 = tpu.memref_slice %arg7[%add3A_145] : memref<10240xf32, #tpu.memory_space<vmem_shared>> -> memref<128xf32, #tpu.memory_space<vmem_shared>>
      tpu.wait_dma2 semaphore(%run_scoped3A : memref<!tpu.dma_semaphore, #tpu.memory_space<semaphore_mem>>) src(%dma_wait3A_165 : memref<128xf32, #tpu.memory_space<vmem_shared>>) dst(%arg6 : memref<128xf32, #tpu.memory_space<vmem>>)
      tpu.yield
    }) : () -> ()
    %mul3A_146 = arith.constant 10240 : i32
    %mul3A_147 = arith.muli %arg0, %mul3A_146 : i32
    %mul3A_148 = arith.constant 640 : i32
    %mul3A_149 = arith.muli %arg1, %mul3A_148 : i32
    %add3A_150 = arith.addi %mul3A_147, %mul3A_149 : i32
    %add3A_151 = arith.constant 384 : i32
    %add3A_152 = arith.addi %add3A_150, %add3A_151 : i32
    "tpu.region"() ({
      %run_scoped3A = tpu.sem_alloc : memref<!tpu.dma_semaphore, #tpu.memory_space<semaphore_mem>>
      %dma_start3A = tpu.memref_slice %arg3[%add3A_152] : memref<20480xf32, #tpu.memory_space<hbm>> -> memref<128xf32, #tpu.memory_space<hbm>>
      %dma_start3A_164 = tpu.memref_slice %arg3[%add3A_152] : memref<20480xf32, #tpu.memory_space<hbm>> -> memref<128xf32, #tpu.memory_space<hbm>>
      tpu.enqueue_dma source(%arg6 : memref<128xf32, #tpu.memory_space<vmem>>) target(%dma_start3A_164 : memref<128xf32, #tpu.memory_space<hbm>>) target_semaphore(%run_scoped3A : memref<!tpu.dma_semaphore, #tpu.memory_space<semaphore_mem>>)
      %dma_wait3A = tpu.memref_slice %arg3[%add3A_152] : memref<20480xf32, #tpu.memory_space<hbm>> -> memref<128xf32, #tpu.memory_space<hbm>>
      %dma_wait3A_165 = tpu.memref_slice %arg3[%add3A_152] : memref<20480xf32, #tpu.memory_space<hbm>> -> memref<128xf32, #tpu.memory_space<hbm>>
      tpu.wait_dma2 semaphore(%run_scoped3A : memref<!tpu.dma_semaphore, #tpu.memory_space<semaphore_mem>>) src(%arg6 : memref<128xf32, #tpu.memory_space<vmem>>) dst(%dma_wait3A_165 : memref<128xf32, #tpu.memory_space<hbm>>)
      tpu.yield
    }) : () -> ()
    %mul3A_153 = arith.constant 640 : i32
    %mul3A_154 = arith.muli %arg1, %mul3A_153 : i32
    %add3A_155 = arith.constant 512 : i32
    %add3A_156 = arith.addi %mul3A_154, %add3A_155 : i32
    "tpu.region"() ({
      %run_scoped3A = tpu.sem_alloc : memref<!tpu.dma_semaphore, #tpu.memory_space<semaphore_mem>>
      %dma_start3A = tpu.memref_slice %arg7[%add3A_156] : memref<10240xf32, #tpu.memory_space<vmem_shared>> -> memref<128xf32, #tpu.memory_space<vmem_shared>>
      %dma_start3A_164 = tpu.memref_slice %arg7[%add3A_156] : memref<10240xf32, #tpu.memory_space<vmem_shared>> -> memref<128xf32, #tpu.memory_space<vmem_shared>>
      tpu.enqueue_dma source(%dma_start3A_164 : memref<128xf32, #tpu.memory_space<vmem_shared>>) target(%arg6 : memref<128xf32, #tpu.memory_space<vmem>>) target_semaphore(%run_scoped3A : memref<!tpu.dma_semaphore, #tpu.memory_space<semaphore_mem>>)
      %dma_wait3A = tpu.memref_slice %arg7[%add3A_156] : memref<10240xf32, #tpu.memory_space<vmem_shared>> -> memref<128xf32, #tpu.memory_space<vmem_shared>>
      %dma_wait3A_165 = tpu.memref_slice %arg7[%add3A_156] : memref<10240xf32, #tpu.memory_space<vmem_shared>> -> memref<128xf32, #tpu.memory_space<vmem_shared>>
      tpu.wait_dma2 semaphore(%run_scoped3A : memref<!tpu.dma_semaphore, #tpu.memory_space<semaphore_mem>>) src(%dma_wait3A_165 : memref<128xf32, #tpu.memory_space<vmem_shared>>) dst(%arg6 : memref<128xf32, #tpu.memory_space<vmem>>)
      tpu.yield
    }) : () -> ()
    %mul3A_157 = arith.constant 10240 : i32
    %mul3A_158 = arith.muli %arg0, %mul3A_157 : i32
    %mul3A_159 = arith.constant 640 : i32
    %mul3A_160 = arith.muli %arg1, %mul3A_159 : i32
    %add3A_161 = arith.addi %mul3A_158, %mul3A_160 : i32
    %add3A_162 = arith.constant 512 : i32
    %add3A_163 = arith.addi %add3A_161, %add3A_162 : i32
    "tpu.region"() ({
      %run_scoped3A = tpu.sem_alloc : memref<!tpu.dma_semaphore, #tpu.memory_space<semaphore_mem>>
      %dma_start3A = tpu.memref_slice %arg3[%add3A_163] : memref<20480xf32, #tpu.memory_space<hbm>> -> memref<128xf32, #tpu.memory_space<hbm>>
      %dma_start3A_164 = tpu.memref_slice %arg3[%add3A_163] : memref<20480xf32, #tpu.memory_space<hbm>> -> memref<128xf32, #tpu.memory_space<hbm>>
      tpu.enqueue_dma source(%arg6 : memref<128xf32, #tpu.memory_space<vmem>>) target(%dma_start3A_164 : memref<128xf32, #tpu.memory_space<hbm>>) target_semaphore(%run_scoped3A : memref<!tpu.dma_semaphore, #tpu.memory_space<semaphore_mem>>)
      %dma_wait3A = tpu.memref_slice %arg3[%add3A_163] : memref<20480xf32, #tpu.memory_space<hbm>> -> memref<128xf32, #tpu.memory_space<hbm>>
      %dma_wait3A_165 = tpu.memref_slice %arg3[%add3A_163] : memref<20480xf32, #tpu.memory_space<hbm>> -> memref<128xf32, #tpu.memory_space<hbm>>
      tpu.wait_dma2 semaphore(%run_scoped3A : memref<!tpu.dma_semaphore, #tpu.memory_space<semaphore_mem>>) src(%arg6 : memref<128xf32, #tpu.memory_space<vmem>>) dst(%dma_wait3A_165 : memref<128xf32, #tpu.memory_space<hbm>>)
      tpu.yield
    }) : () -> ()
    return
  }
}

module attributes {stable_mosaic.version = 14 : i64} {
  func.func @_tc1_body(%arg0: i32, %arg1: memref<1000x128xf32, #tpu.memory_space<vmem>>, %arg2: memref<128x64xf32, #tpu.memory_space<vmem>>, %arg3: memref<2x1000x1xf32, #tpu.memory_space<vmem>>, %arg4: memref<1000x64xf32, #tpu.memory_space<vmem>>, %arg5: memref<1000x1xf32, #tpu.memory_space<vmem>>) attributes {dimension_semantics = [#tpu.dimension_semantics<arbitrary>], iteration_bounds = array<i64: 10>, scalar_prefetch = 0 : i64, scratch_operands = 0 : i64, tpu.core_type = #tpu.core_type<tc>, window_params = [{transform_indices = @transform_0, window_bounds = array<i64: 1000, 128>}, {pipeline_mode = #tpu.pipeline_mode<synchronous>, transform_indices = @transform_1, window_bounds = array<i64: 128, 64>}, {transform_indices = @transform_2, window_bounds = array<i64: 2, 1000, 1>}, {transform_indices = @transform_3, window_bounds = array<i64: 1000, 64>}, {transform_indices = @transform_4, window_bounds = array<i64: 1000, 1>}]} {
    %get3A = arith.constant 0 : index
    %get3A_0 = arith.constant 0 : index
    %get3A_1 = arith.constant 0 : index
    %get3A_2 = vector.load %arg3[%get3A, %get3A_0, %get3A_1] : memref<2x1000x1xf32, #tpu.memory_space<vmem>>, vector<1x1000x1xf32>
    %get3A_3 = vector.shape_cast %get3A_2 : vector<1x1000x1xf32> to vector<1000x1xf32>
    %get3A_4 = arith.constant 1 : index
    %get3A_5 = arith.constant 0 : index
    %get3A_6 = arith.constant 0 : index
    %get3A_7 = vector.load %arg3[%get3A_4, %get3A_5, %get3A_6] : memref<2x1000x1xf32, #tpu.memory_space<vmem>>, vector<1x1000x1xf32>
    %get3A_8 = vector.shape_cast %get3A_7 : vector<1x1000x1xf32> to vector<1000x1xf32>
    %add3A = arith.addf %get3A_3, %get3A_8 : vector<1000x1xf32>
    %add3A_9 = arith.constant 1.000000e+00 : f32
    %add3A_10 = vector.broadcast %add3A_9 : f32 to vector<1000x1xf32>
    %add3A_11 = arith.addf %add3A, %add3A_10 : vector<1000x1xf32>
    %rsqrt3A = math.rsqrt %add3A_11 : vector<1000x1xf32>
    %get3A_12 = arith.constant 0 : index
    %get3A_13 = arith.constant 0 : index
    %get3A_14 = vector.load %arg1[%get3A_12, %get3A_13] : memref<1000x128xf32, #tpu.memory_space<vmem>>, vector<1000x128xf32>
    %get3A_15 = arith.constant 0 : index
    %get3A_16 = arith.constant 0 : index
    %get3A_17 = vector.load %arg2[%get3A_15, %get3A_16] : memref<128x64xf32, #tpu.memory_space<vmem>>, vector<128x64xf32>
    %dot_general3A = arith.constant dense<0.000000e+00> : vector<1000x64xf32>
    %dot_general3A_18 = tpu.matmul %get3A_14, %get3A_17, %dot_general3A {dimension_numbers = #tpu.dot_dimension_numbers<[1], [0], [0], [1], [0, 0, 1, 1], [], []>, transpose_lhs_hint = false} : vector<1000x128xf32>, vector<128x64xf32>, vector<1000x64xf32> -> vector<1000x64xf32>
    %mul3A = vector.broadcast %rsqrt3A : vector<1000x1xf32> to vector<1000x64xf32>
    %mul3A_19 = arith.mulf %mul3A, %dot_general3A_18 : vector<1000x64xf32>
    %swap3A = arith.constant 0 : index
    %swap3A_20 = arith.constant 0 : index
    %swap3A_21 = vector.load %arg4[%swap3A, %swap3A_20] : memref<1000x64xf32, #tpu.memory_space<vmem>>, vector<1000x64xf32>
    tpu.vector_store %arg4[%swap3A, %swap3A_20], %mul3A_19 {strides = array<i32>} : memref<1000x64xf32, #tpu.memory_space<vmem>>, vector<1000x64xf32>,
    %swap3A_22 = arith.constant 0 : index
    %swap3A_23 = arith.constant 0 : index
    %swap3A_24 = vector.load %arg5[%swap3A_22, %swap3A_23] : memref<1000x1xf32, #tpu.memory_space<vmem>>, vector<1000x1xf32>
    tpu.vector_store %arg5[%swap3A_22, %swap3A_23], %rsqrt3A {strides = array<i32>} : memref<1000x1xf32, #tpu.memory_space<vmem>>, vector<1000x1xf32>,
    return
  }
  func.func @transform_0(%arg0: i32) -> (i32, i32) {
    %c0_i32 = arith.constant 0 : i32
    %c0_i32_0 = arith.constant 0 : i32
    return %arg0, %c0_i32 : i32, i32
  }
  func.func @transform_1(%arg0: i32) -> (i32, i32) {
    %c0_i32 = arith.constant 0 : i32
    %c0_i32_0 = arith.constant 0 : i32
    %c0_i32_1 = arith.constant 0 : i32
    return %c0_i32, %c0_i32_0 : i32, i32
  }
  func.func @transform_2(%arg0: i32) -> (i32, i32, i32) {
    %c0_i32 = arith.constant 0 : i32
    %c0_i32_0 = arith.constant 0 : i32
    %c0_i32_1 = arith.constant 0 : i32
    return %c0_i32, %arg0, %c0_i32_0 : i32, i32, i32
  }
  func.func @transform_3(%arg0: i32) -> (i32, i32) {
    %c0_i32 = arith.constant 0 : i32
    %c0_i32_0 = arith.constant 0 : i32
    return %arg0, %c0_i32 : i32, i32
  }
  func.func @transform_4(%arg0: i32) -> (i32, i32) {
    %c0_i32 = arith.constant 0 : i32
    %c0_i32_0 = arith.constant 0 : i32
    return %arg0, %c0_i32 : i32, i32
  }
}

module attributes {stable_mosaic.version = 14 : i64} {
  func.func @_tc2_body(%arg0: i32, %arg1: memref<2x1000x64xf32, #tpu.memory_space<vmem>>, %arg2: memref<1000x64xf32, #tpu.memory_space<vmem>>, %arg3: memref<1000x1xf32, #tpu.memory_space<vmem>>, %arg4: memref<1x64xf32, #tpu.memory_space<vmem>>, %arg5: memref<64x16xf32, #tpu.memory_space<vmem>>, %arg6: memref<1000x16xf32, #tpu.memory_space<vmem>>) attributes {dimension_semantics = [#tpu.dimension_semantics<arbitrary>], iteration_bounds = array<i64: 10>, scalar_prefetch = 0 : i64, scratch_operands = 0 : i64, tpu.core_type = #tpu.core_type<tc>, window_params = [{transform_indices = @transform_0, window_bounds = array<i64: 2, 1000, 64>}, {transform_indices = @transform_1, window_bounds = array<i64: 1000, 64>}, {transform_indices = @transform_2, window_bounds = array<i64: 1000, 1>}, {pipeline_mode = #tpu.pipeline_mode<synchronous>, transform_indices = @transform_3, window_bounds = array<i64: 1, 64>}, {pipeline_mode = #tpu.pipeline_mode<synchronous>, transform_indices = @transform_4, window_bounds = array<i64: 64, 16>}, {transform_indices = @transform_5, window_bounds = array<i64: 1000, 16>}]} {
    %get3A = arith.constant 0 : index
    %get3A_0 = arith.constant 0 : index
    %get3A_1 = vector.load %arg3[%get3A, %get3A_0] : memref<1000x1xf32, #tpu.memory_space<vmem>>, vector<1000x1xf32>
    %get3A_2 = arith.constant 0 : index
    %get3A_3 = arith.constant 0 : index
    %get3A_4 = arith.constant 0 : index
    %get3A_5 = vector.load %arg1[%get3A_2, %get3A_3, %get3A_4] : memref<2x1000x64xf32, #tpu.memory_space<vmem>>, vector<1x1000x64xf32>
    %get3A_6 = vector.shape_cast %get3A_5 : vector<1x1000x64xf32> to vector<1000x64xf32>
    %get3A_7 = arith.constant 1 : index
    %get3A_8 = arith.constant 0 : index
    %get3A_9 = arith.constant 0 : index
    %get3A_10 = vector.load %arg1[%get3A_7, %get3A_8, %get3A_9] : memref<2x1000x64xf32, #tpu.memory_space<vmem>>, vector<1x1000x64xf32>
    %get3A_11 = vector.shape_cast %get3A_10 : vector<1x1000x64xf32> to vector<1000x64xf32>
    %add3A = arith.addf %get3A_6, %get3A_11 : vector<1000x64xf32>
    %get3A_12 = arith.constant 0 : index
    %get3A_13 = arith.constant 0 : index
    %get3A_14 = vector.load %arg2[%get3A_12, %get3A_13] : memref<1000x64xf32, #tpu.memory_space<vmem>>, vector<1000x64xf32>
    %add3A_15 = arith.addf %add3A, %get3A_14 : vector<1000x64xf32>
    %mul3A = vector.broadcast %get3A_1 : vector<1000x1xf32> to vector<1000x64xf32>
    %mul3A_16 = arith.mulf %mul3A, %add3A_15 : vector<1000x64xf32>
    %get3A_17 = arith.constant 0 : index
    %get3A_18 = arith.constant 0 : index
    %get3A_19 = vector.load %arg4[%get3A_17, %get3A_18] : memref<1x64xf32, #tpu.memory_space<vmem>>, vector<1x64xf32>
    %add3A_20 = vector.broadcast %get3A_19 : vector<1x64xf32> to vector<1000x64xf32>
    %add3A_21 = arith.addf %mul3A_16, %add3A_20 : vector<1000x64xf32>
    %max3A = arith.constant 0.000000e+00 : f32
    %max3A_22 = vector.broadcast %max3A : f32 to vector<1000x64xf32>
    %max3A_23 = arith.maximumf %add3A_21, %max3A_22 : vector<1000x64xf32>
    %get3A_24 = arith.constant 0 : index
    %get3A_25 = arith.constant 0 : index
    %get3A_26 = vector.load %arg5[%get3A_24, %get3A_25] : memref<64x16xf32, #tpu.memory_space<vmem>>, vector<64x16xf32>
    %dot_general3A = arith.constant dense<0.000000e+00> : vector<1000x16xf32>
    %dot_general3A_27 = tpu.matmul %max3A_23, %get3A_26, %dot_general3A {dimension_numbers = #tpu.dot_dimension_numbers<[1], [0], [0], [1], [0, 0, 1, 1], [], []>, transpose_lhs_hint = false} : vector<1000x64xf32>, vector<64x16xf32>, vector<1000x16xf32> -> vector<1000x16xf32>
    %mul3A_28 = vector.broadcast %get3A_1 : vector<1000x1xf32> to vector<1000x16xf32>
    %mul3A_29 = arith.mulf %mul3A_28, %dot_general3A_27 : vector<1000x16xf32>
    %swap3A = arith.constant 0 : index
    %swap3A_30 = arith.constant 0 : index
    %swap3A_31 = vector.load %arg6[%swap3A, %swap3A_30] : memref<1000x16xf32, #tpu.memory_space<vmem>>, vector<1000x16xf32>
    tpu.vector_store %arg6[%swap3A, %swap3A_30], %mul3A_29 {strides = array<i32>} : memref<1000x16xf32, #tpu.memory_space<vmem>>, vector<1000x16xf32>,
    return
  }
  func.func @transform_0(%arg0: i32) -> (i32, i32, i32) {
    %c0_i32 = arith.constant 0 : i32
    %c0_i32_0 = arith.constant 0 : i32
    %c0_i32_1 = arith.constant 0 : i32
    return %c0_i32, %arg0, %c0_i32_0 : i32, i32, i32
  }
  func.func @transform_1(%arg0: i32) -> (i32, i32) {
    %c0_i32 = arith.constant 0 : i32
    %c0_i32_0 = arith.constant 0 : i32
    return %arg0, %c0_i32 : i32, i32
  }
  func.func @transform_2(%arg0: i32) -> (i32, i32) {
    %c0_i32 = arith.constant 0 : i32
    %c0_i32_0 = arith.constant 0 : i32
    return %arg0, %c0_i32 : i32, i32
  }
  func.func @transform_3(%arg0: i32) -> (i32, i32) {
    %c0_i32 = arith.constant 0 : i32
    %c0_i32_0 = arith.constant 0 : i32
    %c0_i32_1 = arith.constant 0 : i32
    return %c0_i32, %c0_i32_0 : i32, i32
  }
  func.func @transform_4(%arg0: i32) -> (i32, i32) {
    %c0_i32 = arith.constant 0 : i32
    %c0_i32_0 = arith.constant 0 : i32
    %c0_i32_1 = arith.constant 0 : i32
    return %c0_i32, %c0_i32_0 : i32, i32
  }
  func.func @transform_5(%arg0: i32) -> (i32, i32) {
    %c0_i32 = arith.constant 0 : i32
    %c0_i32_0 = arith.constant 0 : i32
    return %arg0, %c0_i32 : i32, i32
  }
}

module attributes {stable_mosaic.version = 14 : i64} {
  func.func @_tc3_body(%arg0: i32, %arg1: memref<2x1000x16xf32, #tpu.memory_space<vmem>>, %arg2: memref<1000x16xf32, #tpu.memory_space<vmem>>, %arg3: memref<1000x1xf32, #tpu.memory_space<vmem>>, %arg4: memref<1x16xf32, #tpu.memory_space<vmem>>, %arg5: memref<1000x16xf32, #tpu.memory_space<vmem>>) attributes {dimension_semantics = [#tpu.dimension_semantics<arbitrary>], iteration_bounds = array<i64: 10>, scalar_prefetch = 0 : i64, scratch_operands = 0 : i64, tpu.core_type = #tpu.core_type<tc>, window_params = [{transform_indices = @transform_0, window_bounds = array<i64: 2, 1000, 16>}, {transform_indices = @transform_1, window_bounds = array<i64: 1000, 16>}, {transform_indices = @transform_2, window_bounds = array<i64: 1000, 1>}, {pipeline_mode = #tpu.pipeline_mode<synchronous>, transform_indices = @transform_3, window_bounds = array<i64: 1, 16>}, {transform_indices = @transform_4, window_bounds = array<i64: 1000, 16>}]} {
    %get3A = arith.constant 0 : index
    %get3A_0 = arith.constant 0 : index
    %get3A_1 = vector.load %arg3[%get3A, %get3A_0] : memref<1000x1xf32, #tpu.memory_space<vmem>>, vector<1000x1xf32>
    %get3A_2 = arith.constant 0 : index
    %get3A_3 = arith.constant 0 : index
    %get3A_4 = arith.constant 0 : index
    %get3A_5 = vector.load %arg1[%get3A_2, %get3A_3, %get3A_4] : memref<2x1000x16xf32, #tpu.memory_space<vmem>>, vector<1x1000x16xf32>
    %get3A_6 = vector.shape_cast %get3A_5 : vector<1x1000x16xf32> to vector<1000x16xf32>
    %get3A_7 = arith.constant 1 : index
    %get3A_8 = arith.constant 0 : index
    %get3A_9 = arith.constant 0 : index
    %get3A_10 = vector.load %arg1[%get3A_7, %get3A_8, %get3A_9] : memref<2x1000x16xf32, #tpu.memory_space<vmem>>, vector<1x1000x16xf32>
    %get3A_11 = vector.shape_cast %get3A_10 : vector<1x1000x16xf32> to vector<1000x16xf32>
    %add3A = arith.addf %get3A_6, %get3A_11 : vector<1000x16xf32>
    %get3A_12 = arith.constant 0 : index
    %get3A_13 = arith.constant 0 : index
    %get3A_14 = vector.load %arg2[%get3A_12, %get3A_13] : memref<1000x16xf32, #tpu.memory_space<vmem>>, vector<1000x16xf32>
    %add3A_15 = arith.addf %add3A, %get3A_14 : vector<1000x16xf32>
    %mul3A = vector.broadcast %get3A_1 : vector<1000x1xf32> to vector<1000x16xf32>
    %mul3A_16 = arith.mulf %mul3A, %add3A_15 : vector<1000x16xf32>
    %get3A_17 = arith.constant 0 : index
    %get3A_18 = arith.constant 0 : index
    %get3A_19 = vector.load %arg4[%get3A_17, %get3A_18] : memref<1x16xf32, #tpu.memory_space<vmem>>, vector<1x16xf32>
    %add3A_20 = vector.broadcast %get3A_19 : vector<1x16xf32> to vector<1000x16xf32>
    %add3A_21 = arith.addf %mul3A_16, %add3A_20 : vector<1000x16xf32>
    %reduce_max3A = arith.constant dense<0xFF800000> : vector<1000xf32>
    %reduce_max3A_22 = vector.multi_reduction <maximumf>, %add3A_21, %reduce_max3A [1] : vector<1000x16xf32> to vector<1000xf32>
    %broadcast_in_dim3A = vector.shape_cast %reduce_max3A_22 : vector<1000xf32> to vector<1000x1xf32>
    %sub3A = vector.broadcast %broadcast_in_dim3A : vector<1000x1xf32> to vector<1000x16xf32>
    %sub3A_23 = arith.subf %add3A_21, %sub3A : vector<1000x16xf32>
    %exp3A = math.exp %sub3A_23 : vector<1000x16xf32>
    %reduce_sum3A = arith.constant dense<0.000000e+00> : vector<1000xf32>
    %reduce_sum3A_24 = vector.multi_reduction <add>, %exp3A, %reduce_sum3A [1] : vector<1000x16xf32> to vector<1000xf32>
    %broadcast_in_dim3A_25 = vector.shape_cast %reduce_sum3A_24 : vector<1000xf32> to vector<1000x1xf32>
    %sub3A_26 = vector.broadcast %broadcast_in_dim3A : vector<1000x1xf32> to vector<1000x16xf32>
    %sub3A_27 = arith.subf %add3A_21, %sub3A_26 : vector<1000x16xf32>
    %log3A = math.log %broadcast_in_dim3A_25 : vector<1000x1xf32>
    %sub3A_28 = vector.broadcast %log3A : vector<1000x1xf32> to vector<1000x16xf32>
    %sub3A_29 = arith.subf %sub3A_27, %sub3A_28 : vector<1000x16xf32>
    %swap3A = arith.constant 0 : index
    %swap3A_30 = arith.constant 0 : index
    %swap3A_31 = vector.load %arg5[%swap3A, %swap3A_30] : memref<1000x16xf32, #tpu.memory_space<vmem>>, vector<1000x16xf32>
    tpu.vector_store %arg5[%swap3A, %swap3A_30], %sub3A_29 {strides = array<i32>} : memref<1000x16xf32, #tpu.memory_space<vmem>>, vector<1000x16xf32>,
    return
  }
  func.func @transform_0(%arg0: i32) -> (i32, i32, i32) {
    %c0_i32 = arith.constant 0 : i32
    %c0_i32_0 = arith.constant 0 : i32
    %c0_i32_1 = arith.constant 0 : i32
    return %c0_i32, %arg0, %c0_i32_0 : i32, i32, i32
  }
  func.func @transform_1(%arg0: i32) -> (i32, i32) {
    %c0_i32 = arith.constant 0 : i32
    %c0_i32_0 = arith.constant 0 : i32
    return %arg0, %c0_i32 : i32, i32
  }
  func.func @transform_2(%arg0: i32) -> (i32, i32) {
    %c0_i32 = arith.constant 0 : i32
    %c0_i32_0 = arith.constant 0 : i32
    return %arg0, %c0_i32 : i32, i32
  }
  func.func @transform_3(%arg0: i32) -> (i32, i32) {
    %c0_i32 = arith.constant 0 : i32
    %c0_i32_0 = arith.constant 0 : i32
    %c0_i32_1 = arith.constant 0 : i32
    return %c0_i32, %c0_i32_0 : i32, i32
  }
  func.func @transform_4(%arg0: i32) -> (i32, i32) {
    %c0_i32 = arith.constant 0 : i32
    %c0_i32_0 = arith.constant 0 : i32
    return %arg0, %c0_i32 : i32, i32
  }
}

</mosaic_0001>

<sc_bundles>
// kernel: kernel.11.cloned.1.call-start
scs
__scs_entry_jumppad:
0x0: {  	(pc) =	sbr.rel $0x88, $3  }
0x1: {  	(tag) =	ssettag $0x0;
	lr =	simm.s32 $0x1  }
0x2: {  	[smem:$0x3F9B] =	sst lr;
	_ =	strace $0xD0000000  }
0x3: {  	_ = 	snop  }
0x4: {  	_ = 	snop  }
0x5: {  	_ = 	snop  }
0x6: {  	_ = 	snop  }
0x7: {  	_ = 	snop  }
__scs_overlays_trampoline_lowered:
0x8: {  	[smem:$0x3FAA] =	sst s0  }
0x9: {  	[smem:$0x3FAB] =	sst s1  }
0xa: {  	[smem:$0x3FAC] =	sst s2  }
0xb: {  	[smem:$0x3FAD] =	sst s3  }
0xc: {  	[smem:$0x3FAE] =	sst s4  }
0xd: {  	[smem:$0x3FAF] =	sst s5  }
0xe: {  	[smem:$0x3FB0] =	sst s6  }
0xf: {  	[smem:$0x3FB1] =	sst s7  }
0x10: {  	[smem:$0x3FB2] =	sst s8  }
0x11: {  	[smem:$0x3FB3] =	sst s9;
	s0 =	simm.s32 @!p0 $0x0  }
0x12: {  	s1 =	sld [smem:$0x3F99];
	s0 =	simm.s32 @p0 $0x1  }
0x13: {  	[smem:$0x3FB4] =	sst s0;
	s0 =	simm.s32 @!p1 $0x0  }
0x14: {  	s2 =	sld [smem:$0x3F98];
	s0 =	simm.s32 @p1 $0x1  }
0x15: {  	[smem:$0x3FB5] =	sst s0;
	s0 =	simm.s32 @!p2 $0x0  }
0x16: {  	s3 =	sld [smem:$0x3FDB];
	s0 =	simm.s32 @p2 $0x1  }
0x17: {  	s4 =	simm.s32 $0x1BF5;
	[smem:$0x3FB7] =	sst s0  }
0x18: {  	s0 =	sld [smem:$0x3F9A];
	_ =	swait.ge [sflag:s4], $0x0  }
0x19: {  	s7 =	sld [smem:$0x3F9B]  }
0x1a: {  	s8 =	sadd.s32 $0xFFFFE003, lr  }
0x1b: {  	s9 =	sadd.s32 $0xFFFFFEF7, lr;
	s5 =	simm.s32 $0xFFFFFFFF;
	p2 =	slt.u32 s8, $0xFFFFF086  }
0x1c: {  	p1 =	slt.u32 s9, $0xF7A;
	s5 =	simm.s32 @!p2 $0x0  }
0x1d: {  	s5 =	simm.s32 @p1 $0x1;
	p0 =	seq.s32 s7, s2  }
0x1e: {  	s7 =	smul.u32 @!p0 $0xF7A, s2;
	p2 =	seq.s32 @!p0 s5, $0x0  }
0x1f: {  	s9 =	smul.u32 $0xF7A, s1;
	s8 =	simm.s32 @!p0 $0x1BF5;
	p2 =	por !p2, p0  }
0x20: {  	[sflag:s8] =	ssyncset.s32 @!p0 $0xFFFFF086;
	s6 =	sadd.s32 @!p0 s3, s7;
	s7 =	simm.s32 @!p0 $0x108  }
0x21: {  	s3 =	sadd.s32 s3, s9;
	s6 =	sadd.s32 @!p0 $0x88, s6;
	s7 =	simm.s32 @p2 $0x1082  }
0x22: {  	[simem:s7], [sflag:s8] =	dma.local @!p0 [hbm:s6], $0xF7A  }
0x23: {  	s9 =	sor.u32 $0xD0000000, s2;
	s6 =	simm.s32 $0x108;
	_ =	swait.ge @!p0 [sflag:s8], $0x0  }
0x24: {  	s3 =	sadd.s32 $0x88, s3;
	s6 =	simm.s32 @!p1 $0x1082;
	[sflag:s4] =	ssyncset.s32 $0xFFFFF086  }
0x25: {  	[simem:s6], [sflag:s4] =	dma.local [hbm:s3], $0xF7A  }
0x26: {  	[smem:$0x3F9B] =	sst s1;
	(tag) =	ssettag s2;
	_ =	strace s9  }
0x27: {  	s1 =	sld [smem:$0x3FAB]  }
0x28: {  	s2 =	sld [smem:$0x3FAC]  }
0x29: {  	s4 =	sld [smem:$0x3FAE]  }
0x2a: {  	p0 =	seq.s32 s5, $0x0;
	s5 =	sld [smem:$0x3FAF]  }
0x2b: {  	s6 =	sld [smem:$0x3FB0]  }
0x2c: {  	s7 =	sld [smem:$0x3FB1]  }
0x2d: {  	s3 =	simm.s32 $0x108;
	s8 =	sld [smem:$0x3FB2]  }
0x2e: {  	s3 =	simm.s32 @!p0 $0x1082;
	s9 =	sld [smem:$0x3FB3]  }
0x2f: {  	lr =	sadd.s32 s0, s3;
	s0 =	sld [smem:$0x3FAA]  }
0x30: {  	s3 =	sld [smem:$0x3FAD]  }
0x31: {  	[smem:$0x3FB6] =	sst s10  }
0x32: {  	s10 =	sld [smem:$0x3FB4];
	_ =	sdelay $0x3  }
0x33: {  	p0 =	seq.s32 s10, $0x1;
	s10 =	sld [smem:$0x3FB6];
	_ =	sdelay $0x3  }
0x34: {  	[smem:$0x3FB6] =	sst s10  }
0x35: {  	s10 =	sld [smem:$0x3FB5];
	_ =	sdelay $0x3  }
0x36: {  	p1 =	seq.s32 s10, $0x1;
	s10 =	sld [smem:$0x3FB6];
	_ =	sdelay $0x3  }
0x37: {  	[smem:$0x3FB6] =	sst s10  }
0x38: {  	s10 =	sld [smem:$0x3FB7]  }
0x39: {  	_ = 	snop;
	(pc) =	sbr.ind lr, $3  }
0x3a: {  	_ = 	snop  }
0x3b: {  	_ = 	snop  }
0x3c: {  	p2 =	seq.s32 s10, $0x1;
	s10 =	sld [smem:$0x3FB6]  }
0x3d: {  	_ =	shalt  }
0x3e: {  	_ =	shalt  }
0x3f: {  	_ =	shalt  }
0x40: {  	_ =	shalt  }
0x41: {  	_ =	shalt  }
0x42: {  	_ =	shalt  }
0x43: {  	_ =	shalt  }
0x44: {  	_ =	shalt  }
0x45: {  	_ =	shalt  }
0x46: {  	_ =	shalt  }
0x47: {  	_ =	shalt  }
0x48: {  	_ =	shalt  }
0x49: {  	_ =	shalt  }
0x4a: {  	_ =	shalt  }
0x4b: {  	_ =	shalt  }
0x4c: {  	_ =	shalt  }
0x4d: {  	_ =	shalt  }
0x4e: {  	_ =	shalt  }
0x4f: {  	_ =	shalt  }
0x50: {  	_ =	shalt  }
0x51: {  	_ =	shalt  }
0x52: {  	_ =	shalt  }
0x53: {  	_ =	shalt  }
0x54: {  	_ =	shalt  }
0x55: {  	_ =	shalt  }
0x56: {  	_ =	shalt  }
0x57: {  	_ =	shalt  }
0x58: {  	_ =	shalt  }
0x59: {  	_ =	shalt  }
0x5a: {  	_ =	shalt  }
0x5b: {  	_ =	shalt  }
0x5c: {  	_ =	shalt  }
0x5d: {  	_ =	shalt  }
0x5e: {  	_ =	shalt  }
0x5f: {  	_ =	shalt  }
0x60: {  	_ =	shalt  }
0x61: {  	_ =	shalt  }
0x62: {  	_ =	shalt  }
0x63: {  	_ =	shalt  }
0x64: {  	_ =	shalt  }
0x65: {  	_ =	shalt  }
0x66: {  	_ =	shalt  }
0x67: {  	_ =	shalt  }
0x68: {  	_ =	shalt  }
0x69: {  	_ =	shalt  }
0x6a: {  	_ =	shalt  }
0x6b: {  	_ =	shalt  }
0x6c: {  	_ =	shalt  }
0x6d: {  	_ =	shalt  }
0x6e: {  	_ =	shalt  }
0x6f: {  	_ =	shalt  }
0x70: {  	_ =	shalt  }
0x71: {  	_ =	shalt  }
0x72: {  	_ =	shalt  }
0x73: {  	_ =	shalt  }
0x74: {  	_ =	shalt  }
0x75: {  	_ =	shalt  }
0x76: {  	_ =	shalt  }
0x77: {  	_ =	shalt  }
0x78: {  	_ =	shalt  }
0x79: {  	_ =	shalt  }
0x7a: {  	_ =	shalt  }
0x7b: {  	_ =	shalt  }
0x7c: {  	_ =	shalt  }
0x7d: {  	_ =	shalt  }
0x7e: {  	_ =	shalt  }
0x7f: {  	_ =	shalt  }
0x80: {  	_ =	shalt  }
0x81: {  	_ =	shalt  }
0x82: {  	_ =	shalt  }
0x83: {  	_ =	shalt  }
0x84: {  	_ =	shalt  }
0x85: {  	_ =	shalt  }
0x86: {  	_ =	shalt  }
0x87: {  	_ =	shalt  }
.Lfunc_end0:
.L_simem_size_0:
called_computation.1_lowered:
.L_overlay_start_0:
0x88: {  	s2 =	sld [smem:$0x3FD9]  }
0x89: {  	s3 =	sld [smem:$0x3FFE];
	_ =	sdelay $0x1  }
0x8a: {  	s1 =	srdreg.scid  }
0x8b: {  	s0 =	sand.u32 $0x1, s1  }
0x8c: {  	s16 =	sshll.u32 s0, $0xA;
	s2 =	sadd.s32 s3, s2  }
0x8d: {  	s2 =	sadd.s32 s2, s16  }
0x8e: {  	[smem:$0x3FC2] =	sst s2  }
0x8f: {  	_ = 	snop  }
0x90: {  	(tm) =	ssettm $0x1  }
0x91: {  	s17 =	sld [smem:$0x3FFB];
	_ =	sdelay $0x3  }
0x92: {  	_ =	strace s17  }
0x93: {  	s2 =	sld [smem:$0x3FFC];
	_ =	sdelay $0x3  }
0x94: {  	_ =	strace s2  }
0x95: {  	s2 =	sld [smem:$0x3FFD];
	_ =	sdelay $0x3  }
0x96: {  	_ =	strace s2  }
0x97: {  	_ =	strace $0x8FFFFFFF  }
0x98: {  	s18 =	sld [smem:$0x3FDB];
	_ =	sdelay $0x1  }
0x99: {  	s19 =	simm.s32 $_scs_section_size  }
0x9a: {  	s4 =	simm.s32 $_size__tile_overlayer_lowered;
	s5 =	simm.s32 $_tile_overlayer_lowered  }
0x9b: {  	s22 =	simm.s32 $0x1BFF;
	s21 =	sshll.u32 s5, $0x1;
	s2 =	sadd.s32 s19, s18  }
0x9c: {  	s6 =	simm.s32 $0x0;
	s20 =	sshll.u32 s4, $0x1;
	s4 =	sadd.s32 s21, s2  }
0x9d: {  	[timem:s6], [sflag:s22] =	dma.local [hbm:s4], s20  }
0x9e: {  	_ =	swait.ge [sflag:s22], s20  }
0x9f: {  	s3 =	ssub.s32 $0x0, s20;
	[sflag:s22] =	ssyncset.done $0x0  }
0xa0: {  	[sflag:s22] =	ssyncadd.s32 s3;
	_ =	sdelay $0x1  }
0xa1: {  	s23 =	simm.s32 $0x1B8B  }
0xa2: {  	_ =	swait.ge [sflag:s23], $0x1  }
0xa3: {  	[sflag:s23] =	ssyncset.done $0x0  }
0xa4: {  	s25 =	simm.s32 $0x1B8E;
	s24 =	sld [smem:$0x3FFE];
	[sflag:s23] =	ssyncadd.s32 $0xFFFFFFFF  }
0xa5: {  	s26 =	simm.s32 $execute0_lowered;
	[smem:$0x3FD2] =	sst s25  }
0xa6: {  	s4 =	sshll.u32 s26, $0x1;
	_ =	strace $0x80000049;
	[dreg:$0x1] =	wrdreg $0xFFFFFFFF  }
0xa7: {  	s28 =	simm.s32 $_size_execute0_lowered;
	s2 =	sadd.s32 s2, s4;
	[dreg:$0x0] =	wrdreg $0x0  }
0xa8: {  	s4 =	sshll.u32 s28, $0x1;
	[dreg:$0x2] =	wrdreg s2  }
0xa9: {  	[dreg:$0x3] =	wrdreg s4  }
0xaa: {  	[dreg:$0x4] =	wrdreg $0xC0  }
0xab: {  	_ =	task [dreg:s6], $0x5FFFF  }
0xac: {  	[dreg:$0x1] =	wrdreg $0xFFFFFFFF  }
0xad: {  	[dreg:$0x0] =	wrdreg $0x60  }
0xae: {  	[dreg:$0x2] =	wrdreg s24  }
0xaf: {  	[dreg:$0x3] =	wrdreg $0x48000  }
0xb0: {  	[dreg:$0x4] =	wrdreg $0x9  }
0xb1: {  	_ =	task.clear_ibuf [dreg:s6], $0x5FFFF;
	_ =	strace $0x90000049  }
0xb2: {  	s29 =	simm.s32 $0x9;
	_ =	strace $0x8000004B  }
0xb3: {  	_ =	swait.ge [sflag:s29], $0x1  }
0xb4: {  	[sflag:s29] =	ssyncadd.s32 $0xFFFFFFFF  }
0xb5: {  	_ =	strace $0x9000004B  }
0xb6: {  	_ =	sfence  }
0xb7: {  	s30 =	sld [smem:$0x0];
	_ =	sdelay $0x2  }
0xb8: {  	s31 =	sshll.u32 s1, $0xD;
	s1 =	sshrl.u32 s1, $0x2  }
0xb9: {  	s3 =	sand.u32 $0x4000, s31;
	s1 =	sadd.s32 s1, s30  }
0xba: {  	s0 =	sor.u32 s3, s0;
	s1 =	sshll.u32 s1, $0x11  }
0xbb: {  	s0 =	sor.u32 s1, s0  }
0xbc: {  	s0 =	sadd.s32 $0x8F2B, s0  }
0xbd: {  	[sflag:s0] =	ssyncadd.remote.s32 $0x1  }
0xbe: {  	_ =	sfence.sel $0xFFFF  }
0xbf: {  	[dreg:$0x0] =	wrdreg $0xFFFFFFFF;
	(pc) =	sbr.abs _section_cstart, $3  }
0xc0: {  	[dreg:$0x1] =	wrdreg $0xFFFFFFFF  }
0xc1: {  	_ =	task.clear_ibuf [dreg:s6], $0x2FFFF;
	_ =	strace $0x9FFFFFFF  }
0xc2: {  	(tm) =	ssettm $0x7FFFFFFF  }
0xc3: {  	_ =	shalt  }
tec
execute0_lowered:
.L_overlay_start_1:
0x0: {  	(tag) =	ssettag $0x1  }
0x1: {  	s0 =	rddreg [dreg:$0x0];
	s1 =	srdreg.scid  }
0x2: {  	s7 =	stileid.u32;
	s2 =	rddreg [dreg:$0x1]  }
0x3: {  	s3 =	simm.s32 $0x0;
	s18 =	simm.s32 $0x800;
	s28 =	simm.s32 $0x180  }
0x4: {  	s29 =	simm.s32 $0x500;
	s30 =	simm.s32 $0x200;
	s31 =	simm.s32 $0x580  }
0x5: {  	s14 =	simm.s32 $0x780;
	s15 =	simm.s32 $0x0;
	s4 =	smul.u32 $0x5000, s7  }
0x6: {  	s1 =	sand.u32 $0x1, s1;
	[smem:$0x7FF] =	sst s3;
	s7 =	smul.u32 $0xA000, s7  }
0x7: {  	s5 =	smul.u32 $0x2800, s1;
	_ =	strace $0x8000004A;
	s6 =	ssub.s32 $0x2, s1  }
0x8: {  	s1 =	smul.u32 $0xA0000, s1;
	s8 =	sshrl.u32 s6, $0x1;
	s9 =	sadd.s32 $0x2000, s7  }
0x9: {  	s10 =	sadd.s32 $0x4000, s7;
	s20 =	sadd.s32 $0x6000, s7;
	s4 =	sadd.s32 s5, s4  }
0xa: {  	s6 =	ssub.s32 s6, s8;
	s8 =	sadd.s32 s7, s2;
	s11 =	sadd.s32 s9, s2  }
0xb: {  	s19 =	sadd.s32 s10, s2;
	s12 =	sadd.s32 s20, s2;
	s21 =	sadd.s32 s7, s1  }
0xc: {  	s9 =	sadd.s32 s1, s9;
	s7 =	sadd.s32 $0x8000, s7;
	[dreg:$0x4] =	wrdreg s11  }
0xd: {  	s10 =	sadd.s32 s1, s10;
	s5 =	sshrl.u32 s4, $0x3;
	[dreg:$0x5] =	wrdreg s19  }
0xe: {  	s4 =	sadd.s32 $0x15600, s0;
	[dreg:$0x6] =	wrdreg s12;
	s12 =	sshrl.u32 s21, $0x3  }
0xf: {  	s13 =	sshrl.u32 s9, $0x3;
	s9 =	sadd.s32 s7, s2;
	s11 =	sadd.s32 s1, s20  }
0x10: {  	s1 =	sadd.s32 s1, s7;
	s23 =	sshrl.u32 s10, $0x3;
	s26 =	smax.u32 s6, $0x1  }
0x11: {  	s19 =	simm.s32 $0x3;
	s20 =	simm.s32 $0x400;
	s21 =	simm.s32 $0x80  }
0x12: {  	s10 =	simm.s32 $0x300;
	[dreg:$0x3] =	wrdreg s8;
	s5 =	sadd.s32 s5, s0  }
0x13: {  	s0 =	sadd.s32 $0x29000, s0;
	s24 =	sshrl.u32 s11, $0x3;
	s1 =	sshrl.u32 s1, $0x3  }
0x14: {  	[dreg:$0xd] =	wrdreg s26;
	s26 =	simm.s32 $0x480;
	s11 =	simm.s32 $0x680  }
0x15: {  	[dreg:$0x7] =	wrdreg s9;
	s12 =	sadd.s32 s0, s12;
	s22 =	sadd.s32 s0, s13  }
0x16: {  	s7 =	sadd.s32 s0, s23;
	s25 =	sadd.s32 s0, s24;
	[dreg:$0x8] =	wrdreg s12  }
0x17: {  	s0 =	sadd.s32 s0, s1;
	s16 =	sadd.s32 $0x1600, s5;
	[dreg:$0x9] =	wrdreg s22  }
0x18: {  	s17 =	sadd.s32 $0xB600, s5;
	s23 =	simm.s32 $0x1;
	[dreg:$0xa] =	wrdreg s7  }
0x19: {  	s24 =	simm.s32 $0x100;
	s1 =	simm.s32 $0x280;
	[dreg:$0xb] =	wrdreg s25  }
0x1a: {  	s13 =	simm.s32 $0x700;
	[dreg:$0xc] =	wrdreg s0;
	s22 =	simm.s32 $0x2800  }
0x1b: {  	v0 =	vimm.f32 $0.0e+00;
	s25 =	simm.s32 $0x2;
	s0 =	simm.s32 $0x600;
	s12 =	simm.s32 $0x380  }
.LBB2_1:
0x1c: {  	s6 =	simm.s32 $0x100;
	s5 =	simm.s32 $0x0  }
.LBB2_2:
0x1d: {  	p0 =	sne.s32 s6, $0x7F00;
	[tilespmem:s5+$0x830] =	vst v0;
	s7 =	smov.u32 s6;
	s6 =	sadd.s32 $0x100, s6  }
.Ltmp0:
0x1e: {  	[tilespmem:s5+$0x820] =	vst v0;
	(pc) =	sbr.rel @p0 .LBB2_2-.Ltmp0, $3  }
0x1f: {  	[tilespmem:s5+$0x800] =	vst v0  }
0x20: {  	[tilespmem:s5+$0x810] =	vst v0;
	_ =	sdelay $0x1  }
0x21: {  	s5 =	sshra.s32 s7, $0x2  }
0x22: {  	[tilespmem:s5+$0x830] =	vst v0  }
0x23: {  	[tilespmem:s5+$0x820] =	vst v0  }
0x24: {  	[tilespmem:s5+$0x800] =	vst v0  }
0x25: {  	[tilespmem:s5+$0x810] =	vst v0  }
0x26: {  	[spmem:s8] =	stream.linear.scatter [tilespmem:s18], [sflag:$0x3], $0x2000, $0x38;
	[tilespmem:$0xE800] =	vst v63  }
0x27: {  	_ =	swait.ge [sflag:s19], $0x2000  }
0x28: {  	[sflag:s19] =	ssyncset.done $0x0  }
0x29: {  	s8 =	rddreg [dreg:$0x4];
	[sflag:s19] =	ssyncadd.s32 $0xFFFFE000  }
0x2a: {  	[spmem:s8] =	stream.linear.scatter [tilespmem:s18], [sflag:$0x3], $0x2000, $0x38;
	[tilespmem:$0xE800] =	vst v63  }
0x2b: {  	_ =	swait.ge [sflag:s19], $0x2000  }
0x2c: {  	[sflag:s19] =	ssyncset.done $0x0  }
0x2d: {  	s6 =	rddreg [dreg:$0x5];
	[sflag:s19] =	ssyncadd.s32 $0xFFFFE000  }
0x2e: {  	[spmem:s6] =	stream.linear.scatter [tilespmem:s18], [sflag:$0x3], $0x2000, $0x38;
	[tilespmem:$0xE800] =	vst v63  }
0x2f: {  	_ =	swait.ge [sflag:s19], $0x2000  }
0x30: {  	[sflag:s19] =	ssyncset.done $0x0  }
0x31: {  	s7 =	rddreg [dreg:$0x6];
	[sflag:s19] =	ssyncadd.s32 $0xFFFFE000  }
0x32: {  	[spmem:s7] =	stream.linear.scatter [tilespmem:s18], [sflag:$0x3], $0x2000, $0x38;
	[tilespmem:$0xE800] =	vst v63  }
0x33: {  	_ =	swait.ge [sflag:s19], $0x2000  }
0x34: {  	[sflag:s19] =	ssyncset.done $0x0  }
0x35: {  	[sflag:s19] =	ssyncadd.s32 $0xFFFFE000  }
0x36: {  	[spmem:s9] =	stream.linear.scatter [tilespmem:s18], [sflag:$0x3], $0x2000, $0x38;
	[tilespmem:$0xE800] =	vst v63  }
0x37: {  	_ =	swait.ge [sflag:s19], $0x2000  }
0x38: {  	[sflag:s19] =	ssyncset.done $0x0  }
0x39: {  	[sflag:s19] =	ssyncadd.s32 $0xFFFFE000  }
0x3a: {  	s8 =	sadd.s32 $0x0, s17;
	[bflag:$0x0] =	sbarrier.arrive $0xFFFF  }
0x3b: {  	[tilespmem:s3], [sflag:$0x3] =	stream.linear.gather [hbm4b:s8+s3], $0x400, $0x38;
	[tilespmem:$0xE800] =	vst v63  }
0x3c: {  	_ =	swait.ge [sflag:s19], $0x400  }
0x3d: {  	[sflag:s19] =	ssyncset.done $0x0  }
0x3e: {  	s9 =	sadd.s32 $0x0, s16;
	[sflag:s19] =	ssyncadd.s32 $0xFFFFFC00  }
0x3f: {  	[tilespmem:s20], [sflag:$0x3] =	stream.linear.gather [hbm4b:s9+s3], $0x400, $0x38;
	[tilespmem:$0xE800] =	vst v63  }
0x40: {  	_ =	swait.ge [sflag:s19], $0x400  }
0x41: {  	[sflag:s19] =	ssyncset.done $0x0  }
0x42: {  	[sflag:s19] =	ssyncadd.s32 $0xFFFFFC00  }
0x43: {  	[tilespmem:s18], [sflag:$0x1] =	stream.indirect.gather [hbm4b:s4+s21], $0x40, s3, s21, $0xb8;
	[tilespmem:$0xE800] =	vst v63  }
0x44: {  	_ = 	snop  }
0x45: {  	[tilespmem:s22], [sflag:$0x2] =	stream.indirect.gather [hbm4b:s4+s21], $0x40, s21, s21, $0xb8;
	[tilespmem:$0xE800] =	vst v63  }
0x46: {  	_ =	swait.ge [sflag:s23], $0x2000  }
0x47: {  	[sflag:s23] =	ssyncset.done $0x0  }
0x48: {  	[sflag:s23] =	ssyncadd.s32 $0xFFFFE000  }
0x49: {  	[spmem:s2] =	stream.indirect.scatter.add.f32 [tilespmem:s18], [sflag:$0x3], $0x40, s20, s21, $0xb8;
	[tilespmem:$0xE800] =	vst v63  }
0x4a: {  	_ =	swait.ge [sflag:s19], $0x2000  }
0x4b: {  	[sflag:s19] =	ssyncset.done $0x0  }
0x4c: {  	[sflag:s19] =	ssyncadd.s32 $0xFFFFE000  }
0x4d: {  	[tilespmem:s18], [sflag:$0x1] =	stream.indirect.gather [hbm4b:s4+s21], $0x40, s24, s21, $0xb8;
	[tilespmem:$0xE800] =	vst v63  }
0x4e: {  	_ =	swait.ge [sflag:s25], $0x2000  }
0x4f: {  	[sflag:s25] =	ssyncset.done $0x0  }
0x50: {  	[sflag:s25] =	ssyncadd.s32 $0xFFFFE000  }
0x51: {  	[spmem:s2] =	stream.indirect.scatter.add.f32 [tilespmem:s22], [sflag:$0x3], $0x40, s26, s21, $0xb8;
	[tilespmem:$0xE800] =	vst v63  }
0x52: {  	_ =	swait.ge [sflag:s19], $0x2000  }
0x53: {  	[sflag:s19] =	ssyncset.done $0x0  }
0x54: {  	[sflag:s19] =	ssyncadd.s32 $0xFFFFE000  }
0x55: {  	[tilespmem:s22], [sflag:$0x2] =	stream.indirect.gather [hbm4b:s4+s21], $0x40, s28, s21, $0xb8;
	[tilespmem:$0xE800] =	vst v63  }
0x56: {  	_ =	swait.ge [sflag:s23], $0x2000  }
0x57: {  	[sflag:s23] =	ssyncset.done $0x0  }
0x58: {  	[sflag:s23] =	ssyncadd.s32 $0xFFFFE000  }
0x59: {  	[spmem:s2] =	stream.indirect.scatter.add.f32 [tilespmem:s18], [sflag:$0x3], $0x40, s29, s21, $0xb8;
	[tilespmem:$0xE800] =	vst v63  }
0x5a: {  	_ =	swait.ge [sflag:s19], $0x2000  }
0x5b: {  	[sflag:s19] =	ssyncset.done $0x0  }
0x5c: {  	[sflag:s19] =	ssyncadd.s32 $0xFFFFE000  }
0x5d: {  	[tilespmem:s18], [sflag:$0x1] =	stream.indirect.gather [hbm4b:s4+s21], $0x40, s30, s21, $0xb8;
	[tilespmem:$0xE800] =	vst v63  }
0x5e: {  	_ =	swait.ge [sflag:s25], $0x2000  }
0x5f: {  	[sflag:s25] =	ssyncset.done $0x0  }
0x60: {  	[sflag:s25] =	ssyncadd.s32 $0xFFFFE000  }
0x61: {  	[spmem:s2] =	stream.indirect.scatter.add.f32 [tilespmem:s22], [sflag:$0x3], $0x40, s31, s21, $0xb8;
	[tilespmem:$0xE800] =	vst v63  }
0x62: {  	_ =	swait.ge [sflag:s19], $0x2000  }
0x63: {  	[sflag:s19] =	ssyncset.done $0x0  }
0x64: {  	[sflag:s19] =	ssyncadd.s32 $0xFFFFE000  }
0x65: {  	[tilespmem:s22], [sflag:$0x2] =	stream.indirect.gather [hbm4b:s4+s21], $0x40, s1, s21, $0xb8;
	[tilespmem:$0xE800] =	vst v63  }
0x66: {  	_ =	swait.ge [sflag:s23], $0x2000  }
0x67: {  	[sflag:s23] =	ssyncset.done $0x0  }
0x68: {  	[sflag:s23] =	ssyncadd.s32 $0xFFFFE000  }
0x69: {  	[spmem:s2] =	stream.indirect.scatter.add.f32 [tilespmem:s18], [sflag:$0x3], $0x40, s0, s21, $0xb8;
	[tilespmem:$0xE800] =	vst v63  }
0x6a: {  	_ =	swait.ge [sflag:s19], $0x2000  }
0x6b: {  	[sflag:s19] =	ssyncset.done $0x0  }
0x6c: {  	[sflag:s19] =	ssyncadd.s32 $0xFFFFE000  }
0x6d: {  	[tilespmem:s18], [sflag:$0x1] =	stream.indirect.gather [hbm4b:s4+s21], $0x40, s10, s21, $0xb8;
	[tilespmem:$0xE800] =	vst v63  }
0x6e: {  	_ =	swait.ge [sflag:s25], $0x2000  }
0x6f: {  	[sflag:s25] =	ssyncset.done $0x0  }
0x70: {  	[sflag:s25] =	ssyncadd.s32 $0xFFFFE000  }
0x71: {  	[spmem:s2] =	stream.indirect.scatter.add.f32 [tilespmem:s22], [sflag:$0x3], $0x40, s11, s21, $0xb8;
	[tilespmem:$0xE800] =	vst v63  }
0x72: {  	_ =	swait.ge [sflag:s19], $0x2000  }
0x73: {  	[sflag:s19] =	ssyncset.done $0x0  }
0x74: {  	[sflag:s19] =	ssyncadd.s32 $0xFFFFE000  }
0x75: {  	[tilespmem:s22], [sflag:$0x2] =	stream.indirect.gather [hbm4b:s4+s21], $0x40, s12, s21, $0xb8;
	[tilespmem:$0xE800] =	vst v63  }
0x76: {  	_ =	swait.ge [sflag:s23], $0x2000  }
0x77: {  	[sflag:s23] =	ssyncset.done $0x0  }
0x78: {  	[sflag:s23] =	ssyncadd.s32 $0xFFFFE000  }
0x79: {  	[spmem:s2] =	stream.indirect.scatter.add.f32 [tilespmem:s18], [sflag:$0x3], $0x40, s13, s21, $0xb8;
	[tilespmem:$0xE800] =	vst v63  }
0x7a: {  	_ =	swait.ge [sflag:s19], $0x2000  }
0x7b: {  	[sflag:s19] =	ssyncset.done $0x0  }
0x7c: {  	[sflag:s19] =	ssyncadd.s32 $0xFFFFE000  }
0x7d: {  	_ =	swait.ge [sflag:s25], $0x2000  }
0x7e: {  	[sflag:s25] =	ssyncset.done $0x0  }
0x7f: {  	[sflag:s25] =	ssyncadd.s32 $0xFFFFE000  }
0x80: {  	[spmem:s2] =	stream.indirect.scatter.add.f32 [tilespmem:s22], [sflag:$0x3], $0x40, s14, s21, $0xb8;
	[tilespmem:$0xE800] =	vst v63  }
0x81: {  	_ =	swait.ge [sflag:s19], $0x2000  }
0x82: {  	s5 =	simm.s32 $0x80;
	s6 =	simm.s32 $0x100;
	[sflag:s19] =	ssyncset.done $0x0  }
.LBB2_4:
0x83: {  	s8 =	sadd.s32 s5, s17  }
0x84: {  	[sflag:s19] =	ssyncadd.s32 $0xFFFFE000;
	s9 =	smov.u32 s6;
	s7 =	sadd.s32 $0x80, s6  }
0x85: {  	[tilespmem:s3], [sflag:$0x3] =	stream.linear.gather [hbm4b:s8+s3], $0x400, $0x38;
	[tilespmem:$0xE800] =	vst v63  }
0x86: {  	p0 =	sne.s32 s6, $0x480;
	_ =	swait.ge [sflag:s19], $0x400  }
0x87: {  	[sflag:s19] =	ssyncset.done $0x0  }
0x88: {  	s6 =	sadd.s32 s5, s16;
	s5 =	smov.u32 s9;
	[sflag:s19] =	ssyncadd.s32 $0xFFFFFC00  }
0x89: {  	[tilespmem:s20], [sflag:$0x3] =	stream.linear.gather [hbm4b:s6+s3], $0x400, $0x38;
	[tilespmem:$0xE800] =	vst v63  }
0x8a: {  	_ =	swait.ge [sflag:s19], $0x400  }
0x8b: {  	[sflag:s19] =	ssyncset.done $0x0  }
0x8c: {  	[sflag:s19] =	ssyncadd.s32 $0xFFFFFC00  }
0x8d: {  	[tilespmem:s18], [sflag:$0x1] =	stream.indirect.gather [hbm4b:s4+s21], $0x40, s3, s21, $0xb8;
	[tilespmem:$0xE800] =	vst v63  }
0x8e: {  	_ = 	snop  }
0x8f: {  	[tilespmem:s22], [sflag:$0x2] =	stream.indirect.gather [hbm4b:s4+s21], $0x40, s21, s21, $0xb8;
	[tilespmem:$0xE800] =	vst v63  }
0x90: {  	_ =	swait.ge [sflag:s23], $0x2000  }
0x91: {  	[sflag:s23] =	ssyncset.done $0x0  }
0x92: {  	[sflag:s23] =	ssyncadd.s32 $0xFFFFE000  }
0x93: {  	[spmem:s2] =	stream.indirect.scatter.add.f32 [tilespmem:s18], [sflag:$0x3], $0x40, s20, s21, $0xb8;
	[tilespmem:$0xE800] =	vst v63  }
0x94: {  	_ =	swait.ge [sflag:s19], $0x2000  }
0x95: {  	[sflag:s19] =	ssyncset.done $0x0  }
0x96: {  	[sflag:s19] =	ssyncadd.s32 $0xFFFFE000  }
0x97: {  	[tilespmem:s18], [sflag:$0x1] =	stream.indirect.gather [hbm4b:s4+s21], $0x40, s24, s21, $0xb8;
	[tilespmem:$0xE800] =	vst v63  }
0x98: {  	_ =	swait.ge [sflag:s25], $0x2000  }
0x99: {  	[sflag:s25] =	ssyncset.done $0x0  }
0x9a: {  	[sflag:s25] =	ssyncadd.s32 $0xFFFFE000  }
0x9b: {  	[spmem:s2] =	stream.indirect.scatter.add.f32 [tilespmem:s22], [sflag:$0x3], $0x40, s26, s21, $0xb8;
	[tilespmem:$0xE800] =	vst v63  }
0x9c: {  	_ =	swait.ge [sflag:s19], $0x2000  }
0x9d: {  	[sflag:s19] =	ssyncset.done $0x0  }
0x9e: {  	[sflag:s19] =	ssyncadd.s32 $0xFFFFE000  }
0x9f: {  	[tilespmem:s22], [sflag:$0x2] =	stream.indirect.gather [hbm4b:s4+s21], $0x40, s28, s21, $0xb8;
	[tilespmem:$0xE800] =	vst v63  }
0xa0: {  	_ =	swait.ge [sflag:s23], $0x2000  }
0xa1: {  	[sflag:s23] =	ssyncset.done $0x0  }
0xa2: {  	[sflag:s23] =	ssyncadd.s32 $0xFFFFE000  }
0xa3: {  	[spmem:s2] =	stream.indirect.scatter.add.f32 [tilespmem:s18], [sflag:$0x3], $0x40, s29, s21, $0xb8;
	[tilespmem:$0xE800] =	vst v63  }
0xa4: {  	_ =	swait.ge [sflag:s19], $0x2000  }
0xa5: {  	[sflag:s19] =	ssyncset.done $0x0  }
0xa6: {  	[sflag:s19] =	ssyncadd.s32 $0xFFFFE000  }
0xa7: {  	[tilespmem:s18], [sflag:$0x1] =	stream.indirect.gather [hbm4b:s4+s21], $0x40, s30, s21, $0xb8;
	[tilespmem:$0xE800] =	vst v63  }
0xa8: {  	_ =	swait.ge [sflag:s25], $0x2000  }
0xa9: {  	[sflag:s25] =	ssyncset.done $0x0  }
0xaa: {  	[sflag:s25] =	ssyncadd.s32 $0xFFFFE000  }
0xab: {  	[spmem:s2] =	stream.indirect.scatter.add.f32 [tilespmem:s22], [sflag:$0x3], $0x40, s31, s21, $0xb8;
	[tilespmem:$0xE800] =	vst v63  }
0xac: {  	_ =	swait.ge [sflag:s19], $0x2000  }
0xad: {  	[sflag:s19] =	ssyncset.done $0x0  }
0xae: {  	[sflag:s19] =	ssyncadd.s32 $0xFFFFE000  }
0xaf: {  	[tilespmem:s22], [sflag:$0x2] =	stream.indirect.gather [hbm4b:s4+s21], $0x40, s1, s21, $0xb8;
	[tilespmem:$0xE800] =	vst v63  }
0xb0: {  	_ =	swait.ge [sflag:s23], $0x2000  }
0xb1: {  	[sflag:s23] =	ssyncset.done $0x0  }
0xb2: {  	[sflag:s23] =	ssyncadd.s32 $0xFFFFE000  }
0xb3: {  	[spmem:s2] =	stream.indirect.scatter.add.f32 [tilespmem:s18], [sflag:$0x3], $0x40, s0, s21, $0xb8;
	[tilespmem:$0xE800] =	vst v63  }
0xb4: {  	_ =	swait.ge [sflag:s19], $0x2000  }
0xb5: {  	[sflag:s19] =	ssyncset.done $0x0  }
0xb6: {  	[sflag:s19] =	ssyncadd.s32 $0xFFFFE000  }
0xb7: {  	[tilespmem:s18], [sflag:$0x1] =	stream.indirect.gather [hbm4b:s4+s21], $0x40, s10, s21, $0xb8;
	[tilespmem:$0xE800] =	vst v63  }
0xb8: {  	_ =	swait.ge [sflag:s25], $0x2000  }
0xb9: {  	[sflag:s25] =	ssyncset.done $0x0  }
0xba: {  	[sflag:s25] =	ssyncadd.s32 $0xFFFFE000  }
0xbb: {  	[spmem:s2] =	stream.indirect.scatter.add.f32 [tilespmem:s22], [sflag:$0x3], $0x40, s11, s21, $0xb8;
	[tilespmem:$0xE800] =	vst v63  }
0xbc: {  	_ =	swait.ge [sflag:s19], $0x2000  }
0xbd: {  	[sflag:s19] =	ssyncset.done $0x0  }
0xbe: {  	[sflag:s19] =	ssyncadd.s32 $0xFFFFE000  }
0xbf: {  	[tilespmem:s22], [sflag:$0x2] =	stream.indirect.gather [hbm4b:s4+s21], $0x40, s12, s21, $0xb8;
	[tilespmem:$0xE800] =	vst v63  }
0xc0: {  	_ =	swait.ge [sflag:s23], $0x2000  }
0xc1: {  	[sflag:s23] =	ssyncset.done $0x0  }
0xc2: {  	[sflag:s23] =	ssyncadd.s32 $0xFFFFE000  }
0xc3: {  	[spmem:s2] =	stream.indirect.scatter.add.f32 [tilespmem:s18], [sflag:$0x3], $0x40, s13, s21, $0xb8;
	[tilespmem:$0xE800] =	vst v63  }
0xc4: {  	_ =	swait.ge [sflag:s19], $0x2000  }
0xc5: {  	[sflag:s19] =	ssyncset.done $0x0  }
0xc6: {  	[sflag:s19] =	ssyncadd.s32 $0xFFFFE000  }
0xc7: {  	_ =	swait.ge [sflag:s25], $0x2000  }
.Ltmp1:
0xc8: {  	[sflag:s25] =	ssyncset.done $0x0;
	(pc) =	sbr.rel @p0 .LBB2_4-.Ltmp1, $4  }
0xc9: {  	[sflag:s25] =	ssyncadd.s32 $0xFFFFE000  }
0xca: {  	[spmem:s2] =	stream.indirect.scatter.add.f32 [tilespmem:s22], [sflag:$0x3], $0x40, s14, s21, $0xb8;
	[tilespmem:$0xE800] =	vst v63  }
0xcb: {  	_ =	swait.ge [sflag:s19], $0x2000  }
0xcc: {  	s6 =	smov.u32 s7;
	[sflag:s19] =	ssyncset.done $0x0  }
0xcd: {  	s6 =	sadd.s32 s5, s17;
	[sflag:s19] =	ssyncadd.s32 $0xFFFFE000  }
0xce: {  	[tilespmem:s3], [sflag:$0x3] =	stream.linear.gather [hbm4b:s6+s3], $0x400, $0x38;
	[tilespmem:$0xE800] =	vst v63  }
0xcf: {  	_ =	swait.ge [sflag:s19], $0x400  }
0xd0: {  	[sflag:s19] =	ssyncset.done $0x0  }
0xd1: {  	s8 =	sadd.s32 s5, s16;
	[sflag:s19] =	ssyncadd.s32 $0xFFFFFC00  }
0xd2: {  	[tilespmem:s20], [sflag:$0x3] =	stream.linear.gather [hbm4b:s8+s3], $0x400, $0x38;
	[tilespmem:$0xE800] =	vst v63  }
0xd3: {  	_ =	swait.ge [sflag:s19], $0x400  }
0xd4: {  	[sflag:s19] =	ssyncset.done $0x0  }
0xd5: {  	[sflag:s19] =	ssyncadd.s32 $0xFFFFFC00  }
0xd6: {  	[tilespmem:s18], [sflag:$0x1] =	stream.indirect.gather [hbm4b:s4+s21], $0x40, s3, s21, $0xb8;
	[tilespmem:$0xE800] =	vst v63  }
0xd7: {  	_ = 	snop  }
0xd8: {  	[tilespmem:s22], [sflag:$0x2] =	stream.indirect.gather [hbm4b:s4+s21], $0x40, s21, s21, $0xb8;
	[tilespmem:$0xE800] =	vst v63  }
0xd9: {  	_ =	swait.ge [sflag:s23], $0x2000  }
0xda: {  	[sflag:s23] =	ssyncset.done $0x0  }
0xdb: {  	[sflag:s23] =	ssyncadd.s32 $0xFFFFE000  }
0xdc: {  	[spmem:s2] =	stream.indirect.scatter.add.f32 [tilespmem:s18], [sflag:$0x3], $0x40, s20, s21, $0xb8;
	[tilespmem:$0xE800] =	vst v63  }
0xdd: {  	_ =	swait.ge [sflag:s19], $0x2000  }
0xde: {  	[sflag:s19] =	ssyncset.done $0x0  }
0xdf: {  	[sflag:s19] =	ssyncadd.s32 $0xFFFFE000  }
0xe0: {  	[tilespmem:s18], [sflag:$0x1] =	stream.indirect.gather [hbm4b:s4+s21], $0x40, s24, s21, $0xb8;
	[tilespmem:$0xE800] =	vst v63  }
0xe1: {  	_ =	swait.ge [sflag:s25], $0x2000  }
0xe2: {  	[sflag:s25] =	ssyncset.done $0x0  }
0xe3: {  	[sflag:s25] =	ssyncadd.s32 $0xFFFFE000  }
0xe4: {  	[spmem:s2] =	stream.indirect.scatter.add.f32 [tilespmem:s22], [sflag:$0x3], $0x40, s26, s21, $0xb8;
	[tilespmem:$0xE800] =	vst v63  }
0xe5: {  	_ =	swait.ge [sflag:s19], $0x2000  }
0xe6: {  	[sflag:s19] =	ssyncset.done $0x0  }
0xe7: {  	[sflag:s19] =	ssyncadd.s32 $0xFFFFE000  }
0xe8: {  	[tilespmem:s22], [sflag:$0x2] =	stream.indirect.gather [hbm4b:s4+s21], $0x40, s28, s21, $0xb8;
	[tilespmem:$0xE800] =	vst v63  }
0xe9: {  	_ =	swait.ge [sflag:s23], $0x2000  }
0xea: {  	[sflag:s23] =	ssyncset.done $0x0  }
0xeb: {  	[sflag:s23] =	ssyncadd.s32 $0xFFFFE000  }
0xec: {  	[spmem:s2] =	stream.indirect.scatter.add.f32 [tilespmem:s18], [sflag:$0x3], $0x40, s29, s21, $0xb8;
	[tilespmem:$0xE800] =	vst v63  }
0xed: {  	_ =	swait.ge [sflag:s19], $0x2000  }
0xee: {  	[sflag:s19] =	ssyncset.done $0x0  }
0xef: {  	[sflag:s19] =	ssyncadd.s32 $0xFFFFE000  }
0xf0: {  	[tilespmem:s18], [sflag:$0x1] =	stream.indirect.gather [hbm4b:s4+s21], $0x40, s30, s21, $0xb8;
	[tilespmem:$0xE800] =	vst v63  }
0xf1: {  	_ =	swait.ge [sflag:s25], $0x2000  }
0xf2: {  	[sflag:s25] =	ssyncset.done $0x0  }
0xf3: {  	[sflag:s25] =	ssyncadd.s32 $0xFFFFE000  }
0xf4: {  	[spmem:s2] =	stream.indirect.scatter.add.f32 [tilespmem:s22], [sflag:$0x3], $0x40, s31, s21, $0xb8;
	[tilespmem:$0xE800] =	vst v63  }
0xf5: {  	_ =	swait.ge [sflag:s19], $0x2000  }
0xf6: {  	[sflag:s19] =	ssyncset.done $0x0  }
0xf7: {  	[sflag:s19] =	ssyncadd.s32 $0xFFFFE000  }
0xf8: {  	[tilespmem:s22], [sflag:$0x2] =	stream.indirect.gather [hbm4b:s4+s21], $0x40, s1, s21, $0xb8;
	[tilespmem:$0xE800] =	vst v63  }
0xf9: {  	_ =	swait.ge [sflag:s23], $0x2000  }
0xfa: {  	[sflag:s23] =	ssyncset.done $0x0  }
0xfb: {  	[sflag:s23] =	ssyncadd.s32 $0xFFFFE000  }
0xfc: {  	[spmem:s2] =	stream.indirect.scatter.add.f32 [tilespmem:s18], [sflag:$0x3], $0x40, s0, s21, $0xb8;
	[tilespmem:$0xE800] =	vst v63  }
0xfd: {  	_ =	swait.ge [sflag:s19], $0x2000  }
0xfe: {  	[sflag:s19] =	ssyncset.done $0x0  }
0xff: {  	[sflag:s19] =	ssyncadd.s32 $0xFFFFE000  }
0x100: {  	[tilespmem:s18], [sflag:$0x1] =	stream.indirect.gather [hbm4b:s4+s21], $0x40, s10, s21, $0xb8;
	[tilespmem:$0xE800] =	vst v63  }
0x101: {  	_ =	swait.ge [sflag:s25], $0x2000  }
0x102: {  	[sflag:s25] =	ssyncset.done $0x0  }
0x103: {  	[sflag:s25] =	ssyncadd.s32 $0xFFFFE000  }
0x104: {  	[spmem:s2] =	stream.indirect.scatter.add.f32 [tilespmem:s22], [sflag:$0x3], $0x40, s11, s21, $0xb8;
	[tilespmem:$0xE800] =	vst v63  }
0x105: {  	_ =	swait.ge [sflag:s19], $0x2000  }
0x106: {  	[sflag:s19] =	ssyncset.done $0x0  }
0x107: {  	[sflag:s19] =	ssyncadd.s32 $0xFFFFE000  }
0x108: {  	[tilespmem:s22], [sflag:$0x2] =	stream.indirect.gather [hbm4b:s4+s21], $0x40, s12, s21, $0xb8;
	[tilespmem:$0xE800] =	vst v63  }
0x109: {  	_ =	swait.ge [sflag:s23], $0x2000  }
0x10a: {  	[sflag:s23] =	ssyncset.done $0x0  }
0x10b: {  	[sflag:s23] =	ssyncadd.s32 $0xFFFFE000  }
0x10c: {  	[spmem:s2] =	stream.indirect.scatter.add.f32 [tilespmem:s18], [sflag:$0x3], $0x40, s13, s21, $0xb8;
	[tilespmem:$0xE800] =	vst v63  }
0x10d: {  	_ =	swait.ge [sflag:s19], $0x2000  }
0x10e: {  	[sflag:s19] =	ssyncset.done $0x0  }
0x10f: {  	[sflag:s19] =	ssyncadd.s32 $0xFFFFE000  }
0x110: {  	_ =	swait.ge [sflag:s25], $0x2000  }
0x111: {  	[sflag:s25] =	ssyncset.done $0x0  }
0x112: {  	[sflag:s25] =	ssyncadd.s32 $0xFFFFE000  }
0x113: {  	[spmem:s2] =	stream.indirect.scatter.add.f32 [tilespmem:s22], [sflag:$0x3], $0x40, s14, s21, $0xb8;
	[tilespmem:$0xE800] =	vst v63  }
0x114: {  	_ =	swait.ge [sflag:s19], $0x2000  }
0x115: {  	[sflag:s19] =	ssyncset.done $0x0  }
0x116: {  	[sflag:s19] =	ssyncadd.s32 $0xFFFFE000  }
0x117: {  	[bflag:$0x0] =	sbarrier.arrive $0xFFFF  }
0x118: {  	s8 =	rddreg [dreg:$0x3]  }
0x119: {  	[tilespmem:s18], [sflag:$0x3] =	stream.linear.gather [spmem:s8], $0x2000, $0x38;
	[tilespmem:$0xE800] =	vst v63  }
0x11a: {  	_ =	swait.ge [sflag:s19], $0x2000  }
0x11b: {  	[sflag:s19] =	ssyncset.done $0x0  }
0x11c: {  	s9 =	rddreg [dreg:$0x8];
	[sflag:s19] =	ssyncadd.s32 $0xFFFFE000  }
0x11d: {  	[hbm4b:s9+s3] =	stream.linear.scatter [tilespmem:s18], [sflag:$0x3], $0x2000, $0x38;
	[tilespmem:$0xE800] =	vst v63  }
0x11e: {  	_ =	swait.ge [sflag:s19], $0x2000  }
0x11f: {  	[sflag:s19] =	ssyncset.done $0x0  }
0x120: {  	s6 =	rddreg [dreg:$0x4];
	[sflag:s19] =	ssyncadd.s32 $0xFFFFE000  }
0x121: {  	[tilespmem:s18], [sflag:$0x3] =	stream.linear.gather [spmem:s6], $0x2000, $0x38;
	[tilespmem:$0xE800] =	vst v63  }
0x122: {  	_ =	swait.ge [sflag:s19], $0x2000  }
0x123: {  	[sflag:s19] =	ssyncset.done $0x0  }
0x124: {  	s7 =	rddreg [dreg:$0x9];
	[sflag:s19] =	ssyncadd.s32 $0xFFFFE000  }
0x125: {  	[hbm4b:s7+s3] =	stream.linear.scatter [tilespmem:s18], [sflag:$0x3], $0x2000, $0x38;
	[tilespmem:$0xE800] =	vst v63  }
0x126: {  	_ =	swait.ge [sflag:s19], $0x2000  }
0x127: {  	[sflag:s19] =	ssyncset.done $0x0  }
0x128: {  	s9 =	rddreg [dreg:$0x5];
	[sflag:s19] =	ssyncadd.s32 $0xFFFFE000  }
0x129: {  	[tilespmem:s18], [sflag:$0x3] =	stream.linear.gather [spmem:s9], $0x2000, $0x38;
	[tilespmem:$0xE800] =	vst v63  }
0x12a: {  	_ =	swait.ge [sflag:s19], $0x2000  }
0x12b: {  	[sflag:s19] =	ssyncset.done $0x0  }
0x12c: {  	s6 =	rddreg [dreg:$0xa];
	[sflag:s19] =	ssyncadd.s32 $0xFFFFE000  }
0x12d: {  	[hbm4b:s6+s3] =	stream.linear.scatter [tilespmem:s18], [sflag:$0x3], $0x2000, $0x38;
	[tilespmem:$0xE800] =	vst v63  }
0x12e: {  	_ =	swait.ge [sflag:s19], $0x2000  }
0x12f: {  	[sflag:s19] =	ssyncset.done $0x0  }
0x130: {  	s7 =	rddreg [dreg:$0x6];
	[sflag:s19] =	ssyncadd.s32 $0xFFFFE000  }
0x131: {  	[tilespmem:s18], [sflag:$0x3] =	stream.linear.gather [spmem:s7], $0x2000, $0x38;
	[tilespmem:$0xE800] =	vst v63  }
0x132: {  	_ =	swait.ge [sflag:s19], $0x2000  }
0x133: {  	[sflag:s19] =	ssyncset.done $0x0  }
0x134: {  	s9 =	rddreg [dreg:$0xb];
	[sflag:s19] =	ssyncadd.s32 $0xFFFFE000  }
0x135: {  	[hbm4b:s9+s3] =	stream.linear.scatter [tilespmem:s18], [sflag:$0x3], $0x2000, $0x38;
	[tilespmem:$0xE800] =	vst v63  }
0x136: {  	_ =	swait.ge [sflag:s19], $0x2000  }
0x137: {  	[sflag:s19] =	ssyncset.done $0x0  }
0x138: {  	s9 =	rddreg [dreg:$0x7];
	[sflag:s19] =	ssyncadd.s32 $0xFFFFE000  }
0x139: {  	[tilespmem:s18], [sflag:$0x3] =	stream.linear.gather [spmem:s9], $0x2000, $0x38;
	[tilespmem:$0xE800] =	vst v63  }
0x13a: {  	_ =	swait.ge [sflag:s19], $0x2000  }
0x13b: {  	[sflag:s19] =	ssyncset.done $0x0  }
0x13c: {  	s6 =	rddreg [dreg:$0xc];
	[sflag:s19] =	ssyncadd.s32 $0xFFFFE000  }
0x13d: {  	[hbm4b:s6+s3] =	stream.linear.scatter [tilespmem:s18], [sflag:$0x3], $0x2000, $0x38;
	[tilespmem:$0xE800] =	vst v63  }
0x13e: {  	_ =	swait.ge [sflag:s19], $0x2000  }
0x13f: {  	s15 =	sadd.s32 $0x1, s15;
	s7 =	rddreg [dreg:$0xd]  }
0x140: {  	p0 =	sne.s32 s15, s7  }
.Ltmp2:
0x141: {  	_ = 	snop;
	(pc) =	sbr.rel @p0 .LBB2_1-.Ltmp2, $3  }
0x142: {  	_ =	sdelay $0x1  }
0x143: {  	[sflag:s19] =	ssyncset.done $0x0  }
0x144: {  	[sflag:s19] =	ssyncadd.s32 $0xFFFFE000  }
0x145: {  	_ =	sfence.sel $0x180000  }
0x146: {  	[bflag:$0x0] =	sbarrier.arrive $0xFFFF  }
0x147: {  	_ =	strace $0x9000004A  }
0x148: {  	s0 =	stileid.u32;
	[bflag:$0x2] =	sbarrier.arrive $0xFFFF  }
0x149: {  	p0 =	sne.s32 s0, $0x0;
	s0 =	rddreg [dreg:$0x2]  }
0x14a: {  	s0 =	sadd.s32 @!p0 $0x100000, s0  }
0x14b: {  	[sflag:s0] =	ssyncadd.tile.s32 @!p0 $0x1;
	_ =	shalt  }
.Lfunc_end2:
_tile_overlayer_lowered:
.L_overlay_start_2:
0x14c: {  	(tag) =	ssettag $0x2  }
0x14d: {  	s0 =	rddreg [dreg:$0x0];
	s2 =	stileid.u32  }
0x14e: {  	s1 =	rddreg [dreg:$0x1];
	p0 =	sne.s32 s2, $0x0  }
0x14f: {  	s3 =	rddreg [dreg:$0x2];
	[bflag:$0x3] =	sbarrier.arrive $0xFFFF;
	s2 =	simm.s32 @!p0 $0x1C03  }
0x150: {  	[timem:s3], [sflag:s2] =	dma.local @!p0 [hbm:s0], s1  }
0x151: {  	s0 =	simm.s32 @!p0 $0x3  }
0x152: {  	_ =	swait.ge @!p0 [sflag:s0], s1  }
0x153: {  	s1 =	ssub.s32 @!p0 $0x0, s1;
	[sflag:s0] =	ssyncset.done @!p0 $0x0  }
0x154: {  	[sflag:s0] =	ssyncadd.s32 @!p0 s1  }
0x155: {  	[bflag:$0x3] =	sbarrier.arrive $0xFFFF  }
0x156: {  	_ =	shalt  }

// kernel: kernel.14.cloned.1.call-start
scs
__scs_entry_jumppad:
0x0: {  	(pc) =	sbr.rel $0x88, $3  }
0x1: {  	(tag) =	ssettag $0x0;
	lr =	simm.s32 $0x1  }
0x2: {  	[smem:$0x3F9B] =	sst lr;
	_ =	strace $0xD0000000  }
0x3: {  	_ = 	snop  }
0x4: {  	_ = 	snop  }
0x5: {  	_ = 	snop  }
0x6: {  	_ = 	snop  }
0x7: {  	_ = 	snop  }
__scs_overlays_trampoline_lowered:
0x8: {  	[smem:$0x3FAA] =	sst s0  }
0x9: {  	[smem:$0x3FAB] =	sst s1  }
0xa: {  	[smem:$0x3FAC] =	sst s2  }
0xb: {  	[smem:$0x3FAD] =	sst s3  }
0xc: {  	[smem:$0x3FAE] =	sst s4  }
0xd: {  	[smem:$0x3FAF] =	sst s5  }
0xe: {  	[smem:$0x3FB0] =	sst s6  }
0xf: {  	[smem:$0x3FB1] =	sst s7  }
0x10: {  	[smem:$0x3FB2] =	sst s8  }
0x11: {  	[smem:$0x3FB3] =	sst s9;
	s0 =	simm.s32 @!p0 $0x0  }
0x12: {  	s1 =	sld [smem:$0x3F99];
	s0 =	simm.s32 @p0 $0x1  }
0x13: {  	[smem:$0x3FB4] =	sst s0;
	s0 =	simm.s32 @!p1 $0x0  }
0x14: {  	s2 =	sld [smem:$0x3F98];
	s0 =	simm.s32 @p1 $0x1  }
0x15: {  	[smem:$0x3FB5] =	sst s0;
	s0 =	simm.s32 @!p2 $0x0  }
0x16: {  	s3 =	sld [smem:$0x3FDB];
	s0 =	simm.s32 @p2 $0x1  }
0x17: {  	s4 =	simm.s32 $0x1BF5;
	[smem:$0x3FB7] =	sst s0  }
0x18: {  	s0 =	sld [smem:$0x3F9A];
	_ =	swait.ge [sflag:s4], $0x0  }
0x19: {  	s7 =	sld [smem:$0x3F9B]  }
0x1a: {  	s8 =	sadd.s32 $0xFFFFE003, lr  }
0x1b: {  	s9 =	sadd.s32 $0xFFFFFEF7, lr;
	s5 =	simm.s32 $0xFFFFFFFF;
	p2 =	slt.u32 s8, $0xFFFFF086  }
0x1c: {  	p1 =	slt.u32 s9, $0xF7A;
	s5 =	simm.s32 @!p2 $0x0  }
0x1d: {  	s5 =	simm.s32 @p1 $0x1;
	p0 =	seq.s32 s7, s2  }
0x1e: {  	s7 =	smul.u32 @!p0 $0xF7A, s2;
	p2 =	seq.s32 @!p0 s5, $0x0  }
0x1f: {  	s9 =	smul.u32 $0xF7A, s1;
	s8 =	simm.s32 @!p0 $0x1BF5;
	p2 =	por !p2, p0  }
0x20: {  	[sflag:s8] =	ssyncset.s32 @!p0 $0xFFFFF086;
	s6 =	sadd.s32 @!p0 s3, s7;
	s7 =	simm.s32 @!p0 $0x108  }
0x21: {  	s3 =	sadd.s32 s3, s9;
	s6 =	sadd.s32 @!p0 $0x88, s6;
	s7 =	simm.s32 @p2 $0x1082  }
0x22: {  	[simem:s7], [sflag:s8] =	dma.local @!p0 [hbm:s6], $0xF7A  }
0x23: {  	s9 =	sor.u32 $0xD0000000, s2;
	s6 =	simm.s32 $0x108;
	_ =	swait.ge @!p0 [sflag:s8], $0x0  }
0x24: {  	s3 =	sadd.s32 $0x88, s3;
	s6 =	simm.s32 @!p1 $0x1082;
	[sflag:s4] =	ssyncset.s32 $0xFFFFF086  }
0x25: {  	[simem:s6], [sflag:s4] =	dma.local [hbm:s3], $0xF7A  }
0x26: {  	[smem:$0x3F9B] =	sst s1;
	(tag) =	ssettag s2;
	_ =	strace s9  }
0x27: {  	s1 =	sld [smem:$0x3FAB]  }
0x28: {  	s2 =	sld [smem:$0x3FAC]  }
0x29: {  	s4 =	sld [smem:$0x3FAE]  }
0x2a: {  	p0 =	seq.s32 s5, $0x0;
	s5 =	sld [smem:$0x3FAF]  }
0x2b: {  	s6 =	sld [smem:$0x3FB0]  }
0x2c: {  	s7 =	sld [smem:$0x3FB1]  }
0x2d: {  	s3 =	simm.s32 $0x108;
	s8 =	sld [smem:$0x3FB2]  }
0x2e: {  	s3 =	simm.s32 @!p0 $0x1082;
	s9 =	sld [smem:$0x3FB3]  }
0x2f: {  	lr =	sadd.s32 s0, s3;
	s0 =	sld [smem:$0x3FAA]  }
0x30: {  	s3 =	sld [smem:$0x3FAD]  }
0x31: {  	[smem:$0x3FB6] =	sst s10  }
0x32: {  	s10 =	sld [smem:$0x3FB4];
	_ =	sdelay $0x3  }
0x33: {  	p0 =	seq.s32 s10, $0x1;
	s10 =	sld [smem:$0x3FB6];
	_ =	sdelay $0x3  }
0x34: {  	[smem:$0x3FB6] =	sst s10  }
0x35: {  	s10 =	sld [smem:$0x3FB5];
	_ =	sdelay $0x3  }
0x36: {  	p1 =	seq.s32 s10, $0x1;
	s10 =	sld [smem:$0x3FB6];
	_ =	sdelay $0x3  }
0x37: {  	[smem:$0x3FB6] =	sst s10  }
0x38: {  	s10 =	sld [smem:$0x3FB7]  }
0x39: {  	_ = 	snop;
	(pc) =	sbr.ind lr, $3  }
0x3a: {  	_ = 	snop  }
0x3b: {  	_ = 	snop  }
0x3c: {  	p2 =	seq.s32 s10, $0x1;
	s10 =	sld [smem:$0x3FB6]  }
0x3d: {  	_ =	shalt  }
0x3e: {  	_ =	shalt  }
0x3f: {  	_ =	shalt  }
0x40: {  	_ =	shalt  }
0x41: {  	_ =	shalt  }
0x42: {  	_ =	shalt  }
0x43: {  	_ =	shalt  }
0x44: {  	_ =	shalt  }
0x45: {  	_ =	shalt  }
0x46: {  	_ =	shalt  }
0x47: {  	_ =	shalt  }
0x48: {  	_ =	shalt  }
0x49: {  	_ =	shalt  }
0x4a: {  	_ =	shalt  }
0x4b: {  	_ =	shalt  }
0x4c: {  	_ =	shalt  }
0x4d: {  	_ =	shalt  }
0x4e: {  	_ =	shalt  }
0x4f: {  	_ =	shalt  }
0x50: {  	_ =	shalt  }
0x51: {  	_ =	shalt  }
0x52: {  	_ =	shalt  }
0x53: {  	_ =	shalt  }
0x54: {  	_ =	shalt  }
0x55: {  	_ =	shalt  }
0x56: {  	_ =	shalt  }
0x57: {  	_ =	shalt  }
0x58: {  	_ =	shalt  }
0x59: {  	_ =	shalt  }
0x5a: {  	_ =	shalt  }
0x5b: {  	_ =	shalt  }
0x5c: {  	_ =	shalt  }
0x5d: {  	_ =	shalt  }
0x5e: {  	_ =	shalt  }
0x5f: {  	_ =	shalt  }
0x60: {  	_ =	shalt  }
0x61: {  	_ =	shalt  }
0x62: {  	_ =	shalt  }
0x63: {  	_ =	shalt  }
0x64: {  	_ =	shalt  }
0x65: {  	_ =	shalt  }
0x66: {  	_ =	shalt  }
0x67: {  	_ =	shalt  }
0x68: {  	_ =	shalt  }
0x69: {  	_ =	shalt  }
0x6a: {  	_ =	shalt  }
0x6b: {  	_ =	shalt  }
0x6c: {  	_ =	shalt  }
0x6d: {  	_ =	shalt  }
0x6e: {  	_ =	shalt  }
0x6f: {  	_ =	shalt  }
0x70: {  	_ =	shalt  }
0x71: {  	_ =	shalt  }
0x72: {  	_ =	shalt  }
0x73: {  	_ =	shalt  }
0x74: {  	_ =	shalt  }
0x75: {  	_ =	shalt  }
0x76: {  	_ =	shalt  }
0x77: {  	_ =	shalt  }
0x78: {  	_ =	shalt  }
0x79: {  	_ =	shalt  }
0x7a: {  	_ =	shalt  }
0x7b: {  	_ =	shalt  }
0x7c: {  	_ =	shalt  }
0x7d: {  	_ =	shalt  }
0x7e: {  	_ =	shalt  }
0x7f: {  	_ =	shalt  }
0x80: {  	_ =	shalt  }
0x81: {  	_ =	shalt  }
0x82: {  	_ =	shalt  }
0x83: {  	_ =	shalt  }
0x84: {  	_ =	shalt  }
0x85: {  	_ =	shalt  }
0x86: {  	_ =	shalt  }
0x87: {  	_ =	shalt  }
.Lfunc_end0:
.L_simem_size_0:
called_computation.2_lowered:
.L_overlay_start_0:
0x88: {  	s2 =	sld [smem:$0x3FD9]  }
0x89: {  	s3 =	sld [smem:$0x3FFE];
	_ =	sdelay $0x1  }
0x8a: {  	s1 =	srdreg.scid  }
0x8b: {  	s0 =	sand.u32 $0x1, s1  }
0x8c: {  	s17 =	sshll.u32 s0, $0xA;
	s2 =	sadd.s32 s3, s2  }
0x8d: {  	s2 =	sadd.s32 s2, s17  }
0x8e: {  	[smem:$0x3FC2] =	sst s2  }
0x8f: {  	_ = 	snop  }
0x90: {  	s2 =	sld [smem:$0x3FD0];
	(tm) =	ssettm $0x1  }
0x91: {  	s18 =	sld [smem:$0x3FFB];
	_ =	sdelay $0x3  }
0x92: {  	_ =	strace s18  }
0x93: {  	s3 =	sld [smem:$0x3FFC];
	_ =	sdelay $0x3  }
0x94: {  	_ =	strace s3  }
0x95: {  	s3 =	sld [smem:$0x3FFD];
	_ =	sdelay $0x3  }
0x96: {  	_ =	strace s3  }
0x97: {  	_ =	strace $0x8FFFFFFF  }
0x98: {  	s19 =	sld [smem:$0x3FDB];
	_ =	sdelay $0x1  }
0x99: {  	s4 =	simm.s32 $_scs_section_size  }
0x9a: {  	s5 =	simm.s32 $_size__tile_overlayer_lowered;
	s6 =	simm.s32 $_tile_overlayer_lowered  }
0x9b: {  	s22 =	simm.s32 $0x1BFF;
	s21 =	sshll.u32 s6, $0x1;
	s3 =	sadd.s32 s4, s19  }
0x9c: {  	s7 =	simm.s32 $0x0;
	s20 =	sshll.u32 s5, $0x1;
	s5 =	sadd.s32 s21, s3  }
0x9d: {  	[timem:s7], [sflag:s22] =	dma.local [hbm:s5], s20  }
0x9e: {  	_ =	swait.ge [sflag:s22], s20  }
0x9f: {  	s4 =	ssub.s32 $0x0, s20;
	[sflag:s22] =	ssyncset.done $0x0  }
0xa0: {  	[sflag:s22] =	ssyncadd.s32 s4;
	_ =	sdelay $0x1  }
0xa1: {  	s23 =	simm.s32 $0x1B8B  }
0xa2: {  	_ =	swait.ge [sflag:s23], $0x1  }
0xa3: {  	[sflag:s23] =	ssyncset.done $0x0  }
0xa4: {  	s25 =	simm.s32 $0x1B8E;
	s24 =	sld [smem:$0x3FFE];
	[sflag:s23] =	ssyncadd.s32 $0xFFFFFFFF  }
0xa5: {  	s26 =	simm.s32 $execute0_lowered;
	[smem:$0x3FD2] =	sst s25  }
0xa6: {  	s5 =	sshll.u32 s26, $0x1;
	_ =	strace $0x8000004C;
	[dreg:$0x1] =	wrdreg $0xFFFFFFFF  }
0xa7: {  	s28 =	simm.s32 $_size_execute0_lowered;
	s3 =	sadd.s32 s3, s5;
	[dreg:$0x0] =	wrdreg $0x0  }
0xa8: {  	s5 =	sshll.u32 s28, $0x1;
	[dreg:$0x2] =	wrdreg s3  }
0xa9: {  	[dreg:$0x3] =	wrdreg s5  }
0xaa: {  	[dreg:$0x4] =	wrdreg $0xC0  }
0xab: {  	_ =	task [dreg:s7], $0x5FFFF  }
0xac: {  	[dreg:$0x1] =	wrdreg $0xFFFFFFFF  }
0xad: {  	[dreg:$0x0] =	wrdreg $0x60  }
0xae: {  	[dreg:$0x2] =	wrdreg s2  }
0xaf: {  	[dreg:$0x3] =	wrdreg s24  }
0xb0: {  	[dreg:$0x4] =	wrdreg $0x18000  }
0xb1: {  	[dreg:$0x5] =	wrdreg $0x9  }
0xb2: {  	_ =	task.clear_ibuf [dreg:s7], $0x6FFFF;
	_ =	strace $0x9000004C  }
0xb3: {  	s29 =	simm.s32 $0x9;
	_ =	strace $0x8000004E  }
0xb4: {  	_ =	swait.ge [sflag:s29], $0x1  }
0xb5: {  	[sflag:s29] =	ssyncadd.s32 $0xFFFFFFFF  }
0xb6: {  	_ =	strace $0x9000004E  }
0xb7: {  	_ =	sfence  }
0xb8: {  	s30 =	sld [smem:$0x0];
	_ =	sdelay $0x2  }
0xb9: {  	s31 =	sshll.u32 s1, $0xD;
	s1 =	sshrl.u32 s1, $0x2  }
0xba: {  	s3 =	sand.u32 $0x4000, s31;
	s1 =	sadd.s32 s1, s30  }
0xbb: {  	s0 =	sor.u32 s3, s0;
	s1 =	sshll.u32 s1, $0x11  }
0xbc: {  	s0 =	sor.u32 s1, s0  }
0xbd: {  	s0 =	sadd.s32 $0x8F2B, s0  }
0xbe: {  	[sflag:s0] =	ssyncadd.remote.s32 $0x1  }
0xbf: {  	_ =	sfence.sel $0xFFFF  }
0xc0: {  	[dreg:$0x0] =	wrdreg $0xFFFFFFFF;
	(pc) =	sbr.abs _section_cstart, $3  }
0xc1: {  	[dreg:$0x1] =	wrdreg $0xFFFFFFFF  }
0xc2: {  	_ =	task.clear_ibuf [dreg:s7], $0x2FFFF;
	_ =	strace $0x9FFFFFFF  }
0xc3: {  	(tm) =	ssettm $0x7FFFFFFF  }
tec
execute0_lowered:
.L_overlay_start_1:
0x0: {  	(tag) =	ssettag $0x1  }
0x1: {  	s1 =	rddreg [dreg:$0x0];
	s0 =	srdreg.scid  }
0x2: {  	s7 =	stileid.u32;
	s2 =	rddreg [dreg:$0x1]  }
0x3: {  	s3 =	rddreg [dreg:$0x2];
	s4 =	simm.s32 $0x0;
	s28 =	simm.s32 $0x180  }
0x4: {  	s29 =	simm.s32 $0x500;
	s30 =	simm.s32 $0x200;
	s31 =	simm.s32 $0x580  }
0x5: {  	s14 =	simm.s32 $0x780;
	s15 =	simm.s32 $0x0;
	s5 =	smul.u32 $0x5000, s7  }
0x6: {  	s0 =	sand.u32 $0x1, s0;
	[smem:$0x7FF] =	sst s4;
	s7 =	smul.u32 $0x2800, s7  }
0x7: {  	s6 =	smul.u32 $0x2800, s0;
	s18 =	ssub.s32 $0x2, s0;
	_ =	strace $0x8000004D  }
0x8: {  	s0 =	smul.u32 $0x28000, s0;
	s8 =	sshrl.u32 s18, $0x1;
	s9 =	sadd.s32 $0x800, s7  }
0x9: {  	s10 =	sadd.s32 $0x1000, s7;
	s20 =	sadd.s32 $0x1800, s7;
	s5 =	sadd.s32 s6, s5  }
0xa: {  	s6 =	ssub.s32 s18, s8;
	s8 =	sadd.s32 s7, s3;
	s11 =	sadd.s32 s9, s3  }
0xb: {  	s19 =	sadd.s32 s10, s3;
	s12 =	sadd.s32 s20, s3;
	s21 =	sadd.s32 s7, s0  }
0xc: {  	s9 =	sadd.s32 s0, s9;
	s7 =	sadd.s32 $0x2000, s7;
	[dreg:$0x5] =	wrdreg s11  }
0xd: {  	s10 =	sadd.s32 s0, s10;
	s18 =	simm.s32 $0x800;
	[dreg:$0x6] =	wrdreg s19  }
0xe: {  	s5 =	sshrl.u32 s5, $0x3;
	[dreg:$0x7] =	wrdreg s12;
	s12 =	sshrl.u32 s21, $0x3  }
0xf: {  	s13 =	sshrl.u32 s9, $0x3;
	s9 =	sadd.s32 s7, s3;
	s11 =	sadd.s32 s0, s20  }
0x10: {  	s0 =	sadd.s32 s0, s7;
	s23 =	sshrl.u32 s10, $0x3;
	s26 =	smax.u32 s6, $0x1  }
0x11: {  	s19 =	simm.s32 $0x3;
	s20 =	simm.s32 $0x400;
	s21 =	simm.s32 $0x80  }
0x12: {  	s10 =	simm.s32 $0x300;
	[dreg:$0x4] =	wrdreg s8;
	s5 =	sadd.s32 s5, s2  }
0x13: {  	s2 =	sadd.s32 $0x15600, s2;
	s24 =	sshrl.u32 s11, $0x3;
	s0 =	sshrl.u32 s0, $0x3  }
0x14: {  	[dreg:$0xe] =	wrdreg s26;
	s26 =	simm.s32 $0x480;
	s11 =	simm.s32 $0x680  }
0x15: {  	[dreg:$0x8] =	wrdreg s9;
	s12 =	sadd.s32 s2, s12;
	s22 =	sadd.s32 s2, s13  }
0x16: {  	s7 =	sadd.s32 s2, s23;
	s25 =	sadd.s32 s2, s24;
	[dreg:$0x9] =	wrdreg s12  }
0x17: {  	s0 =	sadd.s32 s2, s0;
	s16 =	sadd.s32 $0x1600, s5;
	[dreg:$0xa] =	wrdreg s22  }
0x18: {  	s17 =	sadd.s32 $0xB600, s5;
	s23 =	simm.s32 $0x1;
	[dreg:$0xb] =	wrdreg s7  }
0x19: {  	s24 =	simm.s32 $0x100;
	s2 =	simm.s32 $0x280;
	[dreg:$0xc] =	wrdreg s25  }
0x1a: {  	s13 =	simm.s32 $0x700;
	[dreg:$0xd] =	wrdreg s0;
	s22 =	simm.s32 $0x1000  }
0x1b: {  	v0 =	vimm.f32 $0.0e+00;
	s25 =	simm.s32 $0x2;
	s0 =	simm.s32 $0x600;
	s12 =	simm.s32 $0x380  }
.LBB2_1:
0x1c: {  	s5 =	simm.s32 $0x40;
	s6 =	simm.s32 $0x0  }
.LBB2_2:
0x1d: {  	p0 =	sne.s32 s5, $0x1FC0;
	[tilespmem:s6+$0x800] =	vst v0;
	s6 =	smov.u32 s5;
	s5 =	sadd.s32 $0x40, s5  }
.Ltmp0:
0x1e: {  	(pc) =	sbr.rel @p0 .LBB2_2-.Ltmp0, $2  }
0x1f: {  	_ =	sdelay $0x2  }
0x20: {  	s6 =	sshra.s32 s6, $0x2  }
0x21: {  	[tilespmem:s6+$0x800] =	vst v0  }
0x22: {  	[spmem:s8] =	stream.linear.scatter [tilespmem:s18], [sflag:$0x3], $0x800, $0x38;
	[tilespmem:$0x4000] =	vst v63  }
0x23: {  	_ =	swait.ge [sflag:s19], $0x800  }
0x24: {  	[sflag:s19] =	ssyncset.done $0x0  }
0x25: {  	s5 =	rddreg [dreg:$0x5];
	[sflag:s19] =	ssyncadd.s32 $0xFFFFF800  }
0x26: {  	[spmem:s5] =	stream.linear.scatter [tilespmem:s18], [sflag:$0x3], $0x800, $0x38;
	[tilespmem:$0x4000] =	vst v63  }
0x27: {  	_ =	swait.ge [sflag:s19], $0x800  }
0x28: {  	[sflag:s19] =	ssyncset.done $0x0  }
0x29: {  	s6 =	rddreg [dreg:$0x6];
	[sflag:s19] =	ssyncadd.s32 $0xFFFFF800  }
0x2a: {  	[spmem:s6] =	stream.linear.scatter [tilespmem:s18], [sflag:$0x3], $0x800, $0x38;
	[tilespmem:$0x4000] =	vst v63  }
0x2b: {  	_ =	swait.ge [sflag:s19], $0x800  }
0x2c: {  	[sflag:s19] =	ssyncset.done $0x0  }
0x2d: {  	s7 =	rddreg [dreg:$0x7];
	[sflag:s19] =	ssyncadd.s32 $0xFFFFF800  }
0x2e: {  	[spmem:s7] =	stream.linear.scatter [tilespmem:s18], [sflag:$0x3], $0x800, $0x38;
	[tilespmem:$0x4000] =	vst v63  }
0x2f: {  	_ =	swait.ge [sflag:s19], $0x800  }
0x30: {  	[sflag:s19] =	ssyncset.done $0x0  }
0x31: {  	[sflag:s19] =	ssyncadd.s32 $0xFFFFF800  }
0x32: {  	[spmem:s9] =	stream.linear.scatter [tilespmem:s18], [sflag:$0x3], $0x800, $0x38;
	[tilespmem:$0x4000] =	vst v63  }
0x33: {  	_ =	swait.ge [sflag:s19], $0x800  }
0x34: {  	[sflag:s19] =	ssyncset.done $0x0  }
0x35: {  	[sflag:s19] =	ssyncadd.s32 $0xFFFFF800  }
0x36: {  	s8 =	sadd.s32 $0x0, s17;
	[bflag:$0x0] =	sbarrier.arrive $0xFFFF  }
0x37: {  	[tilespmem:s4], [sflag:$0x3] =	stream.linear.gather [hbm4b:s8+s4], $0x400, $0x38;
	[tilespmem:$0x4000] =	vst v63  }
0x38: {  	_ =	swait.ge [sflag:s19], $0x400  }
0x39: {  	[sflag:s19] =	ssyncset.done $0x0  }
0x3a: {  	s9 =	sadd.s32 $0x0, s16;
	[sflag:s19] =	ssyncadd.s32 $0xFFFFFC00  }
0x3b: {  	[tilespmem:s20], [sflag:$0x3] =	stream.linear.gather [hbm4b:s9+s4], $0x400, $0x38;
	[tilespmem:$0x4000] =	vst v63  }
0x3c: {  	_ =	swait.ge [sflag:s19], $0x400  }
0x3d: {  	[sflag:s19] =	ssyncset.done $0x0  }
0x3e: {  	[sflag:s19] =	ssyncadd.s32 $0xFFFFFC00  }
0x3f: {  	[tilespmem:s18], [sflag:$0x1] =	stream.indirect.gather [hbm4b:s1+s21], $0x10, s4, s21, $0xb8;
	[tilespmem:$0x4000] =	vst v63  }
0x40: {  	_ = 	snop  }
0x41: {  	[tilespmem:s22], [sflag:$0x2] =	stream.indirect.gather [hbm4b:s1+s21], $0x10, s21, s21, $0xb8;
	[tilespmem:$0x4000] =	vst v63  }
0x42: {  	_ =	swait.ge [sflag:s23], $0x800  }
0x43: {  	[sflag:s23] =	ssyncset.done $0x0  }
0x44: {  	[sflag:s23] =	ssyncadd.s32 $0xFFFFF800  }
0x45: {  	[spmem:s3] =	stream.indirect.scatter.add.f32 [tilespmem:s18], [sflag:$0x3], $0x10, s20, s21, $0xb8;
	[tilespmem:$0x4000] =	vst v63  }
0x46: {  	_ =	swait.ge [sflag:s19], $0x800  }
0x47: {  	[sflag:s19] =	ssyncset.done $0x0  }
0x48: {  	[sflag:s19] =	ssyncadd.s32 $0xFFFFF800  }
0x49: {  	[tilespmem:s18], [sflag:$0x1] =	stream.indirect.gather [hbm4b:s1+s21], $0x10, s24, s21, $0xb8;
	[tilespmem:$0x4000] =	vst v63  }
0x4a: {  	_ =	swait.ge [sflag:s25], $0x800  }
0x4b: {  	[sflag:s25] =	ssyncset.done $0x0  }
0x4c: {  	[sflag:s25] =	ssyncadd.s32 $0xFFFFF800  }
0x4d: {  	[spmem:s3] =	stream.indirect.scatter.add.f32 [tilespmem:s22], [sflag:$0x3], $0x10, s26, s21, $0xb8;
	[tilespmem:$0x4000] =	vst v63  }
0x4e: {  	_ =	swait.ge [sflag:s19], $0x800  }
0x4f: {  	[sflag:s19] =	ssyncset.done $0x0  }
0x50: {  	[sflag:s19] =	ssyncadd.s32 $0xFFFFF800  }
0x51: {  	[tilespmem:s22], [sflag:$0x2] =	stream.indirect.gather [hbm4b:s1+s21], $0x10, s28, s21, $0xb8;
	[tilespmem:$0x4000] =	vst v63  }
0x52: {  	_ =	swait.ge [sflag:s23], $0x800  }
0x53: {  	[sflag:s23] =	ssyncset.done $0x0  }
0x54: {  	[sflag:s23] =	ssyncadd.s32 $0xFFFFF800  }
0x55: {  	[spmem:s3] =	stream.indirect.scatter.add.f32 [tilespmem:s18], [sflag:$0x3], $0x10, s29, s21, $0xb8;
	[tilespmem:$0x4000] =	vst v63  }
0x56: {  	_ =	swait.ge [sflag:s19], $0x800  }
0x57: {  	[sflag:s19] =	ssyncset.done $0x0  }
0x58: {  	[sflag:s19] =	ssyncadd.s32 $0xFFFFF800  }
0x59: {  	[tilespmem:s18], [sflag:$0x1] =	stream.indirect.gather [hbm4b:s1+s21], $0x10, s30, s21, $0xb8;
	[tilespmem:$0x4000] =	vst v63  }
0x5a: {  	_ =	swait.ge [sflag:s25], $0x800  }
0x5b: {  	[sflag:s25] =	ssyncset.done $0x0  }
0x5c: {  	[sflag:s25] =	ssyncadd.s32 $0xFFFFF800  }
0x5d: {  	[spmem:s3] =	stream.indirect.scatter.add.f32 [tilespmem:s22], [sflag:$0x3], $0x10, s31, s21, $0xb8;
	[tilespmem:$0x4000] =	vst v63  }
0x5e: {  	_ =	swait.ge [sflag:s19], $0x800  }
0x5f: {  	[sflag:s19] =	ssyncset.done $0x0  }
0x60: {  	[sflag:s19] =	ssyncadd.s32 $0xFFFFF800  }
0x61: {  	[tilespmem:s22], [sflag:$0x2] =	stream.indirect.gather [hbm4b:s1+s21], $0x10, s2, s21, $0xb8;
	[tilespmem:$0x4000] =	vst v63  }
0x62: {  	_ =	swait.ge [sflag:s23], $0x800  }
0x63: {  	[sflag:s23] =	ssyncset.done $0x0  }
0x64: {  	[sflag:s23] =	ssyncadd.s32 $0xFFFFF800  }
0x65: {  	[spmem:s3] =	stream.indirect.scatter.add.f32 [tilespmem:s18], [sflag:$0x3], $0x10, s0, s21, $0xb8;
	[tilespmem:$0x4000] =	vst v63  }
0x66: {  	_ =	swait.ge [sflag:s19], $0x800  }
0x67: {  	[sflag:s19] =	ssyncset.done $0x0  }
0x68: {  	[sflag:s19] =	ssyncadd.s32 $0xFFFFF800  }
0x69: {  	[tilespmem:s18], [sflag:$0x1] =	stream.indirect.gather [hbm4b:s1+s21], $0x10, s10, s21, $0xb8;
	[tilespmem:$0x4000] =	vst v63  }
0x6a: {  	_ =	swait.ge [sflag:s25], $0x800  }
0x6b: {  	[sflag:s25] =	ssyncset.done $0x0  }
0x6c: {  	[sflag:s25] =	ssyncadd.s32 $0xFFFFF800  }
0x6d: {  	[spmem:s3] =	stream.indirect.scatter.add.f32 [tilespmem:s22], [sflag:$0x3], $0x10, s11, s21, $0xb8;
	[tilespmem:$0x4000] =	vst v63  }
0x6e: {  	_ =	swait.ge [sflag:s19], $0x800  }
0x6f: {  	[sflag:s19] =	ssyncset.done $0x0  }
0x70: {  	[sflag:s19] =	ssyncadd.s32 $0xFFFFF800  }
0x71: {  	[tilespmem:s22], [sflag:$0x2] =	stream.indirect.gather [hbm4b:s1+s21], $0x10, s12, s21, $0xb8;
	[tilespmem:$0x4000] =	vst v63  }
0x72: {  	_ =	swait.ge [sflag:s23], $0x800  }
0x73: {  	[sflag:s23] =	ssyncset.done $0x0  }
0x74: {  	[sflag:s23] =	ssyncadd.s32 $0xFFFFF800  }
0x75: {  	[spmem:s3] =	stream.indirect.scatter.add.f32 [tilespmem:s18], [sflag:$0x3], $0x10, s13, s21, $0xb8;
	[tilespmem:$0x4000] =	vst v63  }
0x76: {  	_ =	swait.ge [sflag:s19], $0x800  }
0x77: {  	[sflag:s19] =	ssyncset.done $0x0  }
0x78: {  	[sflag:s19] =	ssyncadd.s32 $0xFFFFF800  }
0x79: {  	_ =	swait.ge [sflag:s25], $0x800  }
0x7a: {  	[sflag:s25] =	ssyncset.done $0x0  }
0x7b: {  	[sflag:s25] =	ssyncadd.s32 $0xFFFFF800  }
0x7c: {  	[spmem:s3] =	stream.indirect.scatter.add.f32 [tilespmem:s22], [sflag:$0x3], $0x10, s14, s21, $0xb8;
	[tilespmem:$0x4000] =	vst v63  }
0x7d: {  	_ =	swait.ge [sflag:s19], $0x800  }
0x7e: {  	s5 =	simm.s32 $0x80;
	s6 =	simm.s32 $0x100;
	[sflag:s19] =	ssyncset.done $0x0  }
.LBB2_4:
0x7f: {  	s8 =	sadd.s32 s5, s17  }
0x80: {  	[sflag:s19] =	ssyncadd.s32 $0xFFFFF800;
	s9 =	smov.u32 s6;
	s7 =	sadd.s32 $0x80, s6  }
0x81: {  	[tilespmem:s4], [sflag:$0x3] =	stream.linear.gather [hbm4b:s8+s4], $0x400, $0x38;
	[tilespmem:$0x4000] =	vst v63  }
0x82: {  	p0 =	sne.s32 s6, $0x480;
	_ =	swait.ge [sflag:s19], $0x400  }
0x83: {  	[sflag:s19] =	ssyncset.done $0x0  }
0x84: {  	s6 =	sadd.s32 s5, s16;
	s5 =	smov.u32 s9;
	[sflag:s19] =	ssyncadd.s32 $0xFFFFFC00  }
0x85: {  	[tilespmem:s20], [sflag:$0x3] =	stream.linear.gather [hbm4b:s6+s4], $0x400, $0x38;
	[tilespmem:$0x4000] =	vst v63  }
0x86: {  	_ =	swait.ge [sflag:s19], $0x400  }
0x87: {  	[sflag:s19] =	ssyncset.done $0x0  }
0x88: {  	[sflag:s19] =	ssyncadd.s32 $0xFFFFFC00  }
0x89: {  	[tilespmem:s18], [sflag:$0x1] =	stream.indirect.gather [hbm4b:s1+s21], $0x10, s4, s21, $0xb8;
	[tilespmem:$0x4000] =	vst v63  }
0x8a: {  	_ = 	snop  }
0x8b: {  	[tilespmem:s22], [sflag:$0x2] =	stream.indirect.gather [hbm4b:s1+s21], $0x10, s21, s21, $0xb8;
	[tilespmem:$0x4000] =	vst v63  }
0x8c: {  	_ =	swait.ge [sflag:s23], $0x800  }
0x8d: {  	[sflag:s23] =	ssyncset.done $0x0  }
0x8e: {  	[sflag:s23] =	ssyncadd.s32 $0xFFFFF800  }
0x8f: {  	[spmem:s3] =	stream.indirect.scatter.add.f32 [tilespmem:s18], [sflag:$0x3], $0x10, s20, s21, $0xb8;
	[tilespmem:$0x4000] =	vst v63  }
0x90: {  	_ =	swait.ge [sflag:s19], $0x800  }
0x91: {  	[sflag:s19] =	ssyncset.done $0x0  }
0x92: {  	[sflag:s19] =	ssyncadd.s32 $0xFFFFF800  }
0x93: {  	[tilespmem:s18], [sflag:$0x1] =	stream.indirect.gather [hbm4b:s1+s21], $0x10, s24, s21, $0xb8;
	[tilespmem:$0x4000] =	vst v63  }
0x94: {  	_ =	swait.ge [sflag:s25], $0x800  }
0x95: {  	[sflag:s25] =	ssyncset.done $0x0  }
0x96: {  	[sflag:s25] =	ssyncadd.s32 $0xFFFFF800  }
0x97: {  	[spmem:s3] =	stream.indirect.scatter.add.f32 [tilespmem:s22], [sflag:$0x3], $0x10, s26, s21, $0xb8;
	[tilespmem:$0x4000] =	vst v63  }
0x98: {  	_ =	swait.ge [sflag:s19], $0x800  }
0x99: {  	[sflag:s19] =	ssyncset.done $0x0  }
0x9a: {  	[sflag:s19] =	ssyncadd.s32 $0xFFFFF800  }
0x9b: {  	[tilespmem:s22], [sflag:$0x2] =	stream.indirect.gather [hbm4b:s1+s21], $0x10, s28, s21, $0xb8;
	[tilespmem:$0x4000] =	vst v63  }
0x9c: {  	_ =	swait.ge [sflag:s23], $0x800  }
0x9d: {  	[sflag:s23] =	ssyncset.done $0x0  }
0x9e: {  	[sflag:s23] =	ssyncadd.s32 $0xFFFFF800  }
0x9f: {  	[spmem:s3] =	stream.indirect.scatter.add.f32 [tilespmem:s18], [sflag:$0x3], $0x10, s29, s21, $0xb8;
	[tilespmem:$0x4000] =	vst v63  }
0xa0: {  	_ =	swait.ge [sflag:s19], $0x800  }
0xa1: {  	[sflag:s19] =	ssyncset.done $0x0  }
0xa2: {  	[sflag:s19] =	ssyncadd.s32 $0xFFFFF800  }
0xa3: {  	[tilespmem:s18], [sflag:$0x1] =	stream.indirect.gather [hbm4b:s1+s21], $0x10, s30, s21, $0xb8;
	[tilespmem:$0x4000] =	vst v63  }
0xa4: {  	_ =	swait.ge [sflag:s25], $0x800  }
0xa5: {  	[sflag:s25] =	ssyncset.done $0x0  }
0xa6: {  	[sflag:s25] =	ssyncadd.s32 $0xFFFFF800  }
0xa7: {  	[spmem:s3] =	stream.indirect.scatter.add.f32 [tilespmem:s22], [sflag:$0x3], $0x10, s31, s21, $0xb8;
	[tilespmem:$0x4000] =	vst v63  }
0xa8: {  	_ =	swait.ge [sflag:s19], $0x800  }
0xa9: {  	[sflag:s19] =	ssyncset.done $0x0  }
0xaa: {  	[sflag:s19] =	ssyncadd.s32 $0xFFFFF800  }
0xab: {  	[tilespmem:s22], [sflag:$0x2] =	stream.indirect.gather [hbm4b:s1+s21], $0x10, s2, s21, $0xb8;
	[tilespmem:$0x4000] =	vst v63  }
0xac: {  	_ =	swait.ge [sflag:s23], $0x800  }
0xad: {  	[sflag:s23] =	ssyncset.done $0x0  }
0xae: {  	[sflag:s23] =	ssyncadd.s32 $0xFFFFF800  }
0xaf: {  	[spmem:s3] =	stream.indirect.scatter.add.f32 [tilespmem:s18], [sflag:$0x3], $0x10, s0, s21, $0xb8;
	[tilespmem:$0x4000] =	vst v63  }
0xb0: {  	_ =	swait.ge [sflag:s19], $0x800  }
0xb1: {  	[sflag:s19] =	ssyncset.done $0x0  }
0xb2: {  	[sflag:s19] =	ssyncadd.s32 $0xFFFFF800  }
0xb3: {  	[tilespmem:s18], [sflag:$0x1] =	stream.indirect.gather [hbm4b:s1+s21], $0x10, s10, s21, $0xb8;
	[tilespmem:$0x4000] =	vst v63  }
0xb4: {  	_ =	swait.ge [sflag:s25], $0x800  }
0xb5: {  	[sflag:s25] =	ssyncset.done $0x0  }
0xb6: {  	[sflag:s25] =	ssyncadd.s32 $0xFFFFF800  }
0xb7: {  	[spmem:s3] =	stream.indirect.scatter.add.f32 [tilespmem:s22], [sflag:$0x3], $0x10, s11, s21, $0xb8;
	[tilespmem:$0x4000] =	vst v63  }
0xb8: {  	_ =	swait.ge [sflag:s19], $0x800  }
0xb9: {  	[sflag:s19] =	ssyncset.done $0x0  }
0xba: {  	[sflag:s19] =	ssyncadd.s32 $0xFFFFF800  }
0xbb: {  	[tilespmem:s22], [sflag:$0x2] =	stream.indirect.gather [hbm4b:s1+s21], $0x10, s12, s21, $0xb8;
	[tilespmem:$0x4000] =	vst v63  }
0xbc: {  	_ =	swait.ge [sflag:s23], $0x800  }
0xbd: {  	[sflag:s23] =	ssyncset.done $0x0  }
0xbe: {  	[sflag:s23] =	ssyncadd.s32 $0xFFFFF800  }
0xbf: {  	[spmem:s3] =	stream.indirect.scatter.add.f32 [tilespmem:s18], [sflag:$0x3], $0x10, s13, s21, $0xb8;
	[tilespmem:$0x4000] =	vst v63  }
0xc0: {  	_ =	swait.ge [sflag:s19], $0x800  }
0xc1: {  	[sflag:s19] =	ssyncset.done $0x0  }
0xc2: {  	[sflag:s19] =	ssyncadd.s32 $0xFFFFF800  }
0xc3: {  	_ =	swait.ge [sflag:s25], $0x800  }
.Ltmp1:
0xc4: {  	[sflag:s25] =	ssyncset.done $0x0;
	(pc) =	sbr.rel @p0 .LBB2_4-.Ltmp1, $4  }
0xc5: {  	[sflag:s25] =	ssyncadd.s32 $0xFFFFF800  }
0xc6: {  	[spmem:s3] =	stream.indirect.scatter.add.f32 [tilespmem:s22], [sflag:$0x3], $0x10, s14, s21, $0xb8;
	[tilespmem:$0x4000] =	vst v63  }
0xc7: {  	_ =	swait.ge [sflag:s19], $0x800  }
0xc8: {  	s6 =	smov.u32 s7;
	[sflag:s19] =	ssyncset.done $0x0  }
0xc9: {  	s6 =	sadd.s32 s5, s17;
	[sflag:s19] =	ssyncadd.s32 $0xFFFFF800  }
0xca: {  	[tilespmem:s4], [sflag:$0x3] =	stream.linear.gather [hbm4b:s6+s4], $0x400, $0x38;
	[tilespmem:$0x4000] =	vst v63  }
0xcb: {  	_ =	swait.ge [sflag:s19], $0x400  }
0xcc: {  	[sflag:s19] =	ssyncset.done $0x0  }
0xcd: {  	s8 =	sadd.s32 s5, s16;
	[sflag:s19] =	ssyncadd.s32 $0xFFFFFC00  }
0xce: {  	[tilespmem:s20], [sflag:$0x3] =	stream.linear.gather [hbm4b:s8+s4], $0x400, $0x38;
	[tilespmem:$0x4000] =	vst v63  }
0xcf: {  	_ =	swait.ge [sflag:s19], $0x400  }
0xd0: {  	[sflag:s19] =	ssyncset.done $0x0  }
0xd1: {  	[sflag:s19] =	ssyncadd.s32 $0xFFFFFC00  }
0xd2: {  	[tilespmem:s18], [sflag:$0x1] =	stream.indirect.gather [hbm4b:s1+s21], $0x10, s4, s21, $0xb8;
	[tilespmem:$0x4000] =	vst v63  }
0xd3: {  	_ = 	snop  }
0xd4: {  	[tilespmem:s22], [sflag:$0x2] =	stream.indirect.gather [hbm4b:s1+s21], $0x10, s21, s21, $0xb8;
	[tilespmem:$0x4000] =	vst v63  }
0xd5: {  	_ =	swait.ge [sflag:s23], $0x800  }
0xd6: {  	[sflag:s23] =	ssyncset.done $0x0  }
0xd7: {  	[sflag:s23] =	ssyncadd.s32 $0xFFFFF800  }
0xd8: {  	[spmem:s3] =	stream.indirect.scatter.add.f32 [tilespmem:s18], [sflag:$0x3], $0x10, s20, s21, $0xb8;
	[tilespmem:$0x4000] =	vst v63  }
0xd9: {  	_ =	swait.ge [sflag:s19], $0x800  }
0xda: {  	[sflag:s19] =	ssyncset.done $0x0  }
0xdb: {  	[sflag:s19] =	ssyncadd.s32 $0xFFFFF800  }
0xdc: {  	[tilespmem:s18], [sflag:$0x1] =	stream.indirect.gather [hbm4b:s1+s21], $0x10, s24, s21, $0xb8;
	[tilespmem:$0x4000] =	vst v63  }
0xdd: {  	_ =	swait.ge [sflag:s25], $0x800  }
0xde: {  	[sflag:s25] =	ssyncset.done $0x0  }
0xdf: {  	[sflag:s25] =	ssyncadd.s32 $0xFFFFF800  }
0xe0: {  	[spmem:s3] =	stream.indirect.scatter.add.f32 [tilespmem:s22], [sflag:$0x3], $0x10, s26, s21, $0xb8;
	[tilespmem:$0x4000] =	vst v63  }
0xe1: {  	_ =	swait.ge [sflag:s19], $0x800  }
0xe2: {  	[sflag:s19] =	ssyncset.done $0x0  }
0xe3: {  	[sflag:s19] =	ssyncadd.s32 $0xFFFFF800  }
0xe4: {  	[tilespmem:s22], [sflag:$0x2] =	stream.indirect.gather [hbm4b:s1+s21], $0x10, s28, s21, $0xb8;
	[tilespmem:$0x4000] =	vst v63  }
0xe5: {  	_ =	swait.ge [sflag:s23], $0x800  }
0xe6: {  	[sflag:s23] =	ssyncset.done $0x0  }
0xe7: {  	[sflag:s23] =	ssyncadd.s32 $0xFFFFF800  }
0xe8: {  	[spmem:s3] =	stream.indirect.scatter.add.f32 [tilespmem:s18], [sflag:$0x3], $0x10, s29, s21, $0xb8;
	[tilespmem:$0x4000] =	vst v63  }
0xe9: {  	_ =	swait.ge [sflag:s19], $0x800  }
0xea: {  	[sflag:s19] =	ssyncset.done $0x0  }
0xeb: {  	[sflag:s19] =	ssyncadd.s32 $0xFFFFF800  }
0xec: {  	[tilespmem:s18], [sflag:$0x1] =	stream.indirect.gather [hbm4b:s1+s21], $0x10, s30, s21, $0xb8;
	[tilespmem:$0x4000] =	vst v63  }
0xed: {  	_ =	swait.ge [sflag:s25], $0x800  }
0xee: {  	[sflag:s25] =	ssyncset.done $0x0  }
0xef: {  	[sflag:s25] =	ssyncadd.s32 $0xFFFFF800  }
0xf0: {  	[spmem:s3] =	stream.indirect.scatter.add.f32 [tilespmem:s22], [sflag:$0x3], $0x10, s31, s21, $0xb8;
	[tilespmem:$0x4000] =	vst v63  }
0xf1: {  	_ =	swait.ge [sflag:s19], $0x800  }
0xf2: {  	[sflag:s19] =	ssyncset.done $0x0  }
0xf3: {  	[sflag:s19] =	ssyncadd.s32 $0xFFFFF800  }
0xf4: {  	[tilespmem:s22], [sflag:$0x2] =	stream.indirect.gather [hbm4b:s1+s21], $0x10, s2, s21, $0xb8;
	[tilespmem:$0x4000] =	vst v63  }
0xf5: {  	_ =	swait.ge [sflag:s23], $0x800  }
0xf6: {  	[sflag:s23] =	ssyncset.done $0x0  }
0xf7: {  	[sflag:s23] =	ssyncadd.s32 $0xFFFFF800  }
0xf8: {  	[spmem:s3] =	stream.indirect.scatter.add.f32 [tilespmem:s18], [sflag:$0x3], $0x10, s0, s21, $0xb8;
	[tilespmem:$0x4000] =	vst v63  }
0xf9: {  	_ =	swait.ge [sflag:s19], $0x800  }
0xfa: {  	[sflag:s19] =	ssyncset.done $0x0  }
0xfb: {  	[sflag:s19] =	ssyncadd.s32 $0xFFFFF800  }
0xfc: {  	[tilespmem:s18], [sflag:$0x1] =	stream.indirect.gather [hbm4b:s1+s21], $0x10, s10, s21, $0xb8;
	[tilespmem:$0x4000] =	vst v63  }
0xfd: {  	_ =	swait.ge [sflag:s25], $0x800  }
0xfe: {  	[sflag:s25] =	ssyncset.done $0x0  }
0xff: {  	[sflag:s25] =	ssyncadd.s32 $0xFFFFF800  }
0x100: {  	[spmem:s3] =	stream.indirect.scatter.add.f32 [tilespmem:s22], [sflag:$0x3], $0x10, s11, s21, $0xb8;
	[tilespmem:$0x4000] =	vst v63  }
0x101: {  	_ =	swait.ge [sflag:s19], $0x800  }
0x102: {  	[sflag:s19] =	ssyncset.done $0x0  }
0x103: {  	[sflag:s19] =	ssyncadd.s32 $0xFFFFF800  }
0x104: {  	[tilespmem:s22], [sflag:$0x2] =	stream.indirect.gather [hbm4b:s1+s21], $0x10, s12, s21, $0xb8;
	[tilespmem:$0x4000] =	vst v63  }
0x105: {  	_ =	swait.ge [sflag:s23], $0x800  }
0x106: {  	[sflag:s23] =	ssyncset.done $0x0  }
0x107: {  	[sflag:s23] =	ssyncadd.s32 $0xFFFFF800  }
0x108: {  	[spmem:s3] =	stream.indirect.scatter.add.f32 [tilespmem:s18], [sflag:$0x3], $0x10, s13, s21, $0xb8;
	[tilespmem:$0x4000] =	vst v63  }
0x109: {  	_ =	swait.ge [sflag:s19], $0x800  }
0x10a: {  	[sflag:s19] =	ssyncset.done $0x0  }
0x10b: {  	[sflag:s19] =	ssyncadd.s32 $0xFFFFF800  }
0x10c: {  	_ =	swait.ge [sflag:s25], $0x800  }
0x10d: {  	[sflag:s25] =	ssyncset.done $0x0  }
0x10e: {  	[sflag:s25] =	ssyncadd.s32 $0xFFFFF800  }
0x10f: {  	[spmem:s3] =	stream.indirect.scatter.add.f32 [tilespmem:s22], [sflag:$0x3], $0x10, s14, s21, $0xb8;
	[tilespmem:$0x4000] =	vst v63  }
0x110: {  	_ =	swait.ge [sflag:s19], $0x800  }
0x111: {  	[sflag:s19] =	ssyncset.done $0x0  }
0x112: {  	[sflag:s19] =	ssyncadd.s32 $0xFFFFF800  }
0x113: {  	[bflag:$0x0] =	sbarrier.arrive $0xFFFF  }
0x114: {  	s8 =	rddreg [dreg:$0x4]  }
0x115: {  	[tilespmem:s18], [sflag:$0x3] =	stream.linear.gather [spmem:s8], $0x800, $0x38;
	[tilespmem:$0x4000] =	vst v63  }
0x116: {  	_ =	swait.ge [sflag:s19], $0x800  }
0x117: {  	[sflag:s19] =	ssyncset.done $0x0  }
0x118: {  	s9 =	rddreg [dreg:$0x9];
	[sflag:s19] =	ssyncadd.s32 $0xFFFFF800  }
0x119: {  	[hbm4b:s9+s4] =	stream.linear.scatter [tilespmem:s18], [sflag:$0x3], $0x800, $0x38;
	[tilespmem:$0x4000] =	vst v63  }
0x11a: {  	_ =	swait.ge [sflag:s19], $0x800  }
0x11b: {  	[sflag:s19] =	ssyncset.done $0x0  }
0x11c: {  	s6 =	rddreg [dreg:$0x5];
	[sflag:s19] =	ssyncadd.s32 $0xFFFFF800  }
0x11d: {  	[tilespmem:s18], [sflag:$0x3] =	stream.linear.gather [spmem:s6], $0x800, $0x38;
	[tilespmem:$0x4000] =	vst v63  }
0x11e: {  	_ =	swait.ge [sflag:s19], $0x800  }
0x11f: {  	[sflag:s19] =	ssyncset.done $0x0  }
0x120: {  	s7 =	rddreg [dreg:$0xa];
	[sflag:s19] =	ssyncadd.s32 $0xFFFFF800  }
0x121: {  	[hbm4b:s7+s4] =	stream.linear.scatter [tilespmem:s18], [sflag:$0x3], $0x800, $0x38;
	[tilespmem:$0x4000] =	vst v63  }
0x122: {  	_ =	swait.ge [sflag:s19], $0x800  }
0x123: {  	[sflag:s19] =	ssyncset.done $0x0  }
0x124: {  	s9 =	rddreg [dreg:$0x6];
	[sflag:s19] =	ssyncadd.s32 $0xFFFFF800  }
0x125: {  	[tilespmem:s18], [sflag:$0x3] =	stream.linear.gather [spmem:s9], $0x800, $0x38;
	[tilespmem:$0x4000] =	vst v63  }
0x126: {  	_ =	swait.ge [sflag:s19], $0x800  }
0x127: {  	[sflag:s19] =	ssyncset.done $0x0  }
0x128: {  	s6 =	rddreg [dreg:$0xb];
	[sflag:s19] =	ssyncadd.s32 $0xFFFFF800  }
0x129: {  	[hbm4b:s6+s4] =	stream.linear.scatter [tilespmem:s18], [sflag:$0x3], $0x800, $0x38;
	[tilespmem:$0x4000] =	vst v63  }
0x12a: {  	_ =	swait.ge [sflag:s19], $0x800  }
0x12b: {  	[sflag:s19] =	ssyncset.done $0x0  }
0x12c: {  	s7 =	rddreg [dreg:$0x7];
	[sflag:s19] =	ssyncadd.s32 $0xFFFFF800  }
0x12d: {  	[tilespmem:s18], [sflag:$0x3] =	stream.linear.gather [spmem:s7], $0x800, $0x38;
	[tilespmem:$0x4000] =	vst v63  }
0x12e: {  	_ =	swait.ge [sflag:s19], $0x800  }
0x12f: {  	[sflag:s19] =	ssyncset.done $0x0  }
0x130: {  	s9 =	rddreg [dreg:$0xc];
	[sflag:s19] =	ssyncadd.s32 $0xFFFFF800  }
0x131: {  	[hbm4b:s9+s4] =	stream.linear.scatter [tilespmem:s18], [sflag:$0x3], $0x800, $0x38;
	[tilespmem:$0x4000] =	vst v63  }
0x132: {  	_ =	swait.ge [sflag:s19], $0x800  }
0x133: {  	[sflag:s19] =	ssyncset.done $0x0  }
0x134: {  	s9 =	rddreg [dreg:$0x8];
	[sflag:s19] =	ssyncadd.s32 $0xFFFFF800  }
0x135: {  	[tilespmem:s18], [sflag:$0x3] =	stream.linear.gather [spmem:s9], $0x800, $0x38;
	[tilespmem:$0x4000] =	vst v63  }
0x136: {  	_ =	swait.ge [sflag:s19], $0x800  }
0x137: {  	[sflag:s19] =	ssyncset.done $0x0  }
0x138: {  	s6 =	rddreg [dreg:$0xd];
	[sflag:s19] =	ssyncadd.s32 $0xFFFFF800  }
0x139: {  	[hbm4b:s6+s4] =	stream.linear.scatter [tilespmem:s18], [sflag:$0x3], $0x800, $0x38;
	[tilespmem:$0x4000] =	vst v63  }
0x13a: {  	_ =	swait.ge [sflag:s19], $0x800  }
0x13b: {  	s15 =	sadd.s32 $0x1, s15;
	s7 =	rddreg [dreg:$0xe]  }
0x13c: {  	p0 =	sne.s32 s15, s7  }
.Ltmp2:
0x13d: {  	_ = 	snop;
	(pc) =	sbr.rel @p0 .LBB2_1-.Ltmp2, $3  }
0x13e: {  	_ =	sdelay $0x1  }
0x13f: {  	[sflag:s19] =	ssyncset.done $0x0  }
0x140: {  	[sflag:s19] =	ssyncadd.s32 $0xFFFFF800  }
0x141: {  	_ =	sfence.sel $0x180000  }
0x142: {  	[bflag:$0x0] =	sbarrier.arrive $0xFFFF  }
0x143: {  	_ =	strace $0x9000004D  }
0x144: {  	s0 =	stileid.u32;
	[bflag:$0x2] =	sbarrier.arrive $0xFFFF  }
0x145: {  	p0 =	sne.s32 s0, $0x0;
	s0 =	rddreg [dreg:$0x3]  }
0x146: {  	s0 =	sadd.s32 @!p0 $0x100000, s0  }
0x147: {  	[sflag:s0] =	ssyncadd.tile.s32 @!p0 $0x1;
	_ =	shalt  }
.Lfunc_end2:
_tile_overlayer_lowered:
.L_overlay_start_2:
0x148: {  	(tag) =	ssettag $0x2  }
0x149: {  	s0 =	rddreg [dreg:$0x0];
	s2 =	stileid.u32  }
0x14a: {  	s1 =	rddreg [dreg:$0x1];
	p0 =	sne.s32 s2, $0x0  }
0x14b: {  	s3 =	rddreg [dreg:$0x2];
	[bflag:$0x3] =	sbarrier.arrive $0xFFFF;
	s2 =	simm.s32 @!p0 $0x1C03  }
0x14c: {  	[timem:s3], [sflag:s2] =	dma.local @!p0 [hbm:s0], s1  }
0x14d: {  	s0 =	simm.s32 @!p0 $0x3  }
0x14e: {  	_ =	swait.ge @!p0 [sflag:s0], s1  }
0x14f: {  	s1 =	ssub.s32 @!p0 $0x0, s1;
	[sflag:s0] =	ssyncset.done @!p0 $0x0  }
0x150: {  	[sflag:s0] =	ssyncadd.s32 @!p0 s1  }
0x151: {  	[bflag:$0x3] =	sbarrier.arrive $0xFFFF  }
0x152: {  	_ =	shalt  }

// kernel: kernel.8.cloned.1.call-start
scs
__scs_entry_jumppad:
0x0: {  	(pc) =	sbr.rel $0x88, $3  }
0x1: {  	(tag) =	ssettag $0x0;
	lr =	simm.s32 $0x1  }
0x2: {  	[smem:$0x3F9B] =	sst lr;
	_ =	strace $0xD0000000  }
0x3: {  	_ = 	snop  }
0x4: {  	_ = 	snop  }
0x5: {  	_ = 	snop  }
0x6: {  	_ = 	snop  }
0x7: {  	_ = 	snop  }
__scs_overlays_trampoline_lowered:
0x8: {  	[smem:$0x3FAA] =	sst s0  }
0x9: {  	[smem:$0x3FAB] =	sst s1  }
0xa: {  	[smem:$0x3FAC] =	sst s2  }
0xb: {  	[smem:$0x3FAD] =	sst s3  }
0xc: {  	[smem:$0x3FAE] =	sst s4  }
0xd: {  	[smem:$0x3FAF] =	sst s5  }
0xe: {  	[smem:$0x3FB0] =	sst s6  }
0xf: {  	[smem:$0x3FB1] =	sst s7  }
0x10: {  	[smem:$0x3FB2] =	sst s8  }
0x11: {  	[smem:$0x3FB3] =	sst s9;
	s0 =	simm.s32 @!p0 $0x0  }
0x12: {  	s1 =	sld [smem:$0x3F99];
	s0 =	simm.s32 @p0 $0x1  }
0x13: {  	[smem:$0x3FB4] =	sst s0;
	s0 =	simm.s32 @!p1 $0x0  }
0x14: {  	s2 =	sld [smem:$0x3F98];
	s0 =	simm.s32 @p1 $0x1  }
0x15: {  	[smem:$0x3FB5] =	sst s0;
	s0 =	simm.s32 @!p2 $0x0  }
0x16: {  	s3 =	sld [smem:$0x3FDB];
	s0 =	simm.s32 @p2 $0x1  }
0x17: {  	s4 =	simm.s32 $0x1BF5;
	[smem:$0x3FB7] =	sst s0  }
0x18: {  	s0 =	sld [smem:$0x3F9A];
	_ =	swait.ge [sflag:s4], $0x0  }
0x19: {  	s7 =	sld [smem:$0x3F9B]  }
0x1a: {  	s8 =	sadd.s32 $0xFFFFE003, lr  }
0x1b: {  	s9 =	sadd.s32 $0xFFFFFEF7, lr;
	s5 =	simm.s32 $0xFFFFFFFF;
	p2 =	slt.u32 s8, $0xFFFFF086  }
0x1c: {  	p1 =	slt.u32 s9, $0xF7A;
	s5 =	simm.s32 @!p2 $0x0  }
0x1d: {  	s5 =	simm.s32 @p1 $0x1;
	p0 =	seq.s32 s7, s2  }
0x1e: {  	s7 =	smul.u32 @!p0 $0xF7A, s2;
	p2 =	seq.s32 @!p0 s5, $0x0  }
0x1f: {  	s9 =	smul.u32 $0xF7A, s1;
	s8 =	simm.s32 @!p0 $0x1BF5;
	p2 =	por !p2, p0  }
0x20: {  	[sflag:s8] =	ssyncset.s32 @!p0 $0xFFFFF086;
	s6 =	sadd.s32 @!p0 s3, s7;
	s7 =	simm.s32 @!p0 $0x108  }
0x21: {  	s3 =	sadd.s32 s3, s9;
	s6 =	sadd.s32 @!p0 $0x88, s6;
	s7 =	simm.s32 @p2 $0x1082  }
0x22: {  	[simem:s7], [sflag:s8] =	dma.local @!p0 [hbm:s6], $0xF7A  }
0x23: {  	s9 =	sor.u32 $0xD0000000, s2;
	s6 =	simm.s32 $0x108;
	_ =	swait.ge @!p0 [sflag:s8], $0x0  }
0x24: {  	s3 =	sadd.s32 $0x88, s3;
	s6 =	simm.s32 @!p1 $0x1082;
	[sflag:s4] =	ssyncset.s32 $0xFFFFF086  }
0x25: {  	[simem:s6], [sflag:s4] =	dma.local [hbm:s3], $0xF7A  }
0x26: {  	[smem:$0x3F9B] =	sst s1;
	(tag) =	ssettag s2;
	_ =	strace s9  }
0x27: {  	s1 =	sld [smem:$0x3FAB]  }
0x28: {  	s2 =	sld [smem:$0x3FAC]  }
0x29: {  	s4 =	sld [smem:$0x3FAE]  }
0x2a: {  	p0 =	seq.s32 s5, $0x0;
	s5 =	sld [smem:$0x3FAF]  }
0x2b: {  	s6 =	sld [smem:$0x3FB0]  }
0x2c: {  	s7 =	sld [smem:$0x3FB1]  }
0x2d: {  	s3 =	simm.s32 $0x108;
	s8 =	sld [smem:$0x3FB2]  }
0x2e: {  	s3 =	simm.s32 @!p0 $0x1082;
	s9 =	sld [smem:$0x3FB3]  }
0x2f: {  	lr =	sadd.s32 s0, s3;
	s0 =	sld [smem:$0x3FAA]  }
0x30: {  	s3 =	sld [smem:$0x3FAD]  }
0x31: {  	[smem:$0x3FB6] =	sst s10  }
0x32: {  	s10 =	sld [smem:$0x3FB4];
	_ =	sdelay $0x3  }
0x33: {  	p0 =	seq.s32 s10, $0x1;
	s10 =	sld [smem:$0x3FB6];
	_ =	sdelay $0x3  }
0x34: {  	[smem:$0x3FB6] =	sst s10  }
0x35: {  	s10 =	sld [smem:$0x3FB5];
	_ =	sdelay $0x3  }
0x36: {  	p1 =	seq.s32 s10, $0x1;
	s10 =	sld [smem:$0x3FB6];
	_ =	sdelay $0x3  }
0x37: {  	[smem:$0x3FB6] =	sst s10  }
0x38: {  	s10 =	sld [smem:$0x3FB7]  }
0x39: {  	_ = 	snop;
	(pc) =	sbr.ind lr, $3  }
0x3a: {  	_ = 	snop  }
0x3b: {  	_ = 	snop  }
0x3c: {  	p2 =	seq.s32 s10, $0x1;
	s10 =	sld [smem:$0x3FB6]  }
0x3d: {  	_ =	shalt  }
0x3e: {  	_ =	shalt  }
0x3f: {  	_ =	shalt  }
0x40: {  	_ =	shalt  }
0x41: {  	_ =	shalt  }
0x42: {  	_ =	shalt  }
0x43: {  	_ =	shalt  }
0x44: {  	_ =	shalt  }
0x45: {  	_ =	shalt  }
0x46: {  	_ =	shalt  }
0x47: {  	_ =	shalt  }
0x48: {  	_ =	shalt  }
0x49: {  	_ =	shalt  }
0x4a: {  	_ =	shalt  }
0x4b: {  	_ =	shalt  }
0x4c: {  	_ =	shalt  }
0x4d: {  	_ =	shalt  }
0x4e: {  	_ =	shalt  }
0x4f: {  	_ =	shalt  }
0x50: {  	_ =	shalt  }
0x51: {  	_ =	shalt  }
0x52: {  	_ =	shalt  }
0x53: {  	_ =	shalt  }
0x54: {  	_ =	shalt  }
0x55: {  	_ =	shalt  }
0x56: {  	_ =	shalt  }
0x57: {  	_ =	shalt  }
0x58: {  	_ =	shalt  }
0x59: {  	_ =	shalt  }
0x5a: {  	_ =	shalt  }
0x5b: {  	_ =	shalt  }
0x5c: {  	_ =	shalt  }
0x5d: {  	_ =	shalt  }
0x5e: {  	_ =	shalt  }
0x5f: {  	_ =	shalt  }
0x60: {  	_ =	shalt  }
0x61: {  	_ =	shalt  }
0x62: {  	_ =	shalt  }
0x63: {  	_ =	shalt  }
0x64: {  	_ =	shalt  }
0x65: {  	_ =	shalt  }
0x66: {  	_ =	shalt  }
0x67: {  	_ =	shalt  }
0x68: {  	_ =	shalt  }
0x69: {  	_ =	shalt  }
0x6a: {  	_ =	shalt  }
0x6b: {  	_ =	shalt  }
0x6c: {  	_ =	shalt  }
0x6d: {  	_ =	shalt  }
0x6e: {  	_ =	shalt  }
0x6f: {  	_ =	shalt  }
0x70: {  	_ =	shalt  }
0x71: {  	_ =	shalt  }
0x72: {  	_ =	shalt  }
0x73: {  	_ =	shalt  }
0x74: {  	_ =	shalt  }
0x75: {  	_ =	shalt  }
0x76: {  	_ =	shalt  }
0x77: {  	_ =	shalt  }
0x78: {  	_ =	shalt  }
0x79: {  	_ =	shalt  }
0x7a: {  	_ =	shalt  }
0x7b: {  	_ =	shalt  }
0x7c: {  	_ =	shalt  }
0x7d: {  	_ =	shalt  }
0x7e: {  	_ =	shalt  }
0x7f: {  	_ =	shalt  }
0x80: {  	_ =	shalt  }
0x81: {  	_ =	shalt  }
0x82: {  	_ =	shalt  }
0x83: {  	_ =	shalt  }
0x84: {  	_ =	shalt  }
0x85: {  	_ =	shalt  }
0x86: {  	_ =	shalt  }
0x87: {  	_ =	shalt  }
.Lfunc_end0:
.L_simem_size_0:
called_computation_lowered:
.L_overlay_start_0:
0x88: {  	s2 =	sld [smem:$0x3FD9]  }
0x89: {  	s3 =	sld [smem:$0x3FFE];
	_ =	sdelay $0x1  }
0x8a: {  	s1 =	srdreg.scid  }
0x8b: {  	s0 =	sand.u32 $0x1, s1  }
0x8c: {  	s17 =	sshll.u32 s0, $0xA;
	s2 =	sadd.s32 s3, s2  }
0x8d: {  	s2 =	sadd.s32 s2, s17  }
0x8e: {  	[smem:$0x3FC2] =	sst s2  }
0x8f: {  	_ = 	snop  }
0x90: {  	s2 =	sld [smem:$0x3FD0];
	(tm) =	ssettm $0x1  }
0x91: {  	s18 =	sld [smem:$0x3FFB];
	_ =	sdelay $0x3  }
0x92: {  	_ =	strace s18  }
0x93: {  	s3 =	sld [smem:$0x3FFC];
	_ =	sdelay $0x3  }
0x94: {  	_ =	strace s3  }
0x95: {  	s3 =	sld [smem:$0x3FFD];
	_ =	sdelay $0x3  }
0x96: {  	_ =	strace s3  }
0x97: {  	_ =	strace $0x8FFFFFFF  }
0x98: {  	s19 =	sld [smem:$0x3FDB];
	_ =	sdelay $0x1  }
0x99: {  	s4 =	simm.s32 $_scs_section_size  }
0x9a: {  	s5 =	simm.s32 $_size__tile_overlayer_lowered;
	s6 =	simm.s32 $_tile_overlayer_lowered  }
0x9b: {  	s22 =	simm.s32 $0x1BFF;
	s21 =	sshll.u32 s6, $0x1;
	s3 =	sadd.s32 s4, s19  }
0x9c: {  	s7 =	simm.s32 $0x0;
	s20 =	sshll.u32 s5, $0x1;
	s5 =	sadd.s32 s21, s3  }
0x9d: {  	[timem:s7], [sflag:s22] =	dma.local [hbm:s5], s20  }
0x9e: {  	_ =	swait.ge [sflag:s22], s20  }
0x9f: {  	s4 =	ssub.s32 $0x0, s20;
	[sflag:s22] =	ssyncset.done $0x0  }
0xa0: {  	[sflag:s22] =	ssyncadd.s32 s4;
	_ =	sdelay $0x1  }
0xa1: {  	s23 =	simm.s32 $0x1B8B  }
0xa2: {  	_ =	swait.ge [sflag:s23], $0x1  }
0xa3: {  	[sflag:s23] =	ssyncset.done $0x0  }
0xa4: {  	s25 =	simm.s32 $0x1B8E;
	s24 =	sld [smem:$0x3FFE];
	[sflag:s23] =	ssyncadd.s32 $0xFFFFFFFF  }
0xa5: {  	s26 =	simm.s32 $execute0_lowered;
	[smem:$0x3FD2] =	sst s25  }
0xa6: {  	s5 =	sshll.u32 s26, $0x1;
	_ =	strace $0x80000046;
	[dreg:$0x1] =	wrdreg $0xFFFFFFFF  }
0xa7: {  	s28 =	simm.s32 $_size_execute0_lowered;
	s3 =	sadd.s32 s3, s5;
	[dreg:$0x0] =	wrdreg $0x0  }
0xa8: {  	s5 =	sshll.u32 s28, $0x1;
	[dreg:$0x2] =	wrdreg s3  }
0xa9: {  	[dreg:$0x3] =	wrdreg s5  }
0xaa: {  	[dreg:$0x4] =	wrdreg $0xC0  }
0xab: {  	_ =	task [dreg:s7], $0x5FFFF  }
0xac: {  	[dreg:$0x1] =	wrdreg $0xFFFFFFFF  }
0xad: {  	[dreg:$0x0] =	wrdreg $0x60  }
0xae: {  	[dreg:$0x2] =	wrdreg s24  }
0xaf: {  	[dreg:$0x3] =	wrdreg s2  }
0xb0: {  	[dreg:$0x4] =	wrdreg $0x5000  }
0xb1: {  	[dreg:$0x5] =	wrdreg $0x9  }
0xb2: {  	_ =	task.clear_ibuf [dreg:s7], $0x6FFFF;
	_ =	strace $0x90000046  }
0xb3: {  	s29 =	simm.s32 $0x9;
	_ =	strace $0x80000048  }
0xb4: {  	_ =	swait.ge [sflag:s29], $0x1  }
0xb5: {  	[sflag:s29] =	ssyncadd.s32 $0xFFFFFFFF  }
0xb6: {  	_ =	strace $0x90000048  }
0xb7: {  	_ =	sfence  }
0xb8: {  	s30 =	sld [smem:$0x0];
	_ =	sdelay $0x2  }
0xb9: {  	s31 =	sshll.u32 s1, $0xD;
	s1 =	sshrl.u32 s1, $0x2  }
0xba: {  	s3 =	sand.u32 $0x4000, s31;
	s1 =	sadd.s32 s1, s30  }
0xbb: {  	s0 =	sor.u32 s3, s0;
	s1 =	sshll.u32 s1, $0x11  }
0xbc: {  	s0 =	sor.u32 s1, s0  }
0xbd: {  	s0 =	sadd.s32 $0x8F2B, s0  }
0xbe: {  	[sflag:s0] =	ssyncadd.remote.s32 $0x1  }
0xbf: {  	_ =	sfence.sel $0xFFFF  }
0xc0: {  	[dreg:$0x0] =	wrdreg $0xFFFFFFFF;
	(pc) =	sbr.abs _section_cstart, $3  }
0xc1: {  	[dreg:$0x1] =	wrdreg $0xFFFFFFFF  }
0xc2: {  	_ =	task.clear_ibuf [dreg:s7], $0x2FFFF;
	_ =	strace $0x9FFFFFFF  }
0xc3: {  	(tm) =	ssettm $0x7FFFFFFF  }
tec
execute0_lowered:
.L_overlay_start_1:
0x0: {  	(tag) =	ssettag $0x1  }
0x1: {  	s4 =	rddreg [dreg:$0x0]  }
0x2: {  	s8 =	rddreg [dreg:$0x1]  }
0x3: {  	s2 =	rddreg [dreg:$0x2]  }
0x4: {  	s0 =	srdreg.scid;
	s1 =	rddreg [dreg:$0x3]  }
0x5: {  	s3 =	simm.s32 $0x0;
	s16 =	simm.s32 $0x480;
	s17 =	simm.s32 $0x1  }
0x6: {  	s18 =	simm.s32 $0x80;
	s19 =	simm.s32 $0x400;
	s20 =	simm.s32 $0x100  }
0x7: {  	s21 =	simm.s32 $0x180;
	s22 =	simm.s32 $0x200;
	s5 =	sand.u32 $0x1, s0  }
0x8: {  	s23 =	simm.s32 $0x280;
	s0 =	stileid.u32;
	s6 =	smul.u32 $0x2800, s5  }
0x9: {  	s24 =	simm.s32 $0x300;
	s25 =	simm.s32 $0x380;
	s7 =	smul.u32 $0x5000, s0  }
0xa: {  	s26 =	simm.s32 $0x0;
	[smem:$0x7FF] =	sst s3;
	s9 =	smul.u32 $0x280, s0  }
0xb: {  	_ =	strace $0x80000047;
	s5 =	ssub.s32 $0x2, s5;
	s7 =	sadd.s32 s6, s7  }
0xc: {  	s31 =	sshrl.u32 s5, $0x1;
	s6 =	sadd.s32 s9, s6;
	s7 =	sshrl.u32 s7, $0x3  }
0xd: {  	s14 =	ssub.s32 s5, s31;
	s15 =	sadd.s32 s7, s4;
	s4 =	sadd.s32 s9, s2  }
0xe: {  	s14 =	smax.u32 s14, $0x1;
	s9 =	sshrl.u32 s6, $0x3;
	s5 =	sadd.s32 $0x80, s4  }
0xf: {  	s6 =	sadd.s32 $0x100, s4;
	s7 =	sadd.s32 $0x180, s4;
	s8 =	sadd.s32 s8, s9  }
0x10: {  	s9 =	sadd.s32 $0x200, s4;
	s15 =	sadd.s32 $0x1600, s15;
	s10 =	sadd.s32 $0x10, s8  }
0x11: {  	v0 =	vimm.f32 $1.000000000e+00;
	v1 =	vimm.f32 $0.0e+00;
	s11 =	sadd.s32 $0x20, s8;
	s12 =	sadd.s32 $0x30, s8;
	s13 =	sadd.s32 $0x40, s8  }
.LBB2_1:
0x12: {  	[tilespmem:$0x400] =	vst v0  }
0x13: {  	[tilespmem:$0x410] =	vst v0  }
0x14: {  	[tilespmem:$0x420] =	vst v0  }
0x15: {  	[tilespmem:$0x430] =	vst v0  }
0x16: {  	[tilespmem:$0x440] =	vst v0  }
0x17: {  	[tilespmem:$0x450] =	vst v0  }
0x18: {  	[tilespmem:$0x460] =	vst v0  }
0x19: {  	[tilespmem:$0x470] =	vst v0  }
0x1a: {  	[tilespmem:$0x480] =	vst v1  }
0x1b: {  	[tilespmem:$0x490] =	vst v1  }
0x1c: {  	[tilespmem:$0x4A0] =	vst v1  }
0x1d: {  	[tilespmem:$0x4B0] =	vst v1  }
0x1e: {  	[tilespmem:$0x4C0] =	vst v1  }
0x1f: {  	[tilespmem:$0x4D0] =	vst v1  }
0x20: {  	[tilespmem:$0x4E0] =	vst v1  }
0x21: {  	[tilespmem:$0x4F0] =	vst v1  }
0x22: {  	[spmem:s4] =	stream.linear.scatter [tilespmem:s16], [sflag:$0x1], $0x80, $0x38;
	[tilespmem:$0x780] =	vst v63  }
0x23: {  	_ =	swait.ge [sflag:s17], $0x80  }
0x24: {  	[sflag:s17] =	ssyncset.done $0x0  }
0x25: {  	[sflag:s17] =	ssyncadd.s32 $0xFFFFFF80  }
0x26: {  	[spmem:s5] =	stream.linear.scatter [tilespmem:s16], [sflag:$0x1], $0x80, $0x38;
	[tilespmem:$0x780] =	vst v63  }
0x27: {  	_ =	swait.ge [sflag:s17], $0x80  }
0x28: {  	[sflag:s17] =	ssyncset.done $0x0  }
0x29: {  	[sflag:s17] =	ssyncadd.s32 $0xFFFFFF80  }
0x2a: {  	[spmem:s6] =	stream.linear.scatter [tilespmem:s16], [sflag:$0x1], $0x80, $0x38;
	[tilespmem:$0x780] =	vst v63  }
0x2b: {  	_ =	swait.ge [sflag:s17], $0x80  }
0x2c: {  	[sflag:s17] =	ssyncset.done $0x0  }
0x2d: {  	[sflag:s17] =	ssyncadd.s32 $0xFFFFFF80  }
0x2e: {  	[spmem:s7] =	stream.linear.scatter [tilespmem:s16], [sflag:$0x1], $0x80, $0x38;
	[tilespmem:$0x780] =	vst v63  }
0x2f: {  	_ =	swait.ge [sflag:s17], $0x80  }
0x30: {  	[sflag:s17] =	ssyncset.done $0x0  }
0x31: {  	[sflag:s17] =	ssyncadd.s32 $0xFFFFFF80  }
0x32: {  	[spmem:s9] =	stream.linear.scatter [tilespmem:s16], [sflag:$0x1], $0x80, $0x38;
	[tilespmem:$0x780] =	vst v63  }
0x33: {  	_ =	swait.ge [sflag:s17], $0x80  }
0x34: {  	[sflag:s17] =	ssyncset.done $0x0  }
0x35: {  	[sflag:s17] =	ssyncadd.s32 $0xFFFFFF80  }
0x36: {  	s28 =	sadd.s32 $0x0, s15;
	[bflag:$0x0] =	sbarrier.arrive $0xFFFF  }
0x37: {  	[tilespmem:s3], [sflag:$0x1] =	stream.linear.gather [hbm4b:s28+s3], $0x400, $0x38;
	[tilespmem:$0x780] =	vst v63  }
0x38: {  	_ =	swait.ge [sflag:s17], $0x400  }
0x39: {  	[sflag:s17] =	ssyncset.done $0x0  }
0x3a: {  	[sflag:s17] =	ssyncadd.s32 $0xFFFFFC00  }
0x3b: {  	[spmem:s2] =	stream.indirect.scatter.add.f32 [tilespmem:s19], [sflag:$0x1], $0x1, s3, s18, $0xb8;
	[tilespmem:$0x780] =	vst v63  }
0x3c: {  	_ =	swait.ge [sflag:s17], $0x80  }
0x3d: {  	[sflag:s17] =	ssyncset.done $0x0  }
0x3e: {  	[sflag:s17] =	ssyncadd.s32 $0xFFFFFF80  }
0x3f: {  	[spmem:s2] =	stream.indirect.scatter.add.f32 [tilespmem:s19], [sflag:$0x1], $0x1, s18, s18, $0xb8;
	[tilespmem:$0x780] =	vst v63  }
0x40: {  	_ =	swait.ge [sflag:s17], $0x80  }
0x41: {  	[sflag:s17] =	ssyncset.done $0x0  }
0x42: {  	[sflag:s17] =	ssyncadd.s32 $0xFFFFFF80  }
0x43: {  	[spmem:s2] =	stream.indirect.scatter.add.f32 [tilespmem:s19], [sflag:$0x1], $0x1, s20, s18, $0xb8;
	[tilespmem:$0x780] =	vst v63  }
0x44: {  	_ =	swait.ge [sflag:s17], $0x80  }
0x45: {  	[sflag:s17] =	ssyncset.done $0x0  }
0x46: {  	[sflag:s17] =	ssyncadd.s32 $0xFFFFFF80  }
0x47: {  	[spmem:s2] =	stream.indirect.scatter.add.f32 [tilespmem:s19], [sflag:$0x1], $0x1, s21, s18, $0xb8;
	[tilespmem:$0x780] =	vst v63  }
0x48: {  	_ =	swait.ge [sflag:s17], $0x80  }
0x49: {  	[sflag:s17] =	ssyncset.done $0x0  }
0x4a: {  	[sflag:s17] =	ssyncadd.s32 $0xFFFFFF80  }
0x4b: {  	[spmem:s2] =	stream.indirect.scatter.add.f32 [tilespmem:s19], [sflag:$0x1], $0x1, s22, s18, $0xb8;
	[tilespmem:$0x780] =	vst v63  }
0x4c: {  	_ =	swait.ge [sflag:s17], $0x80  }
0x4d: {  	[sflag:s17] =	ssyncset.done $0x0  }
0x4e: {  	[sflag:s17] =	ssyncadd.s32 $0xFFFFFF80  }
0x4f: {  	[spmem:s2] =	stream.indirect.scatter.add.f32 [tilespmem:s19], [sflag:$0x1], $0x1, s23, s18, $0xb8;
	[tilespmem:$0x780] =	vst v63  }
0x50: {  	_ =	swait.ge [sflag:s17], $0x80  }
0x51: {  	[sflag:s17] =	ssyncset.done $0x0  }
0x52: {  	[sflag:s17] =	ssyncadd.s32 $0xFFFFFF80  }
0x53: {  	[spmem:s2] =	stream.indirect.scatter.add.f32 [tilespmem:s19], [sflag:$0x1], $0x1, s24, s18, $0xb8;
	[tilespmem:$0x780] =	vst v63  }
0x54: {  	_ =	swait.ge [sflag:s17], $0x80  }
0x55: {  	[sflag:s17] =	ssyncset.done $0x0  }
0x56: {  	[sflag:s17] =	ssyncadd.s32 $0xFFFFFF80  }
0x57: {  	[spmem:s2] =	stream.indirect.scatter.add.f32 [tilespmem:s19], [sflag:$0x1], $0x1, s25, s18, $0xb8;
	[tilespmem:$0x780] =	vst v63  }
0x58: {  	_ =	swait.ge [sflag:s17], $0x80  }
0x59: {  	s30 =	simm.s32 $0x100;
	s28 =	simm.s32 $0x80;
	[sflag:s17] =	ssyncset.done $0x0  }
.LBB2_2:
0x5a: {  	s31 =	sadd.s32 s28, s15  }
0x5b: {  	[sflag:s17] =	ssyncadd.s32 $0xFFFFFF80;
	s28 =	smov.u32 s30;
	s29 =	sadd.s32 $0x80, s30  }
0x5c: {  	[tilespmem:s3], [sflag:$0x1] =	stream.linear.gather [hbm4b:s31+s3], $0x400, $0x38;
	[tilespmem:$0x780] =	vst v63  }
0x5d: {  	p0 =	sne.s32 s30, $0x480;
	_ =	swait.ge [sflag:s17], $0x400  }
0x5e: {  	[sflag:s17] =	ssyncset.done $0x0  }
0x5f: {  	[sflag:s17] =	ssyncadd.s32 $0xFFFFFC00  }
0x60: {  	[spmem:s2] =	stream.indirect.scatter.add.f32 [tilespmem:s19], [sflag:$0x1], $0x1, s3, s18, $0xb8;
	[tilespmem:$0x780] =	vst v63  }
0x61: {  	_ =	swait.ge [sflag:s17], $0x80  }
0x62: {  	[sflag:s17] =	ssyncset.done $0x0  }
0x63: {  	[sflag:s17] =	ssyncadd.s32 $0xFFFFFF80  }
0x64: {  	[spmem:s2] =	stream.indirect.scatter.add.f32 [tilespmem:s19], [sflag:$0x1], $0x1, s18, s18, $0xb8;
	[tilespmem:$0x780] =	vst v63  }
0x65: {  	_ =	swait.ge [sflag:s17], $0x80  }
0x66: {  	[sflag:s17] =	ssyncset.done $0x0  }
0x67: {  	[sflag:s17] =	ssyncadd.s32 $0xFFFFFF80  }
0x68: {  	[spmem:s2] =	stream.indirect.scatter.add.f32 [tilespmem:s19], [sflag:$0x1], $0x1, s20, s18, $0xb8;
	[tilespmem:$0x780] =	vst v63  }
0x69: {  	_ =	swait.ge [sflag:s17], $0x80  }
0x6a: {  	[sflag:s17] =	ssyncset.done $0x0  }
0x6b: {  	[sflag:s17] =	ssyncadd.s32 $0xFFFFFF80  }
0x6c: {  	[spmem:s2] =	stream.indirect.scatter.add.f32 [tilespmem:s19], [sflag:$0x1], $0x1, s21, s18, $0xb8;
	[tilespmem:$0x780] =	vst v63  }
0x6d: {  	_ =	swait.ge [sflag:s17], $0x80  }
0x6e: {  	[sflag:s17] =	ssyncset.done $0x0  }
0x6f: {  	[sflag:s17] =	ssyncadd.s32 $0xFFFFFF80  }
0x70: {  	[spmem:s2] =	stream.indirect.scatter.add.f32 [tilespmem:s19], [sflag:$0x1], $0x1, s22, s18, $0xb8;
	[tilespmem:$0x780] =	vst v63  }
0x71: {  	_ =	swait.ge [sflag:s17], $0x80  }
0x72: {  	[sflag:s17] =	ssyncset.done $0x0  }
0x73: {  	[sflag:s17] =	ssyncadd.s32 $0xFFFFFF80  }
0x74: {  	[spmem:s2] =	stream.indirect.scatter.add.f32 [tilespmem:s19], [sflag:$0x1], $0x1, s23, s18, $0xb8;
	[tilespmem:$0x780] =	vst v63  }
0x75: {  	_ =	swait.ge [sflag:s17], $0x80  }
0x76: {  	[sflag:s17] =	ssyncset.done $0x0  }
0x77: {  	[sflag:s17] =	ssyncadd.s32 $0xFFFFFF80  }
0x78: {  	[spmem:s2] =	stream.indirect.scatter.add.f32 [tilespmem:s19], [sflag:$0x1], $0x1, s24, s18, $0xb8;
	[tilespmem:$0x780] =	vst v63  }
0x79: {  	_ =	swait.ge [sflag:s17], $0x80  }
.Ltmp0:
0x7a: {  	[sflag:s17] =	ssyncset.done $0x0;
	(pc) =	sbr.rel @p0 .LBB2_2-.Ltmp0, $4  }
0x7b: {  	[sflag:s17] =	ssyncadd.s32 $0xFFFFFF80  }
0x7c: {  	[spmem:s2] =	stream.indirect.scatter.add.f32 [tilespmem:s19], [sflag:$0x1], $0x1, s25, s18, $0xb8;
	[tilespmem:$0x780] =	vst v63  }
0x7d: {  	_ =	swait.ge [sflag:s17], $0x80  }
0x7e: {  	s30 =	smov.u32 s29;
	[sflag:s17] =	ssyncset.done $0x0  }
0x7f: {  	s28 =	sadd.s32 s28, s15;
	[sflag:s17] =	ssyncadd.s32 $0xFFFFFF80  }
0x80: {  	[tilespmem:s3], [sflag:$0x1] =	stream.linear.gather [hbm4b:s28+s3], $0x400, $0x38;
	[tilespmem:$0x780] =	vst v63  }
0x81: {  	_ =	swait.ge [sflag:s17], $0x400  }
0x82: {  	[sflag:s17] =	ssyncset.done $0x0  }
0x83: {  	[sflag:s17] =	ssyncadd.s32 $0xFFFFFC00  }
0x84: {  	[spmem:s2] =	stream.indirect.scatter.add.f32 [tilespmem:s19], [sflag:$0x1], $0x1, s3, s18, $0xb8;
	[tilespmem:$0x780] =	vst v63  }
0x85: {  	_ =	swait.ge [sflag:s17], $0x80  }
0x86: {  	[sflag:s17] =	ssyncset.done $0x0  }
0x87: {  	[sflag:s17] =	ssyncadd.s32 $0xFFFFFF80  }
0x88: {  	[spmem:s2] =	stream.indirect.scatter.add.f32 [tilespmem:s19], [sflag:$0x1], $0x1, s18, s18, $0xb8;
	[tilespmem:$0x780] =	vst v63  }
0x89: {  	_ =	swait.ge [sflag:s17], $0x80  }
0x8a: {  	[sflag:s17] =	ssyncset.done $0x0  }
0x8b: {  	[sflag:s17] =	ssyncadd.s32 $0xFFFFFF80  }
0x8c: {  	[spmem:s2] =	stream.indirect.scatter.add.f32 [tilespmem:s19], [sflag:$0x1], $0x1, s20, s18, $0xb8;
	[tilespmem:$0x780] =	vst v63  }
0x8d: {  	_ =	swait.ge [sflag:s17], $0x80  }
0x8e: {  	[sflag:s17] =	ssyncset.done $0x0  }
0x8f: {  	[sflag:s17] =	ssyncadd.s32 $0xFFFFFF80  }
0x90: {  	[spmem:s2] =	stream.indirect.scatter.add.f32 [tilespmem:s19], [sflag:$0x1], $0x1, s21, s18, $0xb8;
	[tilespmem:$0x780] =	vst v63  }
0x91: {  	_ =	swait.ge [sflag:s17], $0x80  }
0x92: {  	[sflag:s17] =	ssyncset.done $0x0  }
0x93: {  	[sflag:s17] =	ssyncadd.s32 $0xFFFFFF80  }
0x94: {  	[spmem:s2] =	stream.indirect.scatter.add.f32 [tilespmem:s19], [sflag:$0x1], $0x1, s22, s18, $0xb8;
	[tilespmem:$0x780] =	vst v63  }
0x95: {  	_ =	swait.ge [sflag:s17], $0x80  }
0x96: {  	[sflag:s17] =	ssyncset.done $0x0  }
0x97: {  	[sflag:s17] =	ssyncadd.s32 $0xFFFFFF80  }
0x98: {  	[spmem:s2] =	stream.indirect.scatter.add.f32 [tilespmem:s19], [sflag:$0x1], $0x1, s23, s18, $0xb8;
	[tilespmem:$0x780] =	vst v63  }
0x99: {  	_ =	swait.ge [sflag:s17], $0x80  }
0x9a: {  	[sflag:s17] =	ssyncset.done $0x0  }
0x9b: {  	[sflag:s17] =	ssyncadd.s32 $0xFFFFFF80  }
0x9c: {  	[spmem:s2] =	stream.indirect.scatter.add.f32 [tilespmem:s19], [sflag:$0x1], $0x1, s24, s18, $0xb8;
	[tilespmem:$0x780] =	vst v63  }
0x9d: {  	_ =	swait.ge [sflag:s17], $0x80  }
0x9e: {  	[sflag:s17] =	ssyncset.done $0x0  }
0x9f: {  	[sflag:s17] =	ssyncadd.s32 $0xFFFFFF80  }
0xa0: {  	[spmem:s2] =	stream.indirect.scatter.add.f32 [tilespmem:s19], [sflag:$0x1], $0x1, s25, s18, $0xb8;
	[tilespmem:$0x780] =	vst v63  }
0xa1: {  	_ =	swait.ge [sflag:s17], $0x80  }
0xa2: {  	[sflag:s17] =	ssyncset.done $0x0  }
0xa3: {  	[sflag:s17] =	ssyncadd.s32 $0xFFFFFF80  }
0xa4: {  	[bflag:$0x0] =	sbarrier.arrive $0xFFFF  }
0xa5: {  	[tilespmem:s16], [sflag:$0x1] =	stream.linear.gather [spmem:s4], $0x80, $0x38;
	[tilespmem:$0x780] =	vst v63  }
0xa6: {  	_ =	swait.ge [sflag:s17], $0x80  }
0xa7: {  	[sflag:s17] =	ssyncset.done $0x0  }
0xa8: {  	[sflag:s17] =	ssyncadd.s32 $0xFFFFFF80  }
0xa9: {  	[hbm4b:s8+s3] =	stream.linear.scatter [tilespmem:s16], [sflag:$0x1], $0x80, $0x38;
	[tilespmem:$0x780] =	vst v63  }
0xaa: {  	_ =	swait.ge [sflag:s17], $0x80  }
0xab: {  	[sflag:s17] =	ssyncset.done $0x0  }
0xac: {  	[sflag:s17] =	ssyncadd.s32 $0xFFFFFF80  }
0xad: {  	[tilespmem:s16], [sflag:$0x1] =	stream.linear.gather [spmem:s5], $0x80, $0x38;
	[tilespmem:$0x780] =	vst v63  }
0xae: {  	_ =	swait.ge [sflag:s17], $0x80  }
0xaf: {  	[sflag:s17] =	ssyncset.done $0x0  }
0xb0: {  	[sflag:s17] =	ssyncadd.s32 $0xFFFFFF80  }
0xb1: {  	[hbm4b:s10+s3] =	stream.linear.scatter [tilespmem:s16], [sflag:$0x1], $0x80, $0x38;
	[tilespmem:$0x780] =	vst v63  }
0xb2: {  	_ =	swait.ge [sflag:s17], $0x80  }
0xb3: {  	[sflag:s17] =	ssyncset.done $0x0  }
0xb4: {  	[sflag:s17] =	ssyncadd.s32 $0xFFFFFF80  }
0xb5: {  	[tilespmem:s16], [sflag:$0x1] =	stream.linear.gather [spmem:s6], $0x80, $0x38;
	[tilespmem:$0x780] =	vst v63  }
0xb6: {  	_ =	swait.ge [sflag:s17], $0x80  }
0xb7: {  	[sflag:s17] =	ssyncset.done $0x0  }
0xb8: {  	[sflag:s17] =	ssyncadd.s32 $0xFFFFFF80  }
0xb9: {  	[hbm4b:s11+s3] =	stream.linear.scatter [tilespmem:s16], [sflag:$0x1], $0x80, $0x38;
	[tilespmem:$0x780] =	vst v63  }
0xba: {  	_ =	swait.ge [sflag:s17], $0x80  }
0xbb: {  	[sflag:s17] =	ssyncset.done $0x0  }
0xbc: {  	[sflag:s17] =	ssyncadd.s32 $0xFFFFFF80  }
0xbd: {  	[tilespmem:s16], [sflag:$0x1] =	stream.linear.gather [spmem:s7], $0x80, $0x38;
	[tilespmem:$0x780] =	vst v63  }
0xbe: {  	_ =	swait.ge [sflag:s17], $0x80  }
0xbf: {  	[sflag:s17] =	ssyncset.done $0x0  }
0xc0: {  	[sflag:s17] =	ssyncadd.s32 $0xFFFFFF80  }
0xc1: {  	[hbm4b:s12+s3] =	stream.linear.scatter [tilespmem:s16], [sflag:$0x1], $0x80, $0x38;
	[tilespmem:$0x780] =	vst v63  }
0xc2: {  	_ =	swait.ge [sflag:s17], $0x80  }
0xc3: {  	[sflag:s17] =	ssyncset.done $0x0  }
0xc4: {  	[sflag:s17] =	ssyncadd.s32 $0xFFFFFF80  }
0xc5: {  	[tilespmem:s16], [sflag:$0x1] =	stream.linear.gather [spmem:s9], $0x80, $0x38;
	[tilespmem:$0x780] =	vst v63  }
0xc6: {  	s26 =	sadd.s32 $0x1, s26;
	_ =	swait.ge [sflag:s17], $0x80  }
0xc7: {  	p0 =	sne.s32 s26, s14;
	[sflag:s17] =	ssyncset.done $0x0  }
.Ltmp1:
0xc8: {  	[sflag:s17] =	ssyncadd.s32 $0xFFFFFF80;
	(pc) =	sbr.rel @p0 .LBB2_1-.Ltmp1, $4  }
0xc9: {  	[hbm4b:s13+s3] =	stream.linear.scatter [tilespmem:s16], [sflag:$0x1], $0x80, $0x38;
	[tilespmem:$0x780] =	vst v63  }
0xca: {  	_ =	swait.ge [sflag:s17], $0x80  }
0xcb: {  	[sflag:s17] =	ssyncset.done $0x0  }
0xcc: {  	[sflag:s17] =	ssyncadd.s32 $0xFFFFFF80  }
0xcd: {  	_ =	sfence.sel $0x180000  }
0xce: {  	[bflag:$0x0] =	sbarrier.arrive $0xFFFF  }
0xcf: {  	p0 =	sne.s32 s0, $0x0;
	_ =	strace $0x90000047  }
0xd0: {  	s0 =	sadd.s32 @!p0 $0x100000, s1;
	[bflag:$0x2] =	sbarrier.arrive $0xFFFF  }
0xd1: {  	[sflag:s0] =	ssyncadd.tile.s32 @!p0 $0x1;
	_ =	shalt  }
.Lfunc_end2:
_tile_overlayer_lowered:
.L_overlay_start_2:
0xd2: {  	(tag) =	ssettag $0x2  }
0xd3: {  	s0 =	rddreg [dreg:$0x0];
	s2 =	stileid.u32  }
0xd4: {  	s1 =	rddreg [dreg:$0x1];
	p0 =	sne.s32 s2, $0x0  }
0xd5: {  	s3 =	rddreg [dreg:$0x2];
	[bflag:$0x3] =	sbarrier.arrive $0xFFFF;
	s2 =	simm.s32 @!p0 $0x1C01  }
0xd6: {  	[timem:s3], [sflag:s2] =	dma.local @!p0 [hbm:s0], s1  }
0xd7: {  	s0 =	simm.s32 @!p0 $0x1  }
0xd8: {  	_ =	swait.ge @!p0 [sflag:s0], s1  }
0xd9: {  	s1 =	ssub.s32 @!p0 $0x0, s1;
	[sflag:s0] =	ssyncset.done @!p0 $0x0  }
0xda: {  	[sflag:s0] =	ssyncadd.s32 @!p0 s1  }
0xdb: {  	[bflag:$0x3] =	sbarrier.arrive $0xFFFF  }
0xdc: {  	_ =	shalt  }

</sc_bundles>
